<compile_context>
chip_gen: v7x
topology: tpu7x:2x2x1
jax: 0.10.2.dev20260603
libtpu: 0.0.44.dev20260713+nightly
codegen_flags: <defaults>
</compile_context>

<pallas_src>
import functools

import jax
import jax.numpy as jnp
from jax import lax
from jax.experimental import pallas as pl
from jax.experimental.pallas import tpu as pltpu
from jax.experimental.pallas import tpu_sc as plsc

L = 16
NW = 32
CHUNK = 64
NBUF = 3


def _seg_sum_body(data_hbm, offsets_hbm, out_hbm, off_v, acc,
                  bufs, segs, sems,
                  *, n_rows, n_seg, d, spw, off_slice):
    nlanes = d // L
    spw_last = n_seg - (NW - 1) * spw
    search_iters = max(1, (spw - 1).bit_length())

    cid = lax.axis_index("c")
    sid = lax.axis_index("s")
    wid = cid * 16 + sid
    s0 = wid * spw
    s1 = jnp.minimum(s0 + spw, n_seg)
    sc_base = cid * 16 * spw
    acc_rows = 16 * spw + 1

    a0 = (s0 // 8) * 8
    delta = s0 - a0
    pltpu.sync_copy(offsets_hbm.at[pl.ds(a0, off_slice)], off_v)

    def off(i):
        return off_v[pl.ds(i, L)][0]

    zero = jnp.zeros((L,), jnp.float32)

    def zero_body(sl, _):
        for k in range(nlanes):
            bufs[0][sl, pl.ds(k * L, L)] = zero
        return 0

    lax.fori_loop(0, CHUNK, zero_body, 0)
    zbase = sid * spw
    for i in range(spw // CHUNK):
        pltpu.sync_copy(bufs[0], acc.at[pl.ds(zbase + i * CHUNK, CHUNK)])
    rem = spw % CHUNK
    if rem:
        pltpu.sync_copy(bufs[0].at[pl.ds(0, rem)],
                        acc.at[pl.ds(zbase + (spw // CHUNK) * CHUNK, rem)])

    r_begin = off(delta)
    r_end = off(delta + (s1 - s0))
    nchunks = (r_end - r_begin + (CHUNK - 1)) // CHUNK

    lane = lax.iota(jnp.int32, L)

    def chunk_start(g):
        return jnp.minimum(r_begin + g * CHUNK, n_rows - CHUNK)

    for q in range(NBUF - 1):
        @pl.when(nchunks > q)
        def _(q=q):
            pltpu.async_copy(data_hbm.at[pl.ds(chunk_start(q), CHUNK)],
                             bufs[q], sems[q])

    l_lo = delta
    l_hi = delta + (s1 - s0)
    l_adj = a0 - sc_base

    def process(g, q):
        base = r_begin + g * CHUNK
        start = chunk_start(g)
        buf, seg_v, sem = bufs[q], segs[q], sems[q]

        @pl.when(g < nchunks)
        def _():
            pltpu.make_async_copy(data_hbm.at[pl.ds(start, CHUNK)], buf,
                                  sem).wait()

        @pl.when(g + NBUF - 1 < nchunks)
        def _():
            qn = (q + NBUF - 1) % NBUF
            pltpu.async_copy(
                data_hbm.at[pl.ds(chunk_start(g + NBUF - 1), CHUNK)],
                bufs[qn], sems[qn])

        for v in range(CHUNK // L):
            rows = start + v * L + lane
            lo_v = l_lo + jnp.zeros((L,), jnp.int32)
            hi_v = l_hi + jnp.zeros((L,), jnp.int32)
            for _it in range(search_iters):
                mid = lax.shift_right_arithmetic(lo_v + hi_v, 1)
                vals = plsc.load_gather(off_v, [mid])
                pred = vals <= rows
                lo_v = jnp.where(pred, mid, lo_v)
                hi_v = jnp.where(pred, hi_v, mid)
            valid = (rows >= base) & (rows < r_end)
            seg_v[pl.ds(v * L, L)] = jnp.where(valid, lo_v + l_adj,
                                               acc_rows - 1)

        @pl.when(g < nchunks)
        def _():
            pltpu.sync_copy(buf, acc.at[seg_v], add=True)

    def trip_body(t, _):
        for q in range(NBUF):
            process(NBUF * t + q, q)
        return 0

    lax.fori_loop(0, (nchunks + NBUF - 1) // NBUF, trip_body, 0)

    loc0 = sid * spw

    @pl.when(wid < NW - 1)
    def _():
        pltpu.sync_copy(acc.at[pl.ds(loc0, spw)], out_hbm.at[pl.ds(s0, spw)])

    @pl.when(wid == NW - 1)
    def _():
        pltpu.sync_copy(acc.at[pl.ds(loc0, spw_last)],
                        out_hbm.at[pl.ds(s0, spw_last)])


def _segment_sum_sc(data, offsets):
    n_rows, d = data.shape
    n_seg = offsets.shape[0] - 1
    spw = (n_seg + NW - 1) // NW
    off_slice = ((7 + spw + 1 + 15) + 7) // 8 * 8
    a0_max = ((NW - 1) * spw) // 8 * 8
    pad = max(0, a0_max + off_slice - (n_seg + 1))
    offsets_padded = jnp.pad(offsets, (0, pad))

    mesh = plsc.VectorSubcoreMesh(core_axis_name="c", subcore_axis_name="s")
    kern = pl.kernel(
        functools.partial(_seg_sum_body, n_rows=n_rows, n_seg=n_seg, d=d,
                          spw=spw, off_slice=off_slice),
        mesh=mesh,
        compiler_params=pltpu.CompilerParams(use_tc_tiling_on_sc=False,
                                             needs_layout_passes=False),
        out_type=jax.ShapeDtypeStruct((n_seg, d), jnp.float32),
        scratch_types=[
            pltpu.VMEM((off_slice,), jnp.int32),
            pltpu.VMEM_SHARED((16 * spw + 1, d), jnp.float32),
            [pltpu.VMEM((CHUNK, d), jnp.float32) for _ in range(NBUF)],
            [pltpu.VMEM((CHUNK,), jnp.int32) for _ in range(NBUF)],
            [pltpu.SemaphoreType.DMA for _ in range(NBUF)],
        ],
    )
    return kern(data, offsets_padded)


def kernel(data, reduce, lengths, indices, offsets, axis, unsafe, initial, out):
    res = _segment_sum_sc(data, offsets.astype(jnp.int32))
    return res + jnp.asarray(initial, dtype=data.dtype)

# --- scband reference (transcript-rebuilt; emitter-appended) ---
"""Pipeline reference for scband-torch-ops-aten-segment-reduce-out-module-53987738910907 (READ-ONLY COPY).

The authoritative reference and input builder live on the scoring server;
editing this copy changes nothing except your own understanding.
"""

import jax, jax.numpy as jnp
import numpy as np

N = 160000
D = 256
S = 10000  # num segments

def setup_inputs(seed: int = 0) -> dict:
    key = jax.random.key(seed)
    k1, k2 = jax.random.split(key)
    data = jax.random.normal(k1, (N, D), dtype=jnp.float32)
    # offsets: sorted boundaries, first=0, last=N, shape [S+1]
    inner = jnp.sort(jax.random.randint(k2, (S - 1,), 0, N, dtype=jnp.int32))
    offsets = jnp.concatenate([jnp.array([0], dtype=jnp.int32), inner, jnp.array([N], dtype=jnp.int32)])
    out = jnp.zeros((S, D), dtype=jnp.float32)
    return {
        'data': data,
        'reduce': 0,        # 0 encodes reduce='sum' (aten.segment_reduce reduce string)
        'lengths': 0,       # placeholder for lengths=None (offsets path used)
        'indices': 0,       # placeholder for indices=None (unused by aten impl)
        'offsets': offsets,
        'axis': 0,
        'unsafe': True,
        'initial': 0,       # initial value for reduction
        'out': out,
    }

def reference(data, reduce, lengths, indices, offsets, axis, unsafe, initial, out):
    # aten.segment_reduce.out with reduce='sum', offsets-based segments along axis=0.
    # Segment j owns rows [offsets[j], offsets[j+1]).
    n = data.shape[0]
    num_segments = offsets.shape[0] - 1
    seg_id = jnp.searchsorted(offsets, jnp.arange(n, dtype=offsets.dtype), side='right') - 1
    seg_id = jnp.clip(seg_id, 0, num_segments - 1)
    res = jax.ops.segment_sum(data, seg_id, num_segments=num_segments)
    res = res + jnp.asarray(initial, dtype=data.dtype)  # initial=0 for sum
    return res

if __name__ == "__main__":
    import jax
    _d = setup_inputs()
    print(jax.jit(kernel)(*tuple(_d.values())))

</pallas_src>

<mosaic_0001>
#map = affine_map<(d0, d1) -> (0, 0)>
#map1 = affine_map<(d0, d1) -> (0)>
module attributes {stable_mosaic.version = 14 : i64} {
  func.func @_seg_sum_body(%arg0: i32, %arg1: i32, %arg2: memref<160000x256xf32, #tpu.memory_space<hbm>>, %arg3: memref<10032xi32, #tpu.memory_space<hbm>>, %arg4: memref<10000x256xf32, #tpu.memory_space<hbm>>, %arg5: memref<336xi32, #tpu.memory_space<vmem>>, %arg6: memref<5009x256xf32, #tpu.memory_space<vmem_shared>>, %arg7: memref<64x256xf32, #tpu.memory_space<vmem>>, %arg8: memref<64x256xf32, #tpu.memory_space<vmem>>, %arg9: memref<64x256xf32, #tpu.memory_space<vmem>>, %arg10: memref<64xi32, #tpu.memory_space<vmem>>, %arg11: memref<64xi32, #tpu.memory_space<vmem>>, %arg12: memref<64xi32, #tpu.memory_space<vmem>>, %arg13: memref<!tpu.dma_semaphore, #tpu.memory_space<semaphore_mem>>, %arg14: memref<!tpu.dma_semaphore, #tpu.memory_space<semaphore_mem>>, %arg15: memref<!tpu.dma_semaphore, #tpu.memory_space<semaphore_mem>>) attributes {dimension_semantics = [#tpu.dimension_semantics<core_parallel>, #tpu.dimension_semantics<subcore_parallel>], iteration_bounds = array<i64: 2, 16>, scalar_prefetch = 0 : i64, scratch_operands = 11 : i64, tpu.core_type = #tpu.core_type<sc_vector_subcore>, window_params = [{transform_indices = #map}, {transform_indices = #map1}, {transform_indices = #map}]} {
    %mul3A = arith.constant 16 : i32
    %mul3A_0 = arith.muli %arg0, %mul3A : i32
    %add3A = arith.addi %mul3A_0, %arg1 : i32
    %mul3A_1 = arith.constant 313 : i32
    %mul3A_2 = arith.muli %add3A, %mul3A_1 : i32
    %add3A_3 = arith.constant 313 : i32
    %add3A_4 = arith.addi %mul3A_2, %add3A_3 : i32
    %min3A = arith.constant 10000 : i32
    %min3A_5 = arith.minsi %add3A_4, %min3A : i32
    %mul3A_6 = arith.constant 16 : i32
    %mul3A_7 = arith.muli %arg0, %mul3A_6 : i32
    %mul3A_8 = arith.constant 313 : i32
    %mul3A_9 = arith.muli %mul3A_7, %mul3A_8 : i32
    %jit3A = arith.constant 8 : i32
    %div3A = arith.divsi %mul3A_2, %jit3A : i32
    %sign3A = arith.constant 0 : i32
    %sign3A_10 = arith.cmpi sgt, %mul3A_2, %sign3A : i32
    %sign3A_11 = arith.extui %sign3A_10 : i1 to i32
    %sign3A_12 = arith.constant 0 : i32
    %sign3A_13 = arith.cmpi slt, %mul3A_2, %sign3A_12 : i32
    %sign3A_14 = arith.extui %sign3A_13 : i1 to i32
    %sign3A_15 = arith.subi %sign3A_11, %sign3A_14 : i32
    %sign3A_16 = arith.constant 0 : i32
    %sign3A_17 = arith.cmpi sgt, %jit3A, %sign3A_16 : i32
    %sign3A_18 = arith.extui %sign3A_17 : i1 to i32
    %sign3A_19 = arith.constant 0 : i32
    %sign3A_20 = arith.cmpi slt, %jit3A, %sign3A_19 : i32
    %sign3A_21 = arith.extui %sign3A_20 : i1 to i32
    %sign3A_22 = arith.subi %sign3A_18, %sign3A_21 : i32
    %ne3A = arith.cmpi ne, %sign3A_15, %sign3A_22 : i32
    %rem3A = arith.remsi %mul3A_2, %jit3A : i32
    %ne3A_23 = arith.constant 0 : i32
    %ne3A_24 = arith.cmpi ne, %rem3A, %ne3A_23 : i32
    %and3A = arith.andi %ne3A, %ne3A_24 : i1
    %sub3A = arith.constant 1 : i32
    %sub3A_25 = arith.subi %div3A, %sub3A : i32
    %select_n3A = arith.select %and3A, %sub3A_25, %div3A : i32
    %mul3A_26 = arith.constant 8 : i32
    %mul3A_27 = arith.muli %select_n3A, %mul3A_26 : i32
    %sub3A_28 = arith.subi %mul3A_2, %mul3A_27 : i32
    "tpu.region"() ({
      %run_scoped3A = tpu.sem_alloc : memref<!tpu.dma_semaphore, #tpu.memory_space<semaphore_mem>>
      %dma_start3A = tpu.memref_slice %arg3[%mul3A_27] : memref<10032xi32, #tpu.memory_space<hbm>> -> memref<336xi32, #tpu.memory_space<hbm>>
      %dma_start3A_141 = tpu.memref_slice %arg3[%mul3A_27] : memref<10032xi32, #tpu.memory_space<hbm>> -> memref<336xi32, #tpu.memory_space<hbm>>
      tpu.enqueue_dma source(%dma_start3A_141 : memref<336xi32, #tpu.memory_space<hbm>>) target(%arg5 : memref<336xi32, #tpu.memory_space<vmem>>) target_semaphore(%run_scoped3A : memref<!tpu.dma_semaphore, #tpu.memory_space<semaphore_mem>>)
      %dma_wait3A = tpu.memref_slice %arg3[%mul3A_27] : memref<10032xi32, #tpu.memory_space<hbm>> -> memref<336xi32, #tpu.memory_space<hbm>>
      %dma_wait3A_142 = tpu.memref_slice %arg3[%mul3A_27] : memref<10032xi32, #tpu.memory_space<hbm>> -> memref<336xi32, #tpu.memory_space<hbm>>
      tpu.wait_dma2 semaphore(%run_scoped3A : memref<!tpu.dma_semaphore, #tpu.memory_space<semaphore_mem>>) src(%dma_wait3A_142 : memref<336xi32, #tpu.memory_space<hbm>>) dst(%arg5 : memref<336xi32, #tpu.memory_space<vmem>>)
      tpu.yield
    }) : () -> ()
    %broadcast_in_dim3A = arith.constant 0.000000e+00 : f32
    %broadcast_in_dim3A_29 = vector.broadcast %broadcast_in_dim3A : f32 to vector<16xf32>
    %scan3A = arith.constant 0 : i32
    %scan3A_30 = arith.constant 0 : i32
    %scan3A_31 = arith.constant 64 : i32
    %scan3A_32 = arith.addi %scan3A_30, %scan3A_31 : i32
    %scan3A_33 = arith.constant 1 : i32
    %scan3A_34 = scf.for %scan3A_141 = %scan3A_30 to %scan3A_32 step %scan3A_33 iter_args(%scan3A_142 = %scan3A) -> (i32)  : i32 {
      %swap3A = arith.index_cast %scan3A_141 : i32 to index
      %swap3A_143 = arith.constant 0 : index
      %swap3A_144 = tpu.vector_load %arg7[%swap3A, %swap3A_143] {strides = array<i32>} : memref<64x256xf32, #tpu.memory_space<vmem>>, vector<16xf32>,
      tpu.vector_store %arg7[%swap3A, %swap3A_143], %broadcast_in_dim3A_29 {strides = array<i32>} : memref<64x256xf32, #tpu.memory_space<vmem>>, vector<16xf32>,
      %swap3A_145 = arith.index_cast %scan3A_141 : i32 to index
      %swap3A_146 = arith.constant 16 : index
      %swap3A_147 = tpu.vector_load %arg7[%swap3A_145, %swap3A_146] {strides = array<i32>} : memref<64x256xf32, #tpu.memory_space<vmem>>, vector<16xf32>,
      tpu.vector_store %arg7[%swap3A_145, %swap3A_146], %broadcast_in_dim3A_29 {strides = array<i32>} : memref<64x256xf32, #tpu.memory_space<vmem>>, vector<16xf32>,
      %swap3A_148 = arith.index_cast %scan3A_141 : i32 to index
      %swap3A_149 = arith.constant 32 : index
      %swap3A_150 = tpu.vector_load %arg7[%swap3A_148, %swap3A_149] {strides = array<i32>} : memref<64x256xf32, #tpu.memory_space<vmem>>, vector<16xf32>,
      tpu.vector_store %arg7[%swap3A_148, %swap3A_149], %broadcast_in_dim3A_29 {strides = array<i32>} : memref<64x256xf32, #tpu.memory_space<vmem>>, vector<16xf32>,
      %swap3A_151 = arith.index_cast %scan3A_141 : i32 to index
      %swap3A_152 = arith.constant 48 : index
      %swap3A_153 = tpu.vector_load %arg7[%swap3A_151, %swap3A_152] {strides = array<i32>} : memref<64x256xf32, #tpu.memory_space<vmem>>, vector<16xf32>,
      tpu.vector_store %arg7[%swap3A_151, %swap3A_152], %broadcast_in_dim3A_29 {strides = array<i32>} : memref<64x256xf32, #tpu.memory_space<vmem>>, vector<16xf32>,
      %swap3A_154 = arith.index_cast %scan3A_141 : i32 to index
      %swap3A_155 = arith.constant 64 : index
      %swap3A_156 = tpu.vector_load %arg7[%swap3A_154, %swap3A_155] {strides = array<i32>} : memref<64x256xf32, #tpu.memory_space<vmem>>, vector<16xf32>,
      tpu.vector_store %arg7[%swap3A_154, %swap3A_155], %broadcast_in_dim3A_29 {strides = array<i32>} : memref<64x256xf32, #tpu.memory_space<vmem>>, vector<16xf32>,
      %swap3A_157 = arith.index_cast %scan3A_141 : i32 to index
      %swap3A_158 = arith.constant 80 : index
      %swap3A_159 = tpu.vector_load %arg7[%swap3A_157, %swap3A_158] {strides = array<i32>} : memref<64x256xf32, #tpu.memory_space<vmem>>, vector<16xf32>,
      tpu.vector_store %arg7[%swap3A_157, %swap3A_158], %broadcast_in_dim3A_29 {strides = array<i32>} : memref<64x256xf32, #tpu.memory_space<vmem>>, vector<16xf32>,
      %swap3A_160 = arith.index_cast %scan3A_141 : i32 to index
      %swap3A_161 = arith.constant 96 : index
      %swap3A_162 = tpu.vector_load %arg7[%swap3A_160, %swap3A_161] {strides = array<i32>} : memref<64x256xf32, #tpu.memory_space<vmem>>, vector<16xf32>,
      tpu.vector_store %arg7[%swap3A_160, %swap3A_161], %broadcast_in_dim3A_29 {strides = array<i32>} : memref<64x256xf32, #tpu.memory_space<vmem>>, vector<16xf32>,
      %swap3A_163 = arith.index_cast %scan3A_141 : i32 to index
      %swap3A_164 = arith.constant 112 : index
      %swap3A_165 = tpu.vector_load %arg7[%swap3A_163, %swap3A_164] {strides = array<i32>} : memref<64x256xf32, #tpu.memory_space<vmem>>, vector<16xf32>,
      tpu.vector_store %arg7[%swap3A_163, %swap3A_164], %broadcast_in_dim3A_29 {strides = array<i32>} : memref<64x256xf32, #tpu.memory_space<vmem>>, vector<16xf32>,
      %swap3A_166 = arith.index_cast %scan3A_141 : i32 to index
      %swap3A_167 = arith.constant 128 : index
      %swap3A_168 = tpu.vector_load %arg7[%swap3A_166, %swap3A_167] {strides = array<i32>} : memref<64x256xf32, #tpu.memory_space<vmem>>, vector<16xf32>,
      tpu.vector_store %arg7[%swap3A_166, %swap3A_167], %broadcast_in_dim3A_29 {strides = array<i32>} : memref<64x256xf32, #tpu.memory_space<vmem>>, vector<16xf32>,
      %swap3A_169 = arith.index_cast %scan3A_141 : i32 to index
      %swap3A_170 = arith.constant 144 : index
      %swap3A_171 = tpu.vector_load %arg7[%swap3A_169, %swap3A_170] {strides = array<i32>} : memref<64x256xf32, #tpu.memory_space<vmem>>, vector<16xf32>,
      tpu.vector_store %arg7[%swap3A_169, %swap3A_170], %broadcast_in_dim3A_29 {strides = array<i32>} : memref<64x256xf32, #tpu.memory_space<vmem>>, vector<16xf32>,
      %swap3A_172 = arith.index_cast %scan3A_141 : i32 to index
      %swap3A_173 = arith.constant 160 : index
      %swap3A_174 = tpu.vector_load %arg7[%swap3A_172, %swap3A_173] {strides = array<i32>} : memref<64x256xf32, #tpu.memory_space<vmem>>, vector<16xf32>,
      tpu.vector_store %arg7[%swap3A_172, %swap3A_173], %broadcast_in_dim3A_29 {strides = array<i32>} : memref<64x256xf32, #tpu.memory_space<vmem>>, vector<16xf32>,
      %swap3A_175 = arith.index_cast %scan3A_141 : i32 to index
      %swap3A_176 = arith.constant 176 : index
      %swap3A_177 = tpu.vector_load %arg7[%swap3A_175, %swap3A_176] {strides = array<i32>} : memref<64x256xf32, #tpu.memory_space<vmem>>, vector<16xf32>,
      tpu.vector_store %arg7[%swap3A_175, %swap3A_176], %broadcast_in_dim3A_29 {strides = array<i32>} : memref<64x256xf32, #tpu.memory_space<vmem>>, vector<16xf32>,
      %swap3A_178 = arith.index_cast %scan3A_141 : i32 to index
      %swap3A_179 = arith.constant 192 : index
      %swap3A_180 = tpu.vector_load %arg7[%swap3A_178, %swap3A_179] {strides = array<i32>} : memref<64x256xf32, #tpu.memory_space<vmem>>, vector<16xf32>,
      tpu.vector_store %arg7[%swap3A_178, %swap3A_179], %broadcast_in_dim3A_29 {strides = array<i32>} : memref<64x256xf32, #tpu.memory_space<vmem>>, vector<16xf32>,
      %swap3A_181 = arith.index_cast %scan3A_141 : i32 to index
      %swap3A_182 = arith.constant 208 : index
      %swap3A_183 = tpu.vector_load %arg7[%swap3A_181, %swap3A_182] {strides = array<i32>} : memref<64x256xf32, #tpu.memory_space<vmem>>, vector<16xf32>,
      tpu.vector_store %arg7[%swap3A_181, %swap3A_182], %broadcast_in_dim3A_29 {strides = array<i32>} : memref<64x256xf32, #tpu.memory_space<vmem>>, vector<16xf32>,
      %swap3A_184 = arith.index_cast %scan3A_141 : i32 to index
      %swap3A_185 = arith.constant 224 : index
      %swap3A_186 = tpu.vector_load %arg7[%swap3A_184, %swap3A_185] {strides = array<i32>} : memref<64x256xf32, #tpu.memory_space<vmem>>, vector<16xf32>,
      tpu.vector_store %arg7[%swap3A_184, %swap3A_185], %broadcast_in_dim3A_29 {strides = array<i32>} : memref<64x256xf32, #tpu.memory_space<vmem>>, vector<16xf32>,
      %swap3A_187 = arith.index_cast %scan3A_141 : i32 to index
      %swap3A_188 = arith.constant 240 : index
      %swap3A_189 = tpu.vector_load %arg7[%swap3A_187, %swap3A_188] {strides = array<i32>} : memref<64x256xf32, #tpu.memory_space<vmem>>, vector<16xf32>,
      tpu.vector_store %arg7[%swap3A_187, %swap3A_188], %broadcast_in_dim3A_29 {strides = array<i32>} : memref<64x256xf32, #tpu.memory_space<vmem>>, vector<16xf32>,
      %scan3A_190 = arith.constant 0 : i32
      scf.yield %scan3A_190 : i32
    }
    %scan3A_35 = arith.constant 64 : i32
    %mul3A_36 = arith.constant 313 : i32
    %mul3A_37 = arith.muli %arg1, %mul3A_36 : i32
    %add3A_38 = arith.constant 0 : i32
    %add3A_39 = arith.addi %mul3A_37, %add3A_38 : i32
    "tpu.region"() ({
      %run_scoped3A = tpu.sem_alloc : memref<!tpu.dma_semaphore, #tpu.memory_space<semaphore_mem>>
      %dma_start3A = arith.constant 0 : i32
      %dma_start3A_141 = tpu.memref_slice %arg6[%add3A_39, %dma_start3A] : memref<5009x256xf32, #tpu.memory_space<vmem_shared>> -> memref<64x256xf32, #tpu.memory_space<vmem_shared>>
      %dma_start3A_142 = arith.constant 0 : i32
      %dma_start3A_143 = tpu.memref_slice %arg6[%add3A_39, %dma_start3A_142] : memref<5009x256xf32, #tpu.memory_space<vmem_shared>> -> memref<64x256xf32, #tpu.memory_space<vmem_shared>>
      tpu.enqueue_dma source(%arg7 : memref<64x256xf32, #tpu.memory_space<vmem>>) target(%dma_start3A_143 : memref<64x256xf32, #tpu.memory_space<vmem_shared>>) target_semaphore(%run_scoped3A : memref<!tpu.dma_semaphore, #tpu.memory_space<semaphore_mem>>)
      %dma_wait3A = arith.constant 0 : i32
      %dma_wait3A_144 = tpu.memref_slice %arg6[%add3A_39, %dma_wait3A] : memref<5009x256xf32, #tpu.memory_space<vmem_shared>> -> memref<64x256xf32, #tpu.memory_space<vmem_shared>>
      %dma_wait3A_145 = arith.constant 0 : i32
      %dma_wait3A_146 = tpu.memref_slice %arg6[%add3A_39, %dma_wait3A_145] : memref<5009x256xf32, #tpu.memory_space<vmem_shared>> -> memref<64x256xf32, #tpu.memory_space<vmem_shared>>
      tpu.wait_dma2 semaphore(%run_scoped3A : memref<!tpu.dma_semaphore, #tpu.memory_space<semaphore_mem>>) src(%arg7 : memref<64x256xf32, #tpu.memory_space<vmem>>) dst(%dma_wait3A_146 : memref<64x256xf32, #tpu.memory_space<vmem_shared>>)
      tpu.yield
    }) : () -> ()
    %add3A_40 = arith.constant 64 : i32
    %add3A_41 = arith.addi %mul3A_37, %add3A_40 : i32
    "tpu.region"() ({
      %run_scoped3A = tpu.sem_alloc : memref<!tpu.dma_semaphore, #tpu.memory_space<semaphore_mem>>
      %dma_start3A = arith.constant 0 : i32
      %dma_start3A_141 = tpu.memref_slice %arg6[%add3A_41, %dma_start3A] : memref<5009x256xf32, #tpu.memory_space<vmem_shared>> -> memref<64x256xf32, #tpu.memory_space<vmem_shared>>
      %dma_start3A_142 = arith.constant 0 : i32
      %dma_start3A_143 = tpu.memref_slice %arg6[%add3A_41, %dma_start3A_142] : memref<5009x256xf32, #tpu.memory_space<vmem_shared>> -> memref<64x256xf32, #tpu.memory_space<vmem_shared>>
      tpu.enqueue_dma source(%arg7 : memref<64x256xf32, #tpu.memory_space<vmem>>) target(%dma_start3A_143 : memref<64x256xf32, #tpu.memory_space<vmem_shared>>) target_semaphore(%run_scoped3A : memref<!tpu.dma_semaphore, #tpu.memory_space<semaphore_mem>>)
      %dma_wait3A = arith.constant 0 : i32
      %dma_wait3A_144 = tpu.memref_slice %arg6[%add3A_41, %dma_wait3A] : memref<5009x256xf32, #tpu.memory_space<vmem_shared>> -> memref<64x256xf32, #tpu.memory_space<vmem_shared>>
      %dma_wait3A_145 = arith.constant 0 : i32
      %dma_wait3A_146 = tpu.memref_slice %arg6[%add3A_41, %dma_wait3A_145] : memref<5009x256xf32, #tpu.memory_space<vmem_shared>> -> memref<64x256xf32, #tpu.memory_space<vmem_shared>>
      tpu.wait_dma2 semaphore(%run_scoped3A : memref<!tpu.dma_semaphore, #tpu.memory_space<semaphore_mem>>) src(%arg7 : memref<64x256xf32, #tpu.memory_space<vmem>>) dst(%dma_wait3A_146 : memref<64x256xf32, #tpu.memory_space<vmem_shared>>)
      tpu.yield
    }) : () -> ()
    %add3A_42 = arith.constant 128 : i32
    %add3A_43 = arith.addi %mul3A_37, %add3A_42 : i32
    "tpu.region"() ({
      %run_scoped3A = tpu.sem_alloc : memref<!tpu.dma_semaphore, #tpu.memory_space<semaphore_mem>>
      %dma_start3A = arith.constant 0 : i32
      %dma_start3A_141 = tpu.memref_slice %arg6[%add3A_43, %dma_start3A] : memref<5009x256xf32, #tpu.memory_space<vmem_shared>> -> memref<64x256xf32, #tpu.memory_space<vmem_shared>>
      %dma_start3A_142 = arith.constant 0 : i32
      %dma_start3A_143 = tpu.memref_slice %arg6[%add3A_43, %dma_start3A_142] : memref<5009x256xf32, #tpu.memory_space<vmem_shared>> -> memref<64x256xf32, #tpu.memory_space<vmem_shared>>
      tpu.enqueue_dma source(%arg7 : memref<64x256xf32, #tpu.memory_space<vmem>>) target(%dma_start3A_143 : memref<64x256xf32, #tpu.memory_space<vmem_shared>>) target_semaphore(%run_scoped3A : memref<!tpu.dma_semaphore, #tpu.memory_space<semaphore_mem>>)
      %dma_wait3A = arith.constant 0 : i32
      %dma_wait3A_144 = tpu.memref_slice %arg6[%add3A_43, %dma_wait3A] : memref<5009x256xf32, #tpu.memory_space<vmem_shared>> -> memref<64x256xf32, #tpu.memory_space<vmem_shared>>
      %dma_wait3A_145 = arith.constant 0 : i32
      %dma_wait3A_146 = tpu.memref_slice %arg6[%add3A_43, %dma_wait3A_145] : memref<5009x256xf32, #tpu.memory_space<vmem_shared>> -> memref<64x256xf32, #tpu.memory_space<vmem_shared>>
      tpu.wait_dma2 semaphore(%run_scoped3A : memref<!tpu.dma_semaphore, #tpu.memory_space<semaphore_mem>>) src(%arg7 : memref<64x256xf32, #tpu.memory_space<vmem>>) dst(%dma_wait3A_146 : memref<64x256xf32, #tpu.memory_space<vmem_shared>>)
      tpu.yield
    }) : () -> ()
    %add3A_44 = arith.constant 192 : i32
    %add3A_45 = arith.addi %mul3A_37, %add3A_44 : i32
    "tpu.region"() ({
      %run_scoped3A = tpu.sem_alloc : memref<!tpu.dma_semaphore, #tpu.memory_space<semaphore_mem>>
      %dma_start3A = arith.constant 0 : i32
      %dma_start3A_141 = tpu.memref_slice %arg6[%add3A_45, %dma_start3A] : memref<5009x256xf32, #tpu.memory_space<vmem_shared>> -> memref<64x256xf32, #tpu.memory_space<vmem_shared>>
      %dma_start3A_142 = arith.constant 0 : i32
      %dma_start3A_143 = tpu.memref_slice %arg6[%add3A_45, %dma_start3A_142] : memref<5009x256xf32, #tpu.memory_space<vmem_shared>> -> memref<64x256xf32, #tpu.memory_space<vmem_shared>>
      tpu.enqueue_dma source(%arg7 : memref<64x256xf32, #tpu.memory_space<vmem>>) target(%dma_start3A_143 : memref<64x256xf32, #tpu.memory_space<vmem_shared>>) target_semaphore(%run_scoped3A : memref<!tpu.dma_semaphore, #tpu.memory_space<semaphore_mem>>)
      %dma_wait3A = arith.constant 0 : i32
      %dma_wait3A_144 = tpu.memref_slice %arg6[%add3A_45, %dma_wait3A] : memref<5009x256xf32, #tpu.memory_space<vmem_shared>> -> memref<64x256xf32, #tpu.memory_space<vmem_shared>>
      %dma_wait3A_145 = arith.constant 0 : i32
      %dma_wait3A_146 = tpu.memref_slice %arg6[%add3A_45, %dma_wait3A_145] : memref<5009x256xf32, #tpu.memory_space<vmem_shared>> -> memref<64x256xf32, #tpu.memory_space<vmem_shared>>
      tpu.wait_dma2 semaphore(%run_scoped3A : memref<!tpu.dma_semaphore, #tpu.memory_space<semaphore_mem>>) src(%arg7 : memref<64x256xf32, #tpu.memory_space<vmem>>) dst(%dma_wait3A_146 : memref<64x256xf32, #tpu.memory_space<vmem_shared>>)
      tpu.yield
    }) : () -> ()
    %add3A_46 = arith.constant 256 : i32
    %add3A_47 = arith.addi %mul3A_37, %add3A_46 : i32
    "tpu.region"() ({
      %run_scoped3A = tpu.sem_alloc : memref<!tpu.dma_semaphore, #tpu.memory_space<semaphore_mem>>
      %dma_start3A = arith.constant 0 : i32
      %dma_start3A_141 = arith.constant 0 : i32
      %dma_start3A_142 = tpu.memref_slice %arg7[%dma_start3A, %dma_start3A_141] : memref<64x256xf32, #tpu.memory_space<vmem>> -> memref<57x256xf32, #tpu.memory_space<vmem>>
      %dma_start3A_143 = arith.constant 0 : i32
      %dma_start3A_144 = tpu.memref_slice %arg6[%add3A_47, %dma_start3A_143] : memref<5009x256xf32, #tpu.memory_space<vmem_shared>> -> memref<57x256xf32, #tpu.memory_space<vmem_shared>>
      %dma_start3A_145 = arith.constant 0 : i32
      %dma_start3A_146 = tpu.memref_slice %arg6[%add3A_47, %dma_start3A_145] : memref<5009x256xf32, #tpu.memory_space<vmem_shared>> -> memref<57x256xf32, #tpu.memory_space<vmem_shared>>
      %dma_start3A_147 = arith.constant 0 : i32
      %dma_start3A_148 = arith.constant 0 : i32
      %dma_start3A_149 = tpu.memref_slice %arg7[%dma_start3A_147, %dma_start3A_148] : memref<64x256xf32, #tpu.memory_space<vmem>> -> memref<57x256xf32, #tpu.memory_space<vmem>>
      tpu.enqueue_dma source(%dma_start3A_149 : memref<57x256xf32, #tpu.memory_space<vmem>>) target(%dma_start3A_146 : memref<57x256xf32, #tpu.memory_space<vmem_shared>>) target_semaphore(%run_scoped3A : memref<!tpu.dma_semaphore, #tpu.memory_space<semaphore_mem>>)
      %dma_wait3A = arith.constant 0 : i32
      %dma_wait3A_150 = arith.constant 0 : i32
      %dma_wait3A_151 = tpu.memref_slice %arg7[%dma_wait3A, %dma_wait3A_150] : memref<64x256xf32, #tpu.memory_space<vmem>> -> memref<57x256xf32, #tpu.memory_space<vmem>>
      %dma_wait3A_152 = arith.constant 0 : i32
      %dma_wait3A_153 = tpu.memref_slice %arg6[%add3A_47, %dma_wait3A_152] : memref<5009x256xf32, #tpu.memory_space<vmem_shared>> -> memref<57x256xf32, #tpu.memory_space<vmem_shared>>
      %dma_wait3A_154 = arith.constant 0 : i32
      %dma_wait3A_155 = tpu.memref_slice %arg6[%add3A_47, %dma_wait3A_154] : memref<5009x256xf32, #tpu.memory_space<vmem_shared>> -> memref<57x256xf32, #tpu.memory_space<vmem_shared>>
      %dma_wait3A_156 = arith.constant 0 : i32
      %dma_wait3A_157 = arith.constant 0 : i32
      %dma_wait3A_158 = tpu.memref_slice %arg7[%dma_wait3A_156, %dma_wait3A_157] : memref<64x256xf32, #tpu.memory_space<vmem>> -> memref<57x256xf32, #tpu.memory_space<vmem>>
      tpu.wait_dma2 semaphore(%run_scoped3A : memref<!tpu.dma_semaphore, #tpu.memory_space<semaphore_mem>>) src(%dma_wait3A_158 : memref<57x256xf32, #tpu.memory_space<vmem>>) dst(%dma_wait3A_155 : memref<57x256xf32, #tpu.memory_space<vmem_shared>>)
      tpu.yield
    }) : () -> ()
    %get3A = arith.index_cast %sub3A_28 : i32 to index
    %get3A_48 = tpu.vector_load %arg5[%get3A] {strides = array<i32>} : memref<336xi32, #tpu.memory_space<vmem>>, vector<16xi32>,
    %slice3A = vector.extract_strided_slice %get3A_48 {offsets = [0], sizes = [1], strides = [1]} : vector<16xi32> to vector<1xi32>
    %squeeze3A = vector.extract %slice3A[0] : i32 from vector<1xi32>
    %sub3A_49 = arith.subi %min3A_5, %mul3A_2 : i32
    %add3A_50 = arith.addi %sub3A_28, %sub3A_49 : i32
    %get3A_51 = arith.index_cast %add3A_50 : i32 to index
    %get3A_52 = tpu.vector_load %arg5[%get3A_51] {strides = array<i32>} : memref<336xi32, #tpu.memory_space<vmem>>, vector<16xi32>,
    %slice3A_53 = vector.extract_strided_slice %get3A_52 {offsets = [0], sizes = [1], strides = [1]} : vector<16xi32> to vector<1xi32>
    %squeeze3A_54 = vector.extract %slice3A_53[0] : i32 from vector<1xi32>
    %sub3A_55 = arith.subi %squeeze3A_54, %squeeze3A : i32
    %add3A_56 = arith.constant 63 : i32
    %add3A_57 = arith.addi %sub3A_55, %add3A_56 : i32
    %jit3A_58 = arith.constant 64 : i32
    %div3A_59 = arith.divsi %add3A_57, %jit3A_58 : i32
    %sign3A_60 = arith.constant 0 : i32
    %sign3A_61 = arith.cmpi sgt, %add3A_57, %sign3A_60 : i32
    %sign3A_62 = arith.extui %sign3A_61 : i1 to i32
    %sign3A_63 = arith.constant 0 : i32
    %sign3A_64 = arith.cmpi slt, %add3A_57, %sign3A_63 : i32
    %sign3A_65 = arith.extui %sign3A_64 : i1 to i32
    %sign3A_66 = arith.subi %sign3A_62, %sign3A_65 : i32
    %sign3A_67 = arith.constant 0 : i32
    %sign3A_68 = arith.cmpi sgt, %jit3A_58, %sign3A_67 : i32
    %sign3A_69 = arith.extui %sign3A_68 : i1 to i32
    %sign3A_70 = arith.constant 0 : i32
    %sign3A_71 = arith.cmpi slt, %jit3A_58, %sign3A_70 : i32
    %sign3A_72 = arith.extui %sign3A_71 : i1 to i32
    %sign3A_73 = arith.subi %sign3A_69, %sign3A_72 : i32
    %ne3A_74 = arith.cmpi ne, %sign3A_66, %sign3A_73 : i32
    %rem3A_75 = arith.remsi %add3A_57, %jit3A_58 : i32
    %ne3A_76 = arith.constant 0 : i32
    %ne3A_77 = arith.cmpi ne, %rem3A_75, %ne3A_76 : i32
    %and3A_78 = arith.andi %ne3A_74, %ne3A_77 : i1
    %sub3A_79 = arith.constant 1 : i32
    %sub3A_80 = arith.subi %div3A_59, %sub3A_79 : i32
    %select_n3A_81 = arith.select %and3A_78, %sub3A_80, %div3A_59 : i32
    %iota3A = tpu.iota {dimensions = array<i32: 0>} : vector<16xi32>
    %gt3A = arith.constant 0 : i32
    %gt3A_82 = arith.cmpi sgt, %select_n3A_81, %gt3A : i32
    %convert_element_type3A = arith.extui %gt3A_82 : i1 to i32
    %cond3A = arith.constant 0 : i32
    %cond3A_83 = arith.cmpi ne, %convert_element_type3A, %cond3A : i32
    scf.if %cond3A_83 {
      %add3A_141 = arith.constant 0 : i32
      %add3A_142 = arith.addi %squeeze3A, %add3A_141 : i32
      %min3A_143 = arith.constant 159936 : i32
      %min3A_144 = arith.minsi %add3A_142, %min3A_143 : i32
      %dma_start3A = arith.constant 0 : i32
      %dma_start3A_145 = tpu.memref_slice %arg2[%min3A_144, %dma_start3A] : memref<160000x256xf32, #tpu.memory_space<hbm>> -> memref<64x256xf32, #tpu.memory_space<hbm>>
      %dma_start3A_146 = arith.constant 0 : i32
      %dma_start3A_147 = tpu.memref_slice %arg2[%min3A_144, %dma_start3A_146] : memref<160000x256xf32, #tpu.memory_space<hbm>> -> memref<64x256xf32, #tpu.memory_space<hbm>>
      tpu.enqueue_dma source(%dma_start3A_147 : memref<64x256xf32, #tpu.memory_space<hbm>>) target(%arg7 : memref<64x256xf32, #tpu.memory_space<vmem>>) target_semaphore(%arg13 : memref<!tpu.dma_semaphore, #tpu.memory_space<semaphore_mem>>)
    } else {
    }
    %gt3A_84 = arith.constant 1 : i32
    %gt3A_85 = arith.cmpi sgt, %select_n3A_81, %gt3A_84 : i32
    %convert_element_type3A_86 = arith.extui %gt3A_85 : i1 to i32
    %cond3A_87 = arith.constant 0 : i32
    %cond3A_88 = arith.cmpi ne, %convert_element_type3A_86, %cond3A_87 : i32
    scf.if %cond3A_88 {
      %add3A_141 = arith.constant 64 : i32
      %add3A_142 = arith.addi %squeeze3A, %add3A_141 : i32
      %min3A_143 = arith.constant 159936 : i32
      %min3A_144 = arith.minsi %add3A_142, %min3A_143 : i32
      %dma_start3A = arith.constant 0 : i32
      %dma_start3A_145 = tpu.memref_slice %arg2[%min3A_144, %dma_start3A] : memref<160000x256xf32, #tpu.memory_space<hbm>> -> memref<64x256xf32, #tpu.memory_space<hbm>>
      %dma_start3A_146 = arith.constant 0 : i32
      %dma_start3A_147 = tpu.memref_slice %arg2[%min3A_144, %dma_start3A_146] : memref<160000x256xf32, #tpu.memory_space<hbm>> -> memref<64x256xf32, #tpu.memory_space<hbm>>
      tpu.enqueue_dma source(%dma_start3A_147 : memref<64x256xf32, #tpu.memory_space<hbm>>) target(%arg8 : memref<64x256xf32, #tpu.memory_space<vmem>>) target_semaphore(%arg14 : memref<!tpu.dma_semaphore, #tpu.memory_space<semaphore_mem>>)
    } else {
    }
    %sub3A_89 = arith.subi %min3A_5, %mul3A_2 : i32
    %add3A_90 = arith.addi %sub3A_28, %sub3A_89 : i32
    %sub3A_91 = arith.subi %mul3A_27, %mul3A_9 : i32
    %add3A_92 = arith.constant 3 : i32
    %add3A_93 = arith.addi %select_n3A_81, %add3A_92 : i32
    %sub3A_94 = arith.constant 1 : i32
    %sub3A_95 = arith.subi %add3A_93, %sub3A_94 : i32
    %jit3A_96 = arith.constant 3 : i32
    %div3A_97 = arith.divsi %sub3A_95, %jit3A_96 : i32
    %sign3A_98 = arith.constant 0 : i32
    %sign3A_99 = arith.cmpi sgt, %sub3A_95, %sign3A_98 : i32
    %sign3A_100 = arith.extui %sign3A_99 : i1 to i32
    %sign3A_101 = arith.constant 0 : i32
    %sign3A_102 = arith.cmpi slt, %sub3A_95, %sign3A_101 : i32
    %sign3A_103 = arith.extui %sign3A_102 : i1 to i32
    %sign3A_104 = arith.subi %sign3A_100, %sign3A_103 : i32
    %sign3A_105 = arith.constant 0 : i32
    %sign3A_106 = arith.cmpi sgt, %jit3A_96, %sign3A_105 : i32
    %sign3A_107 = arith.extui %sign3A_106 : i1 to i32
    %sign3A_108 = arith.constant 0 : i32
    %sign3A_109 = arith.cmpi slt, %jit3A_96, %sign3A_108 : i32
    %sign3A_110 = arith.extui %sign3A_109 : i1 to i32
    %sign3A_111 = arith.subi %sign3A_107, %sign3A_110 : i32
    %ne3A_112 = arith.cmpi ne, %sign3A_104, %sign3A_111 : i32
    %rem3A_113 = arith.remsi %sub3A_95, %jit3A_96 : i32
    %ne3A_114 = arith.constant 0 : i32
    %ne3A_115 = arith.cmpi ne, %rem3A_113, %ne3A_114 : i32
    %and3A_116 = arith.andi %ne3A_112, %ne3A_115 : i1
    %sub3A_117 = arith.constant 1 : i32
    %sub3A_118 = arith.subi %div3A_97, %sub3A_117 : i32
    %select_n3A_119 = arith.select %and3A_116, %sub3A_118, %div3A_97 : i32
    %while3A = arith.constant 0 : i32
    %while3A_120 = arith.constant 0 : i32
    %while3A_121 = arith.subi %select_n3A_119, %while3A : i32
    %while3A_122 = arith.addi %while3A, %while3A_121 : i32
    %while3A_123 = arith.constant 1 : i32
    %while3A_124 = arith.divsi %while3A_121, %while3A_123 : i32
    %while3A_125 = arith.muli %while3A_124, %while3A_123 : i32
    %while3A_126 = arith.addi %while3A, %while3A_125 : i32
    %while3A_127 = arith.constant 1 : i32
    %while3A_128 = scf.for %while3A_141 = %while3A to %while3A_126 step %while3A_127 iter_args(%while3A_142 = %while3A_120) -> (i32)  : i32 {
      %mul3A_143 = arith.constant 3 : i32
      %mul3A_144 = arith.muli %mul3A_143, %while3A_141 : i32
      %add3A_145 = arith.constant 0 : i32
      %add3A_146 = arith.addi %mul3A_144, %add3A_145 : i32
      %mul3A_147 = arith.constant 64 : i32
      %mul3A_148 = arith.muli %add3A_146, %mul3A_147 : i32
      %add3A_149 = arith.addi %squeeze3A, %mul3A_148 : i32
      %mul3A_150 = arith.constant 64 : i32
      %mul3A_151 = arith.muli %add3A_146, %mul3A_150 : i32
      %add3A_152 = arith.addi %squeeze3A, %mul3A_151 : i32
      %min3A_153 = arith.constant 159936 : i32
      %min3A_154 = arith.minsi %add3A_152, %min3A_153 : i32
      %lt3A_155 = arith.cmpi slt, %add3A_146, %select_n3A_81 : i32
      %convert_element_type3A_156 = arith.extui %lt3A_155 : i1 to i32
      %cond3A_157 = arith.constant 0 : i32
      %cond3A_158 = arith.cmpi ne, %convert_element_type3A_156, %cond3A_157 : i32
      scf.if %cond3A_158 {
        %dma_wait3A = arith.constant 0 : i32
        %dma_wait3A_1375 = tpu.memref_slice %arg2[%min3A_154, %dma_wait3A] : memref<160000x256xf32, #tpu.memory_space<hbm>> -> memref<64x256xf32, #tpu.memory_space<hbm>>
        %dma_wait3A_1376 = arith.constant 0 : i32
        %dma_wait3A_1377 = tpu.memref_slice %arg2[%min3A_154, %dma_wait3A_1376] : memref<160000x256xf32, #tpu.memory_space<hbm>> -> memref<64x256xf32, #tpu.memory_space<hbm>>
        tpu.wait_dma2 semaphore(%arg13 : memref<!tpu.dma_semaphore, #tpu.memory_space<semaphore_mem>>) src(%dma_wait3A_1377 : memref<64x256xf32, #tpu.memory_space<hbm>>) dst(%arg7 : memref<64x256xf32, #tpu.memory_space<vmem>>)
      } else {
      }
      %add3A_159 = arith.constant 3 : i32
      %add3A_160 = arith.addi %add3A_146, %add3A_159 : i32
      %sub3A_161 = arith.constant 1 : i32
      %sub3A_162 = arith.subi %add3A_160, %sub3A_161 : i32
      %lt3A_163 = arith.cmpi slt, %sub3A_162, %select_n3A_81 : i32
      %convert_element_type3A_164 = arith.extui %lt3A_163 : i1 to i32
      %cond3A_165 = arith.constant 0 : i32
      %cond3A_166 = arith.cmpi ne, %convert_element_type3A_164, %cond3A_165 : i32
      scf.if %cond3A_166 {
        %add3A_1375 = arith.constant 3 : i32
        %add3A_1376 = arith.addi %add3A_146, %add3A_1375 : i32
        %sub3A_1377 = arith.constant 1 : i32
        %sub3A_1378 = arith.subi %add3A_1376, %sub3A_1377 : i32
        %mul3A_1379 = arith.constant 64 : i32
        %mul3A_1380 = arith.muli %sub3A_1378, %mul3A_1379 : i32
        %add3A_1381 = arith.addi %squeeze3A, %mul3A_1380 : i32
        %min3A_1382 = arith.constant 159936 : i32
        %min3A_1383 = arith.minsi %add3A_1381, %min3A_1382 : i32
        %dma_start3A = arith.constant 0 : i32
        %dma_start3A_1384 = tpu.memref_slice %arg2[%min3A_1383, %dma_start3A] : memref<160000x256xf32, #tpu.memory_space<hbm>> -> memref<64x256xf32, #tpu.memory_space<hbm>>
        %dma_start3A_1385 = arith.constant 0 : i32
        %dma_start3A_1386 = tpu.memref_slice %arg2[%min3A_1383, %dma_start3A_1385] : memref<160000x256xf32, #tpu.memory_space<hbm>> -> memref<64x256xf32, #tpu.memory_space<hbm>>
        tpu.enqueue_dma source(%dma_start3A_1386 : memref<64x256xf32, #tpu.memory_space<hbm>>) target(%arg9 : memref<64x256xf32, #tpu.memory_space<vmem>>) target_semaphore(%arg15 : memref<!tpu.dma_semaphore, #tpu.memory_space<semaphore_mem>>)
      } else {
      }
      %add3A_167 = arith.constant 0 : i32
      %add3A_168 = arith.addi %min3A_154, %add3A_167 : i32
      %add3A_169 = vector.broadcast %add3A_168 : i32 to vector<16xi32>
      %add3A_170 = arith.addi %add3A_169, %iota3A : vector<16xi32>
      %broadcast_in_dim3A_171 = arith.constant 0 : i32
      %broadcast_in_dim3A_172 = vector.broadcast %broadcast_in_dim3A_171 : i32 to vector<16xi32>
      %add3A_173 = vector.broadcast %sub3A_28 : i32 to vector<16xi32>
      %add3A_174 = arith.addi %add3A_173, %broadcast_in_dim3A_172 : vector<16xi32>
      %broadcast_in_dim3A_175 = arith.constant 0 : i32
      %broadcast_in_dim3A_176 = vector.broadcast %broadcast_in_dim3A_175 : i32 to vector<16xi32>
      %add3A_177 = vector.broadcast %add3A_90 : i32 to vector<16xi32>
      %add3A_178 = arith.addi %add3A_177, %broadcast_in_dim3A_176 : vector<16xi32>
      %add3A_179 = arith.addi %add3A_174, %add3A_178 : vector<16xi32>
      %shift_right_arithmetic3A = arith.constant 1 : i32
      %shift_right_arithmetic3A_180 = vector.broadcast %shift_right_arithmetic3A : i32 to vector<16xi32>
      %shift_right_arithmetic3A_181 = arith.shrsi %add3A_179, %shift_right_arithmetic3A_180 : vector<16xi32>
      %gather3A = tpu.vector_load_idx %arg5[%shift_right_arithmetic3A_181] : memref<336xi32, #tpu.memory_space<vmem>>[vector<16xi32>], vector<16xi32>,
      %le3A = arith.cmpi sle, %gather3A, %add3A_170 : vector<16xi32>
      %select_n3A_182 = arith.select %le3A, %shift_right_arithmetic3A_181, %add3A_174 : vector<16xi1>, vector<16xi32>
      %select_n3A_183 = arith.select %le3A, %add3A_178, %shift_right_arithmetic3A_181 : vector<16xi1>, vector<16xi32>
      %add3A_184 = arith.addi %select_n3A_182, %select_n3A_183 : vector<16xi32>
      %shift_right_arithmetic3A_185 = arith.constant 1 : i32
      %shift_right_arithmetic3A_186 = vector.broadcast %shift_right_arithmetic3A_185 : i32 to vector<16xi32>
      %shift_right_arithmetic3A_187 = arith.shrsi %add3A_184, %shift_right_arithmetic3A_186 : vector<16xi32>
      %gather3A_188 = tpu.vector_load_idx %arg5[%shift_right_arithmetic3A_187] : memref<336xi32, #tpu.memory_space<vmem>>[vector<16xi32>], vector<16xi32>,
      %le3A_189 = arith.cmpi sle, %gather3A_188, %add3A_170 : vector<16xi32>
      %select_n3A_190 = arith.select %le3A_189, %shift_right_arithmetic3A_187, %select_n3A_182 : vector<16xi1>, vector<16xi32>
      %select_n3A_191 = arith.select %le3A_189, %select_n3A_183, %shift_right_arithmetic3A_187 : vector<16xi1>, vector<16xi32>
      %add3A_192 = arith.addi %select_n3A_190, %select_n3A_191 : vector<16xi32>
      %shift_right_arithmetic3A_193 = arith.constant 1 : i32
      %shift_right_arithmetic3A_194 = vector.broadcast %shift_right_arithmetic3A_193 : i32 to vector<16xi32>
      %shift_right_arithmetic3A_195 = arith.shrsi %add3A_192, %shift_right_arithmetic3A_194 : vector<16xi32>
      %gather3A_196 = tpu.vector_load_idx %arg5[%shift_right_arithmetic3A_195] : memref<336xi32, #tpu.memory_space<vmem>>[vector<16xi32>], vector<16xi32>,
      %le3A_197 = arith.cmpi sle, %gather3A_196, %add3A_170 : vector<16xi32>
      %select_n3A_198 = arith.select %le3A_197, %shift_right_arithmetic3A_195, %select_n3A_190 : vector<16xi1>, vector<16xi32>
      %select_n3A_199 = arith.select %le3A_197, %select_n3A_191, %shift_right_arithmetic3A_195 : vector<16xi1>, vector<16xi32>
      %add3A_200 = arith.addi %select_n3A_198, %select_n3A_199 : vector<16xi32>
      %shift_right_arithmetic3A_201 = arith.constant 1 : i32
      %shift_right_arithmetic3A_202 = vector.broadcast %shift_right_arithmetic3A_201 : i32 to vector<16xi32>
      %shift_right_arithmetic3A_203 = arith.shrsi %add3A_200, %shift_right_arithmetic3A_202 : vector<16xi32>
      %gather3A_204 = tpu.vector_load_idx %arg5[%shift_right_arithmetic3A_203] : memref<336xi32, #tpu.memory_space<vmem>>[vector<16xi32>], vector<16xi32>,
      %le3A_205 = arith.cmpi sle, %gather3A_204, %add3A_170 : vector<16xi32>
      %select_n3A_206 = arith.select %le3A_205, %shift_right_arithmetic3A_203, %select_n3A_198 : vector<16xi1>, vector<16xi32>
      %select_n3A_207 = arith.select %le3A_205, %select_n3A_199, %shift_right_arithmetic3A_203 : vector<16xi1>, vector<16xi32>
      %add3A_208 = arith.addi %select_n3A_206, %select_n3A_207 : vector<16xi32>
      %shift_right_arithmetic3A_209 = arith.constant 1 : i32
      %shift_right_arithmetic3A_210 = vector.broadcast %shift_right_arithmetic3A_209 : i32 to vector<16xi32>
      %shift_right_arithmetic3A_211 = arith.shrsi %add3A_208, %shift_right_arithmetic3A_210 : vector<16xi32>
      %gather3A_212 = tpu.vector_load_idx %arg5[%shift_right_arithmetic3A_211] : memref<336xi32, #tpu.memory_space<vmem>>[vector<16xi32>], vector<16xi32>,
      %le3A_213 = arith.cmpi sle, %gather3A_212, %add3A_170 : vector<16xi32>
      %select_n3A_214 = arith.select %le3A_213, %shift_right_arithmetic3A_211, %select_n3A_206 : vector<16xi1>, vector<16xi32>
      %select_n3A_215 = arith.select %le3A_213, %select_n3A_207, %shift_right_arithmetic3A_211 : vector<16xi1>, vector<16xi32>
      %add3A_216 = arith.addi %select_n3A_214, %select_n3A_215 : vector<16xi32>
      %shift_right_arithmetic3A_217 = arith.constant 1 : i32
      %shift_right_arithmetic3A_218 = vector.broadcast %shift_right_arithmetic3A_217 : i32 to vector<16xi32>
      %shift_right_arithmetic3A_219 = arith.shrsi %add3A_216, %shift_right_arithmetic3A_218 : vector<16xi32>
      %gather3A_220 = tpu.vector_load_idx %arg5[%shift_right_arithmetic3A_219] : memref<336xi32, #tpu.memory_space<vmem>>[vector<16xi32>], vector<16xi32>,
      %le3A_221 = arith.cmpi sle, %gather3A_220, %add3A_170 : vector<16xi32>
      %select_n3A_222 = arith.select %le3A_221, %shift_right_arithmetic3A_219, %select_n3A_214 : vector<16xi1>, vector<16xi32>
      %select_n3A_223 = arith.select %le3A_221, %select_n3A_215, %shift_right_arithmetic3A_219 : vector<16xi1>, vector<16xi32>
      %add3A_224 = arith.addi %select_n3A_222, %select_n3A_223 : vector<16xi32>
      %shift_right_arithmetic3A_225 = arith.constant 1 : i32
      %shift_right_arithmetic3A_226 = vector.broadcast %shift_right_arithmetic3A_225 : i32 to vector<16xi32>
      %shift_right_arithmetic3A_227 = arith.shrsi %add3A_224, %shift_right_arithmetic3A_226 : vector<16xi32>
      %gather3A_228 = tpu.vector_load_idx %arg5[%shift_right_arithmetic3A_227] : memref<336xi32, #tpu.memory_space<vmem>>[vector<16xi32>], vector<16xi32>,
      %le3A_229 = arith.cmpi sle, %gather3A_228, %add3A_170 : vector<16xi32>
      %select_n3A_230 = arith.select %le3A_229, %shift_right_arithmetic3A_227, %select_n3A_222 : vector<16xi1>, vector<16xi32>
      %select_n3A_231 = arith.select %le3A_229, %select_n3A_223, %shift_right_arithmetic3A_227 : vector<16xi1>, vector<16xi32>
      %add3A_232 = arith.addi %select_n3A_230, %select_n3A_231 : vector<16xi32>
      %shift_right_arithmetic3A_233 = arith.constant 1 : i32
      %shift_right_arithmetic3A_234 = vector.broadcast %shift_right_arithmetic3A_233 : i32 to vector<16xi32>
      %shift_right_arithmetic3A_235 = arith.shrsi %add3A_232, %shift_right_arithmetic3A_234 : vector<16xi32>
      %gather3A_236 = tpu.vector_load_idx %arg5[%shift_right_arithmetic3A_235] : memref<336xi32, #tpu.memory_space<vmem>>[vector<16xi32>], vector<16xi32>,
      %le3A_237 = arith.cmpi sle, %gather3A_236, %add3A_170 : vector<16xi32>
      %select_n3A_238 = arith.select %le3A_237, %shift_right_arithmetic3A_235, %select_n3A_230 : vector<16xi1>, vector<16xi32>
      %select_n3A_239 = arith.select %le3A_237, %select_n3A_231, %shift_right_arithmetic3A_235 : vector<16xi1>, vector<16xi32>
      %add3A_240 = arith.addi %select_n3A_238, %select_n3A_239 : vector<16xi32>
      %shift_right_arithmetic3A_241 = arith.constant 1 : i32
      %shift_right_arithmetic3A_242 = vector.broadcast %shift_right_arithmetic3A_241 : i32 to vector<16xi32>
      %shift_right_arithmetic3A_243 = arith.shrsi %add3A_240, %shift_right_arithmetic3A_242 : vector<16xi32>
      %gather3A_244 = tpu.vector_load_idx %arg5[%shift_right_arithmetic3A_243] : memref<336xi32, #tpu.memory_space<vmem>>[vector<16xi32>], vector<16xi32>,
      %le3A_245 = arith.cmpi sle, %gather3A_244, %add3A_170 : vector<16xi32>
      %select_n3A_246 = arith.select %le3A_245, %shift_right_arithmetic3A_243, %select_n3A_238 : vector<16xi1>, vector<16xi32>
      %select_n3A_247 = arith.select %le3A_245, %select_n3A_239, %shift_right_arithmetic3A_243 : vector<16xi1>, vector<16xi32>
      %ge3A = vector.broadcast %add3A_149 : i32 to vector<16xi32>
      %ge3A_248 = arith.cmpi sge, %add3A_170, %ge3A : vector<16xi32>
      %lt3A_249 = vector.broadcast %squeeze3A_54 : i32 to vector<16xi32>
      %lt3A_250 = arith.cmpi slt, %add3A_170, %lt3A_249 : vector<16xi32>
      %and3A_251 = arith.andi %ge3A_248, %lt3A_250 : vector<16xi1>
      %add3A_252 = vector.broadcast %sub3A_91 : i32 to vector<16xi32>
      %add3A_253 = arith.addi %select_n3A_246, %add3A_252 : vector<16xi32>
      %jit3A_254 = arith.constant 5008 : i32
      %broadcast_in_dim3A_255 = vector.broadcast %jit3A_254 : i32 to vector<16xi32>
      %select_n3A_256 = arith.select %and3A_251, %add3A_253, %broadcast_in_dim3A_255 : vector<16xi1>, vector<16xi32>
      %swap3A = arith.constant 0 : index
      %swap3A_257 = tpu.vector_load %arg10[%swap3A] {strides = array<i32>} : memref<64xi32, #tpu.memory_space<vmem>>, vector<16xi32>,
      tpu.vector_store %arg10[%swap3A], %select_n3A_256 {strides = array<i32>} : memref<64xi32, #tpu.memory_space<vmem>>, vector<16xi32>,
      %add3A_258 = arith.constant 16 : i32
      %add3A_259 = arith.addi %min3A_154, %add3A_258 : i32
      %add3A_260 = vector.broadcast %add3A_259 : i32 to vector<16xi32>
      %add3A_261 = arith.addi %add3A_260, %iota3A : vector<16xi32>
      %broadcast_in_dim3A_262 = arith.constant 0 : i32
      %broadcast_in_dim3A_263 = vector.broadcast %broadcast_in_dim3A_262 : i32 to vector<16xi32>
      %add3A_264 = vector.broadcast %sub3A_28 : i32 to vector<16xi32>
      %add3A_265 = arith.addi %add3A_264, %broadcast_in_dim3A_263 : vector<16xi32>
      %broadcast_in_dim3A_266 = arith.constant 0 : i32
      %broadcast_in_dim3A_267 = vector.broadcast %broadcast_in_dim3A_266 : i32 to vector<16xi32>
      %add3A_268 = vector.broadcast %add3A_90 : i32 to vector<16xi32>
      %add3A_269 = arith.addi %add3A_268, %broadcast_in_dim3A_267 : vector<16xi32>
      %add3A_270 = arith.addi %add3A_265, %add3A_269 : vector<16xi32>
      %shift_right_arithmetic3A_271 = arith.constant 1 : i32
      %shift_right_arithmetic3A_272 = vector.broadcast %shift_right_arithmetic3A_271 : i32 to vector<16xi32>
      %shift_right_arithmetic3A_273 = arith.shrsi %add3A_270, %shift_right_arithmetic3A_272 : vector<16xi32>
      %gather3A_274 = tpu.vector_load_idx %arg5[%shift_right_arithmetic3A_273] : memref<336xi32, #tpu.memory_space<vmem>>[vector<16xi32>], vector<16xi32>,
      %le3A_275 = arith.cmpi sle, %gather3A_274, %add3A_261 : vector<16xi32>
      %select_n3A_276 = arith.select %le3A_275, %shift_right_arithmetic3A_273, %add3A_265 : vector<16xi1>, vector<16xi32>
      %select_n3A_277 = arith.select %le3A_275, %add3A_269, %shift_right_arithmetic3A_273 : vector<16xi1>, vector<16xi32>
      %add3A_278 = arith.addi %select_n3A_276, %select_n3A_277 : vector<16xi32>
      %shift_right_arithmetic3A_279 = arith.constant 1 : i32
      %shift_right_arithmetic3A_280 = vector.broadcast %shift_right_arithmetic3A_279 : i32 to vector<16xi32>
      %shift_right_arithmetic3A_281 = arith.shrsi %add3A_278, %shift_right_arithmetic3A_280 : vector<16xi32>
      %gather3A_282 = tpu.vector_load_idx %arg5[%shift_right_arithmetic3A_281] : memref<336xi32, #tpu.memory_space<vmem>>[vector<16xi32>], vector<16xi32>,
      %le3A_283 = arith.cmpi sle, %gather3A_282, %add3A_261 : vector<16xi32>
      %select_n3A_284 = arith.select %le3A_283, %shift_right_arithmetic3A_281, %select_n3A_276 : vector<16xi1>, vector<16xi32>
      %select_n3A_285 = arith.select %le3A_283, %select_n3A_277, %shift_right_arithmetic3A_281 : vector<16xi1>, vector<16xi32>
      %add3A_286 = arith.addi %select_n3A_284, %select_n3A_285 : vector<16xi32>
      %shift_right_arithmetic3A_287 = arith.constant 1 : i32
      %shift_right_arithmetic3A_288 = vector.broadcast %shift_right_arithmetic3A_287 : i32 to vector<16xi32>
      %shift_right_arithmetic3A_289 = arith.shrsi %add3A_286, %shift_right_arithmetic3A_288 : vector<16xi32>
      %gather3A_290 = tpu.vector_load_idx %arg5[%shift_right_arithmetic3A_289] : memref<336xi32, #tpu.memory_space<vmem>>[vector<16xi32>], vector<16xi32>,
      %le3A_291 = arith.cmpi sle, %gather3A_290, %add3A_261 : vector<16xi32>
      %select_n3A_292 = arith.select %le3A_291, %shift_right_arithmetic3A_289, %select_n3A_284 : vector<16xi1>, vector<16xi32>
      %select_n3A_293 = arith.select %le3A_291, %select_n3A_285, %shift_right_arithmetic3A_289 : vector<16xi1>, vector<16xi32>
      %add3A_294 = arith.addi %select_n3A_292, %select_n3A_293 : vector<16xi32>
      %shift_right_arithmetic3A_295 = arith.constant 1 : i32
      %shift_right_arithmetic3A_296 = vector.broadcast %shift_right_arithmetic3A_295 : i32 to vector<16xi32>
      %shift_right_arithmetic3A_297 = arith.shrsi %add3A_294, %shift_right_arithmetic3A_296 : vector<16xi32>
      %gather3A_298 = tpu.vector_load_idx %arg5[%shift_right_arithmetic3A_297] : memref<336xi32, #tpu.memory_space<vmem>>[vector<16xi32>], vector<16xi32>,
      %le3A_299 = arith.cmpi sle, %gather3A_298, %add3A_261 : vector<16xi32>
      %select_n3A_300 = arith.select %le3A_299, %shift_right_arithmetic3A_297, %select_n3A_292 : vector<16xi1>, vector<16xi32>
      %select_n3A_301 = arith.select %le3A_299, %select_n3A_293, %shift_right_arithmetic3A_297 : vector<16xi1>, vector<16xi32>
      %add3A_302 = arith.addi %select_n3A_300, %select_n3A_301 : vector<16xi32>
      %shift_right_arithmetic3A_303 = arith.constant 1 : i32
      %shift_right_arithmetic3A_304 = vector.broadcast %shift_right_arithmetic3A_303 : i32 to vector<16xi32>
      %shift_right_arithmetic3A_305 = arith.shrsi %add3A_302, %shift_right_arithmetic3A_304 : vector<16xi32>
      %gather3A_306 = tpu.vector_load_idx %arg5[%shift_right_arithmetic3A_305] : memref<336xi32, #tpu.memory_space<vmem>>[vector<16xi32>], vector<16xi32>,
      %le3A_307 = arith.cmpi sle, %gather3A_306, %add3A_261 : vector<16xi32>
      %select_n3A_308 = arith.select %le3A_307, %shift_right_arithmetic3A_305, %select_n3A_300 : vector<16xi1>, vector<16xi32>
      %select_n3A_309 = arith.select %le3A_307, %select_n3A_301, %shift_right_arithmetic3A_305 : vector<16xi1>, vector<16xi32>
      %add3A_310 = arith.addi %select_n3A_308, %select_n3A_309 : vector<16xi32>
      %shift_right_arithmetic3A_311 = arith.constant 1 : i32
      %shift_right_arithmetic3A_312 = vector.broadcast %shift_right_arithmetic3A_311 : i32 to vector<16xi32>
      %shift_right_arithmetic3A_313 = arith.shrsi %add3A_310, %shift_right_arithmetic3A_312 : vector<16xi32>
      %gather3A_314 = tpu.vector_load_idx %arg5[%shift_right_arithmetic3A_313] : memref<336xi32, #tpu.memory_space<vmem>>[vector<16xi32>], vector<16xi32>,
      %le3A_315 = arith.cmpi sle, %gather3A_314, %add3A_261 : vector<16xi32>
      %select_n3A_316 = arith.select %le3A_315, %shift_right_arithmetic3A_313, %select_n3A_308 : vector<16xi1>, vector<16xi32>
      %select_n3A_317 = arith.select %le3A_315, %select_n3A_309, %shift_right_arithmetic3A_313 : vector<16xi1>, vector<16xi32>
      %add3A_318 = arith.addi %select_n3A_316, %select_n3A_317 : vector<16xi32>
      %shift_right_arithmetic3A_319 = arith.constant 1 : i32
      %shift_right_arithmetic3A_320 = vector.broadcast %shift_right_arithmetic3A_319 : i32 to vector<16xi32>
      %shift_right_arithmetic3A_321 = arith.shrsi %add3A_318, %shift_right_arithmetic3A_320 : vector<16xi32>
      %gather3A_322 = tpu.vector_load_idx %arg5[%shift_right_arithmetic3A_321] : memref<336xi32, #tpu.memory_space<vmem>>[vector<16xi32>], vector<16xi32>,
      %le3A_323 = arith.cmpi sle, %gather3A_322, %add3A_261 : vector<16xi32>
      %select_n3A_324 = arith.select %le3A_323, %shift_right_arithmetic3A_321, %select_n3A_316 : vector<16xi1>, vector<16xi32>
      %select_n3A_325 = arith.select %le3A_323, %select_n3A_317, %shift_right_arithmetic3A_321 : vector<16xi1>, vector<16xi32>
      %add3A_326 = arith.addi %select_n3A_324, %select_n3A_325 : vector<16xi32>
      %shift_right_arithmetic3A_327 = arith.constant 1 : i32
      %shift_right_arithmetic3A_328 = vector.broadcast %shift_right_arithmetic3A_327 : i32 to vector<16xi32>
      %shift_right_arithmetic3A_329 = arith.shrsi %add3A_326, %shift_right_arithmetic3A_328 : vector<16xi32>
      %gather3A_330 = tpu.vector_load_idx %arg5[%shift_right_arithmetic3A_329] : memref<336xi32, #tpu.memory_space<vmem>>[vector<16xi32>], vector<16xi32>,
      %le3A_331 = arith.cmpi sle, %gather3A_330, %add3A_261 : vector<16xi32>
      %select_n3A_332 = arith.select %le3A_331, %shift_right_arithmetic3A_329, %select_n3A_324 : vector<16xi1>, vector<16xi32>
      %select_n3A_333 = arith.select %le3A_331, %select_n3A_325, %shift_right_arithmetic3A_329 : vector<16xi1>, vector<16xi32>
      %add3A_334 = arith.addi %select_n3A_332, %select_n3A_333 : vector<16xi32>
      %shift_right_arithmetic3A_335 = arith.constant 1 : i32
      %shift_right_arithmetic3A_336 = vector.broadcast %shift_right_arithmetic3A_335 : i32 to vector<16xi32>
      %shift_right_arithmetic3A_337 = arith.shrsi %add3A_334, %shift_right_arithmetic3A_336 : vector<16xi32>
      %gather3A_338 = tpu.vector_load_idx %arg5[%shift_right_arithmetic3A_337] : memref<336xi32, #tpu.memory_space<vmem>>[vector<16xi32>], vector<16xi32>,
      %le3A_339 = arith.cmpi sle, %gather3A_338, %add3A_261 : vector<16xi32>
      %select_n3A_340 = arith.select %le3A_339, %shift_right_arithmetic3A_337, %select_n3A_332 : vector<16xi1>, vector<16xi32>
      %select_n3A_341 = arith.select %le3A_339, %select_n3A_333, %shift_right_arithmetic3A_337 : vector<16xi1>, vector<16xi32>
      %ge3A_342 = vector.broadcast %add3A_149 : i32 to vector<16xi32>
      %ge3A_343 = arith.cmpi sge, %add3A_261, %ge3A_342 : vector<16xi32>
      %lt3A_344 = vector.broadcast %squeeze3A_54 : i32 to vector<16xi32>
      %lt3A_345 = arith.cmpi slt, %add3A_261, %lt3A_344 : vector<16xi32>
      %and3A_346 = arith.andi %ge3A_343, %lt3A_345 : vector<16xi1>
      %add3A_347 = vector.broadcast %sub3A_91 : i32 to vector<16xi32>
      %add3A_348 = arith.addi %select_n3A_340, %add3A_347 : vector<16xi32>
      %jit3A_349 = arith.constant 5008 : i32
      %broadcast_in_dim3A_350 = vector.broadcast %jit3A_349 : i32 to vector<16xi32>
      %select_n3A_351 = arith.select %and3A_346, %add3A_348, %broadcast_in_dim3A_350 : vector<16xi1>, vector<16xi32>
      %swap3A_352 = arith.constant 16 : index
      %swap3A_353 = tpu.vector_load %arg10[%swap3A_352] {strides = array<i32>} : memref<64xi32, #tpu.memory_space<vmem>>, vector<16xi32>,
      tpu.vector_store %arg10[%swap3A_352], %select_n3A_351 {strides = array<i32>} : memref<64xi32, #tpu.memory_space<vmem>>, vector<16xi32>,
      %add3A_354 = arith.constant 32 : i32
      %add3A_355 = arith.addi %min3A_154, %add3A_354 : i32
      %add3A_356 = vector.broadcast %add3A_355 : i32 to vector<16xi32>
      %add3A_357 = arith.addi %add3A_356, %iota3A : vector<16xi32>
      %broadcast_in_dim3A_358 = arith.constant 0 : i32
      %broadcast_in_dim3A_359 = vector.broadcast %broadcast_in_dim3A_358 : i32 to vector<16xi32>
      %add3A_360 = vector.broadcast %sub3A_28 : i32 to vector<16xi32>
      %add3A_361 = arith.addi %add3A_360, %broadcast_in_dim3A_359 : vector<16xi32>
      %broadcast_in_dim3A_362 = arith.constant 0 : i32
      %broadcast_in_dim3A_363 = vector.broadcast %broadcast_in_dim3A_362 : i32 to vector<16xi32>
      %add3A_364 = vector.broadcast %add3A_90 : i32 to vector<16xi32>
      %add3A_365 = arith.addi %add3A_364, %broadcast_in_dim3A_363 : vector<16xi32>
      %add3A_366 = arith.addi %add3A_361, %add3A_365 : vector<16xi32>
      %shift_right_arithmetic3A_367 = arith.constant 1 : i32
      %shift_right_arithmetic3A_368 = vector.broadcast %shift_right_arithmetic3A_367 : i32 to vector<16xi32>
      %shift_right_arithmetic3A_369 = arith.shrsi %add3A_366, %shift_right_arithmetic3A_368 : vector<16xi32>
      %gather3A_370 = tpu.vector_load_idx %arg5[%shift_right_arithmetic3A_369] : memref<336xi32, #tpu.memory_space<vmem>>[vector<16xi32>], vector<16xi32>,
      %le3A_371 = arith.cmpi sle, %gather3A_370, %add3A_357 : vector<16xi32>
      %select_n3A_372 = arith.select %le3A_371, %shift_right_arithmetic3A_369, %add3A_361 : vector<16xi1>, vector<16xi32>
      %select_n3A_373 = arith.select %le3A_371, %add3A_365, %shift_right_arithmetic3A_369 : vector<16xi1>, vector<16xi32>
      %add3A_374 = arith.addi %select_n3A_372, %select_n3A_373 : vector<16xi32>
      %shift_right_arithmetic3A_375 = arith.constant 1 : i32
      %shift_right_arithmetic3A_376 = vector.broadcast %shift_right_arithmetic3A_375 : i32 to vector<16xi32>
      %shift_right_arithmetic3A_377 = arith.shrsi %add3A_374, %shift_right_arithmetic3A_376 : vector<16xi32>
      %gather3A_378 = tpu.vector_load_idx %arg5[%shift_right_arithmetic3A_377] : memref<336xi32, #tpu.memory_space<vmem>>[vector<16xi32>], vector<16xi32>,
      %le3A_379 = arith.cmpi sle, %gather3A_378, %add3A_357 : vector<16xi32>
      %select_n3A_380 = arith.select %le3A_379, %shift_right_arithmetic3A_377, %select_n3A_372 : vector<16xi1>, vector<16xi32>
      %select_n3A_381 = arith.select %le3A_379, %select_n3A_373, %shift_right_arithmetic3A_377 : vector<16xi1>, vector<16xi32>
      %add3A_382 = arith.addi %select_n3A_380, %select_n3A_381 : vector<16xi32>
      %shift_right_arithmetic3A_383 = arith.constant 1 : i32
      %shift_right_arithmetic3A_384 = vector.broadcast %shift_right_arithmetic3A_383 : i32 to vector<16xi32>
      %shift_right_arithmetic3A_385 = arith.shrsi %add3A_382, %shift_right_arithmetic3A_384 : vector<16xi32>
      %gather3A_386 = tpu.vector_load_idx %arg5[%shift_right_arithmetic3A_385] : memref<336xi32, #tpu.memory_space<vmem>>[vector<16xi32>], vector<16xi32>,
      %le3A_387 = arith.cmpi sle, %gather3A_386, %add3A_357 : vector<16xi32>
      %select_n3A_388 = arith.select %le3A_387, %shift_right_arithmetic3A_385, %select_n3A_380 : vector<16xi1>, vector<16xi32>
      %select_n3A_389 = arith.select %le3A_387, %select_n3A_381, %shift_right_arithmetic3A_385 : vector<16xi1>, vector<16xi32>
      %add3A_390 = arith.addi %select_n3A_388, %select_n3A_389 : vector<16xi32>
      %shift_right_arithmetic3A_391 = arith.constant 1 : i32
      %shift_right_arithmetic3A_392 = vector.broadcast %shift_right_arithmetic3A_391 : i32 to vector<16xi32>
      %shift_right_arithmetic3A_393 = arith.shrsi %add3A_390, %shift_right_arithmetic3A_392 : vector<16xi32>
      %gather3A_394 = tpu.vector_load_idx %arg5[%shift_right_arithmetic3A_393] : memref<336xi32, #tpu.memory_space<vmem>>[vector<16xi32>], vector<16xi32>,
      %le3A_395 = arith.cmpi sle, %gather3A_394, %add3A_357 : vector<16xi32>
      %select_n3A_396 = arith.select %le3A_395, %shift_right_arithmetic3A_393, %select_n3A_388 : vector<16xi1>, vector<16xi32>
      %select_n3A_397 = arith.select %le3A_395, %select_n3A_389, %shift_right_arithmetic3A_393 : vector<16xi1>, vector<16xi32>
      %add3A_398 = arith.addi %select_n3A_396, %select_n3A_397 : vector<16xi32>
      %shift_right_arithmetic3A_399 = arith.constant 1 : i32
      %shift_right_arithmetic3A_400 = vector.broadcast %shift_right_arithmetic3A_399 : i32 to vector<16xi32>
      %shift_right_arithmetic3A_401 = arith.shrsi %add3A_398, %shift_right_arithmetic3A_400 : vector<16xi32>
      %gather3A_402 = tpu.vector_load_idx %arg5[%shift_right_arithmetic3A_401] : memref<336xi32, #tpu.memory_space<vmem>>[vector<16xi32>], vector<16xi32>,
      %le3A_403 = arith.cmpi sle, %gather3A_402, %add3A_357 : vector<16xi32>
      %select_n3A_404 = arith.select %le3A_403, %shift_right_arithmetic3A_401, %select_n3A_396 : vector<16xi1>, vector<16xi32>
      %select_n3A_405 = arith.select %le3A_403, %select_n3A_397, %shift_right_arithmetic3A_401 : vector<16xi1>, vector<16xi32>
      %add3A_406 = arith.addi %select_n3A_404, %select_n3A_405 : vector<16xi32>
      %shift_right_arithmetic3A_407 = arith.constant 1 : i32
      %shift_right_arithmetic3A_408 = vector.broadcast %shift_right_arithmetic3A_407 : i32 to vector<16xi32>
      %shift_right_arithmetic3A_409 = arith.shrsi %add3A_406, %shift_right_arithmetic3A_408 : vector<16xi32>
      %gather3A_410 = tpu.vector_load_idx %arg5[%shift_right_arithmetic3A_409] : memref<336xi32, #tpu.memory_space<vmem>>[vector<16xi32>], vector<16xi32>,
      %le3A_411 = arith.cmpi sle, %gather3A_410, %add3A_357 : vector<16xi32>
      %select_n3A_412 = arith.select %le3A_411, %shift_right_arithmetic3A_409, %select_n3A_404 : vector<16xi1>, vector<16xi32>
      %select_n3A_413 = arith.select %le3A_411, %select_n3A_405, %shift_right_arithmetic3A_409 : vector<16xi1>, vector<16xi32>
      %add3A_414 = arith.addi %select_n3A_412, %select_n3A_413 : vector<16xi32>
      %shift_right_arithmetic3A_415 = arith.constant 1 : i32
      %shift_right_arithmetic3A_416 = vector.broadcast %shift_right_arithmetic3A_415 : i32 to vector<16xi32>
      %shift_right_arithmetic3A_417 = arith.shrsi %add3A_414, %shift_right_arithmetic3A_416 : vector<16xi32>
      %gather3A_418 = tpu.vector_load_idx %arg5[%shift_right_arithmetic3A_417] : memref<336xi32, #tpu.memory_space<vmem>>[vector<16xi32>], vector<16xi32>,
      %le3A_419 = arith.cmpi sle, %gather3A_418, %add3A_357 : vector<16xi32>
      %select_n3A_420 = arith.select %le3A_419, %shift_right_arithmetic3A_417, %select_n3A_412 : vector<16xi1>, vector<16xi32>
      %select_n3A_421 = arith.select %le3A_419, %select_n3A_413, %shift_right_arithmetic3A_417 : vector<16xi1>, vector<16xi32>
      %add3A_422 = arith.addi %select_n3A_420, %select_n3A_421 : vector<16xi32>
      %shift_right_arithmetic3A_423 = arith.constant 1 : i32
      %shift_right_arithmetic3A_424 = vector.broadcast %shift_right_arithmetic3A_423 : i32 to vector<16xi32>
      %shift_right_arithmetic3A_425 = arith.shrsi %add3A_422, %shift_right_arithmetic3A_424 : vector<16xi32>
      %gather3A_426 = tpu.vector_load_idx %arg5[%shift_right_arithmetic3A_425] : memref<336xi32, #tpu.memory_space<vmem>>[vector<16xi32>], vector<16xi32>,
      %le3A_427 = arith.cmpi sle, %gather3A_426, %add3A_357 : vector<16xi32>
      %select_n3A_428 = arith.select %le3A_427, %shift_right_arithmetic3A_425, %select_n3A_420 : vector<16xi1>, vector<16xi32>
      %select_n3A_429 = arith.select %le3A_427, %select_n3A_421, %shift_right_arithmetic3A_425 : vector<16xi1>, vector<16xi32>
      %add3A_430 = arith.addi %select_n3A_428, %select_n3A_429 : vector<16xi32>
      %shift_right_arithmetic3A_431 = arith.constant 1 : i32
      %shift_right_arithmetic3A_432 = vector.broadcast %shift_right_arithmetic3A_431 : i32 to vector<16xi32>
      %shift_right_arithmetic3A_433 = arith.shrsi %add3A_430, %shift_right_arithmetic3A_432 : vector<16xi32>
      %gather3A_434 = tpu.vector_load_idx %arg5[%shift_right_arithmetic3A_433] : memref<336xi32, #tpu.memory_space<vmem>>[vector<16xi32>], vector<16xi32>,
      %le3A_435 = arith.cmpi sle, %gather3A_434, %add3A_357 : vector<16xi32>
      %select_n3A_436 = arith.select %le3A_435, %shift_right_arithmetic3A_433, %select_n3A_428 : vector<16xi1>, vector<16xi32>
      %select_n3A_437 = arith.select %le3A_435, %select_n3A_429, %shift_right_arithmetic3A_433 : vector<16xi1>, vector<16xi32>
      %ge3A_438 = vector.broadcast %add3A_149 : i32 to vector<16xi32>
      %ge3A_439 = arith.cmpi sge, %add3A_357, %ge3A_438 : vector<16xi32>
      %lt3A_440 = vector.broadcast %squeeze3A_54 : i32 to vector<16xi32>
      %lt3A_441 = arith.cmpi slt, %add3A_357, %lt3A_440 : vector<16xi32>
      %and3A_442 = arith.andi %ge3A_439, %lt3A_441 : vector<16xi1>
      %add3A_443 = vector.broadcast %sub3A_91 : i32 to vector<16xi32>
      %add3A_444 = arith.addi %select_n3A_436, %add3A_443 : vector<16xi32>
      %jit3A_445 = arith.constant 5008 : i32
      %broadcast_in_dim3A_446 = vector.broadcast %jit3A_445 : i32 to vector<16xi32>
      %select_n3A_447 = arith.select %and3A_442, %add3A_444, %broadcast_in_dim3A_446 : vector<16xi1>, vector<16xi32>
      %swap3A_448 = arith.constant 32 : index
      %swap3A_449 = tpu.vector_load %arg10[%swap3A_448] {strides = array<i32>} : memref<64xi32, #tpu.memory_space<vmem>>, vector<16xi32>,
      tpu.vector_store %arg10[%swap3A_448], %select_n3A_447 {strides = array<i32>} : memref<64xi32, #tpu.memory_space<vmem>>, vector<16xi32>,
      %add3A_450 = arith.constant 48 : i32
      %add3A_451 = arith.addi %min3A_154, %add3A_450 : i32
      %add3A_452 = vector.broadcast %add3A_451 : i32 to vector<16xi32>
      %add3A_453 = arith.addi %add3A_452, %iota3A : vector<16xi32>
      %broadcast_in_dim3A_454 = arith.constant 0 : i32
      %broadcast_in_dim3A_455 = vector.broadcast %broadcast_in_dim3A_454 : i32 to vector<16xi32>
      %add3A_456 = vector.broadcast %sub3A_28 : i32 to vector<16xi32>
      %add3A_457 = arith.addi %add3A_456, %broadcast_in_dim3A_455 : vector<16xi32>
      %broadcast_in_dim3A_458 = arith.constant 0 : i32
      %broadcast_in_dim3A_459 = vector.broadcast %broadcast_in_dim3A_458 : i32 to vector<16xi32>
      %add3A_460 = vector.broadcast %add3A_90 : i32 to vector<16xi32>
      %add3A_461 = arith.addi %add3A_460, %broadcast_in_dim3A_459 : vector<16xi32>
      %add3A_462 = arith.addi %add3A_457, %add3A_461 : vector<16xi32>
      %shift_right_arithmetic3A_463 = arith.constant 1 : i32
      %shift_right_arithmetic3A_464 = vector.broadcast %shift_right_arithmetic3A_463 : i32 to vector<16xi32>
      %shift_right_arithmetic3A_465 = arith.shrsi %add3A_462, %shift_right_arithmetic3A_464 : vector<16xi32>
      %gather3A_466 = tpu.vector_load_idx %arg5[%shift_right_arithmetic3A_465] : memref<336xi32, #tpu.memory_space<vmem>>[vector<16xi32>], vector<16xi32>,
      %le3A_467 = arith.cmpi sle, %gather3A_466, %add3A_453 : vector<16xi32>
      %select_n3A_468 = arith.select %le3A_467, %shift_right_arithmetic3A_465, %add3A_457 : vector<16xi1>, vector<16xi32>
      %select_n3A_469 = arith.select %le3A_467, %add3A_461, %shift_right_arithmetic3A_465 : vector<16xi1>, vector<16xi32>
      %add3A_470 = arith.addi %select_n3A_468, %select_n3A_469 : vector<16xi32>
      %shift_right_arithmetic3A_471 = arith.constant 1 : i32
      %shift_right_arithmetic3A_472 = vector.broadcast %shift_right_arithmetic3A_471 : i32 to vector<16xi32>
      %shift_right_arithmetic3A_473 = arith.shrsi %add3A_470, %shift_right_arithmetic3A_472 : vector<16xi32>
      %gather3A_474 = tpu.vector_load_idx %arg5[%shift_right_arithmetic3A_473] : memref<336xi32, #tpu.memory_space<vmem>>[vector<16xi32>], vector<16xi32>,
      %le3A_475 = arith.cmpi sle, %gather3A_474, %add3A_453 : vector<16xi32>
      %select_n3A_476 = arith.select %le3A_475, %shift_right_arithmetic3A_473, %select_n3A_468 : vector<16xi1>, vector<16xi32>
      %select_n3A_477 = arith.select %le3A_475, %select_n3A_469, %shift_right_arithmetic3A_473 : vector<16xi1>, vector<16xi32>
      %add3A_478 = arith.addi %select_n3A_476, %select_n3A_477 : vector<16xi32>
      %shift_right_arithmetic3A_479 = arith.constant 1 : i32
      %shift_right_arithmetic3A_480 = vector.broadcast %shift_right_arithmetic3A_479 : i32 to vector<16xi32>
      %shift_right_arithmetic3A_481 = arith.shrsi %add3A_478, %shift_right_arithmetic3A_480 : vector<16xi32>
      %gather3A_482 = tpu.vector_load_idx %arg5[%shift_right_arithmetic3A_481] : memref<336xi32, #tpu.memory_space<vmem>>[vector<16xi32>], vector<16xi32>,
      %le3A_483 = arith.cmpi sle, %gather3A_482, %add3A_453 : vector<16xi32>
      %select_n3A_484 = arith.select %le3A_483, %shift_right_arithmetic3A_481, %select_n3A_476 : vector<16xi1>, vector<16xi32>
      %select_n3A_485 = arith.select %le3A_483, %select_n3A_477, %shift_right_arithmetic3A_481 : vector<16xi1>, vector<16xi32>
      %add3A_486 = arith.addi %select_n3A_484, %select_n3A_485 : vector<16xi32>
      %shift_right_arithmetic3A_487 = arith.constant 1 : i32
      %shift_right_arithmetic3A_488 = vector.broadcast %shift_right_arithmetic3A_487 : i32 to vector<16xi32>
      %shift_right_arithmetic3A_489 = arith.shrsi %add3A_486, %shift_right_arithmetic3A_488 : vector<16xi32>
      %gather3A_490 = tpu.vector_load_idx %arg5[%shift_right_arithmetic3A_489] : memref<336xi32, #tpu.memory_space<vmem>>[vector<16xi32>], vector<16xi32>,
      %le3A_491 = arith.cmpi sle, %gather3A_490, %add3A_453 : vector<16xi32>
      %select_n3A_492 = arith.select %le3A_491, %shift_right_arithmetic3A_489, %select_n3A_484 : vector<16xi1>, vector<16xi32>
      %select_n3A_493 = arith.select %le3A_491, %select_n3A_485, %shift_right_arithmetic3A_489 : vector<16xi1>, vector<16xi32>
      %add3A_494 = arith.addi %select_n3A_492, %select_n3A_493 : vector<16xi32>
      %shift_right_arithmetic3A_495 = arith.constant 1 : i32
      %shift_right_arithmetic3A_496 = vector.broadcast %shift_right_arithmetic3A_495 : i32 to vector<16xi32>
      %shift_right_arithmetic3A_497 = arith.shrsi %add3A_494, %shift_right_arithmetic3A_496 : vector<16xi32>
      %gather3A_498 = tpu.vector_load_idx %arg5[%shift_right_arithmetic3A_497] : memref<336xi32, #tpu.memory_space<vmem>>[vector<16xi32>], vector<16xi32>,
      %le3A_499 = arith.cmpi sle, %gather3A_498, %add3A_453 : vector<16xi32>
      %select_n3A_500 = arith.select %le3A_499, %shift_right_arithmetic3A_497, %select_n3A_492 : vector<16xi1>, vector<16xi32>
      %select_n3A_501 = arith.select %le3A_499, %select_n3A_493, %shift_right_arithmetic3A_497 : vector<16xi1>, vector<16xi32>
      %add3A_502 = arith.addi %select_n3A_500, %select_n3A_501 : vector<16xi32>
      %shift_right_arithmetic3A_503 = arith.constant 1 : i32
      %shift_right_arithmetic3A_504 = vector.broadcast %shift_right_arithmetic3A_503 : i32 to vector<16xi32>
      %shift_right_arithmetic3A_505 = arith.shrsi %add3A_502, %shift_right_arithmetic3A_504 : vector<16xi32>
      %gather3A_506 = tpu.vector_load_idx %arg5[%shift_right_arithmetic3A_505] : memref<336xi32, #tpu.memory_space<vmem>>[vector<16xi32>], vector<16xi32>,
      %le3A_507 = arith.cmpi sle, %gather3A_506, %add3A_453 : vector<16xi32>
      %select_n3A_508 = arith.select %le3A_507, %shift_right_arithmetic3A_505, %select_n3A_500 : vector<16xi1>, vector<16xi32>
      %select_n3A_509 = arith.select %le3A_507, %select_n3A_501, %shift_right_arithmetic3A_505 : vector<16xi1>, vector<16xi32>
      %add3A_510 = arith.addi %select_n3A_508, %select_n3A_509 : vector<16xi32>
      %shift_right_arithmetic3A_511 = arith.constant 1 : i32
      %shift_right_arithmetic3A_512 = vector.broadcast %shift_right_arithmetic3A_511 : i32 to vector<16xi32>
      %shift_right_arithmetic3A_513 = arith.shrsi %add3A_510, %shift_right_arithmetic3A_512 : vector<16xi32>
      %gather3A_514 = tpu.vector_load_idx %arg5[%shift_right_arithmetic3A_513] : memref<336xi32, #tpu.memory_space<vmem>>[vector<16xi32>], vector<16xi32>,
      %le3A_515 = arith.cmpi sle, %gather3A_514, %add3A_453 : vector<16xi32>
      %select_n3A_516 = arith.select %le3A_515, %shift_right_arithmetic3A_513, %select_n3A_508 : vector<16xi1>, vector<16xi32>
      %select_n3A_517 = arith.select %le3A_515, %select_n3A_509, %shift_right_arithmetic3A_513 : vector<16xi1>, vector<16xi32>
      %add3A_518 = arith.addi %select_n3A_516, %select_n3A_517 : vector<16xi32>
      %shift_right_arithmetic3A_519 = arith.constant 1 : i32
      %shift_right_arithmetic3A_520 = vector.broadcast %shift_right_arithmetic3A_519 : i32 to vector<16xi32>
      %shift_right_arithmetic3A_521 = arith.shrsi %add3A_518, %shift_right_arithmetic3A_520 : vector<16xi32>
      %gather3A_522 = tpu.vector_load_idx %arg5[%shift_right_arithmetic3A_521] : memref<336xi32, #tpu.memory_space<vmem>>[vector<16xi32>], vector<16xi32>,
      %le3A_523 = arith.cmpi sle, %gather3A_522, %add3A_453 : vector<16xi32>
      %select_n3A_524 = arith.select %le3A_523, %shift_right_arithmetic3A_521, %select_n3A_516 : vector<16xi1>, vector<16xi32>
      %select_n3A_525 = arith.select %le3A_523, %select_n3A_517, %shift_right_arithmetic3A_521 : vector<16xi1>, vector<16xi32>
      %add3A_526 = arith.addi %select_n3A_524, %select_n3A_525 : vector<16xi32>
      %shift_right_arithmetic3A_527 = arith.constant 1 : i32
      %shift_right_arithmetic3A_528 = vector.broadcast %shift_right_arithmetic3A_527 : i32 to vector<16xi32>
      %shift_right_arithmetic3A_529 = arith.shrsi %add3A_526, %shift_right_arithmetic3A_528 : vector<16xi32>
      %gather3A_530 = tpu.vector_load_idx %arg5[%shift_right_arithmetic3A_529] : memref<336xi32, #tpu.memory_space<vmem>>[vector<16xi32>], vector<16xi32>,
      %le3A_531 = arith.cmpi sle, %gather3A_530, %add3A_453 : vector<16xi32>
      %select_n3A_532 = arith.select %le3A_531, %shift_right_arithmetic3A_529, %select_n3A_524 : vector<16xi1>, vector<16xi32>
      %select_n3A_533 = arith.select %le3A_531, %select_n3A_525, %shift_right_arithmetic3A_529 : vector<16xi1>, vector<16xi32>
      %ge3A_534 = vector.broadcast %add3A_149 : i32 to vector<16xi32>
      %ge3A_535 = arith.cmpi sge, %add3A_453, %ge3A_534 : vector<16xi32>
      %lt3A_536 = vector.broadcast %squeeze3A_54 : i32 to vector<16xi32>
      %lt3A_537 = arith.cmpi slt, %add3A_453, %lt3A_536 : vector<16xi32>
      %and3A_538 = arith.andi %ge3A_535, %lt3A_537 : vector<16xi1>
      %add3A_539 = vector.broadcast %sub3A_91 : i32 to vector<16xi32>
      %add3A_540 = arith.addi %select_n3A_532, %add3A_539 : vector<16xi32>
      %jit3A_541 = arith.constant 5008 : i32
      %broadcast_in_dim3A_542 = vector.broadcast %jit3A_541 : i32 to vector<16xi32>
      %select_n3A_543 = arith.select %and3A_538, %add3A_540, %broadcast_in_dim3A_542 : vector<16xi1>, vector<16xi32>
      %swap3A_544 = arith.constant 48 : index
      %swap3A_545 = tpu.vector_load %arg10[%swap3A_544] {strides = array<i32>} : memref<64xi32, #tpu.memory_space<vmem>>, vector<16xi32>,
      tpu.vector_store %arg10[%swap3A_544], %select_n3A_543 {strides = array<i32>} : memref<64xi32, #tpu.memory_space<vmem>>, vector<16xi32>,
      %lt3A_546 = arith.cmpi slt, %add3A_146, %select_n3A_81 : i32
      %convert_element_type3A_547 = arith.extui %lt3A_546 : i1 to i32
      %cond3A_548 = arith.constant 0 : i32
      %cond3A_549 = arith.cmpi ne, %convert_element_type3A_547, %cond3A_548 : i32
      scf.if %cond3A_549 {
        "tpu.region"() ({
          %run_scoped3A = tpu.sem_alloc : memref<!tpu.dma_semaphore, #tpu.memory_space<semaphore_mem>>
          %dma_start3A = arith.constant 0 : i32
          %dma_start3A_1375 = arith.constant 0 : i32
          %dma_start3A_1376 = tpu.memref_slice %arg6[%dma_start3A, %dma_start3A_1375] : memref<5009x256xf32, #tpu.memory_space<vmem_shared>> -> memref<5009x256xf32, #tpu.memory_space<vmem_shared>>
          tpu.enqueue_indirect_dma source(%arg7 : memref<64x256xf32, #tpu.memory_space<vmem>>) target(%dma_start3A_1376 : memref<5009x256xf32, #tpu.memory_space<vmem_shared>>) offsets(%arg10 : memref<64xi32, #tpu.memory_space<vmem>>) semaphore(%run_scoped3A : memref<!tpu.dma_semaphore, #tpu.memory_space<semaphore_mem>>) {add = true}
          %dma_wait3A = arith.constant 0 : i32
          %dma_wait3A_1377 = arith.constant 0 : i32
          %dma_wait3A_1378 = tpu.memref_slice %arg6[%dma_wait3A, %dma_wait3A_1377] : memref<5009x256xf32, #tpu.memory_space<vmem_shared>> -> memref<5009x256xf32, #tpu.memory_space<vmem_shared>>
          tpu.wait_indirect_dma semaphore(%run_scoped3A : memref<!tpu.dma_semaphore, #tpu.memory_space<semaphore_mem>>) src(%arg7 : memref<64x256xf32, #tpu.memory_space<vmem>>) dst(%dma_wait3A_1378 : memref<5009x256xf32, #tpu.memory_space<vmem_shared>>)
          tpu.yield
        }) : () -> ()
      } else {
      }
      %mul3A_550 = arith.constant 3 : i32
      %mul3A_551 = arith.muli %mul3A_550, %while3A_141 : i32
      %add3A_552 = arith.constant 1 : i32
      %add3A_553 = arith.addi %mul3A_551, %add3A_552 : i32
      %mul3A_554 = arith.constant 64 : i32
      %mul3A_555 = arith.muli %add3A_553, %mul3A_554 : i32
      %add3A_556 = arith.addi %squeeze3A, %mul3A_555 : i32
      %mul3A_557 = arith.constant 64 : i32
      %mul3A_558 = arith.muli %add3A_553, %mul3A_557 : i32
      %add3A_559 = arith.addi %squeeze3A, %mul3A_558 : i32
      %min3A_560 = arith.constant 159936 : i32
      %min3A_561 = arith.minsi %add3A_559, %min3A_560 : i32
      %lt3A_562 = arith.cmpi slt, %add3A_553, %select_n3A_81 : i32
      %convert_element_type3A_563 = arith.extui %lt3A_562 : i1 to i32
      %cond3A_564 = arith.constant 0 : i32
      %cond3A_565 = arith.cmpi ne, %convert_element_type3A_563, %cond3A_564 : i32
      scf.if %cond3A_565 {
        %dma_wait3A = arith.constant 0 : i32
        %dma_wait3A_1375 = tpu.memref_slice %arg2[%min3A_561, %dma_wait3A] : memref<160000x256xf32, #tpu.memory_space<hbm>> -> memref<64x256xf32, #tpu.memory_space<hbm>>
        %dma_wait3A_1376 = arith.constant 0 : i32
        %dma_wait3A_1377 = tpu.memref_slice %arg2[%min3A_561, %dma_wait3A_1376] : memref<160000x256xf32, #tpu.memory_space<hbm>> -> memref<64x256xf32, #tpu.memory_space<hbm>>
        tpu.wait_dma2 semaphore(%arg14 : memref<!tpu.dma_semaphore, #tpu.memory_space<semaphore_mem>>) src(%dma_wait3A_1377 : memref<64x256xf32, #tpu.memory_space<hbm>>) dst(%arg8 : memref<64x256xf32, #tpu.memory_space<vmem>>)
      } else {
      }
      %add3A_566 = arith.constant 3 : i32
      %add3A_567 = arith.addi %add3A_553, %add3A_566 : i32
      %sub3A_568 = arith.constant 1 : i32
      %sub3A_569 = arith.subi %add3A_567, %sub3A_568 : i32
      %lt3A_570 = arith.cmpi slt, %sub3A_569, %select_n3A_81 : i32
      %convert_element_type3A_571 = arith.extui %lt3A_570 : i1 to i32
      %cond3A_572 = arith.constant 0 : i32
      %cond3A_573 = arith.cmpi ne, %convert_element_type3A_571, %cond3A_572 : i32
      scf.if %cond3A_573 {
        %add3A_1375 = arith.constant 3 : i32
        %add3A_1376 = arith.addi %add3A_553, %add3A_1375 : i32
        %sub3A_1377 = arith.constant 1 : i32
        %sub3A_1378 = arith.subi %add3A_1376, %sub3A_1377 : i32
        %mul3A_1379 = arith.constant 64 : i32
        %mul3A_1380 = arith.muli %sub3A_1378, %mul3A_1379 : i32
        %add3A_1381 = arith.addi %squeeze3A, %mul3A_1380 : i32
        %min3A_1382 = arith.constant 159936 : i32
        %min3A_1383 = arith.minsi %add3A_1381, %min3A_1382 : i32
        %dma_start3A = arith.constant 0 : i32
        %dma_start3A_1384 = tpu.memref_slice %arg2[%min3A_1383, %dma_start3A] : memref<160000x256xf32, #tpu.memory_space<hbm>> -> memref<64x256xf32, #tpu.memory_space<hbm>>
        %dma_start3A_1385 = arith.constant 0 : i32
        %dma_start3A_1386 = tpu.memref_slice %arg2[%min3A_1383, %dma_start3A_1385] : memref<160000x256xf32, #tpu.memory_space<hbm>> -> memref<64x256xf32, #tpu.memory_space<hbm>>
        tpu.enqueue_dma source(%dma_start3A_1386 : memref<64x256xf32, #tpu.memory_space<hbm>>) target(%arg7 : memref<64x256xf32, #tpu.memory_space<vmem>>) target_semaphore(%arg13 : memref<!tpu.dma_semaphore, #tpu.memory_space<semaphore_mem>>)
      } else {
      }
      %add3A_574 = arith.constant 0 : i32
      %add3A_575 = arith.addi %min3A_561, %add3A_574 : i32
      %add3A_576 = vector.broadcast %add3A_575 : i32 to vector<16xi32>
      %add3A_577 = arith.addi %add3A_576, %iota3A : vector<16xi32>
      %broadcast_in_dim3A_578 = arith.constant 0 : i32
      %broadcast_in_dim3A_579 = vector.broadcast %broadcast_in_dim3A_578 : i32 to vector<16xi32>
      %add3A_580 = vector.broadcast %sub3A_28 : i32 to vector<16xi32>
      %add3A_581 = arith.addi %add3A_580, %broadcast_in_dim3A_579 : vector<16xi32>
      %broadcast_in_dim3A_582 = arith.constant 0 : i32
      %broadcast_in_dim3A_583 = vector.broadcast %broadcast_in_dim3A_582 : i32 to vector<16xi32>
      %add3A_584 = vector.broadcast %add3A_90 : i32 to vector<16xi32>
      %add3A_585 = arith.addi %add3A_584, %broadcast_in_dim3A_583 : vector<16xi32>
      %add3A_586 = arith.addi %add3A_581, %add3A_585 : vector<16xi32>
      %shift_right_arithmetic3A_587 = arith.constant 1 : i32
      %shift_right_arithmetic3A_588 = vector.broadcast %shift_right_arithmetic3A_587 : i32 to vector<16xi32>
      %shift_right_arithmetic3A_589 = arith.shrsi %add3A_586, %shift_right_arithmetic3A_588 : vector<16xi32>
      %gather3A_590 = tpu.vector_load_idx %arg5[%shift_right_arithmetic3A_589] : memref<336xi32, #tpu.memory_space<vmem>>[vector<16xi32>], vector<16xi32>,
      %le3A_591 = arith.cmpi sle, %gather3A_590, %add3A_577 : vector<16xi32>
      %select_n3A_592 = arith.select %le3A_591, %shift_right_arithmetic3A_589, %add3A_581 : vector<16xi1>, vector<16xi32>
      %select_n3A_593 = arith.select %le3A_591, %add3A_585, %shift_right_arithmetic3A_589 : vector<16xi1>, vector<16xi32>
      %add3A_594 = arith.addi %select_n3A_592, %select_n3A_593 : vector<16xi32>
      %shift_right_arithmetic3A_595 = arith.constant 1 : i32
      %shift_right_arithmetic3A_596 = vector.broadcast %shift_right_arithmetic3A_595 : i32 to vector<16xi32>
      %shift_right_arithmetic3A_597 = arith.shrsi %add3A_594, %shift_right_arithmetic3A_596 : vector<16xi32>
      %gather3A_598 = tpu.vector_load_idx %arg5[%shift_right_arithmetic3A_597] : memref<336xi32, #tpu.memory_space<vmem>>[vector<16xi32>], vector<16xi32>,
      %le3A_599 = arith.cmpi sle, %gather3A_598, %add3A_577 : vector<16xi32>
      %select_n3A_600 = arith.select %le3A_599, %shift_right_arithmetic3A_597, %select_n3A_592 : vector<16xi1>, vector<16xi32>
      %select_n3A_601 = arith.select %le3A_599, %select_n3A_593, %shift_right_arithmetic3A_597 : vector<16xi1>, vector<16xi32>
      %add3A_602 = arith.addi %select_n3A_600, %select_n3A_601 : vector<16xi32>
      %shift_right_arithmetic3A_603 = arith.constant 1 : i32
      %shift_right_arithmetic3A_604 = vector.broadcast %shift_right_arithmetic3A_603 : i32 to vector<16xi32>
      %shift_right_arithmetic3A_605 = arith.shrsi %add3A_602, %shift_right_arithmetic3A_604 : vector<16xi32>
      %gather3A_606 = tpu.vector_load_idx %arg5[%shift_right_arithmetic3A_605] : memref<336xi32, #tpu.memory_space<vmem>>[vector<16xi32>], vector<16xi32>,
      %le3A_607 = arith.cmpi sle, %gather3A_606, %add3A_577 : vector<16xi32>
      %select_n3A_608 = arith.select %le3A_607, %shift_right_arithmetic3A_605, %select_n3A_600 : vector<16xi1>, vector<16xi32>
      %select_n3A_609 = arith.select %le3A_607, %select_n3A_601, %shift_right_arithmetic3A_605 : vector<16xi1>, vector<16xi32>
      %add3A_610 = arith.addi %select_n3A_608, %select_n3A_609 : vector<16xi32>
      %shift_right_arithmetic3A_611 = arith.constant 1 : i32
      %shift_right_arithmetic3A_612 = vector.broadcast %shift_right_arithmetic3A_611 : i32 to vector<16xi32>
      %shift_right_arithmetic3A_613 = arith.shrsi %add3A_610, %shift_right_arithmetic3A_612 : vector<16xi32>
      %gather3A_614 = tpu.vector_load_idx %arg5[%shift_right_arithmetic3A_613] : memref<336xi32, #tpu.memory_space<vmem>>[vector<16xi32>], vector<16xi32>,
      %le3A_615 = arith.cmpi sle, %gather3A_614, %add3A_577 : vector<16xi32>
      %select_n3A_616 = arith.select %le3A_615, %shift_right_arithmetic3A_613, %select_n3A_608 : vector<16xi1>, vector<16xi32>
      %select_n3A_617 = arith.select %le3A_615, %select_n3A_609, %shift_right_arithmetic3A_613 : vector<16xi1>, vector<16xi32>
      %add3A_618 = arith.addi %select_n3A_616, %select_n3A_617 : vector<16xi32>
      %shift_right_arithmetic3A_619 = arith.constant 1 : i32
      %shift_right_arithmetic3A_620 = vector.broadcast %shift_right_arithmetic3A_619 : i32 to vector<16xi32>
      %shift_right_arithmetic3A_621 = arith.shrsi %add3A_618, %shift_right_arithmetic3A_620 : vector<16xi32>
      %gather3A_622 = tpu.vector_load_idx %arg5[%shift_right_arithmetic3A_621] : memref<336xi32, #tpu.memory_space<vmem>>[vector<16xi32>], vector<16xi32>,
      %le3A_623 = arith.cmpi sle, %gather3A_622, %add3A_577 : vector<16xi32>
      %select_n3A_624 = arith.select %le3A_623, %shift_right_arithmetic3A_621, %select_n3A_616 : vector<16xi1>, vector<16xi32>
      %select_n3A_625 = arith.select %le3A_623, %select_n3A_617, %shift_right_arithmetic3A_621 : vector<16xi1>, vector<16xi32>
      %add3A_626 = arith.addi %select_n3A_624, %select_n3A_625 : vector<16xi32>
      %shift_right_arithmetic3A_627 = arith.constant 1 : i32
      %shift_right_arithmetic3A_628 = vector.broadcast %shift_right_arithmetic3A_627 : i32 to vector<16xi32>
      %shift_right_arithmetic3A_629 = arith.shrsi %add3A_626, %shift_right_arithmetic3A_628 : vector<16xi32>
      %gather3A_630 = tpu.vector_load_idx %arg5[%shift_right_arithmetic3A_629] : memref<336xi32, #tpu.memory_space<vmem>>[vector<16xi32>], vector<16xi32>,
      %le3A_631 = arith.cmpi sle, %gather3A_630, %add3A_577 : vector<16xi32>
      %select_n3A_632 = arith.select %le3A_631, %shift_right_arithmetic3A_629, %select_n3A_624 : vector<16xi1>, vector<16xi32>
      %select_n3A_633 = arith.select %le3A_631, %select_n3A_625, %shift_right_arithmetic3A_629 : vector<16xi1>, vector<16xi32>
      %add3A_634 = arith.addi %select_n3A_632, %select_n3A_633 : vector<16xi32>
      %shift_right_arithmetic3A_635 = arith.constant 1 : i32
      %shift_right_arithmetic3A_636 = vector.broadcast %shift_right_arithmetic3A_635 : i32 to vector<16xi32>
      %shift_right_arithmetic3A_637 = arith.shrsi %add3A_634, %shift_right_arithmetic3A_636 : vector<16xi32>
      %gather3A_638 = tpu.vector_load_idx %arg5[%shift_right_arithmetic3A_637] : memref<336xi32, #tpu.memory_space<vmem>>[vector<16xi32>], vector<16xi32>,
      %le3A_639 = arith.cmpi sle, %gather3A_638, %add3A_577 : vector<16xi32>
      %select_n3A_640 = arith.select %le3A_639, %shift_right_arithmetic3A_637, %select_n3A_632 : vector<16xi1>, vector<16xi32>
      %select_n3A_641 = arith.select %le3A_639, %select_n3A_633, %shift_right_arithmetic3A_637 : vector<16xi1>, vector<16xi32>
      %add3A_642 = arith.addi %select_n3A_640, %select_n3A_641 : vector<16xi32>
      %shift_right_arithmetic3A_643 = arith.constant 1 : i32
      %shift_right_arithmetic3A_644 = vector.broadcast %shift_right_arithmetic3A_643 : i32 to vector<16xi32>
      %shift_right_arithmetic3A_645 = arith.shrsi %add3A_642, %shift_right_arithmetic3A_644 : vector<16xi32>
      %gather3A_646 = tpu.vector_load_idx %arg5[%shift_right_arithmetic3A_645] : memref<336xi32, #tpu.memory_space<vmem>>[vector<16xi32>], vector<16xi32>,
      %le3A_647 = arith.cmpi sle, %gather3A_646, %add3A_577 : vector<16xi32>
      %select_n3A_648 = arith.select %le3A_647, %shift_right_arithmetic3A_645, %select_n3A_640 : vector<16xi1>, vector<16xi32>
      %select_n3A_649 = arith.select %le3A_647, %select_n3A_641, %shift_right_arithmetic3A_645 : vector<16xi1>, vector<16xi32>
      %add3A_650 = arith.addi %select_n3A_648, %select_n3A_649 : vector<16xi32>
      %shift_right_arithmetic3A_651 = arith.constant 1 : i32
      %shift_right_arithmetic3A_652 = vector.broadcast %shift_right_arithmetic3A_651 : i32 to vector<16xi32>
      %shift_right_arithmetic3A_653 = arith.shrsi %add3A_650, %shift_right_arithmetic3A_652 : vector<16xi32>
      %gather3A_654 = tpu.vector_load_idx %arg5[%shift_right_arithmetic3A_653] : memref<336xi32, #tpu.memory_space<vmem>>[vector<16xi32>], vector<16xi32>,
      %le3A_655 = arith.cmpi sle, %gather3A_654, %add3A_577 : vector<16xi32>
      %select_n3A_656 = arith.select %le3A_655, %shift_right_arithmetic3A_653, %select_n3A_648 : vector<16xi1>, vector<16xi32>
      %select_n3A_657 = arith.select %le3A_655, %select_n3A_649, %shift_right_arithmetic3A_653 : vector<16xi1>, vector<16xi32>
      %ge3A_658 = vector.broadcast %add3A_556 : i32 to vector<16xi32>
      %ge3A_659 = arith.cmpi sge, %add3A_577, %ge3A_658 : vector<16xi32>
      %lt3A_660 = vector.broadcast %squeeze3A_54 : i32 to vector<16xi32>
      %lt3A_661 = arith.cmpi slt, %add3A_577, %lt3A_660 : vector<16xi32>
      %and3A_662 = arith.andi %ge3A_659, %lt3A_661 : vector<16xi1>
      %add3A_663 = vector.broadcast %sub3A_91 : i32 to vector<16xi32>
      %add3A_664 = arith.addi %select_n3A_656, %add3A_663 : vector<16xi32>
      %jit3A_665 = arith.constant 5008 : i32
      %broadcast_in_dim3A_666 = vector.broadcast %jit3A_665 : i32 to vector<16xi32>
      %select_n3A_667 = arith.select %and3A_662, %add3A_664, %broadcast_in_dim3A_666 : vector<16xi1>, vector<16xi32>
      %swap3A_668 = arith.constant 0 : index
      %swap3A_669 = tpu.vector_load %arg11[%swap3A_668] {strides = array<i32>} : memref<64xi32, #tpu.memory_space<vmem>>, vector<16xi32>,
      tpu.vector_store %arg11[%swap3A_668], %select_n3A_667 {strides = array<i32>} : memref<64xi32, #tpu.memory_space<vmem>>, vector<16xi32>,
      %add3A_670 = arith.constant 16 : i32
      %add3A_671 = arith.addi %min3A_561, %add3A_670 : i32
      %add3A_672 = vector.broadcast %add3A_671 : i32 to vector<16xi32>
      %add3A_673 = arith.addi %add3A_672, %iota3A : vector<16xi32>
      %broadcast_in_dim3A_674 = arith.constant 0 : i32
      %broadcast_in_dim3A_675 = vector.broadcast %broadcast_in_dim3A_674 : i32 to vector<16xi32>
      %add3A_676 = vector.broadcast %sub3A_28 : i32 to vector<16xi32>
      %add3A_677 = arith.addi %add3A_676, %broadcast_in_dim3A_675 : vector<16xi32>
      %broadcast_in_dim3A_678 = arith.constant 0 : i32
      %broadcast_in_dim3A_679 = vector.broadcast %broadcast_in_dim3A_678 : i32 to vector<16xi32>
      %add3A_680 = vector.broadcast %add3A_90 : i32 to vector<16xi32>
      %add3A_681 = arith.addi %add3A_680, %broadcast_in_dim3A_679 : vector<16xi32>
      %add3A_682 = arith.addi %add3A_677, %add3A_681 : vector<16xi32>
      %shift_right_arithmetic3A_683 = arith.constant 1 : i32
      %shift_right_arithmetic3A_684 = vector.broadcast %shift_right_arithmetic3A_683 : i32 to vector<16xi32>
      %shift_right_arithmetic3A_685 = arith.shrsi %add3A_682, %shift_right_arithmetic3A_684 : vector<16xi32>
      %gather3A_686 = tpu.vector_load_idx %arg5[%shift_right_arithmetic3A_685] : memref<336xi32, #tpu.memory_space<vmem>>[vector<16xi32>], vector<16xi32>,
      %le3A_687 = arith.cmpi sle, %gather3A_686, %add3A_673 : vector<16xi32>
      %select_n3A_688 = arith.select %le3A_687, %shift_right_arithmetic3A_685, %add3A_677 : vector<16xi1>, vector<16xi32>
      %select_n3A_689 = arith.select %le3A_687, %add3A_681, %shift_right_arithmetic3A_685 : vector<16xi1>, vector<16xi32>
      %add3A_690 = arith.addi %select_n3A_688, %select_n3A_689 : vector<16xi32>
      %shift_right_arithmetic3A_691 = arith.constant 1 : i32
      %shift_right_arithmetic3A_692 = vector.broadcast %shift_right_arithmetic3A_691 : i32 to vector<16xi32>
      %shift_right_arithmetic3A_693 = arith.shrsi %add3A_690, %shift_right_arithmetic3A_692 : vector<16xi32>
      %gather3A_694 = tpu.vector_load_idx %arg5[%shift_right_arithmetic3A_693] : memref<336xi32, #tpu.memory_space<vmem>>[vector<16xi32>], vector<16xi32>,
      %le3A_695 = arith.cmpi sle, %gather3A_694, %add3A_673 : vector<16xi32>
      %select_n3A_696 = arith.select %le3A_695, %shift_right_arithmetic3A_693, %select_n3A_688 : vector<16xi1>, vector<16xi32>
      %select_n3A_697 = arith.select %le3A_695, %select_n3A_689, %shift_right_arithmetic3A_693 : vector<16xi1>, vector<16xi32>
      %add3A_698 = arith.addi %select_n3A_696, %select_n3A_697 : vector<16xi32>
      %shift_right_arithmetic3A_699 = arith.constant 1 : i32
      %shift_right_arithmetic3A_700 = vector.broadcast %shift_right_arithmetic3A_699 : i32 to vector<16xi32>
      %shift_right_arithmetic3A_701 = arith.shrsi %add3A_698, %shift_right_arithmetic3A_700 : vector<16xi32>
      %gather3A_702 = tpu.vector_load_idx %arg5[%shift_right_arithmetic3A_701] : memref<336xi32, #tpu.memory_space<vmem>>[vector<16xi32>], vector<16xi32>,
      %le3A_703 = arith.cmpi sle, %gather3A_702, %add3A_673 : vector<16xi32>
      %select_n3A_704 = arith.select %le3A_703, %shift_right_arithmetic3A_701, %select_n3A_696 : vector<16xi1>, vector<16xi32>
      %select_n3A_705 = arith.select %le3A_703, %select_n3A_697, %shift_right_arithmetic3A_701 : vector<16xi1>, vector<16xi32>
      %add3A_706 = arith.addi %select_n3A_704, %select_n3A_705 : vector<16xi32>
      %shift_right_arithmetic3A_707 = arith.constant 1 : i32
      %shift_right_arithmetic3A_708 = vector.broadcast %shift_right_arithmetic3A_707 : i32 to vector<16xi32>
      %shift_right_arithmetic3A_709 = arith.shrsi %add3A_706, %shift_right_arithmetic3A_708 : vector<16xi32>
      %gather3A_710 = tpu.vector_load_idx %arg5[%shift_right_arithmetic3A_709] : memref<336xi32, #tpu.memory_space<vmem>>[vector<16xi32>], vector<16xi32>,
      %le3A_711 = arith.cmpi sle, %gather3A_710, %add3A_673 : vector<16xi32>
      %select_n3A_712 = arith.select %le3A_711, %shift_right_arithmetic3A_709, %select_n3A_704 : vector<16xi1>, vector<16xi32>
      %select_n3A_713 = arith.select %le3A_711, %select_n3A_705, %shift_right_arithmetic3A_709 : vector<16xi1>, vector<16xi32>
      %add3A_714 = arith.addi %select_n3A_712, %select_n3A_713 : vector<16xi32>
      %shift_right_arithmetic3A_715 = arith.constant 1 : i32
      %shift_right_arithmetic3A_716 = vector.broadcast %shift_right_arithmetic3A_715 : i32 to vector<16xi32>
      %shift_right_arithmetic3A_717 = arith.shrsi %add3A_714, %shift_right_arithmetic3A_716 : vector<16xi32>
      %gather3A_718 = tpu.vector_load_idx %arg5[%shift_right_arithmetic3A_717] : memref<336xi32, #tpu.memory_space<vmem>>[vector<16xi32>], vector<16xi32>,
      %le3A_719 = arith.cmpi sle, %gather3A_718, %add3A_673 : vector<16xi32>
      %select_n3A_720 = arith.select %le3A_719, %shift_right_arithmetic3A_717, %select_n3A_712 : vector<16xi1>, vector<16xi32>
      %select_n3A_721 = arith.select %le3A_719, %select_n3A_713, %shift_right_arithmetic3A_717 : vector<16xi1>, vector<16xi32>
      %add3A_722 = arith.addi %select_n3A_720, %select_n3A_721 : vector<16xi32>
      %shift_right_arithmetic3A_723 = arith.constant 1 : i32
      %shift_right_arithmetic3A_724 = vector.broadcast %shift_right_arithmetic3A_723 : i32 to vector<16xi32>
      %shift_right_arithmetic3A_725 = arith.shrsi %add3A_722, %shift_right_arithmetic3A_724 : vector<16xi32>
      %gather3A_726 = tpu.vector_load_idx %arg5[%shift_right_arithmetic3A_725] : memref<336xi32, #tpu.memory_space<vmem>>[vector<16xi32>], vector<16xi32>,
      %le3A_727 = arith.cmpi sle, %gather3A_726, %add3A_673 : vector<16xi32>
      %select_n3A_728 = arith.select %le3A_727, %shift_right_arithmetic3A_725, %select_n3A_720 : vector<16xi1>, vector<16xi32>
      %select_n3A_729 = arith.select %le3A_727, %select_n3A_721, %shift_right_arithmetic3A_725 : vector<16xi1>, vector<16xi32>
      %add3A_730 = arith.addi %select_n3A_728, %select_n3A_729 : vector<16xi32>
      %shift_right_arithmetic3A_731 = arith.constant 1 : i32
      %shift_right_arithmetic3A_732 = vector.broadcast %shift_right_arithmetic3A_731 : i32 to vector<16xi32>
      %shift_right_arithmetic3A_733 = arith.shrsi %add3A_730, %shift_right_arithmetic3A_732 : vector<16xi32>
      %gather3A_734 = tpu.vector_load_idx %arg5[%shift_right_arithmetic3A_733] : memref<336xi32, #tpu.memory_space<vmem>>[vector<16xi32>], vector<16xi32>,
      %le3A_735 = arith.cmpi sle, %gather3A_734, %add3A_673 : vector<16xi32>
      %select_n3A_736 = arith.select %le3A_735, %shift_right_arithmetic3A_733, %select_n3A_728 : vector<16xi1>, vector<16xi32>
      %select_n3A_737 = arith.select %le3A_735, %select_n3A_729, %shift_right_arithmetic3A_733 : vector<16xi1>, vector<16xi32>
      %add3A_738 = arith.addi %select_n3A_736, %select_n3A_737 : vector<16xi32>
      %shift_right_arithmetic3A_739 = arith.constant 1 : i32
      %shift_right_arithmetic3A_740 = vector.broadcast %shift_right_arithmetic3A_739 : i32 to vector<16xi32>
      %shift_right_arithmetic3A_741 = arith.shrsi %add3A_738, %shift_right_arithmetic3A_740 : vector<16xi32>
      %gather3A_742 = tpu.vector_load_idx %arg5[%shift_right_arithmetic3A_741] : memref<336xi32, #tpu.memory_space<vmem>>[vector<16xi32>], vector<16xi32>,
      %le3A_743 = arith.cmpi sle, %gather3A_742, %add3A_673 : vector<16xi32>
      %select_n3A_744 = arith.select %le3A_743, %shift_right_arithmetic3A_741, %select_n3A_736 : vector<16xi1>, vector<16xi32>
      %select_n3A_745 = arith.select %le3A_743, %select_n3A_737, %shift_right_arithmetic3A_741 : vector<16xi1>, vector<16xi32>
      %add3A_746 = arith.addi %select_n3A_744, %select_n3A_745 : vector<16xi32>
      %shift_right_arithmetic3A_747 = arith.constant 1 : i32
      %shift_right_arithmetic3A_748 = vector.broadcast %shift_right_arithmetic3A_747 : i32 to vector<16xi32>
      %shift_right_arithmetic3A_749 = arith.shrsi %add3A_746, %shift_right_arithmetic3A_748 : vector<16xi32>
      %gather3A_750 = tpu.vector_load_idx %arg5[%shift_right_arithmetic3A_749] : memref<336xi32, #tpu.memory_space<vmem>>[vector<16xi32>], vector<16xi32>,
      %le3A_751 = arith.cmpi sle, %gather3A_750, %add3A_673 : vector<16xi32>
      %select_n3A_752 = arith.select %le3A_751, %shift_right_arithmetic3A_749, %select_n3A_744 : vector<16xi1>, vector<16xi32>
      %select_n3A_753 = arith.select %le3A_751, %select_n3A_745, %shift_right_arithmetic3A_749 : vector<16xi1>, vector<16xi32>
      %ge3A_754 = vector.broadcast %add3A_556 : i32 to vector<16xi32>
      %ge3A_755 = arith.cmpi sge, %add3A_673, %ge3A_754 : vector<16xi32>
      %lt3A_756 = vector.broadcast %squeeze3A_54 : i32 to vector<16xi32>
      %lt3A_757 = arith.cmpi slt, %add3A_673, %lt3A_756 : vector<16xi32>
      %and3A_758 = arith.andi %ge3A_755, %lt3A_757 : vector<16xi1>
      %add3A_759 = vector.broadcast %sub3A_91 : i32 to vector<16xi32>
      %add3A_760 = arith.addi %select_n3A_752, %add3A_759 : vector<16xi32>
      %jit3A_761 = arith.constant 5008 : i32
      %broadcast_in_dim3A_762 = vector.broadcast %jit3A_761 : i32 to vector<16xi32>
      %select_n3A_763 = arith.select %and3A_758, %add3A_760, %broadcast_in_dim3A_762 : vector<16xi1>, vector<16xi32>
      %swap3A_764 = arith.constant 16 : index
      %swap3A_765 = tpu.vector_load %arg11[%swap3A_764] {strides = array<i32>} : memref<64xi32, #tpu.memory_space<vmem>>, vector<16xi32>,
      tpu.vector_store %arg11[%swap3A_764], %select_n3A_763 {strides = array<i32>} : memref<64xi32, #tpu.memory_space<vmem>>, vector<16xi32>,
      %add3A_766 = arith.constant 32 : i32
      %add3A_767 = arith.addi %min3A_561, %add3A_766 : i32
      %add3A_768 = vector.broadcast %add3A_767 : i32 to vector<16xi32>
      %add3A_769 = arith.addi %add3A_768, %iota3A : vector<16xi32>
      %broadcast_in_dim3A_770 = arith.constant 0 : i32
      %broadcast_in_dim3A_771 = vector.broadcast %broadcast_in_dim3A_770 : i32 to vector<16xi32>
      %add3A_772 = vector.broadcast %sub3A_28 : i32 to vector<16xi32>
      %add3A_773 = arith.addi %add3A_772, %broadcast_in_dim3A_771 : vector<16xi32>
      %broadcast_in_dim3A_774 = arith.constant 0 : i32
      %broadcast_in_dim3A_775 = vector.broadcast %broadcast_in_dim3A_774 : i32 to vector<16xi32>
      %add3A_776 = vector.broadcast %add3A_90 : i32 to vector<16xi32>
      %add3A_777 = arith.addi %add3A_776, %broadcast_in_dim3A_775 : vector<16xi32>
      %add3A_778 = arith.addi %add3A_773, %add3A_777 : vector<16xi32>
      %shift_right_arithmetic3A_779 = arith.constant 1 : i32
      %shift_right_arithmetic3A_780 = vector.broadcast %shift_right_arithmetic3A_779 : i32 to vector<16xi32>
      %shift_right_arithmetic3A_781 = arith.shrsi %add3A_778, %shift_right_arithmetic3A_780 : vector<16xi32>
      %gather3A_782 = tpu.vector_load_idx %arg5[%shift_right_arithmetic3A_781] : memref<336xi32, #tpu.memory_space<vmem>>[vector<16xi32>], vector<16xi32>,
      %le3A_783 = arith.cmpi sle, %gather3A_782, %add3A_769 : vector<16xi32>
      %select_n3A_784 = arith.select %le3A_783, %shift_right_arithmetic3A_781, %add3A_773 : vector<16xi1>, vector<16xi32>
      %select_n3A_785 = arith.select %le3A_783, %add3A_777, %shift_right_arithmetic3A_781 : vector<16xi1>, vector<16xi32>
      %add3A_786 = arith.addi %select_n3A_784, %select_n3A_785 : vector<16xi32>
      %shift_right_arithmetic3A_787 = arith.constant 1 : i32
      %shift_right_arithmetic3A_788 = vector.broadcast %shift_right_arithmetic3A_787 : i32 to vector<16xi32>
      %shift_right_arithmetic3A_789 = arith.shrsi %add3A_786, %shift_right_arithmetic3A_788 : vector<16xi32>
      %gather3A_790 = tpu.vector_load_idx %arg5[%shift_right_arithmetic3A_789] : memref<336xi32, #tpu.memory_space<vmem>>[vector<16xi32>], vector<16xi32>,
      %le3A_791 = arith.cmpi sle, %gather3A_790, %add3A_769 : vector<16xi32>
      %select_n3A_792 = arith.select %le3A_791, %shift_right_arithmetic3A_789, %select_n3A_784 : vector<16xi1>, vector<16xi32>
      %select_n3A_793 = arith.select %le3A_791, %select_n3A_785, %shift_right_arithmetic3A_789 : vector<16xi1>, vector<16xi32>
      %add3A_794 = arith.addi %select_n3A_792, %select_n3A_793 : vector<16xi32>
      %shift_right_arithmetic3A_795 = arith.constant 1 : i32
      %shift_right_arithmetic3A_796 = vector.broadcast %shift_right_arithmetic3A_795 : i32 to vector<16xi32>
      %shift_right_arithmetic3A_797 = arith.shrsi %add3A_794, %shift_right_arithmetic3A_796 : vector<16xi32>
      %gather3A_798 = tpu.vector_load_idx %arg5[%shift_right_arithmetic3A_797] : memref<336xi32, #tpu.memory_space<vmem>>[vector<16xi32>], vector<16xi32>,
      %le3A_799 = arith.cmpi sle, %gather3A_798, %add3A_769 : vector<16xi32>
      %select_n3A_800 = arith.select %le3A_799, %shift_right_arithmetic3A_797, %select_n3A_792 : vector<16xi1>, vector<16xi32>
      %select_n3A_801 = arith.select %le3A_799, %select_n3A_793, %shift_right_arithmetic3A_797 : vector<16xi1>, vector<16xi32>
      %add3A_802 = arith.addi %select_n3A_800, %select_n3A_801 : vector<16xi32>
      %shift_right_arithmetic3A_803 = arith.constant 1 : i32
      %shift_right_arithmetic3A_804 = vector.broadcast %shift_right_arithmetic3A_803 : i32 to vector<16xi32>
      %shift_right_arithmetic3A_805 = arith.shrsi %add3A_802, %shift_right_arithmetic3A_804 : vector<16xi32>
      %gather3A_806 = tpu.vector_load_idx %arg5[%shift_right_arithmetic3A_805] : memref<336xi32, #tpu.memory_space<vmem>>[vector<16xi32>], vector<16xi32>,
      %le3A_807 = arith.cmpi sle, %gather3A_806, %add3A_769 : vector<16xi32>
      %select_n3A_808 = arith.select %le3A_807, %shift_right_arithmetic3A_805, %select_n3A_800 : vector<16xi1>, vector<16xi32>
      %select_n3A_809 = arith.select %le3A_807, %select_n3A_801, %shift_right_arithmetic3A_805 : vector<16xi1>, vector<16xi32>
      %add3A_810 = arith.addi %select_n3A_808, %select_n3A_809 : vector<16xi32>
      %shift_right_arithmetic3A_811 = arith.constant 1 : i32
      %shift_right_arithmetic3A_812 = vector.broadcast %shift_right_arithmetic3A_811 : i32 to vector<16xi32>
      %shift_right_arithmetic3A_813 = arith.shrsi %add3A_810, %shift_right_arithmetic3A_812 : vector<16xi32>
      %gather3A_814 = tpu.vector_load_idx %arg5[%shift_right_arithmetic3A_813] : memref<336xi32, #tpu.memory_space<vmem>>[vector<16xi32>], vector<16xi32>,
      %le3A_815 = arith.cmpi sle, %gather3A_814, %add3A_769 : vector<16xi32>
      %select_n3A_816 = arith.select %le3A_815, %shift_right_arithmetic3A_813, %select_n3A_808 : vector<16xi1>, vector<16xi32>
      %select_n3A_817 = arith.select %le3A_815, %select_n3A_809, %shift_right_arithmetic3A_813 : vector<16xi1>, vector<16xi32>
      %add3A_818 = arith.addi %select_n3A_816, %select_n3A_817 : vector<16xi32>
      %shift_right_arithmetic3A_819 = arith.constant 1 : i32
      %shift_right_arithmetic3A_820 = vector.broadcast %shift_right_arithmetic3A_819 : i32 to vector<16xi32>
      %shift_right_arithmetic3A_821 = arith.shrsi %add3A_818, %shift_right_arithmetic3A_820 : vector<16xi32>
      %gather3A_822 = tpu.vector_load_idx %arg5[%shift_right_arithmetic3A_821] : memref<336xi32, #tpu.memory_space<vmem>>[vector<16xi32>], vector<16xi32>,
      %le3A_823 = arith.cmpi sle, %gather3A_822, %add3A_769 : vector<16xi32>
      %select_n3A_824 = arith.select %le3A_823, %shift_right_arithmetic3A_821, %select_n3A_816 : vector<16xi1>, vector<16xi32>
      %select_n3A_825 = arith.select %le3A_823, %select_n3A_817, %shift_right_arithmetic3A_821 : vector<16xi1>, vector<16xi32>
      %add3A_826 = arith.addi %select_n3A_824, %select_n3A_825 : vector<16xi32>
      %shift_right_arithmetic3A_827 = arith.constant 1 : i32
      %shift_right_arithmetic3A_828 = vector.broadcast %shift_right_arithmetic3A_827 : i32 to vector<16xi32>
      %shift_right_arithmetic3A_829 = arith.shrsi %add3A_826, %shift_right_arithmetic3A_828 : vector<16xi32>
      %gather3A_830 = tpu.vector_load_idx %arg5[%shift_right_arithmetic3A_829] : memref<336xi32, #tpu.memory_space<vmem>>[vector<16xi32>], vector<16xi32>,
      %le3A_831 = arith.cmpi sle, %gather3A_830, %add3A_769 : vector<16xi32>
      %select_n3A_832 = arith.select %le3A_831, %shift_right_arithmetic3A_829, %select_n3A_824 : vector<16xi1>, vector<16xi32>
      %select_n3A_833 = arith.select %le3A_831, %select_n3A_825, %shift_right_arithmetic3A_829 : vector<16xi1>, vector<16xi32>
      %add3A_834 = arith.addi %select_n3A_832, %select_n3A_833 : vector<16xi32>
      %shift_right_arithmetic3A_835 = arith.constant 1 : i32
      %shift_right_arithmetic3A_836 = vector.broadcast %shift_right_arithmetic3A_835 : i32 to vector<16xi32>
      %shift_right_arithmetic3A_837 = arith.shrsi %add3A_834, %shift_right_arithmetic3A_836 : vector<16xi32>
      %gather3A_838 = tpu.vector_load_idx %arg5[%shift_right_arithmetic3A_837] : memref<336xi32, #tpu.memory_space<vmem>>[vector<16xi32>], vector<16xi32>,
      %le3A_839 = arith.cmpi sle, %gather3A_838, %add3A_769 : vector<16xi32>
      %select_n3A_840 = arith.select %le3A_839, %shift_right_arithmetic3A_837, %select_n3A_832 : vector<16xi1>, vector<16xi32>
      %select_n3A_841 = arith.select %le3A_839, %select_n3A_833, %shift_right_arithmetic3A_837 : vector<16xi1>, vector<16xi32>
      %add3A_842 = arith.addi %select_n3A_840, %select_n3A_841 : vector<16xi32>
      %shift_right_arithmetic3A_843 = arith.constant 1 : i32
      %shift_right_arithmetic3A_844 = vector.broadcast %shift_right_arithmetic3A_843 : i32 to vector<16xi32>
      %shift_right_arithmetic3A_845 = arith.shrsi %add3A_842, %shift_right_arithmetic3A_844 : vector<16xi32>
      %gather3A_846 = tpu.vector_load_idx %arg5[%shift_right_arithmetic3A_845] : memref<336xi32, #tpu.memory_space<vmem>>[vector<16xi32>], vector<16xi32>,
      %le3A_847 = arith.cmpi sle, %gather3A_846, %add3A_769 : vector<16xi32>
      %select_n3A_848 = arith.select %le3A_847, %shift_right_arithmetic3A_845, %select_n3A_840 : vector<16xi1>, vector<16xi32>
      %select_n3A_849 = arith.select %le3A_847, %select_n3A_841, %shift_right_arithmetic3A_845 : vector<16xi1>, vector<16xi32>
      %ge3A_850 = vector.broadcast %add3A_556 : i32 to vector<16xi32>
      %ge3A_851 = arith.cmpi sge, %add3A_769, %ge3A_850 : vector<16xi32>
      %lt3A_852 = vector.broadcast %squeeze3A_54 : i32 to vector<16xi32>
      %lt3A_853 = arith.cmpi slt, %add3A_769, %lt3A_852 : vector<16xi32>
      %and3A_854 = arith.andi %ge3A_851, %lt3A_853 : vector<16xi1>
      %add3A_855 = vector.broadcast %sub3A_91 : i32 to vector<16xi32>
      %add3A_856 = arith.addi %select_n3A_848, %add3A_855 : vector<16xi32>
      %jit3A_857 = arith.constant 5008 : i32
      %broadcast_in_dim3A_858 = vector.broadcast %jit3A_857 : i32 to vector<16xi32>
      %select_n3A_859 = arith.select %and3A_854, %add3A_856, %broadcast_in_dim3A_858 : vector<16xi1>, vector<16xi32>
      %swap3A_860 = arith.constant 32 : index
      %swap3A_861 = tpu.vector_load %arg11[%swap3A_860] {strides = array<i32>} : memref<64xi32, #tpu.memory_space<vmem>>, vector<16xi32>,
      tpu.vector_store %arg11[%swap3A_860], %select_n3A_859 {strides = array<i32>} : memref<64xi32, #tpu.memory_space<vmem>>, vector<16xi32>,
      %add3A_862 = arith.constant 48 : i32
      %add3A_863 = arith.addi %min3A_561, %add3A_862 : i32
      %add3A_864 = vector.broadcast %add3A_863 : i32 to vector<16xi32>
      %add3A_865 = arith.addi %add3A_864, %iota3A : vector<16xi32>
      %broadcast_in_dim3A_866 = arith.constant 0 : i32
      %broadcast_in_dim3A_867 = vector.broadcast %broadcast_in_dim3A_866 : i32 to vector<16xi32>
      %add3A_868 = vector.broadcast %sub3A_28 : i32 to vector<16xi32>
      %add3A_869 = arith.addi %add3A_868, %broadcast_in_dim3A_867 : vector<16xi32>
      %broadcast_in_dim3A_870 = arith.constant 0 : i32
      %broadcast_in_dim3A_871 = vector.broadcast %broadcast_in_dim3A_870 : i32 to vector<16xi32>
      %add3A_872 = vector.broadcast %add3A_90 : i32 to vector<16xi32>
      %add3A_873 = arith.addi %add3A_872, %broadcast_in_dim3A_871 : vector<16xi32>
      %add3A_874 = arith.addi %add3A_869, %add3A_873 : vector<16xi32>
      %shift_right_arithmetic3A_875 = arith.constant 1 : i32
      %shift_right_arithmetic3A_876 = vector.broadcast %shift_right_arithmetic3A_875 : i32 to vector<16xi32>
      %shift_right_arithmetic3A_877 = arith.shrsi %add3A_874, %shift_right_arithmetic3A_876 : vector<16xi32>
      %gather3A_878 = tpu.vector_load_idx %arg5[%shift_right_arithmetic3A_877] : memref<336xi32, #tpu.memory_space<vmem>>[vector<16xi32>], vector<16xi32>,
      %le3A_879 = arith.cmpi sle, %gather3A_878, %add3A_865 : vector<16xi32>
      %select_n3A_880 = arith.select %le3A_879, %shift_right_arithmetic3A_877, %add3A_869 : vector<16xi1>, vector<16xi32>
      %select_n3A_881 = arith.select %le3A_879, %add3A_873, %shift_right_arithmetic3A_877 : vector<16xi1>, vector<16xi32>
      %add3A_882 = arith.addi %select_n3A_880, %select_n3A_881 : vector<16xi32>
      %shift_right_arithmetic3A_883 = arith.constant 1 : i32
      %shift_right_arithmetic3A_884 = vector.broadcast %shift_right_arithmetic3A_883 : i32 to vector<16xi32>
      %shift_right_arithmetic3A_885 = arith.shrsi %add3A_882, %shift_right_arithmetic3A_884 : vector<16xi32>
      %gather3A_886 = tpu.vector_load_idx %arg5[%shift_right_arithmetic3A_885] : memref<336xi32, #tpu.memory_space<vmem>>[vector<16xi32>], vector<16xi32>,
      %le3A_887 = arith.cmpi sle, %gather3A_886, %add3A_865 : vector<16xi32>
      %select_n3A_888 = arith.select %le3A_887, %shift_right_arithmetic3A_885, %select_n3A_880 : vector<16xi1>, vector<16xi32>
      %select_n3A_889 = arith.select %le3A_887, %select_n3A_881, %shift_right_arithmetic3A_885 : vector<16xi1>, vector<16xi32>
      %add3A_890 = arith.addi %select_n3A_888, %select_n3A_889 : vector<16xi32>
      %shift_right_arithmetic3A_891 = arith.constant 1 : i32
      %shift_right_arithmetic3A_892 = vector.broadcast %shift_right_arithmetic3A_891 : i32 to vector<16xi32>
      %shift_right_arithmetic3A_893 = arith.shrsi %add3A_890, %shift_right_arithmetic3A_892 : vector<16xi32>
      %gather3A_894 = tpu.vector_load_idx %arg5[%shift_right_arithmetic3A_893] : memref<336xi32, #tpu.memory_space<vmem>>[vector<16xi32>], vector<16xi32>,
      %le3A_895 = arith.cmpi sle, %gather3A_894, %add3A_865 : vector<16xi32>
      %select_n3A_896 = arith.select %le3A_895, %shift_right_arithmetic3A_893, %select_n3A_888 : vector<16xi1>, vector<16xi32>
      %select_n3A_897 = arith.select %le3A_895, %select_n3A_889, %shift_right_arithmetic3A_893 : vector<16xi1>, vector<16xi32>
      %add3A_898 = arith.addi %select_n3A_896, %select_n3A_897 : vector<16xi32>
      %shift_right_arithmetic3A_899 = arith.constant 1 : i32
      %shift_right_arithmetic3A_900 = vector.broadcast %shift_right_arithmetic3A_899 : i32 to vector<16xi32>
      %shift_right_arithmetic3A_901 = arith.shrsi %add3A_898, %shift_right_arithmetic3A_900 : vector<16xi32>
      %gather3A_902 = tpu.vector_load_idx %arg5[%shift_right_arithmetic3A_901] : memref<336xi32, #tpu.memory_space<vmem>>[vector<16xi32>], vector<16xi32>,
      %le3A_903 = arith.cmpi sle, %gather3A_902, %add3A_865 : vector<16xi32>
      %select_n3A_904 = arith.select %le3A_903, %shift_right_arithmetic3A_901, %select_n3A_896 : vector<16xi1>, vector<16xi32>
      %select_n3A_905 = arith.select %le3A_903, %select_n3A_897, %shift_right_arithmetic3A_901 : vector<16xi1>, vector<16xi32>
      %add3A_906 = arith.addi %select_n3A_904, %select_n3A_905 : vector<16xi32>
      %shift_right_arithmetic3A_907 = arith.constant 1 : i32
      %shift_right_arithmetic3A_908 = vector.broadcast %shift_right_arithmetic3A_907 : i32 to vector<16xi32>
      %shift_right_arithmetic3A_909 = arith.shrsi %add3A_906, %shift_right_arithmetic3A_908 : vector<16xi32>
      %gather3A_910 = tpu.vector_load_idx %arg5[%shift_right_arithmetic3A_909] : memref<336xi32, #tpu.memory_space<vmem>>[vector<16xi32>], vector<16xi32>,
      %le3A_911 = arith.cmpi sle, %gather3A_910, %add3A_865 : vector<16xi32>
      %select_n3A_912 = arith.select %le3A_911, %shift_right_arithmetic3A_909, %select_n3A_904 : vector<16xi1>, vector<16xi32>
      %select_n3A_913 = arith.select %le3A_911, %select_n3A_905, %shift_right_arithmetic3A_909 : vector<16xi1>, vector<16xi32>
      %add3A_914 = arith.addi %select_n3A_912, %select_n3A_913 : vector<16xi32>
      %shift_right_arithmetic3A_915 = arith.constant 1 : i32
      %shift_right_arithmetic3A_916 = vector.broadcast %shift_right_arithmetic3A_915 : i32 to vector<16xi32>
      %shift_right_arithmetic3A_917 = arith.shrsi %add3A_914, %shift_right_arithmetic3A_916 : vector<16xi32>
      %gather3A_918 = tpu.vector_load_idx %arg5[%shift_right_arithmetic3A_917] : memref<336xi32, #tpu.memory_space<vmem>>[vector<16xi32>], vector<16xi32>,
      %le3A_919 = arith.cmpi sle, %gather3A_918, %add3A_865 : vector<16xi32>
      %select_n3A_920 = arith.select %le3A_919, %shift_right_arithmetic3A_917, %select_n3A_912 : vector<16xi1>, vector<16xi32>
      %select_n3A_921 = arith.select %le3A_919, %select_n3A_913, %shift_right_arithmetic3A_917 : vector<16xi1>, vector<16xi32>
      %add3A_922 = arith.addi %select_n3A_920, %select_n3A_921 : vector<16xi32>
      %shift_right_arithmetic3A_923 = arith.constant 1 : i32
      %shift_right_arithmetic3A_924 = vector.broadcast %shift_right_arithmetic3A_923 : i32 to vector<16xi32>
      %shift_right_arithmetic3A_925 = arith.shrsi %add3A_922, %shift_right_arithmetic3A_924 : vector<16xi32>
      %gather3A_926 = tpu.vector_load_idx %arg5[%shift_right_arithmetic3A_925] : memref<336xi32, #tpu.memory_space<vmem>>[vector<16xi32>], vector<16xi32>,
      %le3A_927 = arith.cmpi sle, %gather3A_926, %add3A_865 : vector<16xi32>
      %select_n3A_928 = arith.select %le3A_927, %shift_right_arithmetic3A_925, %select_n3A_920 : vector<16xi1>, vector<16xi32>
      %select_n3A_929 = arith.select %le3A_927, %select_n3A_921, %shift_right_arithmetic3A_925 : vector<16xi1>, vector<16xi32>
      %add3A_930 = arith.addi %select_n3A_928, %select_n3A_929 : vector<16xi32>
      %shift_right_arithmetic3A_931 = arith.constant 1 : i32
      %shift_right_arithmetic3A_932 = vector.broadcast %shift_right_arithmetic3A_931 : i32 to vector<16xi32>
      %shift_right_arithmetic3A_933 = arith.shrsi %add3A_930, %shift_right_arithmetic3A_932 : vector<16xi32>
      %gather3A_934 = tpu.vector_load_idx %arg5[%shift_right_arithmetic3A_933] : memref<336xi32, #tpu.memory_space<vmem>>[vector<16xi32>], vector<16xi32>,
      %le3A_935 = arith.cmpi sle, %gather3A_934, %add3A_865 : vector<16xi32>
      %select_n3A_936 = arith.select %le3A_935, %shift_right_arithmetic3A_933, %select_n3A_928 : vector<16xi1>, vector<16xi32>
      %select_n3A_937 = arith.select %le3A_935, %select_n3A_929, %shift_right_arithmetic3A_933 : vector<16xi1>, vector<16xi32>
      %add3A_938 = arith.addi %select_n3A_936, %select_n3A_937 : vector<16xi32>
      %shift_right_arithmetic3A_939 = arith.constant 1 : i32
      %shift_right_arithmetic3A_940 = vector.broadcast %shift_right_arithmetic3A_939 : i32 to vector<16xi32>
      %shift_right_arithmetic3A_941 = arith.shrsi %add3A_938, %shift_right_arithmetic3A_940 : vector<16xi32>
      %gather3A_942 = tpu.vector_load_idx %arg5[%shift_right_arithmetic3A_941] : memref<336xi32, #tpu.memory_space<vmem>>[vector<16xi32>], vector<16xi32>,
      %le3A_943 = arith.cmpi sle, %gather3A_942, %add3A_865 : vector<16xi32>
      %select_n3A_944 = arith.select %le3A_943, %shift_right_arithmetic3A_941, %select_n3A_936 : vector<16xi1>, vector<16xi32>
      %select_n3A_945 = arith.select %le3A_943, %select_n3A_937, %shift_right_arithmetic3A_941 : vector<16xi1>, vector<16xi32>
      %ge3A_946 = vector.broadcast %add3A_556 : i32 to vector<16xi32>
      %ge3A_947 = arith.cmpi sge, %add3A_865, %ge3A_946 : vector<16xi32>
      %lt3A_948 = vector.broadcast %squeeze3A_54 : i32 to vector<16xi32>
      %lt3A_949 = arith.cmpi slt, %add3A_865, %lt3A_948 : vector<16xi32>
      %and3A_950 = arith.andi %ge3A_947, %lt3A_949 : vector<16xi1>
      %add3A_951 = vector.broadcast %sub3A_91 : i32 to vector<16xi32>
      %add3A_952 = arith.addi %select_n3A_944, %add3A_951 : vector<16xi32>
      %jit3A_953 = arith.constant 5008 : i32
      %broadcast_in_dim3A_954 = vector.broadcast %jit3A_953 : i32 to vector<16xi32>
      %select_n3A_955 = arith.select %and3A_950, %add3A_952, %broadcast_in_dim3A_954 : vector<16xi1>, vector<16xi32>
      %swap3A_956 = arith.constant 48 : index
      %swap3A_957 = tpu.vector_load %arg11[%swap3A_956] {strides = array<i32>} : memref<64xi32, #tpu.memory_space<vmem>>, vector<16xi32>,
      tpu.vector_store %arg11[%swap3A_956], %select_n3A_955 {strides = array<i32>} : memref<64xi32, #tpu.memory_space<vmem>>, vector<16xi32>,
      %lt3A_958 = arith.cmpi slt, %add3A_553, %select_n3A_81 : i32
      %convert_element_type3A_959 = arith.extui %lt3A_958 : i1 to i32
      %cond3A_960 = arith.constant 0 : i32
      %cond3A_961 = arith.cmpi ne, %convert_element_type3A_959, %cond3A_960 : i32
      scf.if %cond3A_961 {
        "tpu.region"() ({
          %run_scoped3A = tpu.sem_alloc : memref<!tpu.dma_semaphore, #tpu.memory_space<semaphore_mem>>
          %dma_start3A = arith.constant 0 : i32
          %dma_start3A_1375 = arith.constant 0 : i32
          %dma_start3A_1376 = tpu.memref_slice %arg6[%dma_start3A, %dma_start3A_1375] : memref<5009x256xf32, #tpu.memory_space<vmem_shared>> -> memref<5009x256xf32, #tpu.memory_space<vmem_shared>>
          tpu.enqueue_indirect_dma source(%arg8 : memref<64x256xf32, #tpu.memory_space<vmem>>) target(%dma_start3A_1376 : memref<5009x256xf32, #tpu.memory_space<vmem_shared>>) offsets(%arg11 : memref<64xi32, #tpu.memory_space<vmem>>) semaphore(%run_scoped3A : memref<!tpu.dma_semaphore, #tpu.memory_space<semaphore_mem>>) {add = true}
          %dma_wait3A = arith.constant 0 : i32
          %dma_wait3A_1377 = arith.constant 0 : i32
          %dma_wait3A_1378 = tpu.memref_slice %arg6[%dma_wait3A, %dma_wait3A_1377] : memref<5009x256xf32, #tpu.memory_space<vmem_shared>> -> memref<5009x256xf32, #tpu.memory_space<vmem_shared>>
          tpu.wait_indirect_dma semaphore(%run_scoped3A : memref<!tpu.dma_semaphore, #tpu.memory_space<semaphore_mem>>) src(%arg8 : memref<64x256xf32, #tpu.memory_space<vmem>>) dst(%dma_wait3A_1378 : memref<5009x256xf32, #tpu.memory_space<vmem_shared>>)
          tpu.yield
        }) : () -> ()
      } else {
      }
      %mul3A_962 = arith.constant 3 : i32
      %mul3A_963 = arith.muli %mul3A_962, %while3A_141 : i32
      %add3A_964 = arith.constant 2 : i32
      %add3A_965 = arith.addi %mul3A_963, %add3A_964 : i32
      %mul3A_966 = arith.constant 64 : i32
      %mul3A_967 = arith.muli %add3A_965, %mul3A_966 : i32
      %add3A_968 = arith.addi %squeeze3A, %mul3A_967 : i32
      %mul3A_969 = arith.constant 64 : i32
      %mul3A_970 = arith.muli %add3A_965, %mul3A_969 : i32
      %add3A_971 = arith.addi %squeeze3A, %mul3A_970 : i32
      %min3A_972 = arith.constant 159936 : i32
      %min3A_973 = arith.minsi %add3A_971, %min3A_972 : i32
      %lt3A_974 = arith.cmpi slt, %add3A_965, %select_n3A_81 : i32
      %convert_element_type3A_975 = arith.extui %lt3A_974 : i1 to i32
      %cond3A_976 = arith.constant 0 : i32
      %cond3A_977 = arith.cmpi ne, %convert_element_type3A_975, %cond3A_976 : i32
      scf.if %cond3A_977 {
        %dma_wait3A = arith.constant 0 : i32
        %dma_wait3A_1375 = tpu.memref_slice %arg2[%min3A_973, %dma_wait3A] : memref<160000x256xf32, #tpu.memory_space<hbm>> -> memref<64x256xf32, #tpu.memory_space<hbm>>
        %dma_wait3A_1376 = arith.constant 0 : i32
        %dma_wait3A_1377 = tpu.memref_slice %arg2[%min3A_973, %dma_wait3A_1376] : memref<160000x256xf32, #tpu.memory_space<hbm>> -> memref<64x256xf32, #tpu.memory_space<hbm>>
        tpu.wait_dma2 semaphore(%arg15 : memref<!tpu.dma_semaphore, #tpu.memory_space<semaphore_mem>>) src(%dma_wait3A_1377 : memref<64x256xf32, #tpu.memory_space<hbm>>) dst(%arg9 : memref<64x256xf32, #tpu.memory_space<vmem>>)
      } else {
      }
      %add3A_978 = arith.constant 3 : i32
      %add3A_979 = arith.addi %add3A_965, %add3A_978 : i32
      %sub3A_980 = arith.constant 1 : i32
      %sub3A_981 = arith.subi %add3A_979, %sub3A_980 : i32
      %lt3A_982 = arith.cmpi slt, %sub3A_981, %select_n3A_81 : i32
      %convert_element_type3A_983 = arith.extui %lt3A_982 : i1 to i32
      %cond3A_984 = arith.constant 0 : i32
      %cond3A_985 = arith.cmpi ne, %convert_element_type3A_983, %cond3A_984 : i32
      scf.if %cond3A_985 {
        %add3A_1375 = arith.constant 3 : i32
        %add3A_1376 = arith.addi %add3A_965, %add3A_1375 : i32
        %sub3A_1377 = arith.constant 1 : i32
        %sub3A_1378 = arith.subi %add3A_1376, %sub3A_1377 : i32
        %mul3A_1379 = arith.constant 64 : i32
        %mul3A_1380 = arith.muli %sub3A_1378, %mul3A_1379 : i32
        %add3A_1381 = arith.addi %squeeze3A, %mul3A_1380 : i32
        %min3A_1382 = arith.constant 159936 : i32
        %min3A_1383 = arith.minsi %add3A_1381, %min3A_1382 : i32
        %dma_start3A = arith.constant 0 : i32
        %dma_start3A_1384 = tpu.memref_slice %arg2[%min3A_1383, %dma_start3A] : memref<160000x256xf32, #tpu.memory_space<hbm>> -> memref<64x256xf32, #tpu.memory_space<hbm>>
        %dma_start3A_1385 = arith.constant 0 : i32
        %dma_start3A_1386 = tpu.memref_slice %arg2[%min3A_1383, %dma_start3A_1385] : memref<160000x256xf32, #tpu.memory_space<hbm>> -> memref<64x256xf32, #tpu.memory_space<hbm>>
        tpu.enqueue_dma source(%dma_start3A_1386 : memref<64x256xf32, #tpu.memory_space<hbm>>) target(%arg8 : memref<64x256xf32, #tpu.memory_space<vmem>>) target_semaphore(%arg14 : memref<!tpu.dma_semaphore, #tpu.memory_space<semaphore_mem>>)
      } else {
      }
      %add3A_986 = arith.constant 0 : i32
      %add3A_987 = arith.addi %min3A_973, %add3A_986 : i32
      %add3A_988 = vector.broadcast %add3A_987 : i32 to vector<16xi32>
      %add3A_989 = arith.addi %add3A_988, %iota3A : vector<16xi32>
      %broadcast_in_dim3A_990 = arith.constant 0 : i32
      %broadcast_in_dim3A_991 = vector.broadcast %broadcast_in_dim3A_990 : i32 to vector<16xi32>
      %add3A_992 = vector.broadcast %sub3A_28 : i32 to vector<16xi32>
      %add3A_993 = arith.addi %add3A_992, %broadcast_in_dim3A_991 : vector<16xi32>
      %broadcast_in_dim3A_994 = arith.constant 0 : i32
      %broadcast_in_dim3A_995 = vector.broadcast %broadcast_in_dim3A_994 : i32 to vector<16xi32>
      %add3A_996 = vector.broadcast %add3A_90 : i32 to vector<16xi32>
      %add3A_997 = arith.addi %add3A_996, %broadcast_in_dim3A_995 : vector<16xi32>
      %add3A_998 = arith.addi %add3A_993, %add3A_997 : vector<16xi32>
      %shift_right_arithmetic3A_999 = arith.constant 1 : i32
      %shift_right_arithmetic3A_1000 = vector.broadcast %shift_right_arithmetic3A_999 : i32 to vector<16xi32>
      %shift_right_arithmetic3A_1001 = arith.shrsi %add3A_998, %shift_right_arithmetic3A_1000 : vector<16xi32>
      %gather3A_1002 = tpu.vector_load_idx %arg5[%shift_right_arithmetic3A_1001] : memref<336xi32, #tpu.memory_space<vmem>>[vector<16xi32>], vector<16xi32>,
      %le3A_1003 = arith.cmpi sle, %gather3A_1002, %add3A_989 : vector<16xi32>
      %select_n3A_1004 = arith.select %le3A_1003, %shift_right_arithmetic3A_1001, %add3A_993 : vector<16xi1>, vector<16xi32>
      %select_n3A_1005 = arith.select %le3A_1003, %add3A_997, %shift_right_arithmetic3A_1001 : vector<16xi1>, vector<16xi32>
      %add3A_1006 = arith.addi %select_n3A_1004, %select_n3A_1005 : vector<16xi32>
      %shift_right_arithmetic3A_1007 = arith.constant 1 : i32
      %shift_right_arithmetic3A_1008 = vector.broadcast %shift_right_arithmetic3A_1007 : i32 to vector<16xi32>
      %shift_right_arithmetic3A_1009 = arith.shrsi %add3A_1006, %shift_right_arithmetic3A_1008 : vector<16xi32>
      %gather3A_1010 = tpu.vector_load_idx %arg5[%shift_right_arithmetic3A_1009] : memref<336xi32, #tpu.memory_space<vmem>>[vector<16xi32>], vector<16xi32>,
      %le3A_1011 = arith.cmpi sle, %gather3A_1010, %add3A_989 : vector<16xi32>
      %select_n3A_1012 = arith.select %le3A_1011, %shift_right_arithmetic3A_1009, %select_n3A_1004 : vector<16xi1>, vector<16xi32>
      %select_n3A_1013 = arith.select %le3A_1011, %select_n3A_1005, %shift_right_arithmetic3A_1009 : vector<16xi1>, vector<16xi32>
      %add3A_1014 = arith.addi %select_n3A_1012, %select_n3A_1013 : vector<16xi32>
      %shift_right_arithmetic3A_1015 = arith.constant 1 : i32
      %shift_right_arithmetic3A_1016 = vector.broadcast %shift_right_arithmetic3A_1015 : i32 to vector<16xi32>
      %shift_right_arithmetic3A_1017 = arith.shrsi %add3A_1014, %shift_right_arithmetic3A_1016 : vector<16xi32>
      %gather3A_1018 = tpu.vector_load_idx %arg5[%shift_right_arithmetic3A_1017] : memref<336xi32, #tpu.memory_space<vmem>>[vector<16xi32>], vector<16xi32>,
      %le3A_1019 = arith.cmpi sle, %gather3A_1018, %add3A_989 : vector<16xi32>
      %select_n3A_1020 = arith.select %le3A_1019, %shift_right_arithmetic3A_1017, %select_n3A_1012 : vector<16xi1>, vector<16xi32>
      %select_n3A_1021 = arith.select %le3A_1019, %select_n3A_1013, %shift_right_arithmetic3A_1017 : vector<16xi1>, vector<16xi32>
      %add3A_1022 = arith.addi %select_n3A_1020, %select_n3A_1021 : vector<16xi32>
      %shift_right_arithmetic3A_1023 = arith.constant 1 : i32
      %shift_right_arithmetic3A_1024 = vector.broadcast %shift_right_arithmetic3A_1023 : i32 to vector<16xi32>
      %shift_right_arithmetic3A_1025 = arith.shrsi %add3A_1022, %shift_right_arithmetic3A_1024 : vector<16xi32>
      %gather3A_1026 = tpu.vector_load_idx %arg5[%shift_right_arithmetic3A_1025] : memref<336xi32, #tpu.memory_space<vmem>>[vector<16xi32>], vector<16xi32>,
      %le3A_1027 = arith.cmpi sle, %gather3A_1026, %add3A_989 : vector<16xi32>
      %select_n3A_1028 = arith.select %le3A_1027, %shift_right_arithmetic3A_1025, %select_n3A_1020 : vector<16xi1>, vector<16xi32>
      %select_n3A_1029 = arith.select %le3A_1027, %select_n3A_1021, %shift_right_arithmetic3A_1025 : vector<16xi1>, vector<16xi32>
      %add3A_1030 = arith.addi %select_n3A_1028, %select_n3A_1029 : vector<16xi32>
      %shift_right_arithmetic3A_1031 = arith.constant 1 : i32
      %shift_right_arithmetic3A_1032 = vector.broadcast %shift_right_arithmetic3A_1031 : i32 to vector<16xi32>
      %shift_right_arithmetic3A_1033 = arith.shrsi %add3A_1030, %shift_right_arithmetic3A_1032 : vector<16xi32>
      %gather3A_1034 = tpu.vector_load_idx %arg5[%shift_right_arithmetic3A_1033] : memref<336xi32, #tpu.memory_space<vmem>>[vector<16xi32>], vector<16xi32>,
      %le3A_1035 = arith.cmpi sle, %gather3A_1034, %add3A_989 : vector<16xi32>
      %select_n3A_1036 = arith.select %le3A_1035, %shift_right_arithmetic3A_1033, %select_n3A_1028 : vector<16xi1>, vector<16xi32>
      %select_n3A_1037 = arith.select %le3A_1035, %select_n3A_1029, %shift_right_arithmetic3A_1033 : vector<16xi1>, vector<16xi32>
      %add3A_1038 = arith.addi %select_n3A_1036, %select_n3A_1037 : vector<16xi32>
      %shift_right_arithmetic3A_1039 = arith.constant 1 : i32
      %shift_right_arithmetic3A_1040 = vector.broadcast %shift_right_arithmetic3A_1039 : i32 to vector<16xi32>
      %shift_right_arithmetic3A_1041 = arith.shrsi %add3A_1038, %shift_right_arithmetic3A_1040 : vector<16xi32>
      %gather3A_1042 = tpu.vector_load_idx %arg5[%shift_right_arithmetic3A_1041] : memref<336xi32, #tpu.memory_space<vmem>>[vector<16xi32>], vector<16xi32>,
      %le3A_1043 = arith.cmpi sle, %gather3A_1042, %add3A_989 : vector<16xi32>
      %select_n3A_1044 = arith.select %le3A_1043, %shift_right_arithmetic3A_1041, %select_n3A_1036 : vector<16xi1>, vector<16xi32>
      %select_n3A_1045 = arith.select %le3A_1043, %select_n3A_1037, %shift_right_arithmetic3A_1041 : vector<16xi1>, vector<16xi32>
      %add3A_1046 = arith.addi %select_n3A_1044, %select_n3A_1045 : vector<16xi32>
      %shift_right_arithmetic3A_1047 = arith.constant 1 : i32
      %shift_right_arithmetic3A_1048 = vector.broadcast %shift_right_arithmetic3A_1047 : i32 to vector<16xi32>
      %shift_right_arithmetic3A_1049 = arith.shrsi %add3A_1046, %shift_right_arithmetic3A_1048 : vector<16xi32>
      %gather3A_1050 = tpu.vector_load_idx %arg5[%shift_right_arithmetic3A_1049] : memref<336xi32, #tpu.memory_space<vmem>>[vector<16xi32>], vector<16xi32>,
      %le3A_1051 = arith.cmpi sle, %gather3A_1050, %add3A_989 : vector<16xi32>
      %select_n3A_1052 = arith.select %le3A_1051, %shift_right_arithmetic3A_1049, %select_n3A_1044 : vector<16xi1>, vector<16xi32>
      %select_n3A_1053 = arith.select %le3A_1051, %select_n3A_1045, %shift_right_arithmetic3A_1049 : vector<16xi1>, vector<16xi32>
      %add3A_1054 = arith.addi %select_n3A_1052, %select_n3A_1053 : vector<16xi32>
      %shift_right_arithmetic3A_1055 = arith.constant 1 : i32
      %shift_right_arithmetic3A_1056 = vector.broadcast %shift_right_arithmetic3A_1055 : i32 to vector<16xi32>
      %shift_right_arithmetic3A_1057 = arith.shrsi %add3A_1054, %shift_right_arithmetic3A_1056 : vector<16xi32>
      %gather3A_1058 = tpu.vector_load_idx %arg5[%shift_right_arithmetic3A_1057] : memref<336xi32, #tpu.memory_space<vmem>>[vector<16xi32>], vector<16xi32>,
      %le3A_1059 = arith.cmpi sle, %gather3A_1058, %add3A_989 : vector<16xi32>
      %select_n3A_1060 = arith.select %le3A_1059, %shift_right_arithmetic3A_1057, %select_n3A_1052 : vector<16xi1>, vector<16xi32>
      %select_n3A_1061 = arith.select %le3A_1059, %select_n3A_1053, %shift_right_arithmetic3A_1057 : vector<16xi1>, vector<16xi32>
      %add3A_1062 = arith.addi %select_n3A_1060, %select_n3A_1061 : vector<16xi32>
      %shift_right_arithmetic3A_1063 = arith.constant 1 : i32
      %shift_right_arithmetic3A_1064 = vector.broadcast %shift_right_arithmetic3A_1063 : i32 to vector<16xi32>
      %shift_right_arithmetic3A_1065 = arith.shrsi %add3A_1062, %shift_right_arithmetic3A_1064 : vector<16xi32>
      %gather3A_1066 = tpu.vector_load_idx %arg5[%shift_right_arithmetic3A_1065] : memref<336xi32, #tpu.memory_space<vmem>>[vector<16xi32>], vector<16xi32>,
      %le3A_1067 = arith.cmpi sle, %gather3A_1066, %add3A_989 : vector<16xi32>
      %select_n3A_1068 = arith.select %le3A_1067, %shift_right_arithmetic3A_1065, %select_n3A_1060 : vector<16xi1>, vector<16xi32>
      %select_n3A_1069 = arith.select %le3A_1067, %select_n3A_1061, %shift_right_arithmetic3A_1065 : vector<16xi1>, vector<16xi32>
      %ge3A_1070 = vector.broadcast %add3A_968 : i32 to vector<16xi32>
      %ge3A_1071 = arith.cmpi sge, %add3A_989, %ge3A_1070 : vector<16xi32>
      %lt3A_1072 = vector.broadcast %squeeze3A_54 : i32 to vector<16xi32>
      %lt3A_1073 = arith.cmpi slt, %add3A_989, %lt3A_1072 : vector<16xi32>
      %and3A_1074 = arith.andi %ge3A_1071, %lt3A_1073 : vector<16xi1>
      %add3A_1075 = vector.broadcast %sub3A_91 : i32 to vector<16xi32>
      %add3A_1076 = arith.addi %select_n3A_1068, %add3A_1075 : vector<16xi32>
      %jit3A_1077 = arith.constant 5008 : i32
      %broadcast_in_dim3A_1078 = vector.broadcast %jit3A_1077 : i32 to vector<16xi32>
      %select_n3A_1079 = arith.select %and3A_1074, %add3A_1076, %broadcast_in_dim3A_1078 : vector<16xi1>, vector<16xi32>
      %swap3A_1080 = arith.constant 0 : index
      %swap3A_1081 = tpu.vector_load %arg12[%swap3A_1080] {strides = array<i32>} : memref<64xi32, #tpu.memory_space<vmem>>, vector<16xi32>,
      tpu.vector_store %arg12[%swap3A_1080], %select_n3A_1079 {strides = array<i32>} : memref<64xi32, #tpu.memory_space<vmem>>, vector<16xi32>,
      %add3A_1082 = arith.constant 16 : i32
      %add3A_1083 = arith.addi %min3A_973, %add3A_1082 : i32
      %add3A_1084 = vector.broadcast %add3A_1083 : i32 to vector<16xi32>
      %add3A_1085 = arith.addi %add3A_1084, %iota3A : vector<16xi32>
      %broadcast_in_dim3A_1086 = arith.constant 0 : i32
      %broadcast_in_dim3A_1087 = vector.broadcast %broadcast_in_dim3A_1086 : i32 to vector<16xi32>
      %add3A_1088 = vector.broadcast %sub3A_28 : i32 to vector<16xi32>
      %add3A_1089 = arith.addi %add3A_1088, %broadcast_in_dim3A_1087 : vector<16xi32>
      %broadcast_in_dim3A_1090 = arith.constant 0 : i32
      %broadcast_in_dim3A_1091 = vector.broadcast %broadcast_in_dim3A_1090 : i32 to vector<16xi32>
      %add3A_1092 = vector.broadcast %add3A_90 : i32 to vector<16xi32>
      %add3A_1093 = arith.addi %add3A_1092, %broadcast_in_dim3A_1091 : vector<16xi32>
      %add3A_1094 = arith.addi %add3A_1089, %add3A_1093 : vector<16xi32>
      %shift_right_arithmetic3A_1095 = arith.constant 1 : i32
      %shift_right_arithmetic3A_1096 = vector.broadcast %shift_right_arithmetic3A_1095 : i32 to vector<16xi32>
      %shift_right_arithmetic3A_1097 = arith.shrsi %add3A_1094, %shift_right_arithmetic3A_1096 : vector<16xi32>
      %gather3A_1098 = tpu.vector_load_idx %arg5[%shift_right_arithmetic3A_1097] : memref<336xi32, #tpu.memory_space<vmem>>[vector<16xi32>], vector<16xi32>,
      %le3A_1099 = arith.cmpi sle, %gather3A_1098, %add3A_1085 : vector<16xi32>
      %select_n3A_1100 = arith.select %le3A_1099, %shift_right_arithmetic3A_1097, %add3A_1089 : vector<16xi1>, vector<16xi32>
      %select_n3A_1101 = arith.select %le3A_1099, %add3A_1093, %shift_right_arithmetic3A_1097 : vector<16xi1>, vector<16xi32>
      %add3A_1102 = arith.addi %select_n3A_1100, %select_n3A_1101 : vector<16xi32>
      %shift_right_arithmetic3A_1103 = arith.constant 1 : i32
      %shift_right_arithmetic3A_1104 = vector.broadcast %shift_right_arithmetic3A_1103 : i32 to vector<16xi32>
      %shift_right_arithmetic3A_1105 = arith.shrsi %add3A_1102, %shift_right_arithmetic3A_1104 : vector<16xi32>
      %gather3A_1106 = tpu.vector_load_idx %arg5[%shift_right_arithmetic3A_1105] : memref<336xi32, #tpu.memory_space<vmem>>[vector<16xi32>], vector<16xi32>,
      %le3A_1107 = arith.cmpi sle, %gather3A_1106, %add3A_1085 : vector<16xi32>
      %select_n3A_1108 = arith.select %le3A_1107, %shift_right_arithmetic3A_1105, %select_n3A_1100 : vector<16xi1>, vector<16xi32>
      %select_n3A_1109 = arith.select %le3A_1107, %select_n3A_1101, %shift_right_arithmetic3A_1105 : vector<16xi1>, vector<16xi32>
      %add3A_1110 = arith.addi %select_n3A_1108, %select_n3A_1109 : vector<16xi32>
      %shift_right_arithmetic3A_1111 = arith.constant 1 : i32
      %shift_right_arithmetic3A_1112 = vector.broadcast %shift_right_arithmetic3A_1111 : i32 to vector<16xi32>
      %shift_right_arithmetic3A_1113 = arith.shrsi %add3A_1110, %shift_right_arithmetic3A_1112 : vector<16xi32>
      %gather3A_1114 = tpu.vector_load_idx %arg5[%shift_right_arithmetic3A_1113] : memref<336xi32, #tpu.memory_space<vmem>>[vector<16xi32>], vector<16xi32>,
      %le3A_1115 = arith.cmpi sle, %gather3A_1114, %add3A_1085 : vector<16xi32>
      %select_n3A_1116 = arith.select %le3A_1115, %shift_right_arithmetic3A_1113, %select_n3A_1108 : vector<16xi1>, vector<16xi32>
      %select_n3A_1117 = arith.select %le3A_1115, %select_n3A_1109, %shift_right_arithmetic3A_1113 : vector<16xi1>, vector<16xi32>
      %add3A_1118 = arith.addi %select_n3A_1116, %select_n3A_1117 : vector<16xi32>
      %shift_right_arithmetic3A_1119 = arith.constant 1 : i32
      %shift_right_arithmetic3A_1120 = vector.broadcast %shift_right_arithmetic3A_1119 : i32 to vector<16xi32>
      %shift_right_arithmetic3A_1121 = arith.shrsi %add3A_1118, %shift_right_arithmetic3A_1120 : vector<16xi32>
      %gather3A_1122 = tpu.vector_load_idx %arg5[%shift_right_arithmetic3A_1121] : memref<336xi32, #tpu.memory_space<vmem>>[vector<16xi32>], vector<16xi32>,
      %le3A_1123 = arith.cmpi sle, %gather3A_1122, %add3A_1085 : vector<16xi32>
      %select_n3A_1124 = arith.select %le3A_1123, %shift_right_arithmetic3A_1121, %select_n3A_1116 : vector<16xi1>, vector<16xi32>
      %select_n3A_1125 = arith.select %le3A_1123, %select_n3A_1117, %shift_right_arithmetic3A_1121 : vector<16xi1>, vector<16xi32>
      %add3A_1126 = arith.addi %select_n3A_1124, %select_n3A_1125 : vector<16xi32>
      %shift_right_arithmetic3A_1127 = arith.constant 1 : i32
      %shift_right_arithmetic3A_1128 = vector.broadcast %shift_right_arithmetic3A_1127 : i32 to vector<16xi32>
      %shift_right_arithmetic3A_1129 = arith.shrsi %add3A_1126, %shift_right_arithmetic3A_1128 : vector<16xi32>
      %gather3A_1130 = tpu.vector_load_idx %arg5[%shift_right_arithmetic3A_1129] : memref<336xi32, #tpu.memory_space<vmem>>[vector<16xi32>], vector<16xi32>,
      %le3A_1131 = arith.cmpi sle, %gather3A_1130, %add3A_1085 : vector<16xi32>
      %select_n3A_1132 = arith.select %le3A_1131, %shift_right_arithmetic3A_1129, %select_n3A_1124 : vector<16xi1>, vector<16xi32>
      %select_n3A_1133 = arith.select %le3A_1131, %select_n3A_1125, %shift_right_arithmetic3A_1129 : vector<16xi1>, vector<16xi32>
      %add3A_1134 = arith.addi %select_n3A_1132, %select_n3A_1133 : vector<16xi32>
      %shift_right_arithmetic3A_1135 = arith.constant 1 : i32
      %shift_right_arithmetic3A_1136 = vector.broadcast %shift_right_arithmetic3A_1135 : i32 to vector<16xi32>
      %shift_right_arithmetic3A_1137 = arith.shrsi %add3A_1134, %shift_right_arithmetic3A_1136 : vector<16xi32>
      %gather3A_1138 = tpu.vector_load_idx %arg5[%shift_right_arithmetic3A_1137] : memref<336xi32, #tpu.memory_space<vmem>>[vector<16xi32>], vector<16xi32>,
      %le3A_1139 = arith.cmpi sle, %gather3A_1138, %add3A_1085 : vector<16xi32>
      %select_n3A_1140 = arith.select %le3A_1139, %shift_right_arithmetic3A_1137, %select_n3A_1132 : vector<16xi1>, vector<16xi32>
      %select_n3A_1141 = arith.select %le3A_1139, %select_n3A_1133, %shift_right_arithmetic3A_1137 : vector<16xi1>, vector<16xi32>
      %add3A_1142 = arith.addi %select_n3A_1140, %select_n3A_1141 : vector<16xi32>
      %shift_right_arithmetic3A_1143 = arith.constant 1 : i32
      %shift_right_arithmetic3A_1144 = vector.broadcast %shift_right_arithmetic3A_1143 : i32 to vector<16xi32>
      %shift_right_arithmetic3A_1145 = arith.shrsi %add3A_1142, %shift_right_arithmetic3A_1144 : vector<16xi32>
      %gather3A_1146 = tpu.vector_load_idx %arg5[%shift_right_arithmetic3A_1145] : memref<336xi32, #tpu.memory_space<vmem>>[vector<16xi32>], vector<16xi32>,
      %le3A_1147 = arith.cmpi sle, %gather3A_1146, %add3A_1085 : vector<16xi32>
      %select_n3A_1148 = arith.select %le3A_1147, %shift_right_arithmetic3A_1145, %select_n3A_1140 : vector<16xi1>, vector<16xi32>
      %select_n3A_1149 = arith.select %le3A_1147, %select_n3A_1141, %shift_right_arithmetic3A_1145 : vector<16xi1>, vector<16xi32>
      %add3A_1150 = arith.addi %select_n3A_1148, %select_n3A_1149 : vector<16xi32>
      %shift_right_arithmetic3A_1151 = arith.constant 1 : i32
      %shift_right_arithmetic3A_1152 = vector.broadcast %shift_right_arithmetic3A_1151 : i32 to vector<16xi32>
      %shift_right_arithmetic3A_1153 = arith.shrsi %add3A_1150, %shift_right_arithmetic3A_1152 : vector<16xi32>
      %gather3A_1154 = tpu.vector_load_idx %arg5[%shift_right_arithmetic3A_1153] : memref<336xi32, #tpu.memory_space<vmem>>[vector<16xi32>], vector<16xi32>,
      %le3A_1155 = arith.cmpi sle, %gather3A_1154, %add3A_1085 : vector<16xi32>
      %select_n3A_1156 = arith.select %le3A_1155, %shift_right_arithmetic3A_1153, %select_n3A_1148 : vector<16xi1>, vector<16xi32>
      %select_n3A_1157 = arith.select %le3A_1155, %select_n3A_1149, %shift_right_arithmetic3A_1153 : vector<16xi1>, vector<16xi32>
      %add3A_1158 = arith.addi %select_n3A_1156, %select_n3A_1157 : vector<16xi32>
      %shift_right_arithmetic3A_1159 = arith.constant 1 : i32
      %shift_right_arithmetic3A_1160 = vector.broadcast %shift_right_arithmetic3A_1159 : i32 to vector<16xi32>
      %shift_right_arithmetic3A_1161 = arith.shrsi %add3A_1158, %shift_right_arithmetic3A_1160 : vector<16xi32>
      %gather3A_1162 = tpu.vector_load_idx %arg5[%shift_right_arithmetic3A_1161] : memref<336xi32, #tpu.memory_space<vmem>>[vector<16xi32>], vector<16xi32>,
      %le3A_1163 = arith.cmpi sle, %gather3A_1162, %add3A_1085 : vector<16xi32>
      %select_n3A_1164 = arith.select %le3A_1163, %shift_right_arithmetic3A_1161, %select_n3A_1156 : vector<16xi1>, vector<16xi32>
      %select_n3A_1165 = arith.select %le3A_1163, %select_n3A_1157, %shift_right_arithmetic3A_1161 : vector<16xi1>, vector<16xi32>
      %ge3A_1166 = vector.broadcast %add3A_968 : i32 to vector<16xi32>
      %ge3A_1167 = arith.cmpi sge, %add3A_1085, %ge3A_1166 : vector<16xi32>
      %lt3A_1168 = vector.broadcast %squeeze3A_54 : i32 to vector<16xi32>
      %lt3A_1169 = arith.cmpi slt, %add3A_1085, %lt3A_1168 : vector<16xi32>
      %and3A_1170 = arith.andi %ge3A_1167, %lt3A_1169 : vector<16xi1>
      %add3A_1171 = vector.broadcast %sub3A_91 : i32 to vector<16xi32>
      %add3A_1172 = arith.addi %select_n3A_1164, %add3A_1171 : vector<16xi32>
      %jit3A_1173 = arith.constant 5008 : i32
      %broadcast_in_dim3A_1174 = vector.broadcast %jit3A_1173 : i32 to vector<16xi32>
      %select_n3A_1175 = arith.select %and3A_1170, %add3A_1172, %broadcast_in_dim3A_1174 : vector<16xi1>, vector<16xi32>
      %swap3A_1176 = arith.constant 16 : index
      %swap3A_1177 = tpu.vector_load %arg12[%swap3A_1176] {strides = array<i32>} : memref<64xi32, #tpu.memory_space<vmem>>, vector<16xi32>,
      tpu.vector_store %arg12[%swap3A_1176], %select_n3A_1175 {strides = array<i32>} : memref<64xi32, #tpu.memory_space<vmem>>, vector<16xi32>,
      %add3A_1178 = arith.constant 32 : i32
      %add3A_1179 = arith.addi %min3A_973, %add3A_1178 : i32
      %add3A_1180 = vector.broadcast %add3A_1179 : i32 to vector<16xi32>
      %add3A_1181 = arith.addi %add3A_1180, %iota3A : vector<16xi32>
      %broadcast_in_dim3A_1182 = arith.constant 0 : i32
      %broadcast_in_dim3A_1183 = vector.broadcast %broadcast_in_dim3A_1182 : i32 to vector<16xi32>
      %add3A_1184 = vector.broadcast %sub3A_28 : i32 to vector<16xi32>
      %add3A_1185 = arith.addi %add3A_1184, %broadcast_in_dim3A_1183 : vector<16xi32>
      %broadcast_in_dim3A_1186 = arith.constant 0 : i32
      %broadcast_in_dim3A_1187 = vector.broadcast %broadcast_in_dim3A_1186 : i32 to vector<16xi32>
      %add3A_1188 = vector.broadcast %add3A_90 : i32 to vector<16xi32>
      %add3A_1189 = arith.addi %add3A_1188, %broadcast_in_dim3A_1187 : vector<16xi32>
      %add3A_1190 = arith.addi %add3A_1185, %add3A_1189 : vector<16xi32>
      %shift_right_arithmetic3A_1191 = arith.constant 1 : i32
      %shift_right_arithmetic3A_1192 = vector.broadcast %shift_right_arithmetic3A_1191 : i32 to vector<16xi32>
      %shift_right_arithmetic3A_1193 = arith.shrsi %add3A_1190, %shift_right_arithmetic3A_1192 : vector<16xi32>
      %gather3A_1194 = tpu.vector_load_idx %arg5[%shift_right_arithmetic3A_1193] : memref<336xi32, #tpu.memory_space<vmem>>[vector<16xi32>], vector<16xi32>,
      %le3A_1195 = arith.cmpi sle, %gather3A_1194, %add3A_1181 : vector<16xi32>
      %select_n3A_1196 = arith.select %le3A_1195, %shift_right_arithmetic3A_1193, %add3A_1185 : vector<16xi1>, vector<16xi32>
      %select_n3A_1197 = arith.select %le3A_1195, %add3A_1189, %shift_right_arithmetic3A_1193 : vector<16xi1>, vector<16xi32>
      %add3A_1198 = arith.addi %select_n3A_1196, %select_n3A_1197 : vector<16xi32>
      %shift_right_arithmetic3A_1199 = arith.constant 1 : i32
      %shift_right_arithmetic3A_1200 = vector.broadcast %shift_right_arithmetic3A_1199 : i32 to vector<16xi32>
      %shift_right_arithmetic3A_1201 = arith.shrsi %add3A_1198, %shift_right_arithmetic3A_1200 : vector<16xi32>
      %gather3A_1202 = tpu.vector_load_idx %arg5[%shift_right_arithmetic3A_1201] : memref<336xi32, #tpu.memory_space<vmem>>[vector<16xi32>], vector<16xi32>,
      %le3A_1203 = arith.cmpi sle, %gather3A_1202, %add3A_1181 : vector<16xi32>
      %select_n3A_1204 = arith.select %le3A_1203, %shift_right_arithmetic3A_1201, %select_n3A_1196 : vector<16xi1>, vector<16xi32>
      %select_n3A_1205 = arith.select %le3A_1203, %select_n3A_1197, %shift_right_arithmetic3A_1201 : vector<16xi1>, vector<16xi32>
      %add3A_1206 = arith.addi %select_n3A_1204, %select_n3A_1205 : vector<16xi32>
      %shift_right_arithmetic3A_1207 = arith.constant 1 : i32
      %shift_right_arithmetic3A_1208 = vector.broadcast %shift_right_arithmetic3A_1207 : i32 to vector<16xi32>
      %shift_right_arithmetic3A_1209 = arith.shrsi %add3A_1206, %shift_right_arithmetic3A_1208 : vector<16xi32>
      %gather3A_1210 = tpu.vector_load_idx %arg5[%shift_right_arithmetic3A_1209] : memref<336xi32, #tpu.memory_space<vmem>>[vector<16xi32>], vector<16xi32>,
      %le3A_1211 = arith.cmpi sle, %gather3A_1210, %add3A_1181 : vector<16xi32>
      %select_n3A_1212 = arith.select %le3A_1211, %shift_right_arithmetic3A_1209, %select_n3A_1204 : vector<16xi1>, vector<16xi32>
      %select_n3A_1213 = arith.select %le3A_1211, %select_n3A_1205, %shift_right_arithmetic3A_1209 : vector<16xi1>, vector<16xi32>
      %add3A_1214 = arith.addi %select_n3A_1212, %select_n3A_1213 : vector<16xi32>
      %shift_right_arithmetic3A_1215 = arith.constant 1 : i32
      %shift_right_arithmetic3A_1216 = vector.broadcast %shift_right_arithmetic3A_1215 : i32 to vector<16xi32>
      %shift_right_arithmetic3A_1217 = arith.shrsi %add3A_1214, %shift_right_arithmetic3A_1216 : vector<16xi32>
      %gather3A_1218 = tpu.vector_load_idx %arg5[%shift_right_arithmetic3A_1217] : memref<336xi32, #tpu.memory_space<vmem>>[vector<16xi32>], vector<16xi32>,
      %le3A_1219 = arith.cmpi sle, %gather3A_1218, %add3A_1181 : vector<16xi32>
      %select_n3A_1220 = arith.select %le3A_1219, %shift_right_arithmetic3A_1217, %select_n3A_1212 : vector<16xi1>, vector<16xi32>
      %select_n3A_1221 = arith.select %le3A_1219, %select_n3A_1213, %shift_right_arithmetic3A_1217 : vector<16xi1>, vector<16xi32>
      %add3A_1222 = arith.addi %select_n3A_1220, %select_n3A_1221 : vector<16xi32>
      %shift_right_arithmetic3A_1223 = arith.constant 1 : i32
      %shift_right_arithmetic3A_1224 = vector.broadcast %shift_right_arithmetic3A_1223 : i32 to vector<16xi32>
      %shift_right_arithmetic3A_1225 = arith.shrsi %add3A_1222, %shift_right_arithmetic3A_1224 : vector<16xi32>
      %gather3A_1226 = tpu.vector_load_idx %arg5[%shift_right_arithmetic3A_1225] : memref<336xi32, #tpu.memory_space<vmem>>[vector<16xi32>], vector<16xi32>,
      %le3A_1227 = arith.cmpi sle, %gather3A_1226, %add3A_1181 : vector<16xi32>
      %select_n3A_1228 = arith.select %le3A_1227, %shift_right_arithmetic3A_1225, %select_n3A_1220 : vector<16xi1>, vector<16xi32>
      %select_n3A_1229 = arith.select %le3A_1227, %select_n3A_1221, %shift_right_arithmetic3A_1225 : vector<16xi1>, vector<16xi32>
      %add3A_1230 = arith.addi %select_n3A_1228, %select_n3A_1229 : vector<16xi32>
      %shift_right_arithmetic3A_1231 = arith.constant 1 : i32
      %shift_right_arithmetic3A_1232 = vector.broadcast %shift_right_arithmetic3A_1231 : i32 to vector<16xi32>
      %shift_right_arithmetic3A_1233 = arith.shrsi %add3A_1230, %shift_right_arithmetic3A_1232 : vector<16xi32>
      %gather3A_1234 = tpu.vector_load_idx %arg5[%shift_right_arithmetic3A_1233] : memref<336xi32, #tpu.memory_space<vmem>>[vector<16xi32>], vector<16xi32>,
      %le3A_1235 = arith.cmpi sle, %gather3A_1234, %add3A_1181 : vector<16xi32>
      %select_n3A_1236 = arith.select %le3A_1235, %shift_right_arithmetic3A_1233, %select_n3A_1228 : vector<16xi1>, vector<16xi32>
      %select_n3A_1237 = arith.select %le3A_1235, %select_n3A_1229, %shift_right_arithmetic3A_1233 : vector<16xi1>, vector<16xi32>
      %add3A_1238 = arith.addi %select_n3A_1236, %select_n3A_1237 : vector<16xi32>
      %shift_right_arithmetic3A_1239 = arith.constant 1 : i32
      %shift_right_arithmetic3A_1240 = vector.broadcast %shift_right_arithmetic3A_1239 : i32 to vector<16xi32>
      %shift_right_arithmetic3A_1241 = arith.shrsi %add3A_1238, %shift_right_arithmetic3A_1240 : vector<16xi32>
      %gather3A_1242 = tpu.vector_load_idx %arg5[%shift_right_arithmetic3A_1241] : memref<336xi32, #tpu.memory_space<vmem>>[vector<16xi32>], vector<16xi32>,
      %le3A_1243 = arith.cmpi sle, %gather3A_1242, %add3A_1181 : vector<16xi32>
      %select_n3A_1244 = arith.select %le3A_1243, %shift_right_arithmetic3A_1241, %select_n3A_1236 : vector<16xi1>, vector<16xi32>
      %select_n3A_1245 = arith.select %le3A_1243, %select_n3A_1237, %shift_right_arithmetic3A_1241 : vector<16xi1>, vector<16xi32>
      %add3A_1246 = arith.addi %select_n3A_1244, %select_n3A_1245 : vector<16xi32>
      %shift_right_arithmetic3A_1247 = arith.constant 1 : i32
      %shift_right_arithmetic3A_1248 = vector.broadcast %shift_right_arithmetic3A_1247 : i32 to vector<16xi32>
      %shift_right_arithmetic3A_1249 = arith.shrsi %add3A_1246, %shift_right_arithmetic3A_1248 : vector<16xi32>
      %gather3A_1250 = tpu.vector_load_idx %arg5[%shift_right_arithmetic3A_1249] : memref<336xi32, #tpu.memory_space<vmem>>[vector<16xi32>], vector<16xi32>,
      %le3A_1251 = arith.cmpi sle, %gather3A_1250, %add3A_1181 : vector<16xi32>
      %select_n3A_1252 = arith.select %le3A_1251, %shift_right_arithmetic3A_1249, %select_n3A_1244 : vector<16xi1>, vector<16xi32>
      %select_n3A_1253 = arith.select %le3A_1251, %select_n3A_1245, %shift_right_arithmetic3A_1249 : vector<16xi1>, vector<16xi32>
      %add3A_1254 = arith.addi %select_n3A_1252, %select_n3A_1253 : vector<16xi32>
      %shift_right_arithmetic3A_1255 = arith.constant 1 : i32
      %shift_right_arithmetic3A_1256 = vector.broadcast %shift_right_arithmetic3A_1255 : i32 to vector<16xi32>
      %shift_right_arithmetic3A_1257 = arith.shrsi %add3A_1254, %shift_right_arithmetic3A_1256 : vector<16xi32>
      %gather3A_1258 = tpu.vector_load_idx %arg5[%shift_right_arithmetic3A_1257] : memref<336xi32, #tpu.memory_space<vmem>>[vector<16xi32>], vector<16xi32>,
      %le3A_1259 = arith.cmpi sle, %gather3A_1258, %add3A_1181 : vector<16xi32>
      %select_n3A_1260 = arith.select %le3A_1259, %shift_right_arithmetic3A_1257, %select_n3A_1252 : vector<16xi1>, vector<16xi32>
      %select_n3A_1261 = arith.select %le3A_1259, %select_n3A_1253, %shift_right_arithmetic3A_1257 : vector<16xi1>, vector<16xi32>
      %ge3A_1262 = vector.broadcast %add3A_968 : i32 to vector<16xi32>
      %ge3A_1263 = arith.cmpi sge, %add3A_1181, %ge3A_1262 : vector<16xi32>
      %lt3A_1264 = vector.broadcast %squeeze3A_54 : i32 to vector<16xi32>
      %lt3A_1265 = arith.cmpi slt, %add3A_1181, %lt3A_1264 : vector<16xi32>
      %and3A_1266 = arith.andi %ge3A_1263, %lt3A_1265 : vector<16xi1>
      %add3A_1267 = vector.broadcast %sub3A_91 : i32 to vector<16xi32>
      %add3A_1268 = arith.addi %select_n3A_1260, %add3A_1267 : vector<16xi32>
      %jit3A_1269 = arith.constant 5008 : i32
      %broadcast_in_dim3A_1270 = vector.broadcast %jit3A_1269 : i32 to vector<16xi32>
      %select_n3A_1271 = arith.select %and3A_1266, %add3A_1268, %broadcast_in_dim3A_1270 : vector<16xi1>, vector<16xi32>
      %swap3A_1272 = arith.constant 32 : index
      %swap3A_1273 = tpu.vector_load %arg12[%swap3A_1272] {strides = array<i32>} : memref<64xi32, #tpu.memory_space<vmem>>, vector<16xi32>,
      tpu.vector_store %arg12[%swap3A_1272], %select_n3A_1271 {strides = array<i32>} : memref<64xi32, #tpu.memory_space<vmem>>, vector<16xi32>,
      %add3A_1274 = arith.constant 48 : i32
      %add3A_1275 = arith.addi %min3A_973, %add3A_1274 : i32
      %add3A_1276 = vector.broadcast %add3A_1275 : i32 to vector<16xi32>
      %add3A_1277 = arith.addi %add3A_1276, %iota3A : vector<16xi32>
      %broadcast_in_dim3A_1278 = arith.constant 0 : i32
      %broadcast_in_dim3A_1279 = vector.broadcast %broadcast_in_dim3A_1278 : i32 to vector<16xi32>
      %add3A_1280 = vector.broadcast %sub3A_28 : i32 to vector<16xi32>
      %add3A_1281 = arith.addi %add3A_1280, %broadcast_in_dim3A_1279 : vector<16xi32>
      %broadcast_in_dim3A_1282 = arith.constant 0 : i32
      %broadcast_in_dim3A_1283 = vector.broadcast %broadcast_in_dim3A_1282 : i32 to vector<16xi32>
      %add3A_1284 = vector.broadcast %add3A_90 : i32 to vector<16xi32>
      %add3A_1285 = arith.addi %add3A_1284, %broadcast_in_dim3A_1283 : vector<16xi32>
      %add3A_1286 = arith.addi %add3A_1281, %add3A_1285 : vector<16xi32>
      %shift_right_arithmetic3A_1287 = arith.constant 1 : i32
      %shift_right_arithmetic3A_1288 = vector.broadcast %shift_right_arithmetic3A_1287 : i32 to vector<16xi32>
      %shift_right_arithmetic3A_1289 = arith.shrsi %add3A_1286, %shift_right_arithmetic3A_1288 : vector<16xi32>
      %gather3A_1290 = tpu.vector_load_idx %arg5[%shift_right_arithmetic3A_1289] : memref<336xi32, #tpu.memory_space<vmem>>[vector<16xi32>], vector<16xi32>,
      %le3A_1291 = arith.cmpi sle, %gather3A_1290, %add3A_1277 : vector<16xi32>
      %select_n3A_1292 = arith.select %le3A_1291, %shift_right_arithmetic3A_1289, %add3A_1281 : vector<16xi1>, vector<16xi32>
      %select_n3A_1293 = arith.select %le3A_1291, %add3A_1285, %shift_right_arithmetic3A_1289 : vector<16xi1>, vector<16xi32>
      %add3A_1294 = arith.addi %select_n3A_1292, %select_n3A_1293 : vector<16xi32>
      %shift_right_arithmetic3A_1295 = arith.constant 1 : i32
      %shift_right_arithmetic3A_1296 = vector.broadcast %shift_right_arithmetic3A_1295 : i32 to vector<16xi32>
      %shift_right_arithmetic3A_1297 = arith.shrsi %add3A_1294, %shift_right_arithmetic3A_1296 : vector<16xi32>
      %gather3A_1298 = tpu.vector_load_idx %arg5[%shift_right_arithmetic3A_1297] : memref<336xi32, #tpu.memory_space<vmem>>[vector<16xi32>], vector<16xi32>,
      %le3A_1299 = arith.cmpi sle, %gather3A_1298, %add3A_1277 : vector<16xi32>
      %select_n3A_1300 = arith.select %le3A_1299, %shift_right_arithmetic3A_1297, %select_n3A_1292 : vector<16xi1>, vector<16xi32>
      %select_n3A_1301 = arith.select %le3A_1299, %select_n3A_1293, %shift_right_arithmetic3A_1297 : vector<16xi1>, vector<16xi32>
      %add3A_1302 = arith.addi %select_n3A_1300, %select_n3A_1301 : vector<16xi32>
      %shift_right_arithmetic3A_1303 = arith.constant 1 : i32
      %shift_right_arithmetic3A_1304 = vector.broadcast %shift_right_arithmetic3A_1303 : i32 to vector<16xi32>
      %shift_right_arithmetic3A_1305 = arith.shrsi %add3A_1302, %shift_right_arithmetic3A_1304 : vector<16xi32>
      %gather3A_1306 = tpu.vector_load_idx %arg5[%shift_right_arithmetic3A_1305] : memref<336xi32, #tpu.memory_space<vmem>>[vector<16xi32>], vector<16xi32>,
      %le3A_1307 = arith.cmpi sle, %gather3A_1306, %add3A_1277 : vector<16xi32>
      %select_n3A_1308 = arith.select %le3A_1307, %shift_right_arithmetic3A_1305, %select_n3A_1300 : vector<16xi1>, vector<16xi32>
      %select_n3A_1309 = arith.select %le3A_1307, %select_n3A_1301, %shift_right_arithmetic3A_1305 : vector<16xi1>, vector<16xi32>
      %add3A_1310 = arith.addi %select_n3A_1308, %select_n3A_1309 : vector<16xi32>
      %shift_right_arithmetic3A_1311 = arith.constant 1 : i32
      %shift_right_arithmetic3A_1312 = vector.broadcast %shift_right_arithmetic3A_1311 : i32 to vector<16xi32>
      %shift_right_arithmetic3A_1313 = arith.shrsi %add3A_1310, %shift_right_arithmetic3A_1312 : vector<16xi32>
      %gather3A_1314 = tpu.vector_load_idx %arg5[%shift_right_arithmetic3A_1313] : memref<336xi32, #tpu.memory_space<vmem>>[vector<16xi32>], vector<16xi32>,
      %le3A_1315 = arith.cmpi sle, %gather3A_1314, %add3A_1277 : vector<16xi32>
      %select_n3A_1316 = arith.select %le3A_1315, %shift_right_arithmetic3A_1313, %select_n3A_1308 : vector<16xi1>, vector<16xi32>
      %select_n3A_1317 = arith.select %le3A_1315, %select_n3A_1309, %shift_right_arithmetic3A_1313 : vector<16xi1>, vector<16xi32>
      %add3A_1318 = arith.addi %select_n3A_1316, %select_n3A_1317 : vector<16xi32>
      %shift_right_arithmetic3A_1319 = arith.constant 1 : i32
      %shift_right_arithmetic3A_1320 = vector.broadcast %shift_right_arithmetic3A_1319 : i32 to vector<16xi32>
      %shift_right_arithmetic3A_1321 = arith.shrsi %add3A_1318, %shift_right_arithmetic3A_1320 : vector<16xi32>
      %gather3A_1322 = tpu.vector_load_idx %arg5[%shift_right_arithmetic3A_1321] : memref<336xi32, #tpu.memory_space<vmem>>[vector<16xi32>], vector<16xi32>,
      %le3A_1323 = arith.cmpi sle, %gather3A_1322, %add3A_1277 : vector<16xi32>
      %select_n3A_1324 = arith.select %le3A_1323, %shift_right_arithmetic3A_1321, %select_n3A_1316 : vector<16xi1>, vector<16xi32>
      %select_n3A_1325 = arith.select %le3A_1323, %select_n3A_1317, %shift_right_arithmetic3A_1321 : vector<16xi1>, vector<16xi32>
      %add3A_1326 = arith.addi %select_n3A_1324, %select_n3A_1325 : vector<16xi32>
      %shift_right_arithmetic3A_1327 = arith.constant 1 : i32
      %shift_right_arithmetic3A_1328 = vector.broadcast %shift_right_arithmetic3A_1327 : i32 to vector<16xi32>
      %shift_right_arithmetic3A_1329 = arith.shrsi %add3A_1326, %shift_right_arithmetic3A_1328 : vector<16xi32>
      %gather3A_1330 = tpu.vector_load_idx %arg5[%shift_right_arithmetic3A_1329] : memref<336xi32, #tpu.memory_space<vmem>>[vector<16xi32>], vector<16xi32>,
      %le3A_1331 = arith.cmpi sle, %gather3A_1330, %add3A_1277 : vector<16xi32>
      %select_n3A_1332 = arith.select %le3A_1331, %shift_right_arithmetic3A_1329, %select_n3A_1324 : vector<16xi1>, vector<16xi32>
      %select_n3A_1333 = arith.select %le3A_1331, %select_n3A_1325, %shift_right_arithmetic3A_1329 : vector<16xi1>, vector<16xi32>
      %add3A_1334 = arith.addi %select_n3A_1332, %select_n3A_1333 : vector<16xi32>
      %shift_right_arithmetic3A_1335 = arith.constant 1 : i32
      %shift_right_arithmetic3A_1336 = vector.broadcast %shift_right_arithmetic3A_1335 : i32 to vector<16xi32>
      %shift_right_arithmetic3A_1337 = arith.shrsi %add3A_1334, %shift_right_arithmetic3A_1336 : vector<16xi32>
      %gather3A_1338 = tpu.vector_load_idx %arg5[%shift_right_arithmetic3A_1337] : memref<336xi32, #tpu.memory_space<vmem>>[vector<16xi32>], vector<16xi32>,
      %le3A_1339 = arith.cmpi sle, %gather3A_1338, %add3A_1277 : vector<16xi32>
      %select_n3A_1340 = arith.select %le3A_1339, %shift_right_arithmetic3A_1337, %select_n3A_1332 : vector<16xi1>, vector<16xi32>
      %select_n3A_1341 = arith.select %le3A_1339, %select_n3A_1333, %shift_right_arithmetic3A_1337 : vector<16xi1>, vector<16xi32>
      %add3A_1342 = arith.addi %select_n3A_1340, %select_n3A_1341 : vector<16xi32>
      %shift_right_arithmetic3A_1343 = arith.constant 1 : i32
      %shift_right_arithmetic3A_1344 = vector.broadcast %shift_right_arithmetic3A_1343 : i32 to vector<16xi32>
      %shift_right_arithmetic3A_1345 = arith.shrsi %add3A_1342, %shift_right_arithmetic3A_1344 : vector<16xi32>
      %gather3A_1346 = tpu.vector_load_idx %arg5[%shift_right_arithmetic3A_1345] : memref<336xi32, #tpu.memory_space<vmem>>[vector<16xi32>], vector<16xi32>,
      %le3A_1347 = arith.cmpi sle, %gather3A_1346, %add3A_1277 : vector<16xi32>
      %select_n3A_1348 = arith.select %le3A_1347, %shift_right_arithmetic3A_1345, %select_n3A_1340 : vector<16xi1>, vector<16xi32>
      %select_n3A_1349 = arith.select %le3A_1347, %select_n3A_1341, %shift_right_arithmetic3A_1345 : vector<16xi1>, vector<16xi32>
      %add3A_1350 = arith.addi %select_n3A_1348, %select_n3A_1349 : vector<16xi32>
      %shift_right_arithmetic3A_1351 = arith.constant 1 : i32
      %shift_right_arithmetic3A_1352 = vector.broadcast %shift_right_arithmetic3A_1351 : i32 to vector<16xi32>
      %shift_right_arithmetic3A_1353 = arith.shrsi %add3A_1350, %shift_right_arithmetic3A_1352 : vector<16xi32>
      %gather3A_1354 = tpu.vector_load_idx %arg5[%shift_right_arithmetic3A_1353] : memref<336xi32, #tpu.memory_space<vmem>>[vector<16xi32>], vector<16xi32>,
      %le3A_1355 = arith.cmpi sle, %gather3A_1354, %add3A_1277 : vector<16xi32>
      %select_n3A_1356 = arith.select %le3A_1355, %shift_right_arithmetic3A_1353, %select_n3A_1348 : vector<16xi1>, vector<16xi32>
      %select_n3A_1357 = arith.select %le3A_1355, %select_n3A_1349, %shift_right_arithmetic3A_1353 : vector<16xi1>, vector<16xi32>
      %ge3A_1358 = vector.broadcast %add3A_968 : i32 to vector<16xi32>
      %ge3A_1359 = arith.cmpi sge, %add3A_1277, %ge3A_1358 : vector<16xi32>
      %lt3A_1360 = vector.broadcast %squeeze3A_54 : i32 to vector<16xi32>
      %lt3A_1361 = arith.cmpi slt, %add3A_1277, %lt3A_1360 : vector<16xi32>
      %and3A_1362 = arith.andi %ge3A_1359, %lt3A_1361 : vector<16xi1>
      %add3A_1363 = vector.broadcast %sub3A_91 : i32 to vector<16xi32>
      %add3A_1364 = arith.addi %select_n3A_1356, %add3A_1363 : vector<16xi32>
      %jit3A_1365 = arith.constant 5008 : i32
      %broadcast_in_dim3A_1366 = vector.broadcast %jit3A_1365 : i32 to vector<16xi32>
      %select_n3A_1367 = arith.select %and3A_1362, %add3A_1364, %broadcast_in_dim3A_1366 : vector<16xi1>, vector<16xi32>
      %swap3A_1368 = arith.constant 48 : index
      %swap3A_1369 = tpu.vector_load %arg12[%swap3A_1368] {strides = array<i32>} : memref<64xi32, #tpu.memory_space<vmem>>, vector<16xi32>,
      tpu.vector_store %arg12[%swap3A_1368], %select_n3A_1367 {strides = array<i32>} : memref<64xi32, #tpu.memory_space<vmem>>, vector<16xi32>,
      %lt3A_1370 = arith.cmpi slt, %add3A_965, %select_n3A_81 : i32
      %convert_element_type3A_1371 = arith.extui %lt3A_1370 : i1 to i32
      %cond3A_1372 = arith.constant 0 : i32
      %cond3A_1373 = arith.cmpi ne, %convert_element_type3A_1371, %cond3A_1372 : i32
      scf.if %cond3A_1373 {
        "tpu.region"() ({
          %run_scoped3A = tpu.sem_alloc : memref<!tpu.dma_semaphore, #tpu.memory_space<semaphore_mem>>
          %dma_start3A = arith.constant 0 : i32
          %dma_start3A_1375 = arith.constant 0 : i32
          %dma_start3A_1376 = tpu.memref_slice %arg6[%dma_start3A, %dma_start3A_1375] : memref<5009x256xf32, #tpu.memory_space<vmem_shared>> -> memref<5009x256xf32, #tpu.memory_space<vmem_shared>>
          tpu.enqueue_indirect_dma source(%arg9 : memref<64x256xf32, #tpu.memory_space<vmem>>) target(%dma_start3A_1376 : memref<5009x256xf32, #tpu.memory_space<vmem_shared>>) offsets(%arg12 : memref<64xi32, #tpu.memory_space<vmem>>) semaphore(%run_scoped3A : memref<!tpu.dma_semaphore, #tpu.memory_space<semaphore_mem>>) {add = true}
          %dma_wait3A = arith.constant 0 : i32
          %dma_wait3A_1377 = arith.constant 0 : i32
          %dma_wait3A_1378 = tpu.memref_slice %arg6[%dma_wait3A, %dma_wait3A_1377] : memref<5009x256xf32, #tpu.memory_space<vmem_shared>> -> memref<5009x256xf32, #tpu.memory_space<vmem_shared>>
          tpu.wait_indirect_dma semaphore(%run_scoped3A : memref<!tpu.dma_semaphore, #tpu.memory_space<semaphore_mem>>) src(%arg9 : memref<64x256xf32, #tpu.memory_space<vmem>>) dst(%dma_wait3A_1378 : memref<5009x256xf32, #tpu.memory_space<vmem_shared>>)
          tpu.yield
        }) : () -> ()
      } else {
      }
      %while3A_1374 = arith.constant 0 : i32
      scf.yield %while3A_1374 : i32
    }
    %while3A_129 = arith.constant 1 : i32
    %while3A_130 = scf.for %while3A_141 = %while3A_126 to %while3A_122 step %while3A_129 iter_args(%while3A_142 = %while3A_128) -> (i32)  : i32 {
      %mul3A_143 = arith.constant 3 : i32
      %mul3A_144 = arith.muli %mul3A_143, %while3A_141 : i32
      %add3A_145 = arith.constant 0 : i32
      %add3A_146 = arith.addi %mul3A_144, %add3A_145 : i32
      %mul3A_147 = arith.constant 64 : i32
      %mul3A_148 = arith.muli %add3A_146, %mul3A_147 : i32
      %add3A_149 = arith.addi %squeeze3A, %mul3A_148 : i32
      %mul3A_150 = arith.constant 64 : i32
      %mul3A_151 = arith.muli %add3A_146, %mul3A_150 : i32
      %add3A_152 = arith.addi %squeeze3A, %mul3A_151 : i32
      %min3A_153 = arith.constant 159936 : i32
      %min3A_154 = arith.minsi %add3A_152, %min3A_153 : i32
      %lt3A_155 = arith.cmpi slt, %add3A_146, %select_n3A_81 : i32
      %convert_element_type3A_156 = arith.extui %lt3A_155 : i1 to i32
      %cond3A_157 = arith.constant 0 : i32
      %cond3A_158 = arith.cmpi ne, %convert_element_type3A_156, %cond3A_157 : i32
      scf.if %cond3A_158 {
        %dma_wait3A = arith.constant 0 : i32
        %dma_wait3A_1375 = tpu.memref_slice %arg2[%min3A_154, %dma_wait3A] : memref<160000x256xf32, #tpu.memory_space<hbm>> -> memref<64x256xf32, #tpu.memory_space<hbm>>
        %dma_wait3A_1376 = arith.constant 0 : i32
        %dma_wait3A_1377 = tpu.memref_slice %arg2[%min3A_154, %dma_wait3A_1376] : memref<160000x256xf32, #tpu.memory_space<hbm>> -> memref<64x256xf32, #tpu.memory_space<hbm>>
        tpu.wait_dma2 semaphore(%arg13 : memref<!tpu.dma_semaphore, #tpu.memory_space<semaphore_mem>>) src(%dma_wait3A_1377 : memref<64x256xf32, #tpu.memory_space<hbm>>) dst(%arg7 : memref<64x256xf32, #tpu.memory_space<vmem>>)
      } else {
      }
      %add3A_159 = arith.constant 3 : i32
      %add3A_160 = arith.addi %add3A_146, %add3A_159 : i32
      %sub3A_161 = arith.constant 1 : i32
      %sub3A_162 = arith.subi %add3A_160, %sub3A_161 : i32
      %lt3A_163 = arith.cmpi slt, %sub3A_162, %select_n3A_81 : i32
      %convert_element_type3A_164 = arith.extui %lt3A_163 : i1 to i32
      %cond3A_165 = arith.constant 0 : i32
      %cond3A_166 = arith.cmpi ne, %convert_element_type3A_164, %cond3A_165 : i32
      scf.if %cond3A_166 {
        %add3A_1375 = arith.constant 3 : i32
        %add3A_1376 = arith.addi %add3A_146, %add3A_1375 : i32
        %sub3A_1377 = arith.constant 1 : i32
        %sub3A_1378 = arith.subi %add3A_1376, %sub3A_1377 : i32
        %mul3A_1379 = arith.constant 64 : i32
        %mul3A_1380 = arith.muli %sub3A_1378, %mul3A_1379 : i32
        %add3A_1381 = arith.addi %squeeze3A, %mul3A_1380 : i32
        %min3A_1382 = arith.constant 159936 : i32
        %min3A_1383 = arith.minsi %add3A_1381, %min3A_1382 : i32
        %dma_start3A = arith.constant 0 : i32
        %dma_start3A_1384 = tpu.memref_slice %arg2[%min3A_1383, %dma_start3A] : memref<160000x256xf32, #tpu.memory_space<hbm>> -> memref<64x256xf32, #tpu.memory_space<hbm>>
        %dma_start3A_1385 = arith.constant 0 : i32
        %dma_start3A_1386 = tpu.memref_slice %arg2[%min3A_1383, %dma_start3A_1385] : memref<160000x256xf32, #tpu.memory_space<hbm>> -> memref<64x256xf32, #tpu.memory_space<hbm>>
        tpu.enqueue_dma source(%dma_start3A_1386 : memref<64x256xf32, #tpu.memory_space<hbm>>) target(%arg9 : memref<64x256xf32, #tpu.memory_space<vmem>>) target_semaphore(%arg15 : memref<!tpu.dma_semaphore, #tpu.memory_space<semaphore_mem>>)
      } else {
      }
      %add3A_167 = arith.constant 0 : i32
      %add3A_168 = arith.addi %min3A_154, %add3A_167 : i32
      %add3A_169 = vector.broadcast %add3A_168 : i32 to vector<16xi32>
      %add3A_170 = arith.addi %add3A_169, %iota3A : vector<16xi32>
      %broadcast_in_dim3A_171 = arith.constant 0 : i32
      %broadcast_in_dim3A_172 = vector.broadcast %broadcast_in_dim3A_171 : i32 to vector<16xi32>
      %add3A_173 = vector.broadcast %sub3A_28 : i32 to vector<16xi32>
      %add3A_174 = arith.addi %add3A_173, %broadcast_in_dim3A_172 : vector<16xi32>
      %broadcast_in_dim3A_175 = arith.constant 0 : i32
      %broadcast_in_dim3A_176 = vector.broadcast %broadcast_in_dim3A_175 : i32 to vector<16xi32>
      %add3A_177 = vector.broadcast %add3A_90 : i32 to vector<16xi32>
      %add3A_178 = arith.addi %add3A_177, %broadcast_in_dim3A_176 : vector<16xi32>
      %add3A_179 = arith.addi %add3A_174, %add3A_178 : vector<16xi32>
      %shift_right_arithmetic3A = arith.constant 1 : i32
      %shift_right_arithmetic3A_180 = vector.broadcast %shift_right_arithmetic3A : i32 to vector<16xi32>
      %shift_right_arithmetic3A_181 = arith.shrsi %add3A_179, %shift_right_arithmetic3A_180 : vector<16xi32>
      %gather3A = tpu.vector_load_idx %arg5[%shift_right_arithmetic3A_181] : memref<336xi32, #tpu.memory_space<vmem>>[vector<16xi32>], vector<16xi32>,
      %le3A = arith.cmpi sle, %gather3A, %add3A_170 : vector<16xi32>
      %select_n3A_182 = arith.select %le3A, %shift_right_arithmetic3A_181, %add3A_174 : vector<16xi1>, vector<16xi32>
      %select_n3A_183 = arith.select %le3A, %add3A_178, %shift_right_arithmetic3A_181 : vector<16xi1>, vector<16xi32>
      %add3A_184 = arith.addi %select_n3A_182, %select_n3A_183 : vector<16xi32>
      %shift_right_arithmetic3A_185 = arith.constant 1 : i32
      %shift_right_arithmetic3A_186 = vector.broadcast %shift_right_arithmetic3A_185 : i32 to vector<16xi32>
      %shift_right_arithmetic3A_187 = arith.shrsi %add3A_184, %shift_right_arithmetic3A_186 : vector<16xi32>
      %gather3A_188 = tpu.vector_load_idx %arg5[%shift_right_arithmetic3A_187] : memref<336xi32, #tpu.memory_space<vmem>>[vector<16xi32>], vector<16xi32>,
      %le3A_189 = arith.cmpi sle, %gather3A_188, %add3A_170 : vector<16xi32>
      %select_n3A_190 = arith.select %le3A_189, %shift_right_arithmetic3A_187, %select_n3A_182 : vector<16xi1>, vector<16xi32>
      %select_n3A_191 = arith.select %le3A_189, %select_n3A_183, %shift_right_arithmetic3A_187 : vector<16xi1>, vector<16xi32>
      %add3A_192 = arith.addi %select_n3A_190, %select_n3A_191 : vector<16xi32>
      %shift_right_arithmetic3A_193 = arith.constant 1 : i32
      %shift_right_arithmetic3A_194 = vector.broadcast %shift_right_arithmetic3A_193 : i32 to vector<16xi32>
      %shift_right_arithmetic3A_195 = arith.shrsi %add3A_192, %shift_right_arithmetic3A_194 : vector<16xi32>
      %gather3A_196 = tpu.vector_load_idx %arg5[%shift_right_arithmetic3A_195] : memref<336xi32, #tpu.memory_space<vmem>>[vector<16xi32>], vector<16xi32>,
      %le3A_197 = arith.cmpi sle, %gather3A_196, %add3A_170 : vector<16xi32>
      %select_n3A_198 = arith.select %le3A_197, %shift_right_arithmetic3A_195, %select_n3A_190 : vector<16xi1>, vector<16xi32>
      %select_n3A_199 = arith.select %le3A_197, %select_n3A_191, %shift_right_arithmetic3A_195 : vector<16xi1>, vector<16xi32>
      %add3A_200 = arith.addi %select_n3A_198, %select_n3A_199 : vector<16xi32>
      %shift_right_arithmetic3A_201 = arith.constant 1 : i32
      %shift_right_arithmetic3A_202 = vector.broadcast %shift_right_arithmetic3A_201 : i32 to vector<16xi32>
      %shift_right_arithmetic3A_203 = arith.shrsi %add3A_200, %shift_right_arithmetic3A_202 : vector<16xi32>
      %gather3A_204 = tpu.vector_load_idx %arg5[%shift_right_arithmetic3A_203] : memref<336xi32, #tpu.memory_space<vmem>>[vector<16xi32>], vector<16xi32>,
      %le3A_205 = arith.cmpi sle, %gather3A_204, %add3A_170 : vector<16xi32>
      %select_n3A_206 = arith.select %le3A_205, %shift_right_arithmetic3A_203, %select_n3A_198 : vector<16xi1>, vector<16xi32>
      %select_n3A_207 = arith.select %le3A_205, %select_n3A_199, %shift_right_arithmetic3A_203 : vector<16xi1>, vector<16xi32>
      %add3A_208 = arith.addi %select_n3A_206, %select_n3A_207 : vector<16xi32>
      %shift_right_arithmetic3A_209 = arith.constant 1 : i32
      %shift_right_arithmetic3A_210 = vector.broadcast %shift_right_arithmetic3A_209 : i32 to vector<16xi32>
      %shift_right_arithmetic3A_211 = arith.shrsi %add3A_208, %shift_right_arithmetic3A_210 : vector<16xi32>
      %gather3A_212 = tpu.vector_load_idx %arg5[%shift_right_arithmetic3A_211] : memref<336xi32, #tpu.memory_space<vmem>>[vector<16xi32>], vector<16xi32>,
      %le3A_213 = arith.cmpi sle, %gather3A_212, %add3A_170 : vector<16xi32>
      %select_n3A_214 = arith.select %le3A_213, %shift_right_arithmetic3A_211, %select_n3A_206 : vector<16xi1>, vector<16xi32>
      %select_n3A_215 = arith.select %le3A_213, %select_n3A_207, %shift_right_arithmetic3A_211 : vector<16xi1>, vector<16xi32>
      %add3A_216 = arith.addi %select_n3A_214, %select_n3A_215 : vector<16xi32>
      %shift_right_arithmetic3A_217 = arith.constant 1 : i32
      %shift_right_arithmetic3A_218 = vector.broadcast %shift_right_arithmetic3A_217 : i32 to vector<16xi32>
      %shift_right_arithmetic3A_219 = arith.shrsi %add3A_216, %shift_right_arithmetic3A_218 : vector<16xi32>
      %gather3A_220 = tpu.vector_load_idx %arg5[%shift_right_arithmetic3A_219] : memref<336xi32, #tpu.memory_space<vmem>>[vector<16xi32>], vector<16xi32>,
      %le3A_221 = arith.cmpi sle, %gather3A_220, %add3A_170 : vector<16xi32>
      %select_n3A_222 = arith.select %le3A_221, %shift_right_arithmetic3A_219, %select_n3A_214 : vector<16xi1>, vector<16xi32>
      %select_n3A_223 = arith.select %le3A_221, %select_n3A_215, %shift_right_arithmetic3A_219 : vector<16xi1>, vector<16xi32>
      %add3A_224 = arith.addi %select_n3A_222, %select_n3A_223 : vector<16xi32>
      %shift_right_arithmetic3A_225 = arith.constant 1 : i32
      %shift_right_arithmetic3A_226 = vector.broadcast %shift_right_arithmetic3A_225 : i32 to vector<16xi32>
      %shift_right_arithmetic3A_227 = arith.shrsi %add3A_224, %shift_right_arithmetic3A_226 : vector<16xi32>
      %gather3A_228 = tpu.vector_load_idx %arg5[%shift_right_arithmetic3A_227] : memref<336xi32, #tpu.memory_space<vmem>>[vector<16xi32>], vector<16xi32>,
      %le3A_229 = arith.cmpi sle, %gather3A_228, %add3A_170 : vector<16xi32>
      %select_n3A_230 = arith.select %le3A_229, %shift_right_arithmetic3A_227, %select_n3A_222 : vector<16xi1>, vector<16xi32>
      %select_n3A_231 = arith.select %le3A_229, %select_n3A_223, %shift_right_arithmetic3A_227 : vector<16xi1>, vector<16xi32>
      %add3A_232 = arith.addi %select_n3A_230, %select_n3A_231 : vector<16xi32>
      %shift_right_arithmetic3A_233 = arith.constant 1 : i32
      %shift_right_arithmetic3A_234 = vector.broadcast %shift_right_arithmetic3A_233 : i32 to vector<16xi32>
      %shift_right_arithmetic3A_235 = arith.shrsi %add3A_232, %shift_right_arithmetic3A_234 : vector<16xi32>
      %gather3A_236 = tpu.vector_load_idx %arg5[%shift_right_arithmetic3A_235] : memref<336xi32, #tpu.memory_space<vmem>>[vector<16xi32>], vector<16xi32>,
      %le3A_237 = arith.cmpi sle, %gather3A_236, %add3A_170 : vector<16xi32>
      %select_n3A_238 = arith.select %le3A_237, %shift_right_arithmetic3A_235, %select_n3A_230 : vector<16xi1>, vector<16xi32>
      %select_n3A_239 = arith.select %le3A_237, %select_n3A_231, %shift_right_arithmetic3A_235 : vector<16xi1>, vector<16xi32>
      %add3A_240 = arith.addi %select_n3A_238, %select_n3A_239 : vector<16xi32>
      %shift_right_arithmetic3A_241 = arith.constant 1 : i32
      %shift_right_arithmetic3A_242 = vector.broadcast %shift_right_arithmetic3A_241 : i32 to vector<16xi32>
      %shift_right_arithmetic3A_243 = arith.shrsi %add3A_240, %shift_right_arithmetic3A_242 : vector<16xi32>
      %gather3A_244 = tpu.vector_load_idx %arg5[%shift_right_arithmetic3A_243] : memref<336xi32, #tpu.memory_space<vmem>>[vector<16xi32>], vector<16xi32>,
      %le3A_245 = arith.cmpi sle, %gather3A_244, %add3A_170 : vector<16xi32>
      %select_n3A_246 = arith.select %le3A_245, %shift_right_arithmetic3A_243, %select_n3A_238 : vector<16xi1>, vector<16xi32>
      %select_n3A_247 = arith.select %le3A_245, %select_n3A_239, %shift_right_arithmetic3A_243 : vector<16xi1>, vector<16xi32>
      %ge3A = vector.broadcast %add3A_149 : i32 to vector<16xi32>
      %ge3A_248 = arith.cmpi sge, %add3A_170, %ge3A : vector<16xi32>
      %lt3A_249 = vector.broadcast %squeeze3A_54 : i32 to vector<16xi32>
      %lt3A_250 = arith.cmpi slt, %add3A_170, %lt3A_249 : vector<16xi32>
      %and3A_251 = arith.andi %ge3A_248, %lt3A_250 : vector<16xi1>
      %add3A_252 = vector.broadcast %sub3A_91 : i32 to vector<16xi32>
      %add3A_253 = arith.addi %select_n3A_246, %add3A_252 : vector<16xi32>
      %jit3A_254 = arith.constant 5008 : i32
      %broadcast_in_dim3A_255 = vector.broadcast %jit3A_254 : i32 to vector<16xi32>
      %select_n3A_256 = arith.select %and3A_251, %add3A_253, %broadcast_in_dim3A_255 : vector<16xi1>, vector<16xi32>
      %swap3A = arith.constant 0 : index
      %swap3A_257 = tpu.vector_load %arg10[%swap3A] {strides = array<i32>} : memref<64xi32, #tpu.memory_space<vmem>>, vector<16xi32>,
      tpu.vector_store %arg10[%swap3A], %select_n3A_256 {strides = array<i32>} : memref<64xi32, #tpu.memory_space<vmem>>, vector<16xi32>,
      %add3A_258 = arith.constant 16 : i32
      %add3A_259 = arith.addi %min3A_154, %add3A_258 : i32
      %add3A_260 = vector.broadcast %add3A_259 : i32 to vector<16xi32>
      %add3A_261 = arith.addi %add3A_260, %iota3A : vector<16xi32>
      %broadcast_in_dim3A_262 = arith.constant 0 : i32
      %broadcast_in_dim3A_263 = vector.broadcast %broadcast_in_dim3A_262 : i32 to vector<16xi32>
      %add3A_264 = vector.broadcast %sub3A_28 : i32 to vector<16xi32>
      %add3A_265 = arith.addi %add3A_264, %broadcast_in_dim3A_263 : vector<16xi32>
      %broadcast_in_dim3A_266 = arith.constant 0 : i32
      %broadcast_in_dim3A_267 = vector.broadcast %broadcast_in_dim3A_266 : i32 to vector<16xi32>
      %add3A_268 = vector.broadcast %add3A_90 : i32 to vector<16xi32>
      %add3A_269 = arith.addi %add3A_268, %broadcast_in_dim3A_267 : vector<16xi32>
      %add3A_270 = arith.addi %add3A_265, %add3A_269 : vector<16xi32>
      %shift_right_arithmetic3A_271 = arith.constant 1 : i32
      %shift_right_arithmetic3A_272 = vector.broadcast %shift_right_arithmetic3A_271 : i32 to vector<16xi32>
      %shift_right_arithmetic3A_273 = arith.shrsi %add3A_270, %shift_right_arithmetic3A_272 : vector<16xi32>
      %gather3A_274 = tpu.vector_load_idx %arg5[%shift_right_arithmetic3A_273] : memref<336xi32, #tpu.memory_space<vmem>>[vector<16xi32>], vector<16xi32>,
      %le3A_275 = arith.cmpi sle, %gather3A_274, %add3A_261 : vector<16xi32>
      %select_n3A_276 = arith.select %le3A_275, %shift_right_arithmetic3A_273, %add3A_265 : vector<16xi1>, vector<16xi32>
      %select_n3A_277 = arith.select %le3A_275, %add3A_269, %shift_right_arithmetic3A_273 : vector<16xi1>, vector<16xi32>
      %add3A_278 = arith.addi %select_n3A_276, %select_n3A_277 : vector<16xi32>
      %shift_right_arithmetic3A_279 = arith.constant 1 : i32
      %shift_right_arithmetic3A_280 = vector.broadcast %shift_right_arithmetic3A_279 : i32 to vector<16xi32>
      %shift_right_arithmetic3A_281 = arith.shrsi %add3A_278, %shift_right_arithmetic3A_280 : vector<16xi32>
      %gather3A_282 = tpu.vector_load_idx %arg5[%shift_right_arithmetic3A_281] : memref<336xi32, #tpu.memory_space<vmem>>[vector<16xi32>], vector<16xi32>,
      %le3A_283 = arith.cmpi sle, %gather3A_282, %add3A_261 : vector<16xi32>
      %select_n3A_284 = arith.select %le3A_283, %shift_right_arithmetic3A_281, %select_n3A_276 : vector<16xi1>, vector<16xi32>
      %select_n3A_285 = arith.select %le3A_283, %select_n3A_277, %shift_right_arithmetic3A_281 : vector<16xi1>, vector<16xi32>
      %add3A_286 = arith.addi %select_n3A_284, %select_n3A_285 : vector<16xi32>
      %shift_right_arithmetic3A_287 = arith.constant 1 : i32
      %shift_right_arithmetic3A_288 = vector.broadcast %shift_right_arithmetic3A_287 : i32 to vector<16xi32>
      %shift_right_arithmetic3A_289 = arith.shrsi %add3A_286, %shift_right_arithmetic3A_288 : vector<16xi32>
      %gather3A_290 = tpu.vector_load_idx %arg5[%shift_right_arithmetic3A_289] : memref<336xi32, #tpu.memory_space<vmem>>[vector<16xi32>], vector<16xi32>,
      %le3A_291 = arith.cmpi sle, %gather3A_290, %add3A_261 : vector<16xi32>
      %select_n3A_292 = arith.select %le3A_291, %shift_right_arithmetic3A_289, %select_n3A_284 : vector<16xi1>, vector<16xi32>
      %select_n3A_293 = arith.select %le3A_291, %select_n3A_285, %shift_right_arithmetic3A_289 : vector<16xi1>, vector<16xi32>
      %add3A_294 = arith.addi %select_n3A_292, %select_n3A_293 : vector<16xi32>
      %shift_right_arithmetic3A_295 = arith.constant 1 : i32
      %shift_right_arithmetic3A_296 = vector.broadcast %shift_right_arithmetic3A_295 : i32 to vector<16xi32>
      %shift_right_arithmetic3A_297 = arith.shrsi %add3A_294, %shift_right_arithmetic3A_296 : vector<16xi32>
      %gather3A_298 = tpu.vector_load_idx %arg5[%shift_right_arithmetic3A_297] : memref<336xi32, #tpu.memory_space<vmem>>[vector<16xi32>], vector<16xi32>,
      %le3A_299 = arith.cmpi sle, %gather3A_298, %add3A_261 : vector<16xi32>
      %select_n3A_300 = arith.select %le3A_299, %shift_right_arithmetic3A_297, %select_n3A_292 : vector<16xi1>, vector<16xi32>
      %select_n3A_301 = arith.select %le3A_299, %select_n3A_293, %shift_right_arithmetic3A_297 : vector<16xi1>, vector<16xi32>
      %add3A_302 = arith.addi %select_n3A_300, %select_n3A_301 : vector<16xi32>
      %shift_right_arithmetic3A_303 = arith.constant 1 : i32
      %shift_right_arithmetic3A_304 = vector.broadcast %shift_right_arithmetic3A_303 : i32 to vector<16xi32>
      %shift_right_arithmetic3A_305 = arith.shrsi %add3A_302, %shift_right_arithmetic3A_304 : vector<16xi32>
      %gather3A_306 = tpu.vector_load_idx %arg5[%shift_right_arithmetic3A_305] : memref<336xi32, #tpu.memory_space<vmem>>[vector<16xi32>], vector<16xi32>,
      %le3A_307 = arith.cmpi sle, %gather3A_306, %add3A_261 : vector<16xi32>
      %select_n3A_308 = arith.select %le3A_307, %shift_right_arithmetic3A_305, %select_n3A_300 : vector<16xi1>, vector<16xi32>
      %select_n3A_309 = arith.select %le3A_307, %select_n3A_301, %shift_right_arithmetic3A_305 : vector<16xi1>, vector<16xi32>
      %add3A_310 = arith.addi %select_n3A_308, %select_n3A_309 : vector<16xi32>
      %shift_right_arithmetic3A_311 = arith.constant 1 : i32
      %shift_right_arithmetic3A_312 = vector.broadcast %shift_right_arithmetic3A_311 : i32 to vector<16xi32>
      %shift_right_arithmetic3A_313 = arith.shrsi %add3A_310, %shift_right_arithmetic3A_312 : vector<16xi32>
      %gather3A_314 = tpu.vector_load_idx %arg5[%shift_right_arithmetic3A_313] : memref<336xi32, #tpu.memory_space<vmem>>[vector<16xi32>], vector<16xi32>,
      %le3A_315 = arith.cmpi sle, %gather3A_314, %add3A_261 : vector<16xi32>
      %select_n3A_316 = arith.select %le3A_315, %shift_right_arithmetic3A_313, %select_n3A_308 : vector<16xi1>, vector<16xi32>
      %select_n3A_317 = arith.select %le3A_315, %select_n3A_309, %shift_right_arithmetic3A_313 : vector<16xi1>, vector<16xi32>
      %add3A_318 = arith.addi %select_n3A_316, %select_n3A_317 : vector<16xi32>
      %shift_right_arithmetic3A_319 = arith.constant 1 : i32
      %shift_right_arithmetic3A_320 = vector.broadcast %shift_right_arithmetic3A_319 : i32 to vector<16xi32>
      %shift_right_arithmetic3A_321 = arith.shrsi %add3A_318, %shift_right_arithmetic3A_320 : vector<16xi32>
      %gather3A_322 = tpu.vector_load_idx %arg5[%shift_right_arithmetic3A_321] : memref<336xi32, #tpu.memory_space<vmem>>[vector<16xi32>], vector<16xi32>,
      %le3A_323 = arith.cmpi sle, %gather3A_322, %add3A_261 : vector<16xi32>
      %select_n3A_324 = arith.select %le3A_323, %shift_right_arithmetic3A_321, %select_n3A_316 : vector<16xi1>, vector<16xi32>
      %select_n3A_325 = arith.select %le3A_323, %select_n3A_317, %shift_right_arithmetic3A_321 : vector<16xi1>, vector<16xi32>
      %add3A_326 = arith.addi %select_n3A_324, %select_n3A_325 : vector<16xi32>
      %shift_right_arithmetic3A_327 = arith.constant 1 : i32
      %shift_right_arithmetic3A_328 = vector.broadcast %shift_right_arithmetic3A_327 : i32 to vector<16xi32>
      %shift_right_arithmetic3A_329 = arith.shrsi %add3A_326, %shift_right_arithmetic3A_328 : vector<16xi32>
      %gather3A_330 = tpu.vector_load_idx %arg5[%shift_right_arithmetic3A_329] : memref<336xi32, #tpu.memory_space<vmem>>[vector<16xi32>], vector<16xi32>,
      %le3A_331 = arith.cmpi sle, %gather3A_330, %add3A_261 : vector<16xi32>
      %select_n3A_332 = arith.select %le3A_331, %shift_right_arithmetic3A_329, %select_n3A_324 : vector<16xi1>, vector<16xi32>
      %select_n3A_333 = arith.select %le3A_331, %select_n3A_325, %shift_right_arithmetic3A_329 : vector<16xi1>, vector<16xi32>
      %add3A_334 = arith.addi %select_n3A_332, %select_n3A_333 : vector<16xi32>
      %shift_right_arithmetic3A_335 = arith.constant 1 : i32
      %shift_right_arithmetic3A_336 = vector.broadcast %shift_right_arithmetic3A_335 : i32 to vector<16xi32>
      %shift_right_arithmetic3A_337 = arith.shrsi %add3A_334, %shift_right_arithmetic3A_336 : vector<16xi32>
      %gather3A_338 = tpu.vector_load_idx %arg5[%shift_right_arithmetic3A_337] : memref<336xi32, #tpu.memory_space<vmem>>[vector<16xi32>], vector<16xi32>,
      %le3A_339 = arith.cmpi sle, %gather3A_338, %add3A_261 : vector<16xi32>
      %select_n3A_340 = arith.select %le3A_339, %shift_right_arithmetic3A_337, %select_n3A_332 : vector<16xi1>, vector<16xi32>
      %select_n3A_341 = arith.select %le3A_339, %select_n3A_333, %shift_right_arithmetic3A_337 : vector<16xi1>, vector<16xi32>
      %ge3A_342 = vector.broadcast %add3A_149 : i32 to vector<16xi32>
      %ge3A_343 = arith.cmpi sge, %add3A_261, %ge3A_342 : vector<16xi32>
      %lt3A_344 = vector.broadcast %squeeze3A_54 : i32 to vector<16xi32>
      %lt3A_345 = arith.cmpi slt, %add3A_261, %lt3A_344 : vector<16xi32>
      %and3A_346 = arith.andi %ge3A_343, %lt3A_345 : vector<16xi1>
      %add3A_347 = vector.broadcast %sub3A_91 : i32 to vector<16xi32>
      %add3A_348 = arith.addi %select_n3A_340, %add3A_347 : vector<16xi32>
      %jit3A_349 = arith.constant 5008 : i32
      %broadcast_in_dim3A_350 = vector.broadcast %jit3A_349 : i32 to vector<16xi32>
      %select_n3A_351 = arith.select %and3A_346, %add3A_348, %broadcast_in_dim3A_350 : vector<16xi1>, vector<16xi32>
      %swap3A_352 = arith.constant 16 : index
      %swap3A_353 = tpu.vector_load %arg10[%swap3A_352] {strides = array<i32>} : memref<64xi32, #tpu.memory_space<vmem>>, vector<16xi32>,
      tpu.vector_store %arg10[%swap3A_352], %select_n3A_351 {strides = array<i32>} : memref<64xi32, #tpu.memory_space<vmem>>, vector<16xi32>,
      %add3A_354 = arith.constant 32 : i32
      %add3A_355 = arith.addi %min3A_154, %add3A_354 : i32
      %add3A_356 = vector.broadcast %add3A_355 : i32 to vector<16xi32>
      %add3A_357 = arith.addi %add3A_356, %iota3A : vector<16xi32>
      %broadcast_in_dim3A_358 = arith.constant 0 : i32
      %broadcast_in_dim3A_359 = vector.broadcast %broadcast_in_dim3A_358 : i32 to vector<16xi32>
      %add3A_360 = vector.broadcast %sub3A_28 : i32 to vector<16xi32>
      %add3A_361 = arith.addi %add3A_360, %broadcast_in_dim3A_359 : vector<16xi32>
      %broadcast_in_dim3A_362 = arith.constant 0 : i32
      %broadcast_in_dim3A_363 = vector.broadcast %broadcast_in_dim3A_362 : i32 to vector<16xi32>
      %add3A_364 = vector.broadcast %add3A_90 : i32 to vector<16xi32>
      %add3A_365 = arith.addi %add3A_364, %broadcast_in_dim3A_363 : vector<16xi32>
      %add3A_366 = arith.addi %add3A_361, %add3A_365 : vector<16xi32>
      %shift_right_arithmetic3A_367 = arith.constant 1 : i32
      %shift_right_arithmetic3A_368 = vector.broadcast %shift_right_arithmetic3A_367 : i32 to vector<16xi32>
      %shift_right_arithmetic3A_369 = arith.shrsi %add3A_366, %shift_right_arithmetic3A_368 : vector<16xi32>
      %gather3A_370 = tpu.vector_load_idx %arg5[%shift_right_arithmetic3A_369] : memref<336xi32, #tpu.memory_space<vmem>>[vector<16xi32>], vector<16xi32>,
      %le3A_371 = arith.cmpi sle, %gather3A_370, %add3A_357 : vector<16xi32>
      %select_n3A_372 = arith.select %le3A_371, %shift_right_arithmetic3A_369, %add3A_361 : vector<16xi1>, vector<16xi32>
      %select_n3A_373 = arith.select %le3A_371, %add3A_365, %shift_right_arithmetic3A_369 : vector<16xi1>, vector<16xi32>
      %add3A_374 = arith.addi %select_n3A_372, %select_n3A_373 : vector<16xi32>
      %shift_right_arithmetic3A_375 = arith.constant 1 : i32
      %shift_right_arithmetic3A_376 = vector.broadcast %shift_right_arithmetic3A_375 : i32 to vector<16xi32>
      %shift_right_arithmetic3A_377 = arith.shrsi %add3A_374, %shift_right_arithmetic3A_376 : vector<16xi32>
      %gather3A_378 = tpu.vector_load_idx %arg5[%shift_right_arithmetic3A_377] : memref<336xi32, #tpu.memory_space<vmem>>[vector<16xi32>], vector<16xi32>,
      %le3A_379 = arith.cmpi sle, %gather3A_378, %add3A_357 : vector<16xi32>
      %select_n3A_380 = arith.select %le3A_379, %shift_right_arithmetic3A_377, %select_n3A_372 : vector<16xi1>, vector<16xi32>
      %select_n3A_381 = arith.select %le3A_379, %select_n3A_373, %shift_right_arithmetic3A_377 : vector<16xi1>, vector<16xi32>
      %add3A_382 = arith.addi %select_n3A_380, %select_n3A_381 : vector<16xi32>
      %shift_right_arithmetic3A_383 = arith.constant 1 : i32
      %shift_right_arithmetic3A_384 = vector.broadcast %shift_right_arithmetic3A_383 : i32 to vector<16xi32>
      %shift_right_arithmetic3A_385 = arith.shrsi %add3A_382, %shift_right_arithmetic3A_384 : vector<16xi32>
      %gather3A_386 = tpu.vector_load_idx %arg5[%shift_right_arithmetic3A_385] : memref<336xi32, #tpu.memory_space<vmem>>[vector<16xi32>], vector<16xi32>,
      %le3A_387 = arith.cmpi sle, %gather3A_386, %add3A_357 : vector<16xi32>
      %select_n3A_388 = arith.select %le3A_387, %shift_right_arithmetic3A_385, %select_n3A_380 : vector<16xi1>, vector<16xi32>
      %select_n3A_389 = arith.select %le3A_387, %select_n3A_381, %shift_right_arithmetic3A_385 : vector<16xi1>, vector<16xi32>
      %add3A_390 = arith.addi %select_n3A_388, %select_n3A_389 : vector<16xi32>
      %shift_right_arithmetic3A_391 = arith.constant 1 : i32
      %shift_right_arithmetic3A_392 = vector.broadcast %shift_right_arithmetic3A_391 : i32 to vector<16xi32>
      %shift_right_arithmetic3A_393 = arith.shrsi %add3A_390, %shift_right_arithmetic3A_392 : vector<16xi32>
      %gather3A_394 = tpu.vector_load_idx %arg5[%shift_right_arithmetic3A_393] : memref<336xi32, #tpu.memory_space<vmem>>[vector<16xi32>], vector<16xi32>,
      %le3A_395 = arith.cmpi sle, %gather3A_394, %add3A_357 : vector<16xi32>
      %select_n3A_396 = arith.select %le3A_395, %shift_right_arithmetic3A_393, %select_n3A_388 : vector<16xi1>, vector<16xi32>
      %select_n3A_397 = arith.select %le3A_395, %select_n3A_389, %shift_right_arithmetic3A_393 : vector<16xi1>, vector<16xi32>
      %add3A_398 = arith.addi %select_n3A_396, %select_n3A_397 : vector<16xi32>
      %shift_right_arithmetic3A_399 = arith.constant 1 : i32
      %shift_right_arithmetic3A_400 = vector.broadcast %shift_right_arithmetic3A_399 : i32 to vector<16xi32>
      %shift_right_arithmetic3A_401 = arith.shrsi %add3A_398, %shift_right_arithmetic3A_400 : vector<16xi32>
      %gather3A_402 = tpu.vector_load_idx %arg5[%shift_right_arithmetic3A_401] : memref<336xi32, #tpu.memory_space<vmem>>[vector<16xi32>], vector<16xi32>,
      %le3A_403 = arith.cmpi sle, %gather3A_402, %add3A_357 : vector<16xi32>
      %select_n3A_404 = arith.select %le3A_403, %shift_right_arithmetic3A_401, %select_n3A_396 : vector<16xi1>, vector<16xi32>
      %select_n3A_405 = arith.select %le3A_403, %select_n3A_397, %shift_right_arithmetic3A_401 : vector<16xi1>, vector<16xi32>
      %add3A_406 = arith.addi %select_n3A_404, %select_n3A_405 : vector<16xi32>
      %shift_right_arithmetic3A_407 = arith.constant 1 : i32
      %shift_right_arithmetic3A_408 = vector.broadcast %shift_right_arithmetic3A_407 : i32 to vector<16xi32>
      %shift_right_arithmetic3A_409 = arith.shrsi %add3A_406, %shift_right_arithmetic3A_408 : vector<16xi32>
      %gather3A_410 = tpu.vector_load_idx %arg5[%shift_right_arithmetic3A_409] : memref<336xi32, #tpu.memory_space<vmem>>[vector<16xi32>], vector<16xi32>,
      %le3A_411 = arith.cmpi sle, %gather3A_410, %add3A_357 : vector<16xi32>
      %select_n3A_412 = arith.select %le3A_411, %shift_right_arithmetic3A_409, %select_n3A_404 : vector<16xi1>, vector<16xi32>
      %select_n3A_413 = arith.select %le3A_411, %select_n3A_405, %shift_right_arithmetic3A_409 : vector<16xi1>, vector<16xi32>
      %add3A_414 = arith.addi %select_n3A_412, %select_n3A_413 : vector<16xi32>
      %shift_right_arithmetic3A_415 = arith.constant 1 : i32
      %shift_right_arithmetic3A_416 = vector.broadcast %shift_right_arithmetic3A_415 : i32 to vector<16xi32>
      %shift_right_arithmetic3A_417 = arith.shrsi %add3A_414, %shift_right_arithmetic3A_416 : vector<16xi32>
      %gather3A_418 = tpu.vector_load_idx %arg5[%shift_right_arithmetic3A_417] : memref<336xi32, #tpu.memory_space<vmem>>[vector<16xi32>], vector<16xi32>,
      %le3A_419 = arith.cmpi sle, %gather3A_418, %add3A_357 : vector<16xi32>
      %select_n3A_420 = arith.select %le3A_419, %shift_right_arithmetic3A_417, %select_n3A_412 : vector<16xi1>, vector<16xi32>
      %select_n3A_421 = arith.select %le3A_419, %select_n3A_413, %shift_right_arithmetic3A_417 : vector<16xi1>, vector<16xi32>
      %add3A_422 = arith.addi %select_n3A_420, %select_n3A_421 : vector<16xi32>
      %shift_right_arithmetic3A_423 = arith.constant 1 : i32
      %shift_right_arithmetic3A_424 = vector.broadcast %shift_right_arithmetic3A_423 : i32 to vector<16xi32>
      %shift_right_arithmetic3A_425 = arith.shrsi %add3A_422, %shift_right_arithmetic3A_424 : vector<16xi32>
      %gather3A_426 = tpu.vector_load_idx %arg5[%shift_right_arithmetic3A_425] : memref<336xi32, #tpu.memory_space<vmem>>[vector<16xi32>], vector<16xi32>,
      %le3A_427 = arith.cmpi sle, %gather3A_426, %add3A_357 : vector<16xi32>
      %select_n3A_428 = arith.select %le3A_427, %shift_right_arithmetic3A_425, %select_n3A_420 : vector<16xi1>, vector<16xi32>
      %select_n3A_429 = arith.select %le3A_427, %select_n3A_421, %shift_right_arithmetic3A_425 : vector<16xi1>, vector<16xi32>
      %add3A_430 = arith.addi %select_n3A_428, %select_n3A_429 : vector<16xi32>
      %shift_right_arithmetic3A_431 = arith.constant 1 : i32
      %shift_right_arithmetic3A_432 = vector.broadcast %shift_right_arithmetic3A_431 : i32 to vector<16xi32>
      %shift_right_arithmetic3A_433 = arith.shrsi %add3A_430, %shift_right_arithmetic3A_432 : vector<16xi32>
      %gather3A_434 = tpu.vector_load_idx %arg5[%shift_right_arithmetic3A_433] : memref<336xi32, #tpu.memory_space<vmem>>[vector<16xi32>], vector<16xi32>,
      %le3A_435 = arith.cmpi sle, %gather3A_434, %add3A_357 : vector<16xi32>
      %select_n3A_436 = arith.select %le3A_435, %shift_right_arithmetic3A_433, %select_n3A_428 : vector<16xi1>, vector<16xi32>
      %select_n3A_437 = arith.select %le3A_435, %select_n3A_429, %shift_right_arithmetic3A_433 : vector<16xi1>, vector<16xi32>
      %ge3A_438 = vector.broadcast %add3A_149 : i32 to vector<16xi32>
      %ge3A_439 = arith.cmpi sge, %add3A_357, %ge3A_438 : vector<16xi32>
      %lt3A_440 = vector.broadcast %squeeze3A_54 : i32 to vector<16xi32>
      %lt3A_441 = arith.cmpi slt, %add3A_357, %lt3A_440 : vector<16xi32>
      %and3A_442 = arith.andi %ge3A_439, %lt3A_441 : vector<16xi1>
      %add3A_443 = vector.broadcast %sub3A_91 : i32 to vector<16xi32>
      %add3A_444 = arith.addi %select_n3A_436, %add3A_443 : vector<16xi32>
      %jit3A_445 = arith.constant 5008 : i32
      %broadcast_in_dim3A_446 = vector.broadcast %jit3A_445 : i32 to vector<16xi32>
      %select_n3A_447 = arith.select %and3A_442, %add3A_444, %broadcast_in_dim3A_446 : vector<16xi1>, vector<16xi32>
      %swap3A_448 = arith.constant 32 : index
      %swap3A_449 = tpu.vector_load %arg10[%swap3A_448] {strides = array<i32>} : memref<64xi32, #tpu.memory_space<vmem>>, vector<16xi32>,
      tpu.vector_store %arg10[%swap3A_448], %select_n3A_447 {strides = array<i32>} : memref<64xi32, #tpu.memory_space<vmem>>, vector<16xi32>,
      %add3A_450 = arith.constant 48 : i32
      %add3A_451 = arith.addi %min3A_154, %add3A_450 : i32
      %add3A_452 = vector.broadcast %add3A_451 : i32 to vector<16xi32>
      %add3A_453 = arith.addi %add3A_452, %iota3A : vector<16xi32>
      %broadcast_in_dim3A_454 = arith.constant 0 : i32
      %broadcast_in_dim3A_455 = vector.broadcast %broadcast_in_dim3A_454 : i32 to vector<16xi32>
      %add3A_456 = vector.broadcast %sub3A_28 : i32 to vector<16xi32>
      %add3A_457 = arith.addi %add3A_456, %broadcast_in_dim3A_455 : vector<16xi32>
      %broadcast_in_dim3A_458 = arith.constant 0 : i32
      %broadcast_in_dim3A_459 = vector.broadcast %broadcast_in_dim3A_458 : i32 to vector<16xi32>
      %add3A_460 = vector.broadcast %add3A_90 : i32 to vector<16xi32>
      %add3A_461 = arith.addi %add3A_460, %broadcast_in_dim3A_459 : vector<16xi32>
      %add3A_462 = arith.addi %add3A_457, %add3A_461 : vector<16xi32>
      %shift_right_arithmetic3A_463 = arith.constant 1 : i32
      %shift_right_arithmetic3A_464 = vector.broadcast %shift_right_arithmetic3A_463 : i32 to vector<16xi32>
      %shift_right_arithmetic3A_465 = arith.shrsi %add3A_462, %shift_right_arithmetic3A_464 : vector<16xi32>
      %gather3A_466 = tpu.vector_load_idx %arg5[%shift_right_arithmetic3A_465] : memref<336xi32, #tpu.memory_space<vmem>>[vector<16xi32>], vector<16xi32>,
      %le3A_467 = arith.cmpi sle, %gather3A_466, %add3A_453 : vector<16xi32>
      %select_n3A_468 = arith.select %le3A_467, %shift_right_arithmetic3A_465, %add3A_457 : vector<16xi1>, vector<16xi32>
      %select_n3A_469 = arith.select %le3A_467, %add3A_461, %shift_right_arithmetic3A_465 : vector<16xi1>, vector<16xi32>
      %add3A_470 = arith.addi %select_n3A_468, %select_n3A_469 : vector<16xi32>
      %shift_right_arithmetic3A_471 = arith.constant 1 : i32
      %shift_right_arithmetic3A_472 = vector.broadcast %shift_right_arithmetic3A_471 : i32 to vector<16xi32>
      %shift_right_arithmetic3A_473 = arith.shrsi %add3A_470, %shift_right_arithmetic3A_472 : vector<16xi32>
      %gather3A_474 = tpu.vector_load_idx %arg5[%shift_right_arithmetic3A_473] : memref<336xi32, #tpu.memory_space<vmem>>[vector<16xi32>], vector<16xi32>,
      %le3A_475 = arith.cmpi sle, %gather3A_474, %add3A_453 : vector<16xi32>
      %select_n3A_476 = arith.select %le3A_475, %shift_right_arithmetic3A_473, %select_n3A_468 : vector<16xi1>, vector<16xi32>
      %select_n3A_477 = arith.select %le3A_475, %select_n3A_469, %shift_right_arithmetic3A_473 : vector<16xi1>, vector<16xi32>
      %add3A_478 = arith.addi %select_n3A_476, %select_n3A_477 : vector<16xi32>
      %shift_right_arithmetic3A_479 = arith.constant 1 : i32
      %shift_right_arithmetic3A_480 = vector.broadcast %shift_right_arithmetic3A_479 : i32 to vector<16xi32>
      %shift_right_arithmetic3A_481 = arith.shrsi %add3A_478, %shift_right_arithmetic3A_480 : vector<16xi32>
      %gather3A_482 = tpu.vector_load_idx %arg5[%shift_right_arithmetic3A_481] : memref<336xi32, #tpu.memory_space<vmem>>[vector<16xi32>], vector<16xi32>,
      %le3A_483 = arith.cmpi sle, %gather3A_482, %add3A_453 : vector<16xi32>
      %select_n3A_484 = arith.select %le3A_483, %shift_right_arithmetic3A_481, %select_n3A_476 : vector<16xi1>, vector<16xi32>
      %select_n3A_485 = arith.select %le3A_483, %select_n3A_477, %shift_right_arithmetic3A_481 : vector<16xi1>, vector<16xi32>
      %add3A_486 = arith.addi %select_n3A_484, %select_n3A_485 : vector<16xi32>
      %shift_right_arithmetic3A_487 = arith.constant 1 : i32
      %shift_right_arithmetic3A_488 = vector.broadcast %shift_right_arithmetic3A_487 : i32 to vector<16xi32>
      %shift_right_arithmetic3A_489 = arith.shrsi %add3A_486, %shift_right_arithmetic3A_488 : vector<16xi32>
      %gather3A_490 = tpu.vector_load_idx %arg5[%shift_right_arithmetic3A_489] : memref<336xi32, #tpu.memory_space<vmem>>[vector<16xi32>], vector<16xi32>,
      %le3A_491 = arith.cmpi sle, %gather3A_490, %add3A_453 : vector<16xi32>
      %select_n3A_492 = arith.select %le3A_491, %shift_right_arithmetic3A_489, %select_n3A_484 : vector<16xi1>, vector<16xi32>
      %select_n3A_493 = arith.select %le3A_491, %select_n3A_485, %shift_right_arithmetic3A_489 : vector<16xi1>, vector<16xi32>
      %add3A_494 = arith.addi %select_n3A_492, %select_n3A_493 : vector<16xi32>
      %shift_right_arithmetic3A_495 = arith.constant 1 : i32
      %shift_right_arithmetic3A_496 = vector.broadcast %shift_right_arithmetic3A_495 : i32 to vector<16xi32>
      %shift_right_arithmetic3A_497 = arith.shrsi %add3A_494, %shift_right_arithmetic3A_496 : vector<16xi32>
      %gather3A_498 = tpu.vector_load_idx %arg5[%shift_right_arithmetic3A_497] : memref<336xi32, #tpu.memory_space<vmem>>[vector<16xi32>], vector<16xi32>,
      %le3A_499 = arith.cmpi sle, %gather3A_498, %add3A_453 : vector<16xi32>
      %select_n3A_500 = arith.select %le3A_499, %shift_right_arithmetic3A_497, %select_n3A_492 : vector<16xi1>, vector<16xi32>
      %select_n3A_501 = arith.select %le3A_499, %select_n3A_493, %shift_right_arithmetic3A_497 : vector<16xi1>, vector<16xi32>
      %add3A_502 = arith.addi %select_n3A_500, %select_n3A_501 : vector<16xi32>
      %shift_right_arithmetic3A_503 = arith.constant 1 : i32
      %shift_right_arithmetic3A_504 = vector.broadcast %shift_right_arithmetic3A_503 : i32 to vector<16xi32>
      %shift_right_arithmetic3A_505 = arith.shrsi %add3A_502, %shift_right_arithmetic3A_504 : vector<16xi32>
      %gather3A_506 = tpu.vector_load_idx %arg5[%shift_right_arithmetic3A_505] : memref<336xi32, #tpu.memory_space<vmem>>[vector<16xi32>], vector<16xi32>,
      %le3A_507 = arith.cmpi sle, %gather3A_506, %add3A_453 : vector<16xi32>
      %select_n3A_508 = arith.select %le3A_507, %shift_right_arithmetic3A_505, %select_n3A_500 : vector<16xi1>, vector<16xi32>
      %select_n3A_509 = arith.select %le3A_507, %select_n3A_501, %shift_right_arithmetic3A_505 : vector<16xi1>, vector<16xi32>
      %add3A_510 = arith.addi %select_n3A_508, %select_n3A_509 : vector<16xi32>
      %shift_right_arithmetic3A_511 = arith.constant 1 : i32
      %shift_right_arithmetic3A_512 = vector.broadcast %shift_right_arithmetic3A_511 : i32 to vector<16xi32>
      %shift_right_arithmetic3A_513 = arith.shrsi %add3A_510, %shift_right_arithmetic3A_512 : vector<16xi32>
      %gather3A_514 = tpu.vector_load_idx %arg5[%shift_right_arithmetic3A_513] : memref<336xi32, #tpu.memory_space<vmem>>[vector<16xi32>], vector<16xi32>,
      %le3A_515 = arith.cmpi sle, %gather3A_514, %add3A_453 : vector<16xi32>
      %select_n3A_516 = arith.select %le3A_515, %shift_right_arithmetic3A_513, %select_n3A_508 : vector<16xi1>, vector<16xi32>
      %select_n3A_517 = arith.select %le3A_515, %select_n3A_509, %shift_right_arithmetic3A_513 : vector<16xi1>, vector<16xi32>
      %add3A_518 = arith.addi %select_n3A_516, %select_n3A_517 : vector<16xi32>
      %shift_right_arithmetic3A_519 = arith.constant 1 : i32
      %shift_right_arithmetic3A_520 = vector.broadcast %shift_right_arithmetic3A_519 : i32 to vector<16xi32>
      %shift_right_arithmetic3A_521 = arith.shrsi %add3A_518, %shift_right_arithmetic3A_520 : vector<16xi32>
      %gather3A_522 = tpu.vector_load_idx %arg5[%shift_right_arithmetic3A_521] : memref<336xi32, #tpu.memory_space<vmem>>[vector<16xi32>], vector<16xi32>,
      %le3A_523 = arith.cmpi sle, %gather3A_522, %add3A_453 : vector<16xi32>
      %select_n3A_524 = arith.select %le3A_523, %shift_right_arithmetic3A_521, %select_n3A_516 : vector<16xi1>, vector<16xi32>
      %select_n3A_525 = arith.select %le3A_523, %select_n3A_517, %shift_right_arithmetic3A_521 : vector<16xi1>, vector<16xi32>
      %add3A_526 = arith.addi %select_n3A_524, %select_n3A_525 : vector<16xi32>
      %shift_right_arithmetic3A_527 = arith.constant 1 : i32
      %shift_right_arithmetic3A_528 = vector.broadcast %shift_right_arithmetic3A_527 : i32 to vector<16xi32>
      %shift_right_arithmetic3A_529 = arith.shrsi %add3A_526, %shift_right_arithmetic3A_528 : vector<16xi32>
      %gather3A_530 = tpu.vector_load_idx %arg5[%shift_right_arithmetic3A_529] : memref<336xi32, #tpu.memory_space<vmem>>[vector<16xi32>], vector<16xi32>,
      %le3A_531 = arith.cmpi sle, %gather3A_530, %add3A_453 : vector<16xi32>
      %select_n3A_532 = arith.select %le3A_531, %shift_right_arithmetic3A_529, %select_n3A_524 : vector<16xi1>, vector<16xi32>
      %select_n3A_533 = arith.select %le3A_531, %select_n3A_525, %shift_right_arithmetic3A_529 : vector<16xi1>, vector<16xi32>
      %ge3A_534 = vector.broadcast %add3A_149 : i32 to vector<16xi32>
      %ge3A_535 = arith.cmpi sge, %add3A_453, %ge3A_534 : vector<16xi32>
      %lt3A_536 = vector.broadcast %squeeze3A_54 : i32 to vector<16xi32>
      %lt3A_537 = arith.cmpi slt, %add3A_453, %lt3A_536 : vector<16xi32>
      %and3A_538 = arith.andi %ge3A_535, %lt3A_537 : vector<16xi1>
      %add3A_539 = vector.broadcast %sub3A_91 : i32 to vector<16xi32>
      %add3A_540 = arith.addi %select_n3A_532, %add3A_539 : vector<16xi32>
      %jit3A_541 = arith.constant 5008 : i32
      %broadcast_in_dim3A_542 = vector.broadcast %jit3A_541 : i32 to vector<16xi32>
      %select_n3A_543 = arith.select %and3A_538, %add3A_540, %broadcast_in_dim3A_542 : vector<16xi1>, vector<16xi32>
      %swap3A_544 = arith.constant 48 : index
      %swap3A_545 = tpu.vector_load %arg10[%swap3A_544] {strides = array<i32>} : memref<64xi32, #tpu.memory_space<vmem>>, vector<16xi32>,
      tpu.vector_store %arg10[%swap3A_544], %select_n3A_543 {strides = array<i32>} : memref<64xi32, #tpu.memory_space<vmem>>, vector<16xi32>,
      %lt3A_546 = arith.cmpi slt, %add3A_146, %select_n3A_81 : i32
      %convert_element_type3A_547 = arith.extui %lt3A_546 : i1 to i32
      %cond3A_548 = arith.constant 0 : i32
      %cond3A_549 = arith.cmpi ne, %convert_element_type3A_547, %cond3A_548 : i32
      scf.if %cond3A_549 {
        "tpu.region"() ({
          %run_scoped3A = tpu.sem_alloc : memref<!tpu.dma_semaphore, #tpu.memory_space<semaphore_mem>>
          %dma_start3A = arith.constant 0 : i32
          %dma_start3A_1375 = arith.constant 0 : i32
          %dma_start3A_1376 = tpu.memref_slice %arg6[%dma_start3A, %dma_start3A_1375] : memref<5009x256xf32, #tpu.memory_space<vmem_shared>> -> memref<5009x256xf32, #tpu.memory_space<vmem_shared>>
          tpu.enqueue_indirect_dma source(%arg7 : memref<64x256xf32, #tpu.memory_space<vmem>>) target(%dma_start3A_1376 : memref<5009x256xf32, #tpu.memory_space<vmem_shared>>) offsets(%arg10 : memref<64xi32, #tpu.memory_space<vmem>>) semaphore(%run_scoped3A : memref<!tpu.dma_semaphore, #tpu.memory_space<semaphore_mem>>) {add = true}
          %dma_wait3A = arith.constant 0 : i32
          %dma_wait3A_1377 = arith.constant 0 : i32
          %dma_wait3A_1378 = tpu.memref_slice %arg6[%dma_wait3A, %dma_wait3A_1377] : memref<5009x256xf32, #tpu.memory_space<vmem_shared>> -> memref<5009x256xf32, #tpu.memory_space<vmem_shared>>
          tpu.wait_indirect_dma semaphore(%run_scoped3A : memref<!tpu.dma_semaphore, #tpu.memory_space<semaphore_mem>>) src(%arg7 : memref<64x256xf32, #tpu.memory_space<vmem>>) dst(%dma_wait3A_1378 : memref<5009x256xf32, #tpu.memory_space<vmem_shared>>)
          tpu.yield
        }) : () -> ()
      } else {
      }
      %mul3A_550 = arith.constant 3 : i32
      %mul3A_551 = arith.muli %mul3A_550, %while3A_141 : i32
      %add3A_552 = arith.constant 1 : i32
      %add3A_553 = arith.addi %mul3A_551, %add3A_552 : i32
      %mul3A_554 = arith.constant 64 : i32
      %mul3A_555 = arith.muli %add3A_553, %mul3A_554 : i32
      %add3A_556 = arith.addi %squeeze3A, %mul3A_555 : i32
      %mul3A_557 = arith.constant 64 : i32
      %mul3A_558 = arith.muli %add3A_553, %mul3A_557 : i32
      %add3A_559 = arith.addi %squeeze3A, %mul3A_558 : i32
      %min3A_560 = arith.constant 159936 : i32
      %min3A_561 = arith.minsi %add3A_559, %min3A_560 : i32
      %lt3A_562 = arith.cmpi slt, %add3A_553, %select_n3A_81 : i32
      %convert_element_type3A_563 = arith.extui %lt3A_562 : i1 to i32
      %cond3A_564 = arith.constant 0 : i32
      %cond3A_565 = arith.cmpi ne, %convert_element_type3A_563, %cond3A_564 : i32
      scf.if %cond3A_565 {
        %dma_wait3A = arith.constant 0 : i32
        %dma_wait3A_1375 = tpu.memref_slice %arg2[%min3A_561, %dma_wait3A] : memref<160000x256xf32, #tpu.memory_space<hbm>> -> memref<64x256xf32, #tpu.memory_space<hbm>>
        %dma_wait3A_1376 = arith.constant 0 : i32
        %dma_wait3A_1377 = tpu.memref_slice %arg2[%min3A_561, %dma_wait3A_1376] : memref<160000x256xf32, #tpu.memory_space<hbm>> -> memref<64x256xf32, #tpu.memory_space<hbm>>
        tpu.wait_dma2 semaphore(%arg14 : memref<!tpu.dma_semaphore, #tpu.memory_space<semaphore_mem>>) src(%dma_wait3A_1377 : memref<64x256xf32, #tpu.memory_space<hbm>>) dst(%arg8 : memref<64x256xf32, #tpu.memory_space<vmem>>)
      } else {
      }
      %add3A_566 = arith.constant 3 : i32
      %add3A_567 = arith.addi %add3A_553, %add3A_566 : i32
      %sub3A_568 = arith.constant 1 : i32
      %sub3A_569 = arith.subi %add3A_567, %sub3A_568 : i32
      %lt3A_570 = arith.cmpi slt, %sub3A_569, %select_n3A_81 : i32
      %convert_element_type3A_571 = arith.extui %lt3A_570 : i1 to i32
      %cond3A_572 = arith.constant 0 : i32
      %cond3A_573 = arith.cmpi ne, %convert_element_type3A_571, %cond3A_572 : i32
      scf.if %cond3A_573 {
        %add3A_1375 = arith.constant 3 : i32
        %add3A_1376 = arith.addi %add3A_553, %add3A_1375 : i32
        %sub3A_1377 = arith.constant 1 : i32
        %sub3A_1378 = arith.subi %add3A_1376, %sub3A_1377 : i32
        %mul3A_1379 = arith.constant 64 : i32
        %mul3A_1380 = arith.muli %sub3A_1378, %mul3A_1379 : i32
        %add3A_1381 = arith.addi %squeeze3A, %mul3A_1380 : i32
        %min3A_1382 = arith.constant 159936 : i32
        %min3A_1383 = arith.minsi %add3A_1381, %min3A_1382 : i32
        %dma_start3A = arith.constant 0 : i32
        %dma_start3A_1384 = tpu.memref_slice %arg2[%min3A_1383, %dma_start3A] : memref<160000x256xf32, #tpu.memory_space<hbm>> -> memref<64x256xf32, #tpu.memory_space<hbm>>
        %dma_start3A_1385 = arith.constant 0 : i32
        %dma_start3A_1386 = tpu.memref_slice %arg2[%min3A_1383, %dma_start3A_1385] : memref<160000x256xf32, #tpu.memory_space<hbm>> -> memref<64x256xf32, #tpu.memory_space<hbm>>
        tpu.enqueue_dma source(%dma_start3A_1386 : memref<64x256xf32, #tpu.memory_space<hbm>>) target(%arg7 : memref<64x256xf32, #tpu.memory_space<vmem>>) target_semaphore(%arg13 : memref<!tpu.dma_semaphore, #tpu.memory_space<semaphore_mem>>)
      } else {
      }
      %add3A_574 = arith.constant 0 : i32
      %add3A_575 = arith.addi %min3A_561, %add3A_574 : i32
      %add3A_576 = vector.broadcast %add3A_575 : i32 to vector<16xi32>
      %add3A_577 = arith.addi %add3A_576, %iota3A : vector<16xi32>
      %broadcast_in_dim3A_578 = arith.constant 0 : i32
      %broadcast_in_dim3A_579 = vector.broadcast %broadcast_in_dim3A_578 : i32 to vector<16xi32>
      %add3A_580 = vector.broadcast %sub3A_28 : i32 to vector<16xi32>
      %add3A_581 = arith.addi %add3A_580, %broadcast_in_dim3A_579 : vector<16xi32>
      %broadcast_in_dim3A_582 = arith.constant 0 : i32
      %broadcast_in_dim3A_583 = vector.broadcast %broadcast_in_dim3A_582 : i32 to vector<16xi32>
      %add3A_584 = vector.broadcast %add3A_90 : i32 to vector<16xi32>
      %add3A_585 = arith.addi %add3A_584, %broadcast_in_dim3A_583 : vector<16xi32>
      %add3A_586 = arith.addi %add3A_581, %add3A_585 : vector<16xi32>
      %shift_right_arithmetic3A_587 = arith.constant 1 : i32
      %shift_right_arithmetic3A_588 = vector.broadcast %shift_right_arithmetic3A_587 : i32 to vector<16xi32>
      %shift_right_arithmetic3A_589 = arith.shrsi %add3A_586, %shift_right_arithmetic3A_588 : vector<16xi32>
      %gather3A_590 = tpu.vector_load_idx %arg5[%shift_right_arithmetic3A_589] : memref<336xi32, #tpu.memory_space<vmem>>[vector<16xi32>], vector<16xi32>,
      %le3A_591 = arith.cmpi sle, %gather3A_590, %add3A_577 : vector<16xi32>
      %select_n3A_592 = arith.select %le3A_591, %shift_right_arithmetic3A_589, %add3A_581 : vector<16xi1>, vector<16xi32>
      %select_n3A_593 = arith.select %le3A_591, %add3A_585, %shift_right_arithmetic3A_589 : vector<16xi1>, vector<16xi32>
      %add3A_594 = arith.addi %select_n3A_592, %select_n3A_593 : vector<16xi32>
      %shift_right_arithmetic3A_595 = arith.constant 1 : i32
      %shift_right_arithmetic3A_596 = vector.broadcast %shift_right_arithmetic3A_595 : i32 to vector<16xi32>
      %shift_right_arithmetic3A_597 = arith.shrsi %add3A_594, %shift_right_arithmetic3A_596 : vector<16xi32>
      %gather3A_598 = tpu.vector_load_idx %arg5[%shift_right_arithmetic3A_597] : memref<336xi32, #tpu.memory_space<vmem>>[vector<16xi32>], vector<16xi32>,
      %le3A_599 = arith.cmpi sle, %gather3A_598, %add3A_577 : vector<16xi32>
      %select_n3A_600 = arith.select %le3A_599, %shift_right_arithmetic3A_597, %select_n3A_592 : vector<16xi1>, vector<16xi32>
      %select_n3A_601 = arith.select %le3A_599, %select_n3A_593, %shift_right_arithmetic3A_597 : vector<16xi1>, vector<16xi32>
      %add3A_602 = arith.addi %select_n3A_600, %select_n3A_601 : vector<16xi32>
      %shift_right_arithmetic3A_603 = arith.constant 1 : i32
      %shift_right_arithmetic3A_604 = vector.broadcast %shift_right_arithmetic3A_603 : i32 to vector<16xi32>
      %shift_right_arithmetic3A_605 = arith.shrsi %add3A_602, %shift_right_arithmetic3A_604 : vector<16xi32>
      %gather3A_606 = tpu.vector_load_idx %arg5[%shift_right_arithmetic3A_605] : memref<336xi32, #tpu.memory_space<vmem>>[vector<16xi32>], vector<16xi32>,
      %le3A_607 = arith.cmpi sle, %gather3A_606, %add3A_577 : vector<16xi32>
      %select_n3A_608 = arith.select %le3A_607, %shift_right_arithmetic3A_605, %select_n3A_600 : vector<16xi1>, vector<16xi32>
      %select_n3A_609 = arith.select %le3A_607, %select_n3A_601, %shift_right_arithmetic3A_605 : vector<16xi1>, vector<16xi32>
      %add3A_610 = arith.addi %select_n3A_608, %select_n3A_609 : vector<16xi32>
      %shift_right_arithmetic3A_611 = arith.constant 1 : i32
      %shift_right_arithmetic3A_612 = vector.broadcast %shift_right_arithmetic3A_611 : i32 to vector<16xi32>
      %shift_right_arithmetic3A_613 = arith.shrsi %add3A_610, %shift_right_arithmetic3A_612 : vector<16xi32>
      %gather3A_614 = tpu.vector_load_idx %arg5[%shift_right_arithmetic3A_613] : memref<336xi32, #tpu.memory_space<vmem>>[vector<16xi32>], vector<16xi32>,
      %le3A_615 = arith.cmpi sle, %gather3A_614, %add3A_577 : vector<16xi32>
      %select_n3A_616 = arith.select %le3A_615, %shift_right_arithmetic3A_613, %select_n3A_608 : vector<16xi1>, vector<16xi32>
      %select_n3A_617 = arith.select %le3A_615, %select_n3A_609, %shift_right_arithmetic3A_613 : vector<16xi1>, vector<16xi32>
      %add3A_618 = arith.addi %select_n3A_616, %select_n3A_617 : vector<16xi32>
      %shift_right_arithmetic3A_619 = arith.constant 1 : i32
      %shift_right_arithmetic3A_620 = vector.broadcast %shift_right_arithmetic3A_619 : i32 to vector<16xi32>
      %shift_right_arithmetic3A_621 = arith.shrsi %add3A_618, %shift_right_arithmetic3A_620 : vector<16xi32>
      %gather3A_622 = tpu.vector_load_idx %arg5[%shift_right_arithmetic3A_621] : memref<336xi32, #tpu.memory_space<vmem>>[vector<16xi32>], vector<16xi32>,
      %le3A_623 = arith.cmpi sle, %gather3A_622, %add3A_577 : vector<16xi32>
      %select_n3A_624 = arith.select %le3A_623, %shift_right_arithmetic3A_621, %select_n3A_616 : vector<16xi1>, vector<16xi32>
      %select_n3A_625 = arith.select %le3A_623, %select_n3A_617, %shift_right_arithmetic3A_621 : vector<16xi1>, vector<16xi32>
      %add3A_626 = arith.addi %select_n3A_624, %select_n3A_625 : vector<16xi32>
      %shift_right_arithmetic3A_627 = arith.constant 1 : i32
      %shift_right_arithmetic3A_628 = vector.broadcast %shift_right_arithmetic3A_627 : i32 to vector<16xi32>
      %shift_right_arithmetic3A_629 = arith.shrsi %add3A_626, %shift_right_arithmetic3A_628 : vector<16xi32>
      %gather3A_630 = tpu.vector_load_idx %arg5[%shift_right_arithmetic3A_629] : memref<336xi32, #tpu.memory_space<vmem>>[vector<16xi32>], vector<16xi32>,
      %le3A_631 = arith.cmpi sle, %gather3A_630, %add3A_577 : vector<16xi32>
      %select_n3A_632 = arith.select %le3A_631, %shift_right_arithmetic3A_629, %select_n3A_624 : vector<16xi1>, vector<16xi32>
      %select_n3A_633 = arith.select %le3A_631, %select_n3A_625, %shift_right_arithmetic3A_629 : vector<16xi1>, vector<16xi32>
      %add3A_634 = arith.addi %select_n3A_632, %select_n3A_633 : vector<16xi32>
      %shift_right_arithmetic3A_635 = arith.constant 1 : i32
      %shift_right_arithmetic3A_636 = vector.broadcast %shift_right_arithmetic3A_635 : i32 to vector<16xi32>
      %shift_right_arithmetic3A_637 = arith.shrsi %add3A_634, %shift_right_arithmetic3A_636 : vector<16xi32>
      %gather3A_638 = tpu.vector_load_idx %arg5[%shift_right_arithmetic3A_637] : memref<336xi32, #tpu.memory_space<vmem>>[vector<16xi32>], vector<16xi32>,
      %le3A_639 = arith.cmpi sle, %gather3A_638, %add3A_577 : vector<16xi32>
      %select_n3A_640 = arith.select %le3A_639, %shift_right_arithmetic3A_637, %select_n3A_632 : vector<16xi1>, vector<16xi32>
      %select_n3A_641 = arith.select %le3A_639, %select_n3A_633, %shift_right_arithmetic3A_637 : vector<16xi1>, vector<16xi32>
      %add3A_642 = arith.addi %select_n3A_640, %select_n3A_641 : vector<16xi32>
      %shift_right_arithmetic3A_643 = arith.constant 1 : i32
      %shift_right_arithmetic3A_644 = vector.broadcast %shift_right_arithmetic3A_643 : i32 to vector<16xi32>
      %shift_right_arithmetic3A_645 = arith.shrsi %add3A_642, %shift_right_arithmetic3A_644 : vector<16xi32>
      %gather3A_646 = tpu.vector_load_idx %arg5[%shift_right_arithmetic3A_645] : memref<336xi32, #tpu.memory_space<vmem>>[vector<16xi32>], vector<16xi32>,
      %le3A_647 = arith.cmpi sle, %gather3A_646, %add3A_577 : vector<16xi32>
      %select_n3A_648 = arith.select %le3A_647, %shift_right_arithmetic3A_645, %select_n3A_640 : vector<16xi1>, vector<16xi32>
      %select_n3A_649 = arith.select %le3A_647, %select_n3A_641, %shift_right_arithmetic3A_645 : vector<16xi1>, vector<16xi32>
      %add3A_650 = arith.addi %select_n3A_648, %select_n3A_649 : vector<16xi32>
      %shift_right_arithmetic3A_651 = arith.constant 1 : i32
      %shift_right_arithmetic3A_652 = vector.broadcast %shift_right_arithmetic3A_651 : i32 to vector<16xi32>
      %shift_right_arithmetic3A_653 = arith.shrsi %add3A_650, %shift_right_arithmetic3A_652 : vector<16xi32>
      %gather3A_654 = tpu.vector_load_idx %arg5[%shift_right_arithmetic3A_653] : memref<336xi32, #tpu.memory_space<vmem>>[vector<16xi32>], vector<16xi32>,
      %le3A_655 = arith.cmpi sle, %gather3A_654, %add3A_577 : vector<16xi32>
      %select_n3A_656 = arith.select %le3A_655, %shift_right_arithmetic3A_653, %select_n3A_648 : vector<16xi1>, vector<16xi32>
      %select_n3A_657 = arith.select %le3A_655, %select_n3A_649, %shift_right_arithmetic3A_653 : vector<16xi1>, vector<16xi32>
      %ge3A_658 = vector.broadcast %add3A_556 : i32 to vector<16xi32>
      %ge3A_659 = arith.cmpi sge, %add3A_577, %ge3A_658 : vector<16xi32>
      %lt3A_660 = vector.broadcast %squeeze3A_54 : i32 to vector<16xi32>
      %lt3A_661 = arith.cmpi slt, %add3A_577, %lt3A_660 : vector<16xi32>
      %and3A_662 = arith.andi %ge3A_659, %lt3A_661 : vector<16xi1>
      %add3A_663 = vector.broadcast %sub3A_91 : i32 to vector<16xi32>
      %add3A_664 = arith.addi %select_n3A_656, %add3A_663 : vector<16xi32>
      %jit3A_665 = arith.constant 5008 : i32
      %broadcast_in_dim3A_666 = vector.broadcast %jit3A_665 : i32 to vector<16xi32>
      %select_n3A_667 = arith.select %and3A_662, %add3A_664, %broadcast_in_dim3A_666 : vector<16xi1>, vector<16xi32>
      %swap3A_668 = arith.constant 0 : index
      %swap3A_669 = tpu.vector_load %arg11[%swap3A_668] {strides = array<i32>} : memref<64xi32, #tpu.memory_space<vmem>>, vector<16xi32>,
      tpu.vector_store %arg11[%swap3A_668], %select_n3A_667 {strides = array<i32>} : memref<64xi32, #tpu.memory_space<vmem>>, vector<16xi32>,
      %add3A_670 = arith.constant 16 : i32
      %add3A_671 = arith.addi %min3A_561, %add3A_670 : i32
      %add3A_672 = vector.broadcast %add3A_671 : i32 to vector<16xi32>
      %add3A_673 = arith.addi %add3A_672, %iota3A : vector<16xi32>
      %broadcast_in_dim3A_674 = arith.constant 0 : i32
      %broadcast_in_dim3A_675 = vector.broadcast %broadcast_in_dim3A_674 : i32 to vector<16xi32>
      %add3A_676 = vector.broadcast %sub3A_28 : i32 to vector<16xi32>
      %add3A_677 = arith.addi %add3A_676, %broadcast_in_dim3A_675 : vector<16xi32>
      %broadcast_in_dim3A_678 = arith.constant 0 : i32
      %broadcast_in_dim3A_679 = vector.broadcast %broadcast_in_dim3A_678 : i32 to vector<16xi32>
      %add3A_680 = vector.broadcast %add3A_90 : i32 to vector<16xi32>
      %add3A_681 = arith.addi %add3A_680, %broadcast_in_dim3A_679 : vector<16xi32>
      %add3A_682 = arith.addi %add3A_677, %add3A_681 : vector<16xi32>
      %shift_right_arithmetic3A_683 = arith.constant 1 : i32
      %shift_right_arithmetic3A_684 = vector.broadcast %shift_right_arithmetic3A_683 : i32 to vector<16xi32>
      %shift_right_arithmetic3A_685 = arith.shrsi %add3A_682, %shift_right_arithmetic3A_684 : vector<16xi32>
      %gather3A_686 = tpu.vector_load_idx %arg5[%shift_right_arithmetic3A_685] : memref<336xi32, #tpu.memory_space<vmem>>[vector<16xi32>], vector<16xi32>,
      %le3A_687 = arith.cmpi sle, %gather3A_686, %add3A_673 : vector<16xi32>
      %select_n3A_688 = arith.select %le3A_687, %shift_right_arithmetic3A_685, %add3A_677 : vector<16xi1>, vector<16xi32>
      %select_n3A_689 = arith.select %le3A_687, %add3A_681, %shift_right_arithmetic3A_685 : vector<16xi1>, vector<16xi32>
      %add3A_690 = arith.addi %select_n3A_688, %select_n3A_689 : vector<16xi32>
      %shift_right_arithmetic3A_691 = arith.constant 1 : i32
      %shift_right_arithmetic3A_692 = vector.broadcast %shift_right_arithmetic3A_691 : i32 to vector<16xi32>
      %shift_right_arithmetic3A_693 = arith.shrsi %add3A_690, %shift_right_arithmetic3A_692 : vector<16xi32>
      %gather3A_694 = tpu.vector_load_idx %arg5[%shift_right_arithmetic3A_693] : memref<336xi32, #tpu.memory_space<vmem>>[vector<16xi32>], vector<16xi32>,
      %le3A_695 = arith.cmpi sle, %gather3A_694, %add3A_673 : vector<16xi32>
      %select_n3A_696 = arith.select %le3A_695, %shift_right_arithmetic3A_693, %select_n3A_688 : vector<16xi1>, vector<16xi32>
      %select_n3A_697 = arith.select %le3A_695, %select_n3A_689, %shift_right_arithmetic3A_693 : vector<16xi1>, vector<16xi32>
      %add3A_698 = arith.addi %select_n3A_696, %select_n3A_697 : vector<16xi32>
      %shift_right_arithmetic3A_699 = arith.constant 1 : i32
      %shift_right_arithmetic3A_700 = vector.broadcast %shift_right_arithmetic3A_699 : i32 to vector<16xi32>
      %shift_right_arithmetic3A_701 = arith.shrsi %add3A_698, %shift_right_arithmetic3A_700 : vector<16xi32>
      %gather3A_702 = tpu.vector_load_idx %arg5[%shift_right_arithmetic3A_701] : memref<336xi32, #tpu.memory_space<vmem>>[vector<16xi32>], vector<16xi32>,
      %le3A_703 = arith.cmpi sle, %gather3A_702, %add3A_673 : vector<16xi32>
      %select_n3A_704 = arith.select %le3A_703, %shift_right_arithmetic3A_701, %select_n3A_696 : vector<16xi1>, vector<16xi32>
      %select_n3A_705 = arith.select %le3A_703, %select_n3A_697, %shift_right_arithmetic3A_701 : vector<16xi1>, vector<16xi32>
      %add3A_706 = arith.addi %select_n3A_704, %select_n3A_705 : vector<16xi32>
      %shift_right_arithmetic3A_707 = arith.constant 1 : i32
      %shift_right_arithmetic3A_708 = vector.broadcast %shift_right_arithmetic3A_707 : i32 to vector<16xi32>
      %shift_right_arithmetic3A_709 = arith.shrsi %add3A_706, %shift_right_arithmetic3A_708 : vector<16xi32>
      %gather3A_710 = tpu.vector_load_idx %arg5[%shift_right_arithmetic3A_709] : memref<336xi32, #tpu.memory_space<vmem>>[vector<16xi32>], vector<16xi32>,
      %le3A_711 = arith.cmpi sle, %gather3A_710, %add3A_673 : vector<16xi32>
      %select_n3A_712 = arith.select %le3A_711, %shift_right_arithmetic3A_709, %select_n3A_704 : vector<16xi1>, vector<16xi32>
      %select_n3A_713 = arith.select %le3A_711, %select_n3A_705, %shift_right_arithmetic3A_709 : vector<16xi1>, vector<16xi32>
      %add3A_714 = arith.addi %select_n3A_712, %select_n3A_713 : vector<16xi32>
      %shift_right_arithmetic3A_715 = arith.constant 1 : i32
      %shift_right_arithmetic3A_716 = vector.broadcast %shift_right_arithmetic3A_715 : i32 to vector<16xi32>
      %shift_right_arithmetic3A_717 = arith.shrsi %add3A_714, %shift_right_arithmetic3A_716 : vector<16xi32>
      %gather3A_718 = tpu.vector_load_idx %arg5[%shift_right_arithmetic3A_717] : memref<336xi32, #tpu.memory_space<vmem>>[vector<16xi32>], vector<16xi32>,
      %le3A_719 = arith.cmpi sle, %gather3A_718, %add3A_673 : vector<16xi32>
      %select_n3A_720 = arith.select %le3A_719, %shift_right_arithmetic3A_717, %select_n3A_712 : vector<16xi1>, vector<16xi32>
      %select_n3A_721 = arith.select %le3A_719, %select_n3A_713, %shift_right_arithmetic3A_717 : vector<16xi1>, vector<16xi32>
      %add3A_722 = arith.addi %select_n3A_720, %select_n3A_721 : vector<16xi32>
      %shift_right_arithmetic3A_723 = arith.constant 1 : i32
      %shift_right_arithmetic3A_724 = vector.broadcast %shift_right_arithmetic3A_723 : i32 to vector<16xi32>
      %shift_right_arithmetic3A_725 = arith.shrsi %add3A_722, %shift_right_arithmetic3A_724 : vector<16xi32>
      %gather3A_726 = tpu.vector_load_idx %arg5[%shift_right_arithmetic3A_725] : memref<336xi32, #tpu.memory_space<vmem>>[vector<16xi32>], vector<16xi32>,
      %le3A_727 = arith.cmpi sle, %gather3A_726, %add3A_673 : vector<16xi32>
      %select_n3A_728 = arith.select %le3A_727, %shift_right_arithmetic3A_725, %select_n3A_720 : vector<16xi1>, vector<16xi32>
      %select_n3A_729 = arith.select %le3A_727, %select_n3A_721, %shift_right_arithmetic3A_725 : vector<16xi1>, vector<16xi32>
      %add3A_730 = arith.addi %select_n3A_728, %select_n3A_729 : vector<16xi32>
      %shift_right_arithmetic3A_731 = arith.constant 1 : i32
      %shift_right_arithmetic3A_732 = vector.broadcast %shift_right_arithmetic3A_731 : i32 to vector<16xi32>
      %shift_right_arithmetic3A_733 = arith.shrsi %add3A_730, %shift_right_arithmetic3A_732 : vector<16xi32>
      %gather3A_734 = tpu.vector_load_idx %arg5[%shift_right_arithmetic3A_733] : memref<336xi32, #tpu.memory_space<vmem>>[vector<16xi32>], vector<16xi32>,
      %le3A_735 = arith.cmpi sle, %gather3A_734, %add3A_673 : vector<16xi32>
      %select_n3A_736 = arith.select %le3A_735, %shift_right_arithmetic3A_733, %select_n3A_728 : vector<16xi1>, vector<16xi32>
      %select_n3A_737 = arith.select %le3A_735, %select_n3A_729, %shift_right_arithmetic3A_733 : vector<16xi1>, vector<16xi32>
      %add3A_738 = arith.addi %select_n3A_736, %select_n3A_737 : vector<16xi32>
      %shift_right_arithmetic3A_739 = arith.constant 1 : i32
      %shift_right_arithmetic3A_740 = vector.broadcast %shift_right_arithmetic3A_739 : i32 to vector<16xi32>
      %shift_right_arithmetic3A_741 = arith.shrsi %add3A_738, %shift_right_arithmetic3A_740 : vector<16xi32>
      %gather3A_742 = tpu.vector_load_idx %arg5[%shift_right_arithmetic3A_741] : memref<336xi32, #tpu.memory_space<vmem>>[vector<16xi32>], vector<16xi32>,
      %le3A_743 = arith.cmpi sle, %gather3A_742, %add3A_673 : vector<16xi32>
      %select_n3A_744 = arith.select %le3A_743, %shift_right_arithmetic3A_741, %select_n3A_736 : vector<16xi1>, vector<16xi32>
      %select_n3A_745 = arith.select %le3A_743, %select_n3A_737, %shift_right_arithmetic3A_741 : vector<16xi1>, vector<16xi32>
      %add3A_746 = arith.addi %select_n3A_744, %select_n3A_745 : vector<16xi32>
      %shift_right_arithmetic3A_747 = arith.constant 1 : i32
      %shift_right_arithmetic3A_748 = vector.broadcast %shift_right_arithmetic3A_747 : i32 to vector<16xi32>
      %shift_right_arithmetic3A_749 = arith.shrsi %add3A_746, %shift_right_arithmetic3A_748 : vector<16xi32>
      %gather3A_750 = tpu.vector_load_idx %arg5[%shift_right_arithmetic3A_749] : memref<336xi32, #tpu.memory_space<vmem>>[vector<16xi32>], vector<16xi32>,
      %le3A_751 = arith.cmpi sle, %gather3A_750, %add3A_673 : vector<16xi32>
      %select_n3A_752 = arith.select %le3A_751, %shift_right_arithmetic3A_749, %select_n3A_744 : vector<16xi1>, vector<16xi32>
      %select_n3A_753 = arith.select %le3A_751, %select_n3A_745, %shift_right_arithmetic3A_749 : vector<16xi1>, vector<16xi32>
      %ge3A_754 = vector.broadcast %add3A_556 : i32 to vector<16xi32>
      %ge3A_755 = arith.cmpi sge, %add3A_673, %ge3A_754 : vector<16xi32>
      %lt3A_756 = vector.broadcast %squeeze3A_54 : i32 to vector<16xi32>
      %lt3A_757 = arith.cmpi slt, %add3A_673, %lt3A_756 : vector<16xi32>
      %and3A_758 = arith.andi %ge3A_755, %lt3A_757 : vector<16xi1>
      %add3A_759 = vector.broadcast %sub3A_91 : i32 to vector<16xi32>
      %add3A_760 = arith.addi %select_n3A_752, %add3A_759 : vector<16xi32>
      %jit3A_761 = arith.constant 5008 : i32
      %broadcast_in_dim3A_762 = vector.broadcast %jit3A_761 : i32 to vector<16xi32>
      %select_n3A_763 = arith.select %and3A_758, %add3A_760, %broadcast_in_dim3A_762 : vector<16xi1>, vector<16xi32>
      %swap3A_764 = arith.constant 16 : index
      %swap3A_765 = tpu.vector_load %arg11[%swap3A_764] {strides = array<i32>} : memref<64xi32, #tpu.memory_space<vmem>>, vector<16xi32>,
      tpu.vector_store %arg11[%swap3A_764], %select_n3A_763 {strides = array<i32>} : memref<64xi32, #tpu.memory_space<vmem>>, vector<16xi32>,
      %add3A_766 = arith.constant 32 : i32
      %add3A_767 = arith.addi %min3A_561, %add3A_766 : i32
      %add3A_768 = vector.broadcast %add3A_767 : i32 to vector<16xi32>
      %add3A_769 = arith.addi %add3A_768, %iota3A : vector<16xi32>
      %broadcast_in_dim3A_770 = arith.constant 0 : i32
      %broadcast_in_dim3A_771 = vector.broadcast %broadcast_in_dim3A_770 : i32 to vector<16xi32>
      %add3A_772 = vector.broadcast %sub3A_28 : i32 to vector<16xi32>
      %add3A_773 = arith.addi %add3A_772, %broadcast_in_dim3A_771 : vector<16xi32>
      %broadcast_in_dim3A_774 = arith.constant 0 : i32
      %broadcast_in_dim3A_775 = vector.broadcast %broadcast_in_dim3A_774 : i32 to vector<16xi32>
      %add3A_776 = vector.broadcast %add3A_90 : i32 to vector<16xi32>
      %add3A_777 = arith.addi %add3A_776, %broadcast_in_dim3A_775 : vector<16xi32>
      %add3A_778 = arith.addi %add3A_773, %add3A_777 : vector<16xi32>
      %shift_right_arithmetic3A_779 = arith.constant 1 : i32
      %shift_right_arithmetic3A_780 = vector.broadcast %shift_right_arithmetic3A_779 : i32 to vector<16xi32>
      %shift_right_arithmetic3A_781 = arith.shrsi %add3A_778, %shift_right_arithmetic3A_780 : vector<16xi32>
      %gather3A_782 = tpu.vector_load_idx %arg5[%shift_right_arithmetic3A_781] : memref<336xi32, #tpu.memory_space<vmem>>[vector<16xi32>], vector<16xi32>,
      %le3A_783 = arith.cmpi sle, %gather3A_782, %add3A_769 : vector<16xi32>
      %select_n3A_784 = arith.select %le3A_783, %shift_right_arithmetic3A_781, %add3A_773 : vector<16xi1>, vector<16xi32>
      %select_n3A_785 = arith.select %le3A_783, %add3A_777, %shift_right_arithmetic3A_781 : vector<16xi1>, vector<16xi32>
      %add3A_786 = arith.addi %select_n3A_784, %select_n3A_785 : vector<16xi32>
      %shift_right_arithmetic3A_787 = arith.constant 1 : i32
      %shift_right_arithmetic3A_788 = vector.broadcast %shift_right_arithmetic3A_787 : i32 to vector<16xi32>
      %shift_right_arithmetic3A_789 = arith.shrsi %add3A_786, %shift_right_arithmetic3A_788 : vector<16xi32>
      %gather3A_790 = tpu.vector_load_idx %arg5[%shift_right_arithmetic3A_789] : memref<336xi32, #tpu.memory_space<vmem>>[vector<16xi32>], vector<16xi32>,
      %le3A_791 = arith.cmpi sle, %gather3A_790, %add3A_769 : vector<16xi32>
      %select_n3A_792 = arith.select %le3A_791, %shift_right_arithmetic3A_789, %select_n3A_784 : vector<16xi1>, vector<16xi32>
      %select_n3A_793 = arith.select %le3A_791, %select_n3A_785, %shift_right_arithmetic3A_789 : vector<16xi1>, vector<16xi32>
      %add3A_794 = arith.addi %select_n3A_792, %select_n3A_793 : vector<16xi32>
      %shift_right_arithmetic3A_795 = arith.constant 1 : i32
      %shift_right_arithmetic3A_796 = vector.broadcast %shift_right_arithmetic3A_795 : i32 to vector<16xi32>
      %shift_right_arithmetic3A_797 = arith.shrsi %add3A_794, %shift_right_arithmetic3A_796 : vector<16xi32>
      %gather3A_798 = tpu.vector_load_idx %arg5[%shift_right_arithmetic3A_797] : memref<336xi32, #tpu.memory_space<vmem>>[vector<16xi32>], vector<16xi32>,
      %le3A_799 = arith.cmpi sle, %gather3A_798, %add3A_769 : vector<16xi32>
      %select_n3A_800 = arith.select %le3A_799, %shift_right_arithmetic3A_797, %select_n3A_792 : vector<16xi1>, vector<16xi32>
      %select_n3A_801 = arith.select %le3A_799, %select_n3A_793, %shift_right_arithmetic3A_797 : vector<16xi1>, vector<16xi32>
      %add3A_802 = arith.addi %select_n3A_800, %select_n3A_801 : vector<16xi32>
      %shift_right_arithmetic3A_803 = arith.constant 1 : i32
      %shift_right_arithmetic3A_804 = vector.broadcast %shift_right_arithmetic3A_803 : i32 to vector<16xi32>
      %shift_right_arithmetic3A_805 = arith.shrsi %add3A_802, %shift_right_arithmetic3A_804 : vector<16xi32>
      %gather3A_806 = tpu.vector_load_idx %arg5[%shift_right_arithmetic3A_805] : memref<336xi32, #tpu.memory_space<vmem>>[vector<16xi32>], vector<16xi32>,
      %le3A_807 = arith.cmpi sle, %gather3A_806, %add3A_769 : vector<16xi32>
      %select_n3A_808 = arith.select %le3A_807, %shift_right_arithmetic3A_805, %select_n3A_800 : vector<16xi1>, vector<16xi32>
      %select_n3A_809 = arith.select %le3A_807, %select_n3A_801, %shift_right_arithmetic3A_805 : vector<16xi1>, vector<16xi32>
      %add3A_810 = arith.addi %select_n3A_808, %select_n3A_809 : vector<16xi32>
      %shift_right_arithmetic3A_811 = arith.constant 1 : i32
      %shift_right_arithmetic3A_812 = vector.broadcast %shift_right_arithmetic3A_811 : i32 to vector<16xi32>
      %shift_right_arithmetic3A_813 = arith.shrsi %add3A_810, %shift_right_arithmetic3A_812 : vector<16xi32>
      %gather3A_814 = tpu.vector_load_idx %arg5[%shift_right_arithmetic3A_813] : memref<336xi32, #tpu.memory_space<vmem>>[vector<16xi32>], vector<16xi32>,
      %le3A_815 = arith.cmpi sle, %gather3A_814, %add3A_769 : vector<16xi32>
      %select_n3A_816 = arith.select %le3A_815, %shift_right_arithmetic3A_813, %select_n3A_808 : vector<16xi1>, vector<16xi32>
      %select_n3A_817 = arith.select %le3A_815, %select_n3A_809, %shift_right_arithmetic3A_813 : vector<16xi1>, vector<16xi32>
      %add3A_818 = arith.addi %select_n3A_816, %select_n3A_817 : vector<16xi32>
      %shift_right_arithmetic3A_819 = arith.constant 1 : i32
      %shift_right_arithmetic3A_820 = vector.broadcast %shift_right_arithmetic3A_819 : i32 to vector<16xi32>
      %shift_right_arithmetic3A_821 = arith.shrsi %add3A_818, %shift_right_arithmetic3A_820 : vector<16xi32>
      %gather3A_822 = tpu.vector_load_idx %arg5[%shift_right_arithmetic3A_821] : memref<336xi32, #tpu.memory_space<vmem>>[vector<16xi32>], vector<16xi32>,
      %le3A_823 = arith.cmpi sle, %gather3A_822, %add3A_769 : vector<16xi32>
      %select_n3A_824 = arith.select %le3A_823, %shift_right_arithmetic3A_821, %select_n3A_816 : vector<16xi1>, vector<16xi32>
      %select_n3A_825 = arith.select %le3A_823, %select_n3A_817, %shift_right_arithmetic3A_821 : vector<16xi1>, vector<16xi32>
      %add3A_826 = arith.addi %select_n3A_824, %select_n3A_825 : vector<16xi32>
      %shift_right_arithmetic3A_827 = arith.constant 1 : i32
      %shift_right_arithmetic3A_828 = vector.broadcast %shift_right_arithmetic3A_827 : i32 to vector<16xi32>
      %shift_right_arithmetic3A_829 = arith.shrsi %add3A_826, %shift_right_arithmetic3A_828 : vector<16xi32>
      %gather3A_830 = tpu.vector_load_idx %arg5[%shift_right_arithmetic3A_829] : memref<336xi32, #tpu.memory_space<vmem>>[vector<16xi32>], vector<16xi32>,
      %le3A_831 = arith.cmpi sle, %gather3A_830, %add3A_769 : vector<16xi32>
      %select_n3A_832 = arith.select %le3A_831, %shift_right_arithmetic3A_829, %select_n3A_824 : vector<16xi1>, vector<16xi32>
      %select_n3A_833 = arith.select %le3A_831, %select_n3A_825, %shift_right_arithmetic3A_829 : vector<16xi1>, vector<16xi32>
      %add3A_834 = arith.addi %select_n3A_832, %select_n3A_833 : vector<16xi32>
      %shift_right_arithmetic3A_835 = arith.constant 1 : i32
      %shift_right_arithmetic3A_836 = vector.broadcast %shift_right_arithmetic3A_835 : i32 to vector<16xi32>
      %shift_right_arithmetic3A_837 = arith.shrsi %add3A_834, %shift_right_arithmetic3A_836 : vector<16xi32>
      %gather3A_838 = tpu.vector_load_idx %arg5[%shift_right_arithmetic3A_837] : memref<336xi32, #tpu.memory_space<vmem>>[vector<16xi32>], vector<16xi32>,
      %le3A_839 = arith.cmpi sle, %gather3A_838, %add3A_769 : vector<16xi32>
      %select_n3A_840 = arith.select %le3A_839, %shift_right_arithmetic3A_837, %select_n3A_832 : vector<16xi1>, vector<16xi32>
      %select_n3A_841 = arith.select %le3A_839, %select_n3A_833, %shift_right_arithmetic3A_837 : vector<16xi1>, vector<16xi32>
      %add3A_842 = arith.addi %select_n3A_840, %select_n3A_841 : vector<16xi32>
      %shift_right_arithmetic3A_843 = arith.constant 1 : i32
      %shift_right_arithmetic3A_844 = vector.broadcast %shift_right_arithmetic3A_843 : i32 to vector<16xi32>
      %shift_right_arithmetic3A_845 = arith.shrsi %add3A_842, %shift_right_arithmetic3A_844 : vector<16xi32>
      %gather3A_846 = tpu.vector_load_idx %arg5[%shift_right_arithmetic3A_845] : memref<336xi32, #tpu.memory_space<vmem>>[vector<16xi32>], vector<16xi32>,
      %le3A_847 = arith.cmpi sle, %gather3A_846, %add3A_769 : vector<16xi32>
      %select_n3A_848 = arith.select %le3A_847, %shift_right_arithmetic3A_845, %select_n3A_840 : vector<16xi1>, vector<16xi32>
      %select_n3A_849 = arith.select %le3A_847, %select_n3A_841, %shift_right_arithmetic3A_845 : vector<16xi1>, vector<16xi32>
      %ge3A_850 = vector.broadcast %add3A_556 : i32 to vector<16xi32>
      %ge3A_851 = arith.cmpi sge, %add3A_769, %ge3A_850 : vector<16xi32>
      %lt3A_852 = vector.broadcast %squeeze3A_54 : i32 to vector<16xi32>
      %lt3A_853 = arith.cmpi slt, %add3A_769, %lt3A_852 : vector<16xi32>
      %and3A_854 = arith.andi %ge3A_851, %lt3A_853 : vector<16xi1>
      %add3A_855 = vector.broadcast %sub3A_91 : i32 to vector<16xi32>
      %add3A_856 = arith.addi %select_n3A_848, %add3A_855 : vector<16xi32>
      %jit3A_857 = arith.constant 5008 : i32
      %broadcast_in_dim3A_858 = vector.broadcast %jit3A_857 : i32 to vector<16xi32>
      %select_n3A_859 = arith.select %and3A_854, %add3A_856, %broadcast_in_dim3A_858 : vector<16xi1>, vector<16xi32>
      %swap3A_860 = arith.constant 32 : index
      %swap3A_861 = tpu.vector_load %arg11[%swap3A_860] {strides = array<i32>} : memref<64xi32, #tpu.memory_space<vmem>>, vector<16xi32>,
      tpu.vector_store %arg11[%swap3A_860], %select_n3A_859 {strides = array<i32>} : memref<64xi32, #tpu.memory_space<vmem>>, vector<16xi32>,
      %add3A_862 = arith.constant 48 : i32
      %add3A_863 = arith.addi %min3A_561, %add3A_862 : i32
      %add3A_864 = vector.broadcast %add3A_863 : i32 to vector<16xi32>
      %add3A_865 = arith.addi %add3A_864, %iota3A : vector<16xi32>
      %broadcast_in_dim3A_866 = arith.constant 0 : i32
      %broadcast_in_dim3A_867 = vector.broadcast %broadcast_in_dim3A_866 : i32 to vector<16xi32>
      %add3A_868 = vector.broadcast %sub3A_28 : i32 to vector<16xi32>
      %add3A_869 = arith.addi %add3A_868, %broadcast_in_dim3A_867 : vector<16xi32>
      %broadcast_in_dim3A_870 = arith.constant 0 : i32
      %broadcast_in_dim3A_871 = vector.broadcast %broadcast_in_dim3A_870 : i32 to vector<16xi32>
      %add3A_872 = vector.broadcast %add3A_90 : i32 to vector<16xi32>
      %add3A_873 = arith.addi %add3A_872, %broadcast_in_dim3A_871 : vector<16xi32>
      %add3A_874 = arith.addi %add3A_869, %add3A_873 : vector<16xi32>
      %shift_right_arithmetic3A_875 = arith.constant 1 : i32
      %shift_right_arithmetic3A_876 = vector.broadcast %shift_right_arithmetic3A_875 : i32 to vector<16xi32>
      %shift_right_arithmetic3A_877 = arith.shrsi %add3A_874, %shift_right_arithmetic3A_876 : vector<16xi32>
      %gather3A_878 = tpu.vector_load_idx %arg5[%shift_right_arithmetic3A_877] : memref<336xi32, #tpu.memory_space<vmem>>[vector<16xi32>], vector<16xi32>,
      %le3A_879 = arith.cmpi sle, %gather3A_878, %add3A_865 : vector<16xi32>
      %select_n3A_880 = arith.select %le3A_879, %shift_right_arithmetic3A_877, %add3A_869 : vector<16xi1>, vector<16xi32>
      %select_n3A_881 = arith.select %le3A_879, %add3A_873, %shift_right_arithmetic3A_877 : vector<16xi1>, vector<16xi32>
      %add3A_882 = arith.addi %select_n3A_880, %select_n3A_881 : vector<16xi32>
      %shift_right_arithmetic3A_883 = arith.constant 1 : i32
      %shift_right_arithmetic3A_884 = vector.broadcast %shift_right_arithmetic3A_883 : i32 to vector<16xi32>
      %shift_right_arithmetic3A_885 = arith.shrsi %add3A_882, %shift_right_arithmetic3A_884 : vector<16xi32>
      %gather3A_886 = tpu.vector_load_idx %arg5[%shift_right_arithmetic3A_885] : memref<336xi32, #tpu.memory_space<vmem>>[vector<16xi32>], vector<16xi32>,
      %le3A_887 = arith.cmpi sle, %gather3A_886, %add3A_865 : vector<16xi32>
      %select_n3A_888 = arith.select %le3A_887, %shift_right_arithmetic3A_885, %select_n3A_880 : vector<16xi1>, vector<16xi32>
      %select_n3A_889 = arith.select %le3A_887, %select_n3A_881, %shift_right_arithmetic3A_885 : vector<16xi1>, vector<16xi32>
      %add3A_890 = arith.addi %select_n3A_888, %select_n3A_889 : vector<16xi32>
      %shift_right_arithmetic3A_891 = arith.constant 1 : i32
      %shift_right_arithmetic3A_892 = vector.broadcast %shift_right_arithmetic3A_891 : i32 to vector<16xi32>
      %shift_right_arithmetic3A_893 = arith.shrsi %add3A_890, %shift_right_arithmetic3A_892 : vector<16xi32>
      %gather3A_894 = tpu.vector_load_idx %arg5[%shift_right_arithmetic3A_893] : memref<336xi32, #tpu.memory_space<vmem>>[vector<16xi32>], vector<16xi32>,
      %le3A_895 = arith.cmpi sle, %gather3A_894, %add3A_865 : vector<16xi32>
      %select_n3A_896 = arith.select %le3A_895, %shift_right_arithmetic3A_893, %select_n3A_888 : vector<16xi1>, vector<16xi32>
      %select_n3A_897 = arith.select %le3A_895, %select_n3A_889, %shift_right_arithmetic3A_893 : vector<16xi1>, vector<16xi32>
      %add3A_898 = arith.addi %select_n3A_896, %select_n3A_897 : vector<16xi32>
      %shift_right_arithmetic3A_899 = arith.constant 1 : i32
      %shift_right_arithmetic3A_900 = vector.broadcast %shift_right_arithmetic3A_899 : i32 to vector<16xi32>
      %shift_right_arithmetic3A_901 = arith.shrsi %add3A_898, %shift_right_arithmetic3A_900 : vector<16xi32>
      %gather3A_902 = tpu.vector_load_idx %arg5[%shift_right_arithmetic3A_901] : memref<336xi32, #tpu.memory_space<vmem>>[vector<16xi32>], vector<16xi32>,
      %le3A_903 = arith.cmpi sle, %gather3A_902, %add3A_865 : vector<16xi32>
      %select_n3A_904 = arith.select %le3A_903, %shift_right_arithmetic3A_901, %select_n3A_896 : vector<16xi1>, vector<16xi32>
      %select_n3A_905 = arith.select %le3A_903, %select_n3A_897, %shift_right_arithmetic3A_901 : vector<16xi1>, vector<16xi32>
      %add3A_906 = arith.addi %select_n3A_904, %select_n3A_905 : vector<16xi32>
      %shift_right_arithmetic3A_907 = arith.constant 1 : i32
      %shift_right_arithmetic3A_908 = vector.broadcast %shift_right_arithmetic3A_907 : i32 to vector<16xi32>
      %shift_right_arithmetic3A_909 = arith.shrsi %add3A_906, %shift_right_arithmetic3A_908 : vector<16xi32>
      %gather3A_910 = tpu.vector_load_idx %arg5[%shift_right_arithmetic3A_909] : memref<336xi32, #tpu.memory_space<vmem>>[vector<16xi32>], vector<16xi32>,
      %le3A_911 = arith.cmpi sle, %gather3A_910, %add3A_865 : vector<16xi32>
      %select_n3A_912 = arith.select %le3A_911, %shift_right_arithmetic3A_909, %select_n3A_904 : vector<16xi1>, vector<16xi32>
      %select_n3A_913 = arith.select %le3A_911, %select_n3A_905, %shift_right_arithmetic3A_909 : vector<16xi1>, vector<16xi32>
      %add3A_914 = arith.addi %select_n3A_912, %select_n3A_913 : vector<16xi32>
      %shift_right_arithmetic3A_915 = arith.constant 1 : i32
      %shift_right_arithmetic3A_916 = vector.broadcast %shift_right_arithmetic3A_915 : i32 to vector<16xi32>
      %shift_right_arithmetic3A_917 = arith.shrsi %add3A_914, %shift_right_arithmetic3A_916 : vector<16xi32>
      %gather3A_918 = tpu.vector_load_idx %arg5[%shift_right_arithmetic3A_917] : memref<336xi32, #tpu.memory_space<vmem>>[vector<16xi32>], vector<16xi32>,
      %le3A_919 = arith.cmpi sle, %gather3A_918, %add3A_865 : vector<16xi32>
      %select_n3A_920 = arith.select %le3A_919, %shift_right_arithmetic3A_917, %select_n3A_912 : vector<16xi1>, vector<16xi32>
      %select_n3A_921 = arith.select %le3A_919, %select_n3A_913, %shift_right_arithmetic3A_917 : vector<16xi1>, vector<16xi32>
      %add3A_922 = arith.addi %select_n3A_920, %select_n3A_921 : vector<16xi32>
      %shift_right_arithmetic3A_923 = arith.constant 1 : i32
      %shift_right_arithmetic3A_924 = vector.broadcast %shift_right_arithmetic3A_923 : i32 to vector<16xi32>
      %shift_right_arithmetic3A_925 = arith.shrsi %add3A_922, %shift_right_arithmetic3A_924 : vector<16xi32>
      %gather3A_926 = tpu.vector_load_idx %arg5[%shift_right_arithmetic3A_925] : memref<336xi32, #tpu.memory_space<vmem>>[vector<16xi32>], vector<16xi32>,
      %le3A_927 = arith.cmpi sle, %gather3A_926, %add3A_865 : vector<16xi32>
      %select_n3A_928 = arith.select %le3A_927, %shift_right_arithmetic3A_925, %select_n3A_920 : vector<16xi1>, vector<16xi32>
      %select_n3A_929 = arith.select %le3A_927, %select_n3A_921, %shift_right_arithmetic3A_925 : vector<16xi1>, vector<16xi32>
      %add3A_930 = arith.addi %select_n3A_928, %select_n3A_929 : vector<16xi32>
      %shift_right_arithmetic3A_931 = arith.constant 1 : i32
      %shift_right_arithmetic3A_932 = vector.broadcast %shift_right_arithmetic3A_931 : i32 to vector<16xi32>
      %shift_right_arithmetic3A_933 = arith.shrsi %add3A_930, %shift_right_arithmetic3A_932 : vector<16xi32>
      %gather3A_934 = tpu.vector_load_idx %arg5[%shift_right_arithmetic3A_933] : memref<336xi32, #tpu.memory_space<vmem>>[vector<16xi32>], vector<16xi32>,
      %le3A_935 = arith.cmpi sle, %gather3A_934, %add3A_865 : vector<16xi32>
      %select_n3A_936 = arith.select %le3A_935, %shift_right_arithmetic3A_933, %select_n3A_928 : vector<16xi1>, vector<16xi32>
      %select_n3A_937 = arith.select %le3A_935, %select_n3A_929, %shift_right_arithmetic3A_933 : vector<16xi1>, vector<16xi32>
      %add3A_938 = arith.addi %select_n3A_936, %select_n3A_937 : vector<16xi32>
      %shift_right_arithmetic3A_939 = arith.constant 1 : i32
      %shift_right_arithmetic3A_940 = vector.broadcast %shift_right_arithmetic3A_939 : i32 to vector<16xi32>
      %shift_right_arithmetic3A_941 = arith.shrsi %add3A_938, %shift_right_arithmetic3A_940 : vector<16xi32>
      %gather3A_942 = tpu.vector_load_idx %arg5[%shift_right_arithmetic3A_941] : memref<336xi32, #tpu.memory_space<vmem>>[vector<16xi32>], vector<16xi32>,
      %le3A_943 = arith.cmpi sle, %gather3A_942, %add3A_865 : vector<16xi32>
      %select_n3A_944 = arith.select %le3A_943, %shift_right_arithmetic3A_941, %select_n3A_936 : vector<16xi1>, vector<16xi32>
      %select_n3A_945 = arith.select %le3A_943, %select_n3A_937, %shift_right_arithmetic3A_941 : vector<16xi1>, vector<16xi32>
      %ge3A_946 = vector.broadcast %add3A_556 : i32 to vector<16xi32>
      %ge3A_947 = arith.cmpi sge, %add3A_865, %ge3A_946 : vector<16xi32>
      %lt3A_948 = vector.broadcast %squeeze3A_54 : i32 to vector<16xi32>
      %lt3A_949 = arith.cmpi slt, %add3A_865, %lt3A_948 : vector<16xi32>
      %and3A_950 = arith.andi %ge3A_947, %lt3A_949 : vector<16xi1>
      %add3A_951 = vector.broadcast %sub3A_91 : i32 to vector<16xi32>
      %add3A_952 = arith.addi %select_n3A_944, %add3A_951 : vector<16xi32>
      %jit3A_953 = arith.constant 5008 : i32
      %broadcast_in_dim3A_954 = vector.broadcast %jit3A_953 : i32 to vector<16xi32>
      %select_n3A_955 = arith.select %and3A_950, %add3A_952, %broadcast_in_dim3A_954 : vector<16xi1>, vector<16xi32>
      %swap3A_956 = arith.constant 48 : index
      %swap3A_957 = tpu.vector_load %arg11[%swap3A_956] {strides = array<i32>} : memref<64xi32, #tpu.memory_space<vmem>>, vector<16xi32>,
      tpu.vector_store %arg11[%swap3A_956], %select_n3A_955 {strides = array<i32>} : memref<64xi32, #tpu.memory_space<vmem>>, vector<16xi32>,
      %lt3A_958 = arith.cmpi slt, %add3A_553, %select_n3A_81 : i32
      %convert_element_type3A_959 = arith.extui %lt3A_958 : i1 to i32
      %cond3A_960 = arith.constant 0 : i32
      %cond3A_961 = arith.cmpi ne, %convert_element_type3A_959, %cond3A_960 : i32
      scf.if %cond3A_961 {
        "tpu.region"() ({
          %run_scoped3A = tpu.sem_alloc : memref<!tpu.dma_semaphore, #tpu.memory_space<semaphore_mem>>
          %dma_start3A = arith.constant 0 : i32
          %dma_start3A_1375 = arith.constant 0 : i32
          %dma_start3A_1376 = tpu.memref_slice %arg6[%dma_start3A, %dma_start3A_1375] : memref<5009x256xf32, #tpu.memory_space<vmem_shared>> -> memref<5009x256xf32, #tpu.memory_space<vmem_shared>>
          tpu.enqueue_indirect_dma source(%arg8 : memref<64x256xf32, #tpu.memory_space<vmem>>) target(%dma_start3A_1376 : memref<5009x256xf32, #tpu.memory_space<vmem_shared>>) offsets(%arg11 : memref<64xi32, #tpu.memory_space<vmem>>) semaphore(%run_scoped3A : memref<!tpu.dma_semaphore, #tpu.memory_space<semaphore_mem>>) {add = true}
          %dma_wait3A = arith.constant 0 : i32
          %dma_wait3A_1377 = arith.constant 0 : i32
          %dma_wait3A_1378 = tpu.memref_slice %arg6[%dma_wait3A, %dma_wait3A_1377] : memref<5009x256xf32, #tpu.memory_space<vmem_shared>> -> memref<5009x256xf32, #tpu.memory_space<vmem_shared>>
          tpu.wait_indirect_dma semaphore(%run_scoped3A : memref<!tpu.dma_semaphore, #tpu.memory_space<semaphore_mem>>) src(%arg8 : memref<64x256xf32, #tpu.memory_space<vmem>>) dst(%dma_wait3A_1378 : memref<5009x256xf32, #tpu.memory_space<vmem_shared>>)
          tpu.yield
        }) : () -> ()
      } else {
      }
      %mul3A_962 = arith.constant 3 : i32
      %mul3A_963 = arith.muli %mul3A_962, %while3A_141 : i32
      %add3A_964 = arith.constant 2 : i32
      %add3A_965 = arith.addi %mul3A_963, %add3A_964 : i32
      %mul3A_966 = arith.constant 64 : i32
      %mul3A_967 = arith.muli %add3A_965, %mul3A_966 : i32
      %add3A_968 = arith.addi %squeeze3A, %mul3A_967 : i32
      %mul3A_969 = arith.constant 64 : i32
      %mul3A_970 = arith.muli %add3A_965, %mul3A_969 : i32
      %add3A_971 = arith.addi %squeeze3A, %mul3A_970 : i32
      %min3A_972 = arith.constant 159936 : i32
      %min3A_973 = arith.minsi %add3A_971, %min3A_972 : i32
      %lt3A_974 = arith.cmpi slt, %add3A_965, %select_n3A_81 : i32
      %convert_element_type3A_975 = arith.extui %lt3A_974 : i1 to i32
      %cond3A_976 = arith.constant 0 : i32
      %cond3A_977 = arith.cmpi ne, %convert_element_type3A_975, %cond3A_976 : i32
      scf.if %cond3A_977 {
        %dma_wait3A = arith.constant 0 : i32
        %dma_wait3A_1375 = tpu.memref_slice %arg2[%min3A_973, %dma_wait3A] : memref<160000x256xf32, #tpu.memory_space<hbm>> -> memref<64x256xf32, #tpu.memory_space<hbm>>
        %dma_wait3A_1376 = arith.constant 0 : i32
        %dma_wait3A_1377 = tpu.memref_slice %arg2[%min3A_973, %dma_wait3A_1376] : memref<160000x256xf32, #tpu.memory_space<hbm>> -> memref<64x256xf32, #tpu.memory_space<hbm>>
        tpu.wait_dma2 semaphore(%arg15 : memref<!tpu.dma_semaphore, #tpu.memory_space<semaphore_mem>>) src(%dma_wait3A_1377 : memref<64x256xf32, #tpu.memory_space<hbm>>) dst(%arg9 : memref<64x256xf32, #tpu.memory_space<vmem>>)
      } else {
      }
      %add3A_978 = arith.constant 3 : i32
      %add3A_979 = arith.addi %add3A_965, %add3A_978 : i32
      %sub3A_980 = arith.constant 1 : i32
      %sub3A_981 = arith.subi %add3A_979, %sub3A_980 : i32
      %lt3A_982 = arith.cmpi slt, %sub3A_981, %select_n3A_81 : i32
      %convert_element_type3A_983 = arith.extui %lt3A_982 : i1 to i32
      %cond3A_984 = arith.constant 0 : i32
      %cond3A_985 = arith.cmpi ne, %convert_element_type3A_983, %cond3A_984 : i32
      scf.if %cond3A_985 {
        %add3A_1375 = arith.constant 3 : i32
        %add3A_1376 = arith.addi %add3A_965, %add3A_1375 : i32
        %sub3A_1377 = arith.constant 1 : i32
        %sub3A_1378 = arith.subi %add3A_1376, %sub3A_1377 : i32
        %mul3A_1379 = arith.constant 64 : i32
        %mul3A_1380 = arith.muli %sub3A_1378, %mul3A_1379 : i32
        %add3A_1381 = arith.addi %squeeze3A, %mul3A_1380 : i32
        %min3A_1382 = arith.constant 159936 : i32
        %min3A_1383 = arith.minsi %add3A_1381, %min3A_1382 : i32
        %dma_start3A = arith.constant 0 : i32
        %dma_start3A_1384 = tpu.memref_slice %arg2[%min3A_1383, %dma_start3A] : memref<160000x256xf32, #tpu.memory_space<hbm>> -> memref<64x256xf32, #tpu.memory_space<hbm>>
        %dma_start3A_1385 = arith.constant 0 : i32
        %dma_start3A_1386 = tpu.memref_slice %arg2[%min3A_1383, %dma_start3A_1385] : memref<160000x256xf32, #tpu.memory_space<hbm>> -> memref<64x256xf32, #tpu.memory_space<hbm>>
        tpu.enqueue_dma source(%dma_start3A_1386 : memref<64x256xf32, #tpu.memory_space<hbm>>) target(%arg8 : memref<64x256xf32, #tpu.memory_space<vmem>>) target_semaphore(%arg14 : memref<!tpu.dma_semaphore, #tpu.memory_space<semaphore_mem>>)
      } else {
      }
      %add3A_986 = arith.constant 0 : i32
      %add3A_987 = arith.addi %min3A_973, %add3A_986 : i32
      %add3A_988 = vector.broadcast %add3A_987 : i32 to vector<16xi32>
      %add3A_989 = arith.addi %add3A_988, %iota3A : vector<16xi32>
      %broadcast_in_dim3A_990 = arith.constant 0 : i32
      %broadcast_in_dim3A_991 = vector.broadcast %broadcast_in_dim3A_990 : i32 to vector<16xi32>
      %add3A_992 = vector.broadcast %sub3A_28 : i32 to vector<16xi32>
      %add3A_993 = arith.addi %add3A_992, %broadcast_in_dim3A_991 : vector<16xi32>
      %broadcast_in_dim3A_994 = arith.constant 0 : i32
      %broadcast_in_dim3A_995 = vector.broadcast %broadcast_in_dim3A_994 : i32 to vector<16xi32>
      %add3A_996 = vector.broadcast %add3A_90 : i32 to vector<16xi32>
      %add3A_997 = arith.addi %add3A_996, %broadcast_in_dim3A_995 : vector<16xi32>
      %add3A_998 = arith.addi %add3A_993, %add3A_997 : vector<16xi32>
      %shift_right_arithmetic3A_999 = arith.constant 1 : i32
      %shift_right_arithmetic3A_1000 = vector.broadcast %shift_right_arithmetic3A_999 : i32 to vector<16xi32>
      %shift_right_arithmetic3A_1001 = arith.shrsi %add3A_998, %shift_right_arithmetic3A_1000 : vector<16xi32>
      %gather3A_1002 = tpu.vector_load_idx %arg5[%shift_right_arithmetic3A_1001] : memref<336xi32, #tpu.memory_space<vmem>>[vector<16xi32>], vector<16xi32>,
      %le3A_1003 = arith.cmpi sle, %gather3A_1002, %add3A_989 : vector<16xi32>
      %select_n3A_1004 = arith.select %le3A_1003, %shift_right_arithmetic3A_1001, %add3A_993 : vector<16xi1>, vector<16xi32>
      %select_n3A_1005 = arith.select %le3A_1003, %add3A_997, %shift_right_arithmetic3A_1001 : vector<16xi1>, vector<16xi32>
      %add3A_1006 = arith.addi %select_n3A_1004, %select_n3A_1005 : vector<16xi32>
      %shift_right_arithmetic3A_1007 = arith.constant 1 : i32
      %shift_right_arithmetic3A_1008 = vector.broadcast %shift_right_arithmetic3A_1007 : i32 to vector<16xi32>
      %shift_right_arithmetic3A_1009 = arith.shrsi %add3A_1006, %shift_right_arithmetic3A_1008 : vector<16xi32>
      %gather3A_1010 = tpu.vector_load_idx %arg5[%shift_right_arithmetic3A_1009] : memref<336xi32, #tpu.memory_space<vmem>>[vector<16xi32>], vector<16xi32>,
      %le3A_1011 = arith.cmpi sle, %gather3A_1010, %add3A_989 : vector<16xi32>
      %select_n3A_1012 = arith.select %le3A_1011, %shift_right_arithmetic3A_1009, %select_n3A_1004 : vector<16xi1>, vector<16xi32>
      %select_n3A_1013 = arith.select %le3A_1011, %select_n3A_1005, %shift_right_arithmetic3A_1009 : vector<16xi1>, vector<16xi32>
      %add3A_1014 = arith.addi %select_n3A_1012, %select_n3A_1013 : vector<16xi32>
      %shift_right_arithmetic3A_1015 = arith.constant 1 : i32
      %shift_right_arithmetic3A_1016 = vector.broadcast %shift_right_arithmetic3A_1015 : i32 to vector<16xi32>
      %shift_right_arithmetic3A_1017 = arith.shrsi %add3A_1014, %shift_right_arithmetic3A_1016 : vector<16xi32>
      %gather3A_1018 = tpu.vector_load_idx %arg5[%shift_right_arithmetic3A_1017] : memref<336xi32, #tpu.memory_space<vmem>>[vector<16xi32>], vector<16xi32>,
      %le3A_1019 = arith.cmpi sle, %gather3A_1018, %add3A_989 : vector<16xi32>
      %select_n3A_1020 = arith.select %le3A_1019, %shift_right_arithmetic3A_1017, %select_n3A_1012 : vector<16xi1>, vector<16xi32>
      %select_n3A_1021 = arith.select %le3A_1019, %select_n3A_1013, %shift_right_arithmetic3A_1017 : vector<16xi1>, vector<16xi32>
      %add3A_1022 = arith.addi %select_n3A_1020, %select_n3A_1021 : vector<16xi32>
      %shift_right_arithmetic3A_1023 = arith.constant 1 : i32
      %shift_right_arithmetic3A_1024 = vector.broadcast %shift_right_arithmetic3A_1023 : i32 to vector<16xi32>
      %shift_right_arithmetic3A_1025 = arith.shrsi %add3A_1022, %shift_right_arithmetic3A_1024 : vector<16xi32>
      %gather3A_1026 = tpu.vector_load_idx %arg5[%shift_right_arithmetic3A_1025] : memref<336xi32, #tpu.memory_space<vmem>>[vector<16xi32>], vector<16xi32>,
      %le3A_1027 = arith.cmpi sle, %gather3A_1026, %add3A_989 : vector<16xi32>
      %select_n3A_1028 = arith.select %le3A_1027, %shift_right_arithmetic3A_1025, %select_n3A_1020 : vector<16xi1>, vector<16xi32>
      %select_n3A_1029 = arith.select %le3A_1027, %select_n3A_1021, %shift_right_arithmetic3A_1025 : vector<16xi1>, vector<16xi32>
      %add3A_1030 = arith.addi %select_n3A_1028, %select_n3A_1029 : vector<16xi32>
      %shift_right_arithmetic3A_1031 = arith.constant 1 : i32
      %shift_right_arithmetic3A_1032 = vector.broadcast %shift_right_arithmetic3A_1031 : i32 to vector<16xi32>
      %shift_right_arithmetic3A_1033 = arith.shrsi %add3A_1030, %shift_right_arithmetic3A_1032 : vector<16xi32>
      %gather3A_1034 = tpu.vector_load_idx %arg5[%shift_right_arithmetic3A_1033] : memref<336xi32, #tpu.memory_space<vmem>>[vector<16xi32>], vector<16xi32>,
      %le3A_1035 = arith.cmpi sle, %gather3A_1034, %add3A_989 : vector<16xi32>
      %select_n3A_1036 = arith.select %le3A_1035, %shift_right_arithmetic3A_1033, %select_n3A_1028 : vector<16xi1>, vector<16xi32>
      %select_n3A_1037 = arith.select %le3A_1035, %select_n3A_1029, %shift_right_arithmetic3A_1033 : vector<16xi1>, vector<16xi32>
      %add3A_1038 = arith.addi %select_n3A_1036, %select_n3A_1037 : vector<16xi32>
      %shift_right_arithmetic3A_1039 = arith.constant 1 : i32
      %shift_right_arithmetic3A_1040 = vector.broadcast %shift_right_arithmetic3A_1039 : i32 to vector<16xi32>
      %shift_right_arithmetic3A_1041 = arith.shrsi %add3A_1038, %shift_right_arithmetic3A_1040 : vector<16xi32>
      %gather3A_1042 = tpu.vector_load_idx %arg5[%shift_right_arithmetic3A_1041] : memref<336xi32, #tpu.memory_space<vmem>>[vector<16xi32>], vector<16xi32>,
      %le3A_1043 = arith.cmpi sle, %gather3A_1042, %add3A_989 : vector<16xi32>
      %select_n3A_1044 = arith.select %le3A_1043, %shift_right_arithmetic3A_1041, %select_n3A_1036 : vector<16xi1>, vector<16xi32>
      %select_n3A_1045 = arith.select %le3A_1043, %select_n3A_1037, %shift_right_arithmetic3A_1041 : vector<16xi1>, vector<16xi32>
      %add3A_1046 = arith.addi %select_n3A_1044, %select_n3A_1045 : vector<16xi32>
      %shift_right_arithmetic3A_1047 = arith.constant 1 : i32
      %shift_right_arithmetic3A_1048 = vector.broadcast %shift_right_arithmetic3A_1047 : i32 to vector<16xi32>
      %shift_right_arithmetic3A_1049 = arith.shrsi %add3A_1046, %shift_right_arithmetic3A_1048 : vector<16xi32>
      %gather3A_1050 = tpu.vector_load_idx %arg5[%shift_right_arithmetic3A_1049] : memref<336xi32, #tpu.memory_space<vmem>>[vector<16xi32>], vector<16xi32>,
      %le3A_1051 = arith.cmpi sle, %gather3A_1050, %add3A_989 : vector<16xi32>
      %select_n3A_1052 = arith.select %le3A_1051, %shift_right_arithmetic3A_1049, %select_n3A_1044 : vector<16xi1>, vector<16xi32>
      %select_n3A_1053 = arith.select %le3A_1051, %select_n3A_1045, %shift_right_arithmetic3A_1049 : vector<16xi1>, vector<16xi32>
      %add3A_1054 = arith.addi %select_n3A_1052, %select_n3A_1053 : vector<16xi32>
      %shift_right_arithmetic3A_1055 = arith.constant 1 : i32
      %shift_right_arithmetic3A_1056 = vector.broadcast %shift_right_arithmetic3A_1055 : i32 to vector<16xi32>
      %shift_right_arithmetic3A_1057 = arith.shrsi %add3A_1054, %shift_right_arithmetic3A_1056 : vector<16xi32>
      %gather3A_1058 = tpu.vector_load_idx %arg5[%shift_right_arithmetic3A_1057] : memref<336xi32, #tpu.memory_space<vmem>>[vector<16xi32>], vector<16xi32>,
      %le3A_1059 = arith.cmpi sle, %gather3A_1058, %add3A_989 : vector<16xi32>
      %select_n3A_1060 = arith.select %le3A_1059, %shift_right_arithmetic3A_1057, %select_n3A_1052 : vector<16xi1>, vector<16xi32>
      %select_n3A_1061 = arith.select %le3A_1059, %select_n3A_1053, %shift_right_arithmetic3A_1057 : vector<16xi1>, vector<16xi32>
      %add3A_1062 = arith.addi %select_n3A_1060, %select_n3A_1061 : vector<16xi32>
      %shift_right_arithmetic3A_1063 = arith.constant 1 : i32
      %shift_right_arithmetic3A_1064 = vector.broadcast %shift_right_arithmetic3A_1063 : i32 to vector<16xi32>
      %shift_right_arithmetic3A_1065 = arith.shrsi %add3A_1062, %shift_right_arithmetic3A_1064 : vector<16xi32>
      %gather3A_1066 = tpu.vector_load_idx %arg5[%shift_right_arithmetic3A_1065] : memref<336xi32, #tpu.memory_space<vmem>>[vector<16xi32>], vector<16xi32>,
      %le3A_1067 = arith.cmpi sle, %gather3A_1066, %add3A_989 : vector<16xi32>
      %select_n3A_1068 = arith.select %le3A_1067, %shift_right_arithmetic3A_1065, %select_n3A_1060 : vector<16xi1>, vector<16xi32>
      %select_n3A_1069 = arith.select %le3A_1067, %select_n3A_1061, %shift_right_arithmetic3A_1065 : vector<16xi1>, vector<16xi32>
      %ge3A_1070 = vector.broadcast %add3A_968 : i32 to vector<16xi32>
      %ge3A_1071 = arith.cmpi sge, %add3A_989, %ge3A_1070 : vector<16xi32>
      %lt3A_1072 = vector.broadcast %squeeze3A_54 : i32 to vector<16xi32>
      %lt3A_1073 = arith.cmpi slt, %add3A_989, %lt3A_1072 : vector<16xi32>
      %and3A_1074 = arith.andi %ge3A_1071, %lt3A_1073 : vector<16xi1>
      %add3A_1075 = vector.broadcast %sub3A_91 : i32 to vector<16xi32>
      %add3A_1076 = arith.addi %select_n3A_1068, %add3A_1075 : vector<16xi32>
      %jit3A_1077 = arith.constant 5008 : i32
      %broadcast_in_dim3A_1078 = vector.broadcast %jit3A_1077 : i32 to vector<16xi32>
      %select_n3A_1079 = arith.select %and3A_1074, %add3A_1076, %broadcast_in_dim3A_1078 : vector<16xi1>, vector<16xi32>
      %swap3A_1080 = arith.constant 0 : index
      %swap3A_1081 = tpu.vector_load %arg12[%swap3A_1080] {strides = array<i32>} : memref<64xi32, #tpu.memory_space<vmem>>, vector<16xi32>,
      tpu.vector_store %arg12[%swap3A_1080], %select_n3A_1079 {strides = array<i32>} : memref<64xi32, #tpu.memory_space<vmem>>, vector<16xi32>,
      %add3A_1082 = arith.constant 16 : i32
      %add3A_1083 = arith.addi %min3A_973, %add3A_1082 : i32
      %add3A_1084 = vector.broadcast %add3A_1083 : i32 to vector<16xi32>
      %add3A_1085 = arith.addi %add3A_1084, %iota3A : vector<16xi32>
      %broadcast_in_dim3A_1086 = arith.constant 0 : i32
      %broadcast_in_dim3A_1087 = vector.broadcast %broadcast_in_dim3A_1086 : i32 to vector<16xi32>
      %add3A_1088 = vector.broadcast %sub3A_28 : i32 to vector<16xi32>
      %add3A_1089 = arith.addi %add3A_1088, %broadcast_in_dim3A_1087 : vector<16xi32>
      %broadcast_in_dim3A_1090 = arith.constant 0 : i32
      %broadcast_in_dim3A_1091 = vector.broadcast %broadcast_in_dim3A_1090 : i32 to vector<16xi32>
      %add3A_1092 = vector.broadcast %add3A_90 : i32 to vector<16xi32>
      %add3A_1093 = arith.addi %add3A_1092, %broadcast_in_dim3A_1091 : vector<16xi32>
      %add3A_1094 = arith.addi %add3A_1089, %add3A_1093 : vector<16xi32>
      %shift_right_arithmetic3A_1095 = arith.constant 1 : i32
      %shift_right_arithmetic3A_1096 = vector.broadcast %shift_right_arithmetic3A_1095 : i32 to vector<16xi32>
      %shift_right_arithmetic3A_1097 = arith.shrsi %add3A_1094, %shift_right_arithmetic3A_1096 : vector<16xi32>
      %gather3A_1098 = tpu.vector_load_idx %arg5[%shift_right_arithmetic3A_1097] : memref<336xi32, #tpu.memory_space<vmem>>[vector<16xi32>], vector<16xi32>,
      %le3A_1099 = arith.cmpi sle, %gather3A_1098, %add3A_1085 : vector<16xi32>
      %select_n3A_1100 = arith.select %le3A_1099, %shift_right_arithmetic3A_1097, %add3A_1089 : vector<16xi1>, vector<16xi32>
      %select_n3A_1101 = arith.select %le3A_1099, %add3A_1093, %shift_right_arithmetic3A_1097 : vector<16xi1>, vector<16xi32>
      %add3A_1102 = arith.addi %select_n3A_1100, %select_n3A_1101 : vector<16xi32>
      %shift_right_arithmetic3A_1103 = arith.constant 1 : i32
      %shift_right_arithmetic3A_1104 = vector.broadcast %shift_right_arithmetic3A_1103 : i32 to vector<16xi32>
      %shift_right_arithmetic3A_1105 = arith.shrsi %add3A_1102, %shift_right_arithmetic3A_1104 : vector<16xi32>
      %gather3A_1106 = tpu.vector_load_idx %arg5[%shift_right_arithmetic3A_1105] : memref<336xi32, #tpu.memory_space<vmem>>[vector<16xi32>], vector<16xi32>,
      %le3A_1107 = arith.cmpi sle, %gather3A_1106, %add3A_1085 : vector<16xi32>
      %select_n3A_1108 = arith.select %le3A_1107, %shift_right_arithmetic3A_1105, %select_n3A_1100 : vector<16xi1>, vector<16xi32>
      %select_n3A_1109 = arith.select %le3A_1107, %select_n3A_1101, %shift_right_arithmetic3A_1105 : vector<16xi1>, vector<16xi32>
      %add3A_1110 = arith.addi %select_n3A_1108, %select_n3A_1109 : vector<16xi32>
      %shift_right_arithmetic3A_1111 = arith.constant 1 : i32
      %shift_right_arithmetic3A_1112 = vector.broadcast %shift_right_arithmetic3A_1111 : i32 to vector<16xi32>
      %shift_right_arithmetic3A_1113 = arith.shrsi %add3A_1110, %shift_right_arithmetic3A_1112 : vector<16xi32>
      %gather3A_1114 = tpu.vector_load_idx %arg5[%shift_right_arithmetic3A_1113] : memref<336xi32, #tpu.memory_space<vmem>>[vector<16xi32>], vector<16xi32>,
      %le3A_1115 = arith.cmpi sle, %gather3A_1114, %add3A_1085 : vector<16xi32>
      %select_n3A_1116 = arith.select %le3A_1115, %shift_right_arithmetic3A_1113, %select_n3A_1108 : vector<16xi1>, vector<16xi32>
      %select_n3A_1117 = arith.select %le3A_1115, %select_n3A_1109, %shift_right_arithmetic3A_1113 : vector<16xi1>, vector<16xi32>
      %add3A_1118 = arith.addi %select_n3A_1116, %select_n3A_1117 : vector<16xi32>
      %shift_right_arithmetic3A_1119 = arith.constant 1 : i32
      %shift_right_arithmetic3A_1120 = vector.broadcast %shift_right_arithmetic3A_1119 : i32 to vector<16xi32>
      %shift_right_arithmetic3A_1121 = arith.shrsi %add3A_1118, %shift_right_arithmetic3A_1120 : vector<16xi32>
      %gather3A_1122 = tpu.vector_load_idx %arg5[%shift_right_arithmetic3A_1121] : memref<336xi32, #tpu.memory_space<vmem>>[vector<16xi32>], vector<16xi32>,
      %le3A_1123 = arith.cmpi sle, %gather3A_1122, %add3A_1085 : vector<16xi32>
      %select_n3A_1124 = arith.select %le3A_1123, %shift_right_arithmetic3A_1121, %select_n3A_1116 : vector<16xi1>, vector<16xi32>
      %select_n3A_1125 = arith.select %le3A_1123, %select_n3A_1117, %shift_right_arithmetic3A_1121 : vector<16xi1>, vector<16xi32>
      %add3A_1126 = arith.addi %select_n3A_1124, %select_n3A_1125 : vector<16xi32>
      %shift_right_arithmetic3A_1127 = arith.constant 1 : i32
      %shift_right_arithmetic3A_1128 = vector.broadcast %shift_right_arithmetic3A_1127 : i32 to vector<16xi32>
      %shift_right_arithmetic3A_1129 = arith.shrsi %add3A_1126, %shift_right_arithmetic3A_1128 : vector<16xi32>
      %gather3A_1130 = tpu.vector_load_idx %arg5[%shift_right_arithmetic3A_1129] : memref<336xi32, #tpu.memory_space<vmem>>[vector<16xi32>], vector<16xi32>,
      %le3A_1131 = arith.cmpi sle, %gather3A_1130, %add3A_1085 : vector<16xi32>
      %select_n3A_1132 = arith.select %le3A_1131, %shift_right_arithmetic3A_1129, %select_n3A_1124 : vector<16xi1>, vector<16xi32>
      %select_n3A_1133 = arith.select %le3A_1131, %select_n3A_1125, %shift_right_arithmetic3A_1129 : vector<16xi1>, vector<16xi32>
      %add3A_1134 = arith.addi %select_n3A_1132, %select_n3A_1133 : vector<16xi32>
      %shift_right_arithmetic3A_1135 = arith.constant 1 : i32
      %shift_right_arithmetic3A_1136 = vector.broadcast %shift_right_arithmetic3A_1135 : i32 to vector<16xi32>
      %shift_right_arithmetic3A_1137 = arith.shrsi %add3A_1134, %shift_right_arithmetic3A_1136 : vector<16xi32>
      %gather3A_1138 = tpu.vector_load_idx %arg5[%shift_right_arithmetic3A_1137] : memref<336xi32, #tpu.memory_space<vmem>>[vector<16xi32>], vector<16xi32>,
      %le3A_1139 = arith.cmpi sle, %gather3A_1138, %add3A_1085 : vector<16xi32>
      %select_n3A_1140 = arith.select %le3A_1139, %shift_right_arithmetic3A_1137, %select_n3A_1132 : vector<16xi1>, vector<16xi32>
      %select_n3A_1141 = arith.select %le3A_1139, %select_n3A_1133, %shift_right_arithmetic3A_1137 : vector<16xi1>, vector<16xi32>
      %add3A_1142 = arith.addi %select_n3A_1140, %select_n3A_1141 : vector<16xi32>
      %shift_right_arithmetic3A_1143 = arith.constant 1 : i32
      %shift_right_arithmetic3A_1144 = vector.broadcast %shift_right_arithmetic3A_1143 : i32 to vector<16xi32>
      %shift_right_arithmetic3A_1145 = arith.shrsi %add3A_1142, %shift_right_arithmetic3A_1144 : vector<16xi32>
      %gather3A_1146 = tpu.vector_load_idx %arg5[%shift_right_arithmetic3A_1145] : memref<336xi32, #tpu.memory_space<vmem>>[vector<16xi32>], vector<16xi32>,
      %le3A_1147 = arith.cmpi sle, %gather3A_1146, %add3A_1085 : vector<16xi32>
      %select_n3A_1148 = arith.select %le3A_1147, %shift_right_arithmetic3A_1145, %select_n3A_1140 : vector<16xi1>, vector<16xi32>
      %select_n3A_1149 = arith.select %le3A_1147, %select_n3A_1141, %shift_right_arithmetic3A_1145 : vector<16xi1>, vector<16xi32>
      %add3A_1150 = arith.addi %select_n3A_1148, %select_n3A_1149 : vector<16xi32>
      %shift_right_arithmetic3A_1151 = arith.constant 1 : i32
      %shift_right_arithmetic3A_1152 = vector.broadcast %shift_right_arithmetic3A_1151 : i32 to vector<16xi32>
      %shift_right_arithmetic3A_1153 = arith.shrsi %add3A_1150, %shift_right_arithmetic3A_1152 : vector<16xi32>
      %gather3A_1154 = tpu.vector_load_idx %arg5[%shift_right_arithmetic3A_1153] : memref<336xi32, #tpu.memory_space<vmem>>[vector<16xi32>], vector<16xi32>,
      %le3A_1155 = arith.cmpi sle, %gather3A_1154, %add3A_1085 : vector<16xi32>
      %select_n3A_1156 = arith.select %le3A_1155, %shift_right_arithmetic3A_1153, %select_n3A_1148 : vector<16xi1>, vector<16xi32>
      %select_n3A_1157 = arith.select %le3A_1155, %select_n3A_1149, %shift_right_arithmetic3A_1153 : vector<16xi1>, vector<16xi32>
      %add3A_1158 = arith.addi %select_n3A_1156, %select_n3A_1157 : vector<16xi32>
      %shift_right_arithmetic3A_1159 = arith.constant 1 : i32
      %shift_right_arithmetic3A_1160 = vector.broadcast %shift_right_arithmetic3A_1159 : i32 to vector<16xi32>
      %shift_right_arithmetic3A_1161 = arith.shrsi %add3A_1158, %shift_right_arithmetic3A_1160 : vector<16xi32>
      %gather3A_1162 = tpu.vector_load_idx %arg5[%shift_right_arithmetic3A_1161] : memref<336xi32, #tpu.memory_space<vmem>>[vector<16xi32>], vector<16xi32>,
      %le3A_1163 = arith.cmpi sle, %gather3A_1162, %add3A_1085 : vector<16xi32>
      %select_n3A_1164 = arith.select %le3A_1163, %shift_right_arithmetic3A_1161, %select_n3A_1156 : vector<16xi1>, vector<16xi32>
      %select_n3A_1165 = arith.select %le3A_1163, %select_n3A_1157, %shift_right_arithmetic3A_1161 : vector<16xi1>, vector<16xi32>
      %ge3A_1166 = vector.broadcast %add3A_968 : i32 to vector<16xi32>
      %ge3A_1167 = arith.cmpi sge, %add3A_1085, %ge3A_1166 : vector<16xi32>
      %lt3A_1168 = vector.broadcast %squeeze3A_54 : i32 to vector<16xi32>
      %lt3A_1169 = arith.cmpi slt, %add3A_1085, %lt3A_1168 : vector<16xi32>
      %and3A_1170 = arith.andi %ge3A_1167, %lt3A_1169 : vector<16xi1>
      %add3A_1171 = vector.broadcast %sub3A_91 : i32 to vector<16xi32>
      %add3A_1172 = arith.addi %select_n3A_1164, %add3A_1171 : vector<16xi32>
      %jit3A_1173 = arith.constant 5008 : i32
      %broadcast_in_dim3A_1174 = vector.broadcast %jit3A_1173 : i32 to vector<16xi32>
      %select_n3A_1175 = arith.select %and3A_1170, %add3A_1172, %broadcast_in_dim3A_1174 : vector<16xi1>, vector<16xi32>
      %swap3A_1176 = arith.constant 16 : index
      %swap3A_1177 = tpu.vector_load %arg12[%swap3A_1176] {strides = array<i32>} : memref<64xi32, #tpu.memory_space<vmem>>, vector<16xi32>,
      tpu.vector_store %arg12[%swap3A_1176], %select_n3A_1175 {strides = array<i32>} : memref<64xi32, #tpu.memory_space<vmem>>, vector<16xi32>,
      %add3A_1178 = arith.constant 32 : i32
      %add3A_1179 = arith.addi %min3A_973, %add3A_1178 : i32
      %add3A_1180 = vector.broadcast %add3A_1179 : i32 to vector<16xi32>
      %add3A_1181 = arith.addi %add3A_1180, %iota3A : vector<16xi32>
      %broadcast_in_dim3A_1182 = arith.constant 0 : i32
      %broadcast_in_dim3A_1183 = vector.broadcast %broadcast_in_dim3A_1182 : i32 to vector<16xi32>
      %add3A_1184 = vector.broadcast %sub3A_28 : i32 to vector<16xi32>
      %add3A_1185 = arith.addi %add3A_1184, %broadcast_in_dim3A_1183 : vector<16xi32>
      %broadcast_in_dim3A_1186 = arith.constant 0 : i32
      %broadcast_in_dim3A_1187 = vector.broadcast %broadcast_in_dim3A_1186 : i32 to vector<16xi32>
      %add3A_1188 = vector.broadcast %add3A_90 : i32 to vector<16xi32>
      %add3A_1189 = arith.addi %add3A_1188, %broadcast_in_dim3A_1187 : vector<16xi32>
      %add3A_1190 = arith.addi %add3A_1185, %add3A_1189 : vector<16xi32>
      %shift_right_arithmetic3A_1191 = arith.constant 1 : i32
      %shift_right_arithmetic3A_1192 = vector.broadcast %shift_right_arithmetic3A_1191 : i32 to vector<16xi32>
      %shift_right_arithmetic3A_1193 = arith.shrsi %add3A_1190, %shift_right_arithmetic3A_1192 : vector<16xi32>
      %gather3A_1194 = tpu.vector_load_idx %arg5[%shift_right_arithmetic3A_1193] : memref<336xi32, #tpu.memory_space<vmem>>[vector<16xi32>], vector<16xi32>,
      %le3A_1195 = arith.cmpi sle, %gather3A_1194, %add3A_1181 : vector<16xi32>
      %select_n3A_1196 = arith.select %le3A_1195, %shift_right_arithmetic3A_1193, %add3A_1185 : vector<16xi1>, vector<16xi32>
      %select_n3A_1197 = arith.select %le3A_1195, %add3A_1189, %shift_right_arithmetic3A_1193 : vector<16xi1>, vector<16xi32>
      %add3A_1198 = arith.addi %select_n3A_1196, %select_n3A_1197 : vector<16xi32>
      %shift_right_arithmetic3A_1199 = arith.constant 1 : i32
      %shift_right_arithmetic3A_1200 = vector.broadcast %shift_right_arithmetic3A_1199 : i32 to vector<16xi32>
      %shift_right_arithmetic3A_1201 = arith.shrsi %add3A_1198, %shift_right_arithmetic3A_1200 : vector<16xi32>
      %gather3A_1202 = tpu.vector_load_idx %arg5[%shift_right_arithmetic3A_1201] : memref<336xi32, #tpu.memory_space<vmem>>[vector<16xi32>], vector<16xi32>,
      %le3A_1203 = arith.cmpi sle, %gather3A_1202, %add3A_1181 : vector<16xi32>
      %select_n3A_1204 = arith.select %le3A_1203, %shift_right_arithmetic3A_1201, %select_n3A_1196 : vector<16xi1>, vector<16xi32>
      %select_n3A_1205 = arith.select %le3A_1203, %select_n3A_1197, %shift_right_arithmetic3A_1201 : vector<16xi1>, vector<16xi32>
      %add3A_1206 = arith.addi %select_n3A_1204, %select_n3A_1205 : vector<16xi32>
      %shift_right_arithmetic3A_1207 = arith.constant 1 : i32
      %shift_right_arithmetic3A_1208 = vector.broadcast %shift_right_arithmetic3A_1207 : i32 to vector<16xi32>
      %shift_right_arithmetic3A_1209 = arith.shrsi %add3A_1206, %shift_right_arithmetic3A_1208 : vector<16xi32>
      %gather3A_1210 = tpu.vector_load_idx %arg5[%shift_right_arithmetic3A_1209] : memref<336xi32, #tpu.memory_space<vmem>>[vector<16xi32>], vector<16xi32>,
      %le3A_1211 = arith.cmpi sle, %gather3A_1210, %add3A_1181 : vector<16xi32>
      %select_n3A_1212 = arith.select %le3A_1211, %shift_right_arithmetic3A_1209, %select_n3A_1204 : vector<16xi1>, vector<16xi32>
      %select_n3A_1213 = arith.select %le3A_1211, %select_n3A_1205, %shift_right_arithmetic3A_1209 : vector<16xi1>, vector<16xi32>
      %add3A_1214 = arith.addi %select_n3A_1212, %select_n3A_1213 : vector<16xi32>
      %shift_right_arithmetic3A_1215 = arith.constant 1 : i32
      %shift_right_arithmetic3A_1216 = vector.broadcast %shift_right_arithmetic3A_1215 : i32 to vector<16xi32>
      %shift_right_arithmetic3A_1217 = arith.shrsi %add3A_1214, %shift_right_arithmetic3A_1216 : vector<16xi32>
      %gather3A_1218 = tpu.vector_load_idx %arg5[%shift_right_arithmetic3A_1217] : memref<336xi32, #tpu.memory_space<vmem>>[vector<16xi32>], vector<16xi32>,
      %le3A_1219 = arith.cmpi sle, %gather3A_1218, %add3A_1181 : vector<16xi32>
      %select_n3A_1220 = arith.select %le3A_1219, %shift_right_arithmetic3A_1217, %select_n3A_1212 : vector<16xi1>, vector<16xi32>
      %select_n3A_1221 = arith.select %le3A_1219, %select_n3A_1213, %shift_right_arithmetic3A_1217 : vector<16xi1>, vector<16xi32>
      %add3A_1222 = arith.addi %select_n3A_1220, %select_n3A_1221 : vector<16xi32>
      %shift_right_arithmetic3A_1223 = arith.constant 1 : i32
      %shift_right_arithmetic3A_1224 = vector.broadcast %shift_right_arithmetic3A_1223 : i32 to vector<16xi32>
      %shift_right_arithmetic3A_1225 = arith.shrsi %add3A_1222, %shift_right_arithmetic3A_1224 : vector<16xi32>
      %gather3A_1226 = tpu.vector_load_idx %arg5[%shift_right_arithmetic3A_1225] : memref<336xi32, #tpu.memory_space<vmem>>[vector<16xi32>], vector<16xi32>,
      %le3A_1227 = arith.cmpi sle, %gather3A_1226, %add3A_1181 : vector<16xi32>
      %select_n3A_1228 = arith.select %le3A_1227, %shift_right_arithmetic3A_1225, %select_n3A_1220 : vector<16xi1>, vector<16xi32>
      %select_n3A_1229 = arith.select %le3A_1227, %select_n3A_1221, %shift_right_arithmetic3A_1225 : vector<16xi1>, vector<16xi32>
      %add3A_1230 = arith.addi %select_n3A_1228, %select_n3A_1229 : vector<16xi32>
      %shift_right_arithmetic3A_1231 = arith.constant 1 : i32
      %shift_right_arithmetic3A_1232 = vector.broadcast %shift_right_arithmetic3A_1231 : i32 to vector<16xi32>
      %shift_right_arithmetic3A_1233 = arith.shrsi %add3A_1230, %shift_right_arithmetic3A_1232 : vector<16xi32>
      %gather3A_1234 = tpu.vector_load_idx %arg5[%shift_right_arithmetic3A_1233] : memref<336xi32, #tpu.memory_space<vmem>>[vector<16xi32>], vector<16xi32>,
      %le3A_1235 = arith.cmpi sle, %gather3A_1234, %add3A_1181 : vector<16xi32>
      %select_n3A_1236 = arith.select %le3A_1235, %shift_right_arithmetic3A_1233, %select_n3A_1228 : vector<16xi1>, vector<16xi32>
      %select_n3A_1237 = arith.select %le3A_1235, %select_n3A_1229, %shift_right_arithmetic3A_1233 : vector<16xi1>, vector<16xi32>
      %add3A_1238 = arith.addi %select_n3A_1236, %select_n3A_1237 : vector<16xi32>
      %shift_right_arithmetic3A_1239 = arith.constant 1 : i32
      %shift_right_arithmetic3A_1240 = vector.broadcast %shift_right_arithmetic3A_1239 : i32 to vector<16xi32>
      %shift_right_arithmetic3A_1241 = arith.shrsi %add3A_1238, %shift_right_arithmetic3A_1240 : vector<16xi32>
      %gather3A_1242 = tpu.vector_load_idx %arg5[%shift_right_arithmetic3A_1241] : memref<336xi32, #tpu.memory_space<vmem>>[vector<16xi32>], vector<16xi32>,
      %le3A_1243 = arith.cmpi sle, %gather3A_1242, %add3A_1181 : vector<16xi32>
      %select_n3A_1244 = arith.select %le3A_1243, %shift_right_arithmetic3A_1241, %select_n3A_1236 : vector<16xi1>, vector<16xi32>
      %select_n3A_1245 = arith.select %le3A_1243, %select_n3A_1237, %shift_right_arithmetic3A_1241 : vector<16xi1>, vector<16xi32>
      %add3A_1246 = arith.addi %select_n3A_1244, %select_n3A_1245 : vector<16xi32>
      %shift_right_arithmetic3A_1247 = arith.constant 1 : i32
      %shift_right_arithmetic3A_1248 = vector.broadcast %shift_right_arithmetic3A_1247 : i32 to vector<16xi32>
      %shift_right_arithmetic3A_1249 = arith.shrsi %add3A_1246, %shift_right_arithmetic3A_1248 : vector<16xi32>
      %gather3A_1250 = tpu.vector_load_idx %arg5[%shift_right_arithmetic3A_1249] : memref<336xi32, #tpu.memory_space<vmem>>[vector<16xi32>], vector<16xi32>,
      %le3A_1251 = arith.cmpi sle, %gather3A_1250, %add3A_1181 : vector<16xi32>
      %select_n3A_1252 = arith.select %le3A_1251, %shift_right_arithmetic3A_1249, %select_n3A_1244 : vector<16xi1>, vector<16xi32>
      %select_n3A_1253 = arith.select %le3A_1251, %select_n3A_1245, %shift_right_arithmetic3A_1249 : vector<16xi1>, vector<16xi32>
      %add3A_1254 = arith.addi %select_n3A_1252, %select_n3A_1253 : vector<16xi32>
      %shift_right_arithmetic3A_1255 = arith.constant 1 : i32
      %shift_right_arithmetic3A_1256 = vector.broadcast %shift_right_arithmetic3A_1255 : i32 to vector<16xi32>
      %shift_right_arithmetic3A_1257 = arith.shrsi %add3A_1254, %shift_right_arithmetic3A_1256 : vector<16xi32>
      %gather3A_1258 = tpu.vector_load_idx %arg5[%shift_right_arithmetic3A_1257] : memref<336xi32, #tpu.memory_space<vmem>>[vector<16xi32>], vector<16xi32>,
      %le3A_1259 = arith.cmpi sle, %gather3A_1258, %add3A_1181 : vector<16xi32>
      %select_n3A_1260 = arith.select %le3A_1259, %shift_right_arithmetic3A_1257, %select_n3A_1252 : vector<16xi1>, vector<16xi32>
      %select_n3A_1261 = arith.select %le3A_1259, %select_n3A_1253, %shift_right_arithmetic3A_1257 : vector<16xi1>, vector<16xi32>
      %ge3A_1262 = vector.broadcast %add3A_968 : i32 to vector<16xi32>
      %ge3A_1263 = arith.cmpi sge, %add3A_1181, %ge3A_1262 : vector<16xi32>
      %lt3A_1264 = vector.broadcast %squeeze3A_54 : i32 to vector<16xi32>
      %lt3A_1265 = arith.cmpi slt, %add3A_1181, %lt3A_1264 : vector<16xi32>
      %and3A_1266 = arith.andi %ge3A_1263, %lt3A_1265 : vector<16xi1>
      %add3A_1267 = vector.broadcast %sub3A_91 : i32 to vector<16xi32>
      %add3A_1268 = arith.addi %select_n3A_1260, %add3A_1267 : vector<16xi32>
      %jit3A_1269 = arith.constant 5008 : i32
      %broadcast_in_dim3A_1270 = vector.broadcast %jit3A_1269 : i32 to vector<16xi32>
      %select_n3A_1271 = arith.select %and3A_1266, %add3A_1268, %broadcast_in_dim3A_1270 : vector<16xi1>, vector<16xi32>
      %swap3A_1272 = arith.constant 32 : index
      %swap3A_1273 = tpu.vector_load %arg12[%swap3A_1272] {strides = array<i32>} : memref<64xi32, #tpu.memory_space<vmem>>, vector<16xi32>,
      tpu.vector_store %arg12[%swap3A_1272], %select_n3A_1271 {strides = array<i32>} : memref<64xi32, #tpu.memory_space<vmem>>, vector<16xi32>,
      %add3A_1274 = arith.constant 48 : i32
      %add3A_1275 = arith.addi %min3A_973, %add3A_1274 : i32
      %add3A_1276 = vector.broadcast %add3A_1275 : i32 to vector<16xi32>
      %add3A_1277 = arith.addi %add3A_1276, %iota3A : vector<16xi32>
      %broadcast_in_dim3A_1278 = arith.constant 0 : i32
      %broadcast_in_dim3A_1279 = vector.broadcast %broadcast_in_dim3A_1278 : i32 to vector<16xi32>
      %add3A_1280 = vector.broadcast %sub3A_28 : i32 to vector<16xi32>
      %add3A_1281 = arith.addi %add3A_1280, %broadcast_in_dim3A_1279 : vector<16xi32>
      %broadcast_in_dim3A_1282 = arith.constant 0 : i32
      %broadcast_in_dim3A_1283 = vector.broadcast %broadcast_in_dim3A_1282 : i32 to vector<16xi32>
      %add3A_1284 = vector.broadcast %add3A_90 : i32 to vector<16xi32>
      %add3A_1285 = arith.addi %add3A_1284, %broadcast_in_dim3A_1283 : vector<16xi32>
      %add3A_1286 = arith.addi %add3A_1281, %add3A_1285 : vector<16xi32>
      %shift_right_arithmetic3A_1287 = arith.constant 1 : i32
      %shift_right_arithmetic3A_1288 = vector.broadcast %shift_right_arithmetic3A_1287 : i32 to vector<16xi32>
      %shift_right_arithmetic3A_1289 = arith.shrsi %add3A_1286, %shift_right_arithmetic3A_1288 : vector<16xi32>
      %gather3A_1290 = tpu.vector_load_idx %arg5[%shift_right_arithmetic3A_1289] : memref<336xi32, #tpu.memory_space<vmem>>[vector<16xi32>], vector<16xi32>,
      %le3A_1291 = arith.cmpi sle, %gather3A_1290, %add3A_1277 : vector<16xi32>
      %select_n3A_1292 = arith.select %le3A_1291, %shift_right_arithmetic3A_1289, %add3A_1281 : vector<16xi1>, vector<16xi32>
      %select_n3A_1293 = arith.select %le3A_1291, %add3A_1285, %shift_right_arithmetic3A_1289 : vector<16xi1>, vector<16xi32>
      %add3A_1294 = arith.addi %select_n3A_1292, %select_n3A_1293 : vector<16xi32>
      %shift_right_arithmetic3A_1295 = arith.constant 1 : i32
      %shift_right_arithmetic3A_1296 = vector.broadcast %shift_right_arithmetic3A_1295 : i32 to vector<16xi32>
      %shift_right_arithmetic3A_1297 = arith.shrsi %add3A_1294, %shift_right_arithmetic3A_1296 : vector<16xi32>
      %gather3A_1298 = tpu.vector_load_idx %arg5[%shift_right_arithmetic3A_1297] : memref<336xi32, #tpu.memory_space<vmem>>[vector<16xi32>], vector<16xi32>,
      %le3A_1299 = arith.cmpi sle, %gather3A_1298, %add3A_1277 : vector<16xi32>
      %select_n3A_1300 = arith.select %le3A_1299, %shift_right_arithmetic3A_1297, %select_n3A_1292 : vector<16xi1>, vector<16xi32>
      %select_n3A_1301 = arith.select %le3A_1299, %select_n3A_1293, %shift_right_arithmetic3A_1297 : vector<16xi1>, vector<16xi32>
      %add3A_1302 = arith.addi %select_n3A_1300, %select_n3A_1301 : vector<16xi32>
      %shift_right_arithmetic3A_1303 = arith.constant 1 : i32
      %shift_right_arithmetic3A_1304 = vector.broadcast %shift_right_arithmetic3A_1303 : i32 to vector<16xi32>
      %shift_right_arithmetic3A_1305 = arith.shrsi %add3A_1302, %shift_right_arithmetic3A_1304 : vector<16xi32>
      %gather3A_1306 = tpu.vector_load_idx %arg5[%shift_right_arithmetic3A_1305] : memref<336xi32, #tpu.memory_space<vmem>>[vector<16xi32>], vector<16xi32>,
      %le3A_1307 = arith.cmpi sle, %gather3A_1306, %add3A_1277 : vector<16xi32>
      %select_n3A_1308 = arith.select %le3A_1307, %shift_right_arithmetic3A_1305, %select_n3A_1300 : vector<16xi1>, vector<16xi32>
      %select_n3A_1309 = arith.select %le3A_1307, %select_n3A_1301, %shift_right_arithmetic3A_1305 : vector<16xi1>, vector<16xi32>
      %add3A_1310 = arith.addi %select_n3A_1308, %select_n3A_1309 : vector<16xi32>
      %shift_right_arithmetic3A_1311 = arith.constant 1 : i32
      %shift_right_arithmetic3A_1312 = vector.broadcast %shift_right_arithmetic3A_1311 : i32 to vector<16xi32>
      %shift_right_arithmetic3A_1313 = arith.shrsi %add3A_1310, %shift_right_arithmetic3A_1312 : vector<16xi32>
      %gather3A_1314 = tpu.vector_load_idx %arg5[%shift_right_arithmetic3A_1313] : memref<336xi32, #tpu.memory_space<vmem>>[vector<16xi32>], vector<16xi32>,
      %le3A_1315 = arith.cmpi sle, %gather3A_1314, %add3A_1277 : vector<16xi32>
      %select_n3A_1316 = arith.select %le3A_1315, %shift_right_arithmetic3A_1313, %select_n3A_1308 : vector<16xi1>, vector<16xi32>
      %select_n3A_1317 = arith.select %le3A_1315, %select_n3A_1309, %shift_right_arithmetic3A_1313 : vector<16xi1>, vector<16xi32>
      %add3A_1318 = arith.addi %select_n3A_1316, %select_n3A_1317 : vector<16xi32>
      %shift_right_arithmetic3A_1319 = arith.constant 1 : i32
      %shift_right_arithmetic3A_1320 = vector.broadcast %shift_right_arithmetic3A_1319 : i32 to vector<16xi32>
      %shift_right_arithmetic3A_1321 = arith.shrsi %add3A_1318, %shift_right_arithmetic3A_1320 : vector<16xi32>
      %gather3A_1322 = tpu.vector_load_idx %arg5[%shift_right_arithmetic3A_1321] : memref<336xi32, #tpu.memory_space<vmem>>[vector<16xi32>], vector<16xi32>,
      %le3A_1323 = arith.cmpi sle, %gather3A_1322, %add3A_1277 : vector<16xi32>
      %select_n3A_1324 = arith.select %le3A_1323, %shift_right_arithmetic3A_1321, %select_n3A_1316 : vector<16xi1>, vector<16xi32>
      %select_n3A_1325 = arith.select %le3A_1323, %select_n3A_1317, %shift_right_arithmetic3A_1321 : vector<16xi1>, vector<16xi32>
      %add3A_1326 = arith.addi %select_n3A_1324, %select_n3A_1325 : vector<16xi32>
      %shift_right_arithmetic3A_1327 = arith.constant 1 : i32
      %shift_right_arithmetic3A_1328 = vector.broadcast %shift_right_arithmetic3A_1327 : i32 to vector<16xi32>
      %shift_right_arithmetic3A_1329 = arith.shrsi %add3A_1326, %shift_right_arithmetic3A_1328 : vector<16xi32>
      %gather3A_1330 = tpu.vector_load_idx %arg5[%shift_right_arithmetic3A_1329] : memref<336xi32, #tpu.memory_space<vmem>>[vector<16xi32>], vector<16xi32>,
      %le3A_1331 = arith.cmpi sle, %gather3A_1330, %add3A_1277 : vector<16xi32>
      %select_n3A_1332 = arith.select %le3A_1331, %shift_right_arithmetic3A_1329, %select_n3A_1324 : vector<16xi1>, vector<16xi32>
      %select_n3A_1333 = arith.select %le3A_1331, %select_n3A_1325, %shift_right_arithmetic3A_1329 : vector<16xi1>, vector<16xi32>
      %add3A_1334 = arith.addi %select_n3A_1332, %select_n3A_1333 : vector<16xi32>
      %shift_right_arithmetic3A_1335 = arith.constant 1 : i32
      %shift_right_arithmetic3A_1336 = vector.broadcast %shift_right_arithmetic3A_1335 : i32 to vector<16xi32>
      %shift_right_arithmetic3A_1337 = arith.shrsi %add3A_1334, %shift_right_arithmetic3A_1336 : vector<16xi32>
      %gather3A_1338 = tpu.vector_load_idx %arg5[%shift_right_arithmetic3A_1337] : memref<336xi32, #tpu.memory_space<vmem>>[vector<16xi32>], vector<16xi32>,
      %le3A_1339 = arith.cmpi sle, %gather3A_1338, %add3A_1277 : vector<16xi32>
      %select_n3A_1340 = arith.select %le3A_1339, %shift_right_arithmetic3A_1337, %select_n3A_1332 : vector<16xi1>, vector<16xi32>
      %select_n3A_1341 = arith.select %le3A_1339, %select_n3A_1333, %shift_right_arithmetic3A_1337 : vector<16xi1>, vector<16xi32>
      %add3A_1342 = arith.addi %select_n3A_1340, %select_n3A_1341 : vector<16xi32>
      %shift_right_arithmetic3A_1343 = arith.constant 1 : i32
      %shift_right_arithmetic3A_1344 = vector.broadcast %shift_right_arithmetic3A_1343 : i32 to vector<16xi32>
      %shift_right_arithmetic3A_1345 = arith.shrsi %add3A_1342, %shift_right_arithmetic3A_1344 : vector<16xi32>
      %gather3A_1346 = tpu.vector_load_idx %arg5[%shift_right_arithmetic3A_1345] : memref<336xi32, #tpu.memory_space<vmem>>[vector<16xi32>], vector<16xi32>,
      %le3A_1347 = arith.cmpi sle, %gather3A_1346, %add3A_1277 : vector<16xi32>
      %select_n3A_1348 = arith.select %le3A_1347, %shift_right_arithmetic3A_1345, %select_n3A_1340 : vector<16xi1>, vector<16xi32>
      %select_n3A_1349 = arith.select %le3A_1347, %select_n3A_1341, %shift_right_arithmetic3A_1345 : vector<16xi1>, vector<16xi32>
      %add3A_1350 = arith.addi %select_n3A_1348, %select_n3A_1349 : vector<16xi32>
      %shift_right_arithmetic3A_1351 = arith.constant 1 : i32
      %shift_right_arithmetic3A_1352 = vector.broadcast %shift_right_arithmetic3A_1351 : i32 to vector<16xi32>
      %shift_right_arithmetic3A_1353 = arith.shrsi %add3A_1350, %shift_right_arithmetic3A_1352 : vector<16xi32>
      %gather3A_1354 = tpu.vector_load_idx %arg5[%shift_right_arithmetic3A_1353] : memref<336xi32, #tpu.memory_space<vmem>>[vector<16xi32>], vector<16xi32>,
      %le3A_1355 = arith.cmpi sle, %gather3A_1354, %add3A_1277 : vector<16xi32>
      %select_n3A_1356 = arith.select %le3A_1355, %shift_right_arithmetic3A_1353, %select_n3A_1348 : vector<16xi1>, vector<16xi32>
      %select_n3A_1357 = arith.select %le3A_1355, %select_n3A_1349, %shift_right_arithmetic3A_1353 : vector<16xi1>, vector<16xi32>
      %ge3A_1358 = vector.broadcast %add3A_968 : i32 to vector<16xi32>
      %ge3A_1359 = arith.cmpi sge, %add3A_1277, %ge3A_1358 : vector<16xi32>
      %lt3A_1360 = vector.broadcast %squeeze3A_54 : i32 to vector<16xi32>
      %lt3A_1361 = arith.cmpi slt, %add3A_1277, %lt3A_1360 : vector<16xi32>
      %and3A_1362 = arith.andi %ge3A_1359, %lt3A_1361 : vector<16xi1>
      %add3A_1363 = vector.broadcast %sub3A_91 : i32 to vector<16xi32>
      %add3A_1364 = arith.addi %select_n3A_1356, %add3A_1363 : vector<16xi32>
      %jit3A_1365 = arith.constant 5008 : i32
      %broadcast_in_dim3A_1366 = vector.broadcast %jit3A_1365 : i32 to vector<16xi32>
      %select_n3A_1367 = arith.select %and3A_1362, %add3A_1364, %broadcast_in_dim3A_1366 : vector<16xi1>, vector<16xi32>
      %swap3A_1368 = arith.constant 48 : index
      %swap3A_1369 = tpu.vector_load %arg12[%swap3A_1368] {strides = array<i32>} : memref<64xi32, #tpu.memory_space<vmem>>, vector<16xi32>,
      tpu.vector_store %arg12[%swap3A_1368], %select_n3A_1367 {strides = array<i32>} : memref<64xi32, #tpu.memory_space<vmem>>, vector<16xi32>,
      %lt3A_1370 = arith.cmpi slt, %add3A_965, %select_n3A_81 : i32
      %convert_element_type3A_1371 = arith.extui %lt3A_1370 : i1 to i32
      %cond3A_1372 = arith.constant 0 : i32
      %cond3A_1373 = arith.cmpi ne, %convert_element_type3A_1371, %cond3A_1372 : i32
      scf.if %cond3A_1373 {
        "tpu.region"() ({
          %run_scoped3A = tpu.sem_alloc : memref<!tpu.dma_semaphore, #tpu.memory_space<semaphore_mem>>
          %dma_start3A = arith.constant 0 : i32
          %dma_start3A_1375 = arith.constant 0 : i32
          %dma_start3A_1376 = tpu.memref_slice %arg6[%dma_start3A, %dma_start3A_1375] : memref<5009x256xf32, #tpu.memory_space<vmem_shared>> -> memref<5009x256xf32, #tpu.memory_space<vmem_shared>>
          tpu.enqueue_indirect_dma source(%arg9 : memref<64x256xf32, #tpu.memory_space<vmem>>) target(%dma_start3A_1376 : memref<5009x256xf32, #tpu.memory_space<vmem_shared>>) offsets(%arg12 : memref<64xi32, #tpu.memory_space<vmem>>) semaphore(%run_scoped3A : memref<!tpu.dma_semaphore, #tpu.memory_space<semaphore_mem>>) {add = true}
          %dma_wait3A = arith.constant 0 : i32
          %dma_wait3A_1377 = arith.constant 0 : i32
          %dma_wait3A_1378 = tpu.memref_slice %arg6[%dma_wait3A, %dma_wait3A_1377] : memref<5009x256xf32, #tpu.memory_space<vmem_shared>> -> memref<5009x256xf32, #tpu.memory_space<vmem_shared>>
          tpu.wait_indirect_dma semaphore(%run_scoped3A : memref<!tpu.dma_semaphore, #tpu.memory_space<semaphore_mem>>) src(%arg9 : memref<64x256xf32, #tpu.memory_space<vmem>>) dst(%dma_wait3A_1378 : memref<5009x256xf32, #tpu.memory_space<vmem_shared>>)
          tpu.yield
        }) : () -> ()
      } else {
      }
      %while3A_1374 = arith.constant 0 : i32
      scf.yield %while3A_1374 : i32
    }
    %mul3A_131 = arith.constant 313 : i32
    %mul3A_132 = arith.muli %arg1, %mul3A_131 : i32
    %lt3A = arith.constant 31 : i32
    %lt3A_133 = arith.cmpi slt, %add3A, %lt3A : i32
    %convert_element_type3A_134 = arith.extui %lt3A_133 : i1 to i32
    %cond3A_135 = arith.constant 0 : i32
    %cond3A_136 = arith.cmpi ne, %convert_element_type3A_134, %cond3A_135 : i32
    scf.if %cond3A_136 {
      "tpu.region"() ({
        %run_scoped3A = tpu.sem_alloc : memref<!tpu.dma_semaphore, #tpu.memory_space<semaphore_mem>>
        %dma_start3A = arith.constant 0 : i32
        %dma_start3A_141 = tpu.memref_slice %arg4[%mul3A_2, %dma_start3A] : memref<10000x256xf32, #tpu.memory_space<hbm>> -> memref<313x256xf32, #tpu.memory_space<hbm>>
        %dma_start3A_142 = arith.constant 0 : i32
        %dma_start3A_143 = tpu.memref_slice %arg6[%mul3A_132, %dma_start3A_142] : memref<5009x256xf32, #tpu.memory_space<vmem_shared>> -> memref<313x256xf32, #tpu.memory_space<vmem_shared>>
        tpu.enqueue_dma source(%dma_start3A_143 : memref<313x256xf32, #tpu.memory_space<vmem_shared>>) target(%dma_start3A_141 : memref<313x256xf32, #tpu.memory_space<hbm>>) target_semaphore(%run_scoped3A : memref<!tpu.dma_semaphore, #tpu.memory_space<semaphore_mem>>)
        %dma_wait3A = arith.constant 0 : i32
        %dma_wait3A_144 = tpu.memref_slice %arg4[%mul3A_2, %dma_wait3A] : memref<10000x256xf32, #tpu.memory_space<hbm>> -> memref<313x256xf32, #tpu.memory_space<hbm>>
        %dma_wait3A_145 = arith.constant 0 : i32
        %dma_wait3A_146 = tpu.memref_slice %arg6[%mul3A_132, %dma_wait3A_145] : memref<5009x256xf32, #tpu.memory_space<vmem_shared>> -> memref<313x256xf32, #tpu.memory_space<vmem_shared>>
        tpu.wait_dma2 semaphore(%run_scoped3A : memref<!tpu.dma_semaphore, #tpu.memory_space<semaphore_mem>>) src(%dma_wait3A_146 : memref<313x256xf32, #tpu.memory_space<vmem_shared>>) dst(%dma_wait3A_144 : memref<313x256xf32, #tpu.memory_space<hbm>>)
        tpu.yield
      }) : () -> ()
    } else {
    }
    %eq3A = arith.constant 31 : i32
    %eq3A_137 = arith.cmpi eq, %add3A, %eq3A : i32
    %convert_element_type3A_138 = arith.extui %eq3A_137 : i1 to i32
    %cond3A_139 = arith.constant 0 : i32
    %cond3A_140 = arith.cmpi ne, %convert_element_type3A_138, %cond3A_139 : i32
    scf.if %cond3A_140 {
      "tpu.region"() ({
        %run_scoped3A = tpu.sem_alloc : memref<!tpu.dma_semaphore, #tpu.memory_space<semaphore_mem>>
        %dma_start3A = arith.constant 0 : i32
        %dma_start3A_141 = tpu.memref_slice %arg4[%mul3A_2, %dma_start3A] : memref<10000x256xf32, #tpu.memory_space<hbm>> -> memref<297x256xf32, #tpu.memory_space<hbm>>
        %dma_start3A_142 = arith.constant 0 : i32
        %dma_start3A_143 = tpu.memref_slice %arg6[%mul3A_132, %dma_start3A_142] : memref<5009x256xf32, #tpu.memory_space<vmem_shared>> -> memref<297x256xf32, #tpu.memory_space<vmem_shared>>
        tpu.enqueue_dma source(%dma_start3A_143 : memref<297x256xf32, #tpu.memory_space<vmem_shared>>) target(%dma_start3A_141 : memref<297x256xf32, #tpu.memory_space<hbm>>) target_semaphore(%run_scoped3A : memref<!tpu.dma_semaphore, #tpu.memory_space<semaphore_mem>>)
        %dma_wait3A = arith.constant 0 : i32
        %dma_wait3A_144 = tpu.memref_slice %arg4[%mul3A_2, %dma_wait3A] : memref<10000x256xf32, #tpu.memory_space<hbm>> -> memref<297x256xf32, #tpu.memory_space<hbm>>
        %dma_wait3A_145 = arith.constant 0 : i32
        %dma_wait3A_146 = tpu.memref_slice %arg6[%mul3A_132, %dma_wait3A_145] : memref<5009x256xf32, #tpu.memory_space<vmem_shared>> -> memref<297x256xf32, #tpu.memory_space<vmem_shared>>
        tpu.wait_dma2 semaphore(%run_scoped3A : memref<!tpu.dma_semaphore, #tpu.memory_space<semaphore_mem>>) src(%dma_wait3A_146 : memref<297x256xf32, #tpu.memory_space<vmem_shared>>) dst(%dma_wait3A_144 : memref<297x256xf32, #tpu.memory_space<hbm>>)
        tpu.yield
      }) : () -> ()
    } else {
    }
    return
  }
}

</mosaic_0001>

<sc_bundles>
// kernel: kernel.3.cloned.1.call-start
scs
__scs_entry_jumppad:
0x0: {  	(pc) =	sbr.rel $0x88, $3  }
0x1: {  	(tag) =	ssettag $0x0;
	lr =	simm.s32 $0x1  }
0x2: {  	[smem:$0x3F9E] =	sst lr;
	_ =	strace $0xD0000000  }
0x3: {  	_ = 	snop  }
0x4: {  	_ = 	snop  }
0x5: {  	_ = 	snop  }
0x6: {  	_ = 	snop  }
0x7: {  	_ = 	snop  }
__scs_overlays_trampoline_lowered:
0x8: {  	[smem:$0x3FAD] =	sst s0  }
0x9: {  	[smem:$0x3FAE] =	sst s1  }
0xa: {  	[smem:$0x3FAF] =	sst s2  }
0xb: {  	[smem:$0x3FB0] =	sst s3  }
0xc: {  	[smem:$0x3FB1] =	sst s4  }
0xd: {  	[smem:$0x3FB2] =	sst s5  }
0xe: {  	[smem:$0x3FB3] =	sst s6  }
0xf: {  	[smem:$0x3FB4] =	sst s7  }
0x10: {  	[smem:$0x3FB5] =	sst s8  }
0x11: {  	[smem:$0x3FB6] =	sst s9;
	s0 =	simm.s32 @!p0 $0x0  }
0x12: {  	s1 =	sld [smem:$0x3F9C];
	s0 =	simm.s32 @p0 $0x1  }
0x13: {  	[smem:$0x3FB7] =	sst s0;
	s0 =	simm.s32 @!p1 $0x0  }
0x14: {  	s2 =	sld [smem:$0x3F9B];
	s0 =	simm.s32 @p1 $0x1  }
0x15: {  	[smem:$0x3FB8] =	sst s0;
	s0 =	simm.s32 @!p2 $0x0  }
0x16: {  	s3 =	sld [smem:$0x3FDB];
	s0 =	simm.s32 @p2 $0x1  }
0x17: {  	s4 =	simm.s32 $0x1BF5;
	[smem:$0x3FBA] =	sst s0  }
0x18: {  	s0 =	sld [smem:$0x3F9D];
	_ =	swait.ge [sflag:s4], $0x0  }
0x19: {  	s7 =	sld [smem:$0x3F9E]  }
0x1a: {  	s8 =	sadd.s32 $0xFFFFE003, lr  }
0x1b: {  	s9 =	sadd.s32 $0xFFFFFEF7, lr;
	s5 =	simm.s32 $0xFFFFFFFF;
	p2 =	slt.u32 s8, $0xFFFFF086  }
0x1c: {  	p1 =	slt.u32 s9, $0xF7A;
	s5 =	simm.s32 @!p2 $0x0  }
0x1d: {  	s5 =	simm.s32 @p1 $0x1;
	p0 =	seq.s32 s7, s2  }
0x1e: {  	s7 =	smul.u32 @!p0 $0xF7A, s2;
	p2 =	seq.s32 @!p0 s5, $0x0  }
0x1f: {  	s9 =	smul.u32 $0xF7A, s1;
	s8 =	simm.s32 @!p0 $0x1BF5;
	p2 =	por !p2, p0  }
0x20: {  	[sflag:s8] =	ssyncset.s32 @!p0 $0xFFFFF086;
	s6 =	sadd.s32 @!p0 s3, s7;
	s7 =	simm.s32 @!p0 $0x108  }
0x21: {  	s3 =	sadd.s32 s3, s9;
	s6 =	sadd.s32 @!p0 $0x88, s6;
	s7 =	simm.s32 @p2 $0x1082  }
0x22: {  	[simem:s7], [sflag:s8] =	dma.local @!p0 [hbm:s6], $0xF7A  }
0x23: {  	s9 =	sor.u32 $0xD0000000, s2;
	s6 =	simm.s32 $0x108;
	_ =	swait.ge @!p0 [sflag:s8], $0x0  }
0x24: {  	s3 =	sadd.s32 $0x88, s3;
	s6 =	simm.s32 @!p1 $0x1082;
	[sflag:s4] =	ssyncset.s32 $0xFFFFF086  }
0x25: {  	[simem:s6], [sflag:s4] =	dma.local [hbm:s3], $0xF7A  }
0x26: {  	[smem:$0x3F9E] =	sst s1;
	(tag) =	ssettag s2;
	_ =	strace s9  }
0x27: {  	s1 =	sld [smem:$0x3FAE]  }
0x28: {  	s2 =	sld [smem:$0x3FAF]  }
0x29: {  	s4 =	sld [smem:$0x3FB1]  }
0x2a: {  	p0 =	seq.s32 s5, $0x0;
	s5 =	sld [smem:$0x3FB2]  }
0x2b: {  	s6 =	sld [smem:$0x3FB3]  }
0x2c: {  	s7 =	sld [smem:$0x3FB4]  }
0x2d: {  	s3 =	simm.s32 $0x108;
	s8 =	sld [smem:$0x3FB5]  }
0x2e: {  	s3 =	simm.s32 @!p0 $0x1082;
	s9 =	sld [smem:$0x3FB6]  }
0x2f: {  	lr =	sadd.s32 s0, s3;
	s0 =	sld [smem:$0x3FAD]  }
0x30: {  	s3 =	sld [smem:$0x3FB0]  }
0x31: {  	[smem:$0x3FB9] =	sst s10  }
0x32: {  	s10 =	sld [smem:$0x3FB7];
	_ =	sdelay $0x3  }
0x33: {  	p0 =	seq.s32 s10, $0x1;
	s10 =	sld [smem:$0x3FB9];
	_ =	sdelay $0x3  }
0x34: {  	[smem:$0x3FB9] =	sst s10  }
0x35: {  	s10 =	sld [smem:$0x3FB8];
	_ =	sdelay $0x3  }
0x36: {  	p1 =	seq.s32 s10, $0x1;
	s10 =	sld [smem:$0x3FB9];
	_ =	sdelay $0x3  }
0x37: {  	[smem:$0x3FB9] =	sst s10  }
0x38: {  	s10 =	sld [smem:$0x3FBA]  }
0x39: {  	_ = 	snop;
	(pc) =	sbr.ind lr, $3  }
0x3a: {  	_ = 	snop  }
0x3b: {  	_ = 	snop  }
0x3c: {  	p2 =	seq.s32 s10, $0x1;
	s10 =	sld [smem:$0x3FB9]  }
0x3d: {  	_ =	shalt  }
0x3e: {  	_ =	shalt  }
0x3f: {  	_ =	shalt  }
0x40: {  	_ =	shalt  }
0x41: {  	_ =	shalt  }
0x42: {  	_ =	shalt  }
0x43: {  	_ =	shalt  }
0x44: {  	_ =	shalt  }
0x45: {  	_ =	shalt  }
0x46: {  	_ =	shalt  }
0x47: {  	_ =	shalt  }
0x48: {  	_ =	shalt  }
0x49: {  	_ =	shalt  }
0x4a: {  	_ =	shalt  }
0x4b: {  	_ =	shalt  }
0x4c: {  	_ =	shalt  }
0x4d: {  	_ =	shalt  }
0x4e: {  	_ =	shalt  }
0x4f: {  	_ =	shalt  }
0x50: {  	_ =	shalt  }
0x51: {  	_ =	shalt  }
0x52: {  	_ =	shalt  }
0x53: {  	_ =	shalt  }
0x54: {  	_ =	shalt  }
0x55: {  	_ =	shalt  }
0x56: {  	_ =	shalt  }
0x57: {  	_ =	shalt  }
0x58: {  	_ =	shalt  }
0x59: {  	_ =	shalt  }
0x5a: {  	_ =	shalt  }
0x5b: {  	_ =	shalt  }
0x5c: {  	_ =	shalt  }
0x5d: {  	_ =	shalt  }
0x5e: {  	_ =	shalt  }
0x5f: {  	_ =	shalt  }
0x60: {  	_ =	shalt  }
0x61: {  	_ =	shalt  }
0x62: {  	_ =	shalt  }
0x63: {  	_ =	shalt  }
0x64: {  	_ =	shalt  }
0x65: {  	_ =	shalt  }
0x66: {  	_ =	shalt  }
0x67: {  	_ =	shalt  }
0x68: {  	_ =	shalt  }
0x69: {  	_ =	shalt  }
0x6a: {  	_ =	shalt  }
0x6b: {  	_ =	shalt  }
0x6c: {  	_ =	shalt  }
0x6d: {  	_ =	shalt  }
0x6e: {  	_ =	shalt  }
0x6f: {  	_ =	shalt  }
0x70: {  	_ =	shalt  }
0x71: {  	_ =	shalt  }
0x72: {  	_ =	shalt  }
0x73: {  	_ =	shalt  }
0x74: {  	_ =	shalt  }
0x75: {  	_ =	shalt  }
0x76: {  	_ =	shalt  }
0x77: {  	_ =	shalt  }
0x78: {  	_ =	shalt  }
0x79: {  	_ =	shalt  }
0x7a: {  	_ =	shalt  }
0x7b: {  	_ =	shalt  }
0x7c: {  	_ =	shalt  }
0x7d: {  	_ =	shalt  }
0x7e: {  	_ =	shalt  }
0x7f: {  	_ =	shalt  }
0x80: {  	_ =	shalt  }
0x81: {  	_ =	shalt  }
0x82: {  	_ =	shalt  }
0x83: {  	_ =	shalt  }
0x84: {  	_ =	shalt  }
0x85: {  	_ =	shalt  }
0x86: {  	_ =	shalt  }
0x87: {  	_ =	shalt  }
.Lfunc_end0:
.L_simem_size_0:
called_computation.1_lowered:
.L_overlay_start_0:
0x88: {  	s2 =	sld [smem:$0x3FD9]  }
0x89: {  	s3 =	sld [smem:$0x3FFE];
	_ =	sdelay $0x1  }
0x8a: {  	s1 =	srdreg.scid  }
0x8b: {  	s0 =	sand.u32 $0x1, s1  }
0x8c: {  	s17 =	sshll.u32 s0, $0xA;
	s2 =	sadd.s32 s3, s2  }
0x8d: {  	s2 =	sadd.s32 s2, s17  }
0x8e: {  	[smem:$0x3FC5] =	sst s2  }
0x8f: {  	_ = 	snop  }
0x90: {  	s2 =	sld [smem:$0x3FD0];
	(tm) =	ssettm $0x1  }
0x91: {  	s18 =	sld [smem:$0x3FFB];
	_ =	sdelay $0x3  }
0x92: {  	_ =	strace s18  }
0x93: {  	s3 =	sld [smem:$0x3FFC];
	_ =	sdelay $0x3  }
0x94: {  	_ =	strace s3  }
0x95: {  	s3 =	sld [smem:$0x3FFD];
	_ =	sdelay $0x3  }
0x96: {  	_ =	strace s3  }
0x97: {  	_ =	strace $0x8FFFFFFF  }
0x98: {  	s19 =	sld [smem:$0x3FDB];
	_ =	sdelay $0x1  }
0x99: {  	s4 =	simm.s32 $_scs_section_size  }
0x9a: {  	s5 =	simm.s32 $_size__tile_overlayer_lowered;
	s6 =	simm.s32 $_tile_overlayer_lowered  }
0x9b: {  	s22 =	simm.s32 $0x1BFF;
	s21 =	sshll.u32 s6, $0x1;
	s3 =	sadd.s32 s4, s19  }
0x9c: {  	s7 =	simm.s32 $0x0;
	s20 =	sshll.u32 s5, $0x1;
	s5 =	sadd.s32 s21, s3  }
0x9d: {  	[timem:s7], [sflag:s22] =	dma.local [hbm:s5], s20  }
0x9e: {  	_ =	swait.ge [sflag:s22], s20  }
0x9f: {  	s4 =	ssub.s32 $0x0, s20;
	[sflag:s22] =	ssyncset.done $0x0  }
0xa0: {  	[sflag:s22] =	ssyncadd.s32 s4;
	_ =	sdelay $0x1  }
0xa1: {  	s23 =	simm.s32 $0x1B8B  }
0xa2: {  	_ =	swait.ge [sflag:s23], $0x1  }
0xa3: {  	[sflag:s23] =	ssyncset.done $0x0  }
0xa4: {  	s25 =	simm.s32 $0x1B8E;
	s24 =	sld [smem:$0x3FFE];
	[sflag:s23] =	ssyncadd.s32 $0xFFFFFFFF  }
0xa5: {  	s26 =	simm.s32 $execute0_lowered;
	[smem:$0x3FD2] =	sst s25  }
0xa6: {  	s5 =	sshll.u32 s26, $0x1;
	_ =	strace $0x80000049;
	[dreg:$0x1] =	wrdreg $0xFFFFFFFF  }
0xa7: {  	s28 =	simm.s32 $_size_execute0_lowered;
	s3 =	sadd.s32 s3, s5;
	[dreg:$0x0] =	wrdreg $0x0  }
0xa8: {  	s5 =	sshll.u32 s28, $0x1;
	[dreg:$0x2] =	wrdreg s3  }
0xa9: {  	[dreg:$0x3] =	wrdreg s5  }
0xaa: {  	[dreg:$0x4] =	wrdreg $0xC0  }
0xab: {  	_ =	task [dreg:s7], $0x5FFFF  }
0xac: {  	[dreg:$0x1] =	wrdreg $0xFFFFFFFF  }
0xad: {  	[dreg:$0x0] =	wrdreg $0x60  }
0xae: {  	[dreg:$0x2] =	wrdreg s24  }
0xaf: {  	[dreg:$0x3] =	wrdreg s2  }
0xb0: {  	[dreg:$0x4] =	wrdreg $0x1500  }
0xb1: {  	[dreg:$0x5] =	wrdreg $0x9  }
0xb2: {  	_ =	task.clear_ibuf [dreg:s7], $0x6FFFF;
	_ =	strace $0x90000049  }
0xb3: {  	s29 =	simm.s32 $0x9;
	_ =	strace $0x8000004B  }
0xb4: {  	_ =	swait.ge [sflag:s29], $0x1  }
0xb5: {  	[sflag:s29] =	ssyncadd.s32 $0xFFFFFFFF  }
0xb6: {  	_ =	strace $0x9000004B  }
0xb7: {  	_ =	sfence  }
0xb8: {  	s30 =	sld [smem:$0x0];
	_ =	sdelay $0x2  }
0xb9: {  	s31 =	sshll.u32 s1, $0xD;
	s1 =	sshrl.u32 s1, $0x2  }
0xba: {  	s3 =	sand.u32 $0x4000, s31;
	s1 =	sadd.s32 s1, s30  }
0xbb: {  	s0 =	sor.u32 s3, s0;
	s1 =	sshll.u32 s1, $0x11  }
0xbc: {  	s0 =	sor.u32 s1, s0  }
0xbd: {  	s0 =	sadd.s32 $0x8F2B, s0  }
0xbe: {  	[sflag:s0] =	ssyncadd.remote.s32 $0x1  }
0xbf: {  	_ =	sfence.sel $0xFFFF  }
0xc0: {  	[dreg:$0x0] =	wrdreg $0xFFFFFFFF;
	(pc) =	sbr.abs _section_cstart, $3  }
0xc1: {  	[dreg:$0x1] =	wrdreg $0xFFFFFFFF  }
0xc2: {  	_ =	task.clear_ibuf [dreg:s7], $0x2FFFF;
	_ =	strace $0x9FFFFFFF  }
0xc3: {  	(tm) =	ssettm $0x7FFFFFFF  }
tec
execute0_lowered:
.L_overlay_start_1:
0x0: {  	(tag) =	ssettag $0x1  }
0x1: {  	s5 =	rddreg [dreg:$0x0]  }
0x2: {  	s0 =	srdreg.scid;
	s14 =	rddreg [dreg:$0x1]  }
0x3: {  	s2 =	rddreg [dreg:$0x2];
	s1 =	stileid.u32  }
0x4: {  	s3 =	simm.s32 $0x0;
	s6 =	sand.u32 $0x1, s0;
	s0 =	rddreg [dreg:$0x3]  }
0x5: {  	[smem:$0x7FF] =	sst s3;
	s11 =	smul.u32 $0x4E400, s1  }
0x6: {  	s4 =	sshll.u32 s6, $0x4;
	_ =	strace $0x8000004A;
	s8 =	ssub.s32 $0x2, s6  }
0x7: {  	s13 =	smul.u32 $0xFFFFEC70, s6;
	s18 =	sor.u32 s1, s4;
	s4 =	sadd.s32 $0xA00, s5  }
0x8: {  	s10 =	sshrl.u32 s8, $0x1;
	s30 =	sshrl.u32 s11, $0x2;
	s7 =	smul.u32 $0x139, s18  }
0x9: {  	s15 =	ssub.s32 s8, s10;
	s6 =	sadd.s32 s30, s2;
	s19 =	smul.u32 $0x2720, s18  }
0xa: {  	p0 =	seq.s32 s18, $0x1F;
	s18 =	simm.s32 $0x0;
	s8 =	sadd.s32 $0x4000, s6  }
0xb: {  	s10 =	sadd.s32 $0xC000, s6;
	s11 =	sadd.s32 $0x10000, s6;
	s15 =	smax.u32 s15, $0x1  }
0xc: {  	s9 =	sshrl.u32 s7, $0x3;
	s29 =	smin.u32 s7, $0x25D7;
	s16 =	sand.u32 $0x3FF8, s7  }
.Ltmp0:
0xd: {  	s9 =	sadd.s32 s9, s5;
	s12 =	sadd.s32 $0x139, s29;
	(pc) =	sbr.rel .LBB2_1-.Ltmp0, $4  }
0xe: {  	s5 =	sand.u32 $0x7, s7;
	s31 =	sadd.s32 s13, s16;
	s17 =	ssub.s32 s12, s16  }
0xf: {  	s13 =	sadd.s32 s14, s19;
	s14 =	sadd.s32 $0x4BCE0, s14;
	s7 =	sadd.s32 $0x4E2A00, s9;
	v0 =	vmov s17  }
0x10: {  	v4 =	vimm.f32 $0.0e+00;
	v5 =	vlaneseq.u32;
	s9 =	sadd.s32 $0x8000, s6;
	s12 =	sand.u32 $0x7, s12;
	s17 =	sand.u32 $0xFFFFFFF8, s17;
	v2 =	vadd.s32 s5, v0  }
0x11: {  	v1 =	vmov s5;
	s16 =	simm.s32 $0x4;
	v3 =	vmov s31;
	s12 =	sor.u32 s12, s17;
	s17 =	simm.s32 $0x13A60;
	v2 =	vshra.s32 v2, $0x1  }
.LBB2_6:
0x12: {  	s19 =	sshll.u32 @p0 s1, $0x6  }
0x13: {  	s20 =	sshrl.u32 @p0 s6, $0x3;
	s19 =	sor.u32 @p0 $0x1C04, s19  }
0x14: {  	[hbm:s14], [sflag:s19] =	dma.local @p0 [spmem:s20], $0x2520  }
0x15: {  	s19 =	simm.s32 @p0 $0x4  }
0x16: {  	s18 =	sadd.s32 $0x1, s18;
	_ =	swait.ge @p0 [sflag:s19], $0x2520  }
0x17: {  	p1 =	sne.s32 s18, s15;
	s20 =	sshll.u32 @!p0 s1, $0x6;
	[sflag:s19] =	ssyncset.done @p0 $0x0  }
0x18: {  	[sflag:s19] =	ssyncadd.s32 @p0 $0xFFFFDAE0;
	s19 =	sor.u32 @!p0 $0x1C04, s20;
	s20 =	sshrl.u32 @!p0 s6, $0x3  }
0x19: {  	[hbm:s13], [sflag:s19] =	dma.local @!p0 [spmem:s20], $0x2720  }
.Ltmp1:
0x1a: {  	_ = 	snop;
	(pc) =	sbr.rel @!p1 .LBB2_7-.Ltmp1, $4  }
0x1b: {  	s19 =	simm.s32 @!p0 $0x4  }
0x1c: {  	_ =	swait.ge @!p0 [sflag:s19], $0x2720  }
0x1d: {  	[sflag:s19] =	ssyncset.done @!p0 $0x0  }
0x1e: {  	[sflag:s19] =	ssyncadd.s32 @!p0 $0xFFFFD8E0  }
.LBB2_1:
0x1f: {  	[tilespmem:s3], [sflag:$0x4] =	stream.linear.gather [hbm4b:s7+s3], $0x150, $0x38;
	[tilespmem:$0x1FB20] =	vst v63  }
0x20: {  	_ =	swait.ge [sflag:s16], $0x150  }
0x21: {  	[sflag:s16] =	ssyncset.done $0x0  }
0x22: {  	s19 =	simm.s32 $0x0;
	s20 =	simm.s32 $0x400;
	[sflag:s16] =	ssyncadd.s32 $0xFFFFFEB0  }
.LBB2_2:
0x23: {  	p1 =	sne.s32 s20, $0xFC00;
	[tilespmem:s19+$0x13B50] =	vst v4  }
0x24: {  	[tilespmem:s19+$0x13A60] =	vst v4  }
0x25: {  	[tilespmem:s19+$0x13A70] =	vst v4  }
0x26: {  	[tilespmem:s19+$0x13A80] =	vst v4  }
0x27: {  	[tilespmem:s19+$0x13A90] =	vst v4  }
0x28: {  	[tilespmem:s19+$0x13AA0] =	vst v4  }
0x29: {  	[tilespmem:s19+$0x13AB0] =	vst v4  }
0x2a: {  	[tilespmem:s19+$0x13AC0] =	vst v4  }
0x2b: {  	[tilespmem:s19+$0x13AD0] =	vst v4  }
0x2c: {  	[tilespmem:s19+$0x13AE0] =	vst v4  }
0x2d: {  	[tilespmem:s19+$0x13AF0] =	vst v4  }
.Ltmp2:
0x2e: {  	[tilespmem:s19+$0x13B00] =	vst v4;
	(pc) =	sbr.rel @p1 .LBB2_2-.Ltmp2, $4  }
0x2f: {  	[tilespmem:s19+$0x13B10] =	vst v4  }
0x30: {  	[tilespmem:s19+$0x13B20] =	vst v4  }
0x31: {  	[tilespmem:s19+$0x13B30] =	vst v4  }
0x32: {  	[tilespmem:s19+$0x13B40] =	vst v4;
	s19 =	sshra.s32 s20, $0x2;
	s20 =	sadd.s32 $0x400, s20  }
0x33: {  	[tilespmem:s19+$0x13B50] =	vst v4  }
0x34: {  	[tilespmem:s19+$0x13A60] =	vst v4  }
0x35: {  	[tilespmem:s19+$0x13A70] =	vst v4  }
0x36: {  	[tilespmem:s19+$0x13A80] =	vst v4  }
0x37: {  	[tilespmem:s19+$0x13A90] =	vst v4  }
0x38: {  	[tilespmem:s19+$0x13AA0] =	vst v4  }
0x39: {  	[tilespmem:s19+$0x13AB0] =	vst v4  }
0x3a: {  	[tilespmem:s19+$0x13AC0] =	vst v4  }
0x3b: {  	[tilespmem:s19+$0x13AD0] =	vst v4  }
0x3c: {  	[tilespmem:s19+$0x13AE0] =	vst v4  }
0x3d: {  	[tilespmem:s19+$0x13AF0] =	vst v4  }
0x3e: {  	[tilespmem:s19+$0x13B00] =	vst v4  }
0x3f: {  	[tilespmem:s19+$0x13B10] =	vst v4  }
0x40: {  	[tilespmem:s19+$0x13B20] =	vst v4  }
0x41: {  	[tilespmem:s19+$0x13B30] =	vst v4  }
0x42: {  	[tilespmem:s19+$0x13B40] =	vst v4  }
0x43: {  	[spmem:s6] =	stream.linear.scatter [tilespmem:s17], [sflag:$0x4], $0x4000, $0x38;
	[tilespmem:$0x1FB20] =	vst v63  }
0x44: {  	_ =	swait.ge [sflag:s16], $0x4000  }
0x45: {  	[sflag:s16] =	ssyncset.done $0x0  }
0x46: {  	[sflag:s16] =	ssyncadd.s32 $0xFFFFC000  }
0x47: {  	[spmem:s8] =	stream.linear.scatter [tilespmem:s17], [sflag:$0x4], $0x4000, $0x38;
	[tilespmem:$0x1FB20] =	vst v63  }
0x48: {  	_ =	swait.ge [sflag:s16], $0x4000  }
0x49: {  	[sflag:s16] =	ssyncset.done $0x0  }
0x4a: {  	[sflag:s16] =	ssyncadd.s32 $0xFFFFC000  }
0x4b: {  	[spmem:s9] =	stream.linear.scatter [tilespmem:s17], [sflag:$0x4], $0x4000, $0x38;
	[tilespmem:$0x1FB20] =	vst v63  }
0x4c: {  	_ =	swait.ge [sflag:s16], $0x4000  }
0x4d: {  	[sflag:s16] =	ssyncset.done $0x0  }
0x4e: {  	[sflag:s16] =	ssyncadd.s32 $0xFFFFC000  }
0x4f: {  	[spmem:s10] =	stream.linear.scatter [tilespmem:s17], [sflag:$0x4], $0x4000, $0x38;
	[tilespmem:$0x1FB20] =	vst v63  }
0x50: {  	_ =	swait.ge [sflag:s16], $0x4000  }
0x51: {  	[sflag:s16] =	ssyncset.done $0x0  }
0x52: {  	[sflag:s16] =	ssyncadd.s32 $0xFFFFC000  }
0x53: {  	[spmem:s11] =	stream.linear.scatter [tilespmem:s17], [sflag:$0x4], $0x3900, $0x38;
	[tilespmem:$0x1FB20] =	vst v63  }
0x54: {  	_ =	swait.ge [sflag:s16], $0x3900  }
0x55: {  	[sflag:s16] =	ssyncset.done $0x0  }
0x56: {  	[sflag:s16] =	ssyncadd.s32 $0xFFFFC700  }
0x57: {  	v7 =	vld [tilespmem:s5+$0x0]  }
0x58: {  	v6 =	vld [tilespmem:s12+$0x0];
	_ =	sdelay $0x3  }
0x59: {  	(v2sf) =	vpush v7, $0x0  }
0x5a: {  	(v2sf) =	vpush v6, $0x0;
	_ =	sdelay $0xd  }
0x5b: {  	s19 =	spop (v2sf)  }
0x5c: {  	s20 =	spop (v2sf)  }
0x5d: {  	s20 =	ssub.s32 s20, s19  }
0x5e: {  	s20 =	sadd.s32 $0x3F, s20  }
0x5f: {  	s21 =	sand.u32 $0x3F, s20  }
0x60: {  	s22 =	sshra.s32 s20, $0x1F;
	p1 =	slt.s32 s20, $0x1;
	p2 =	sne.s32 s21, $0x0  }
0x61: {  	s26 =	sshrl.u32 s22, $0x1A;
	p1 =	por !p1, !p2  }
0x62: {  	s21 =	simm.s32 $0x1;
	s20 =	sadd.s32 s26, s20;
	p1 =	por !p1, !p1  }
0x63: {  	s20 =	sshra.s32 s20, $0x6;
	s21 =	simm.s32 @!p1 $0x0  }
0x64: {  	s20 =	ssub.s32 s20, s21  }
0x65: {  	p1 =	slt.s32 s20, $0x1  }
0x66: {  	p2 =	slt.s32 @!p1 s19, $0x270C0  }
0x67: {  	s21 =	smov.u32 s19;
	p2 =	por !p2, p1  }
0x68: {  	s21 =	simm.s32 @p2 $0x270C0  }
0x69: {  	s21 =	sshll.u32 @!p1 s21, $0x5  }
0x6a: {  	s22 =	simm.s32 @!p1 $0x0;
	p3 =	seq.s32 @!p1 s20, $0x1;
	s21 =	sand.u32 @!p1 $0x1FFFFFE0, s21  }
0x6b: {  	s23 =	simm.s32 @!p1 $0x13A60;
	p2 =	por p3, p1;
	s21 =	sadd.s32 @!p1 s4, s21  }
0x6c: {  	[tilespmem:s23], [sflag:$0x1] =	stream.linear.gather @!p1 [hbm4b:s21+s22], $0x4000, $0x38;
	[tilespmem:$0x1FB20] =	vst v63  }
0x6d: {  	s21 =	sadd.s32 @!p2 $0x40, s19  }
0x6e: {  	p4 =	slt.s32 @!p2 s21, $0x270C0  }
0x6f: {  	s28 =	sadd.s32 $0x2, s20;
	p3 =	por @!p1 !p4, p3  }
0x70: {  	s29 =	smulhi.u32 $0x55555556, s28;
	s22 =	sshra.s32 s28, $0x1F;
	p1 =	por !p3, p1  }
0x71: {  	s22 =	smul.u32 $0x55555556, s22;
	s21 =	simm.s32 @!p1 $0x270C0  }
0x72: {  	s21 =	sshll.u32 @!p2 s21, $0x5  }
0x73: {  	s24 =	simm.s32 @!p2 $0x0;
	s30 =	sadd.s32 s22, s29;
	s21 =	sand.u32 @!p2 $0x1FFFFFE0, s21  }
0x74: {  	s25 =	simm.s32 @!p2 $0x17A60;
	s22 =	sshrl.u32 s30, $0x1F;
	s21 =	sadd.s32 @!p2 s4, s21  }
0x75: {  	[tilespmem:s25], [sflag:$0x2] =	stream.linear.gather @!p2 [hbm4b:s21+s24], $0x4000, $0x38;
	[tilespmem:$0x1FB20] =	vst v63  }
0x76: {  	s21 =	sadd.s32 s22, s30  }
0x77: {  	s22 =	smul.u32 $0xFFFFFFFD, s21  }
0x78: {  	s31 =	ssub.s32 $0xFFFFFFFE, s20  }
0x79: {  	p5 =	slt.s32 s20, $0xFFFFFFFF;
	p6 =	sne.s32 s22, s31  }
0x7a: {  	p1 =	por !p5, !p6  }
0x7b: {  	s22 =	simm.s32 $0x1;
	p1 =	por !p1, !p1  }
0x7c: {  	s22 =	simm.s32 @!p1 $0x0  }
0x7d: {  	s21 =	ssub.s32 s21, s22  }
0x7e: {  	p1 =	slt.s32 s21, $0x1  }
.Ltmp3:
0x7f: {  	_ = 	snop;
	(pc) =	sbr.rel @p1 .LBB2_6-.Ltmp3, $1  }
0x80: {  	_ =	sdelay $0x3  }
0x81: {  	v6 =	vbroadcast v6, $0x0;
	s22 =	simm.s32 $0x4  }
.LBB2_5:
0x82: {  	s23 =	sadd.s32 $0xFFFFFFFE, s22  }
0x83: {  	p1 =	sge.s32 s23, s20  }
0x84: {  	s30 =	sadd.s32 $0xFFFFFFFC, s22;
	s24 =	sadd.s32 @!p1 $0x80, s19  }
0x85: {  	p2 =	sge.s32 s30, s20;
	p3 =	slt.s32 @!p1 s24, $0x270C0  }
0x86: {  	s23 =	simm.s32 @!p2 $0x1;
	p3 =	por !p3, p1  }
0x87: {  	_ =	swait.ge @!p2 [sflag:s23], $0x4000;
	s24 =	simm.s32 @p3 $0x270C0  }
0x88: {  	[sflag:s23] =	ssyncset.done @!p2 $0x0;
	s24 =	sshll.u32 @!p1 s24, $0x5  }
0x89: {  	[sflag:s23] =	ssyncadd.s32 @!p2 $0xFFFFC000;
	s23 =	sand.u32 @!p1 $0x1FFFFFE0, s24  }
0x8a: {  	s25 =	simm.s32 @!p1 $0x0;
	s24 =	sadd.s32 @!p1 s4, s23;
	s23 =	simm.s32 @!p1 $0x1BA60  }
0x8b: {  	[tilespmem:s23], [sflag:$0x3] =	stream.linear.gather @!p1 [hbm4b:s24+s25], $0x4000, $0x38;
	[tilespmem:$0x1FB20] =	vst v63  }
0x8c: {  	v7 =	vld.idx.msk [tilespmem:v2+s3+$0x0], $0xffff;
	_ =	sdelay $0x1  }
0x8d: {  	p3 =	slt.s32 s19, $0x270C0;
	s24 =	smov.u32 s19  }
0x8e: {  	s24 =	simm.s32 @!p3 $0x270C0  }
0x8f: {  	v8 =	vadd.s32 s24, v5  }
0x90: {  	vm0 =	vgt.s32 v7, v8  }
0x91: {  	v7 =	vsel vm0, v1, v2;
	v9 =	vsel vm0, v2, v0  }
0x92: {  	v10 =	vadd.s32 v9, v7  }
0x93: {  	v10 =	vshra.s32 v10, $0x1;
	_ =	sdelay $0x4  }
0x94: {  	v11 =	vld.idx.msk [tilespmem:v10+s3+$0x0], $0xffff;
	_ =	sdelay $0x4  }
0x95: {  	vm6 =	vgt.s32 v11, v8  }
0x96: {  	v7 =	vsel vm6, v7, v10;
	v9 =	vsel vm6, v10, v9  }
0x97: {  	v10 =	vadd.s32 v9, v7  }
0x98: {  	v10 =	vshra.s32 v10, $0x1;
	_ =	sdelay $0x4  }
0x99: {  	v51 =	vld.idx.msk [tilespmem:v10+s3+$0x0], $0xffff;
	_ =	sdelay $0x4  }
0x9a: {  	vm7 =	vgt.s32 v51, v8  }
0x9b: {  	v7 =	vsel vm7, v7, v10;
	v9 =	vsel vm7, v10, v9  }
0x9c: {  	v10 =	vadd.s32 v9, v7  }
0x9d: {  	v10 =	vshra.s32 v10, $0x1;
	_ =	sdelay $0x4  }
0x9e: {  	v52 =	vld.idx.msk [tilespmem:v10+s3+$0x0], $0xffff;
	_ =	sdelay $0x4  }
0x9f: {  	vm8 =	vgt.s32 v52, v8  }
0xa0: {  	v7 =	vsel vm8, v7, v10;
	v9 =	vsel vm8, v10, v9  }
0xa1: {  	v10 =	vadd.s32 v9, v7  }
0xa2: {  	v10 =	vshra.s32 v10, $0x1;
	_ =	sdelay $0x4  }
0xa3: {  	v53 =	vld.idx.msk [tilespmem:v10+s3+$0x0], $0xffff;
	_ =	sdelay $0x4  }
0xa4: {  	vm9 =	vgt.s32 v53, v8  }
0xa5: {  	v7 =	vsel vm9, v7, v10;
	v9 =	vsel vm9, v10, v9  }
0xa6: {  	v10 =	vadd.s32 v9, v7  }
0xa7: {  	v10 =	vshra.s32 v10, $0x1;
	_ =	sdelay $0x4  }
0xa8: {  	v54 =	vld.idx.msk [tilespmem:v10+s3+$0x0], $0xffff;
	_ =	sdelay $0x4  }
0xa9: {  	vm10 =	vgt.s32 v54, v8  }
0xaa: {  	v7 =	vsel vm10, v7, v10;
	v9 =	vsel vm10, v10, v9  }
0xab: {  	v10 =	vadd.s32 v9, v7  }
0xac: {  	v10 =	vshra.s32 v10, $0x1;
	_ =	sdelay $0x4  }
0xad: {  	v55 =	vld.idx.msk [tilespmem:v10+s3+$0x0], $0xffff;
	_ =	sdelay $0x4  }
0xae: {  	vm11 =	vgt.s32 v55, v8  }
0xaf: {  	v7 =	vsel vm11, v7, v10;
	v9 =	vsel vm11, v10, v9  }
0xb0: {  	v10 =	vadd.s32 v9, v7  }
0xb1: {  	v10 =	vshra.s32 v10, $0x1;
	_ =	sdelay $0x4  }
0xb2: {  	v56 =	vld.idx.msk [tilespmem:v10+s3+$0x0], $0xffff;
	_ =	sdelay $0x4  }
0xb3: {  	vm12 =	vgt.s32 v56, v8  }
0xb4: {  	v7 =	vsel vm12, v7, v10;
	v9 =	vsel vm12, v10, v9  }
0xb5: {  	v9 =	vadd.s32 v9, v7  }
0xb6: {  	v9 =	vshra.s32 v9, $0x1;
	_ =	sdelay $0x4  }
0xb7: {  	v57 =	vld.idx.msk [tilespmem:v9+s3+$0x0], $0xffff;
	_ =	sdelay $0x4  }
0xb8: {  	vm13 =	vgt.s32 v57, v8  }
0xb9: {  	vm14 =	vge.s32 v8, s19;
	vm1 =	vlt.s32 v8, v6;
	v7 =	vsel vm13, v7, v9  }
0xba: {  	vm0 =	vmand vm14, vm1;
	v7 =	vadd.s32 v3, v7  }
0xbb: {  	v7 =	vnsel vm0, $0x1390, v7  }
0xbc: {  	[tilespmem:$0x1FA60] =	vst v7  }
0xbd: {  	v7 =	vld.idx.msk [tilespmem:v2+s3+$0x0], $0xffff;
	_ =	sdelay $0x2  }
0xbe: {  	s31 =	sadd.s32 $0x10, s24  }
0xbf: {  	v8 =	vadd.s32 s31, v5  }
0xc0: {  	vm15 =	vgt.s32 v7, v8  }
0xc1: {  	v7 =	vsel vm15, v1, v2;
	v58 =	vsel vm15, v2, v0  }
0xc2: {  	v59 =	vadd.s32 v58, v7  }
0xc3: {  	v10 =	vshra.s32 v59, $0x1;
	_ =	sdelay $0x4  }
0xc4: {  	v60 =	vld.idx.msk [tilespmem:v10+s3+$0x0], $0xffff;
	_ =	sdelay $0x4  }
0xc5: {  	vm4 =	vgt.s32 v60, v8  }
0xc6: {  	v7 =	vsel vm4, v7, v10;
	v9 =	vsel vm4, v10, v58  }
0xc7: {  	v10 =	vadd.s32 v9, v7  }
0xc8: {  	v10 =	vshra.s32 v10, $0x1;
	_ =	sdelay $0x4  }
0xc9: {  	v61 =	vld.idx.msk [tilespmem:v10+s3+$0x0], $0xffff;
	_ =	sdelay $0x4  }
0xca: {  	vm5 =	vgt.s32 v61, v8  }
0xcb: {  	v7 =	vsel vm5, v7, v10;
	v9 =	vsel vm5, v10, v9  }
0xcc: {  	v10 =	vadd.s32 v9, v7  }
0xcd: {  	v10 =	vshra.s32 v10, $0x1;
	_ =	sdelay $0x4  }
0xce: {  	v62 =	vld.idx.msk [tilespmem:v10+s3+$0x0], $0xffff;
	_ =	sdelay $0x4  }
0xcf: {  	vm6 =	vgt.s32 v62, v8  }
0xd0: {  	v7 =	vsel vm6, v7, v10;
	v9 =	vsel vm6, v10, v9  }
0xd1: {  	v10 =	vadd.s32 v9, v7  }
0xd2: {  	v10 =	vshra.s32 v10, $0x1;
	_ =	sdelay $0x4  }
0xd3: {  	v63 =	vld.idx.msk [tilespmem:v10+s3+$0x0], $0xffff;
	_ =	sdelay $0x4  }
0xd4: {  	vm7 =	vgt.s32 v63, v8  }
0xd5: {  	v7 =	vsel vm7, v7, v10;
	v9 =	vsel vm7, v10, v9  }
0xd6: {  	v10 =	vadd.s32 v9, v7  }
0xd7: {  	v10 =	vshra.s32 v10, $0x1;
	_ =	sdelay $0x4  }
0xd8: {  	v12 =	vld.idx.msk [tilespmem:v10+s3+$0x0], $0xffff;
	_ =	sdelay $0x4  }
0xd9: {  	vm8 =	vgt.s32 v12, v8  }
0xda: {  	v7 =	vsel vm8, v7, v10;
	v9 =	vsel vm8, v10, v9  }
0xdb: {  	v10 =	vadd.s32 v9, v7  }
0xdc: {  	v10 =	vshra.s32 v10, $0x1;
	_ =	sdelay $0x4  }
0xdd: {  	v13 =	vld.idx.msk [tilespmem:v10+s3+$0x0], $0xffff;
	_ =	sdelay $0x4  }
0xde: {  	vm9 =	vgt.s32 v13, v8  }
0xdf: {  	v7 =	vsel vm9, v7, v10;
	v9 =	vsel vm9, v10, v9  }
0xe0: {  	v10 =	vadd.s32 v9, v7  }
0xe1: {  	v10 =	vshra.s32 v10, $0x1;
	_ =	sdelay $0x4  }
0xe2: {  	v14 =	vld.idx.msk [tilespmem:v10+s3+$0x0], $0xffff;
	_ =	sdelay $0x4  }
0xe3: {  	vm10 =	vgt.s32 v14, v8  }
0xe4: {  	v7 =	vsel vm10, v7, v10;
	v9 =	vsel vm10, v10, v9  }
0xe5: {  	v9 =	vadd.s32 v9, v7  }
0xe6: {  	v9 =	vshra.s32 v9, $0x1;
	_ =	sdelay $0x4  }
0xe7: {  	v15 =	vld.idx.msk [tilespmem:v9+s3+$0x0], $0xffff;
	_ =	sdelay $0x4  }
0xe8: {  	vm11 =	vgt.s32 v15, v8  }
0xe9: {  	vm12 =	vge.s32 v8, s19;
	vm13 =	vlt.s32 v8, v6;
	v7 =	vsel vm11, v7, v9  }
0xea: {  	vm0 =	vmand vm12, vm13;
	v7 =	vadd.s32 v3, v7  }
0xeb: {  	v7 =	vnsel vm0, $0x1390, v7  }
0xec: {  	[tilespmem:$0x1FA70] =	vst v7  }
0xed: {  	v7 =	vld.idx.msk [tilespmem:v2+s3+$0x0], $0xffff;
	_ =	sdelay $0x2  }
0xee: {  	s26 =	sadd.s32 $0x20, s24  }
0xef: {  	v8 =	vadd.s32 s26, v5  }
0xf0: {  	vm14 =	vgt.s32 v7, v8  }
0xf1: {  	v7 =	vsel vm14, v1, v2;
	v16 =	vsel vm14, v2, v0  }
0xf2: {  	v17 =	vadd.s32 v16, v7  }
0xf3: {  	v10 =	vshra.s32 v17, $0x1;
	_ =	sdelay $0x4  }
0xf4: {  	v18 =	vld.idx.msk [tilespmem:v10+s3+$0x0], $0xffff;
	_ =	sdelay $0x4  }
0xf5: {  	vm15 =	vgt.s32 v18, v8  }
0xf6: {  	v7 =	vsel vm15, v7, v10;
	v9 =	vsel vm15, v10, v16  }
0xf7: {  	v10 =	vadd.s32 v9, v7  }
0xf8: {  	v10 =	vshra.s32 v10, $0x1;
	_ =	sdelay $0x4  }
0xf9: {  	v19 =	vld.idx.msk [tilespmem:v10+s3+$0x0], $0xffff;
	_ =	sdelay $0x4  }
0xfa: {  	vm4 =	vgt.s32 v19, v8  }
0xfb: {  	v7 =	vsel vm4, v7, v10;
	v9 =	vsel vm4, v10, v9  }
0xfc: {  	v10 =	vadd.s32 v9, v7  }
0xfd: {  	v10 =	vshra.s32 v10, $0x1;
	_ =	sdelay $0x4  }
0xfe: {  	v20 =	vld.idx.msk [tilespmem:v10+s3+$0x0], $0xffff;
	_ =	sdelay $0x4  }
0xff: {  	vm5 =	vgt.s32 v20, v8  }
0x100: {  	v7 =	vsel vm5, v7, v10;
	v9 =	vsel vm5, v10, v9  }
0x101: {  	v10 =	vadd.s32 v9, v7  }
0x102: {  	v10 =	vshra.s32 v10, $0x1;
	_ =	sdelay $0x4  }
0x103: {  	v21 =	vld.idx.msk [tilespmem:v10+s3+$0x0], $0xffff;
	_ =	sdelay $0x4  }
0x104: {  	vm6 =	vgt.s32 v21, v8  }
0x105: {  	v7 =	vsel vm6, v7, v10;
	v9 =	vsel vm6, v10, v9  }
0x106: {  	v10 =	vadd.s32 v9, v7  }
0x107: {  	v10 =	vshra.s32 v10, $0x1;
	_ =	sdelay $0x4  }
0x108: {  	v22 =	vld.idx.msk [tilespmem:v10+s3+$0x0], $0xffff;
	_ =	sdelay $0x4  }
0x109: {  	vm7 =	vgt.s32 v22, v8  }
0x10a: {  	v7 =	vsel vm7, v7, v10;
	v9 =	vsel vm7, v10, v9  }
0x10b: {  	v10 =	vadd.s32 v9, v7  }
0x10c: {  	v10 =	vshra.s32 v10, $0x1;
	_ =	sdelay $0x4  }
0x10d: {  	v23 =	vld.idx.msk [tilespmem:v10+s3+$0x0], $0xffff;
	_ =	sdelay $0x4  }
0x10e: {  	vm8 =	vgt.s32 v23, v8  }
0x10f: {  	v7 =	vsel vm8, v7, v10;
	v9 =	vsel vm8, v10, v9  }
0x110: {  	v10 =	vadd.s32 v9, v7  }
0x111: {  	v10 =	vshra.s32 v10, $0x1;
	_ =	sdelay $0x4  }
0x112: {  	v24 =	vld.idx.msk [tilespmem:v10+s3+$0x0], $0xffff;
	_ =	sdelay $0x4  }
0x113: {  	vm9 =	vgt.s32 v24, v8  }
0x114: {  	v7 =	vsel vm9, v7, v10;
	v9 =	vsel vm9, v10, v9  }
0x115: {  	v9 =	vadd.s32 v9, v7  }
0x116: {  	v9 =	vshra.s32 v9, $0x1;
	_ =	sdelay $0x4  }
0x117: {  	v25 =	vld.idx.msk [tilespmem:v9+s3+$0x0], $0xffff;
	_ =	sdelay $0x4  }
0x118: {  	vm10 =	vgt.s32 v25, v8  }
0x119: {  	vm11 =	vge.s32 v8, s19;
	vm12 =	vlt.s32 v8, v6;
	v7 =	vsel vm10, v7, v9  }
0x11a: {  	vm0 =	vmand vm11, vm12;
	v7 =	vadd.s32 v3, v7  }
0x11b: {  	v7 =	vnsel vm0, $0x1390, v7  }
0x11c: {  	[tilespmem:$0x1FA80] =	vst v7  }
0x11d: {  	v7 =	vld.idx.msk [tilespmem:v2+s3+$0x0], $0xffff;
	_ =	sdelay $0x2  }
0x11e: {  	s24 =	sadd.s32 $0x30, s24  }
0x11f: {  	v8 =	vadd.s32 s24, v5  }
0x120: {  	vm13 =	vgt.s32 v7, v8  }
0x121: {  	v7 =	vsel vm13, v1, v2;
	v26 =	vsel vm13, v2, v0  }
0x122: {  	v27 =	vadd.s32 v26, v7  }
0x123: {  	v10 =	vshra.s32 v27, $0x1;
	_ =	sdelay $0x4  }
0x124: {  	v28 =	vld.idx.msk [tilespmem:v10+s3+$0x0], $0xffff;
	_ =	sdelay $0x4  }
0x125: {  	vm14 =	vgt.s32 v28, v8  }
0x126: {  	v7 =	vsel vm14, v7, v10;
	v9 =	vsel vm14, v10, v26  }
0x127: {  	v10 =	vadd.s32 v9, v7  }
0x128: {  	v10 =	vshra.s32 v10, $0x1;
	_ =	sdelay $0x4  }
0x129: {  	v29 =	vld.idx.msk [tilespmem:v10+s3+$0x0], $0xffff;
	_ =	sdelay $0x4  }
0x12a: {  	vm15 =	vgt.s32 v29, v8  }
0x12b: {  	v7 =	vsel vm15, v7, v10;
	v9 =	vsel vm15, v10, v9  }
0x12c: {  	v10 =	vadd.s32 v9, v7  }
0x12d: {  	v10 =	vshra.s32 v10, $0x1;
	_ =	sdelay $0x4  }
0x12e: {  	v30 =	vld.idx.msk [tilespmem:v10+s3+$0x0], $0xffff;
	_ =	sdelay $0x4  }
0x12f: {  	vm4 =	vgt.s32 v30, v8  }
0x130: {  	v7 =	vsel vm4, v7, v10;
	v9 =	vsel vm4, v10, v9  }
0x131: {  	v10 =	vadd.s32 v9, v7  }
0x132: {  	v10 =	vshra.s32 v10, $0x1;
	_ =	sdelay $0x4  }
0x133: {  	v31 =	vld.idx.msk [tilespmem:v10+s3+$0x0], $0xffff;
	_ =	sdelay $0x4  }
0x134: {  	vm5 =	vgt.s32 v31, v8  }
0x135: {  	v7 =	vsel vm5, v7, v10;
	v9 =	vsel vm5, v10, v9  }
0x136: {  	v10 =	vadd.s32 v9, v7  }
0x137: {  	v10 =	vshra.s32 v10, $0x1;
	_ =	sdelay $0x4  }
0x138: {  	v32 =	vld.idx.msk [tilespmem:v10+s3+$0x0], $0xffff;
	_ =	sdelay $0x4  }
0x139: {  	vm6 =	vgt.s32 v32, v8  }
0x13a: {  	v7 =	vsel vm6, v7, v10;
	v9 =	vsel vm6, v10, v9  }
0x13b: {  	v10 =	vadd.s32 v9, v7  }
0x13c: {  	v10 =	vshra.s32 v10, $0x1;
	_ =	sdelay $0x4  }
0x13d: {  	v33 =	vld.idx.msk [tilespmem:v10+s3+$0x0], $0xffff;
	_ =	sdelay $0x4  }
0x13e: {  	vm7 =	vgt.s32 v33, v8  }
0x13f: {  	v7 =	vsel vm7, v7, v10;
	v9 =	vsel vm7, v10, v9  }
0x140: {  	v10 =	vadd.s32 v9, v7  }
0x141: {  	v10 =	vshra.s32 v10, $0x1;
	_ =	sdelay $0x4  }
0x142: {  	v34 =	vld.idx.msk [tilespmem:v10+s3+$0x0], $0xffff;
	_ =	sdelay $0x4  }
0x143: {  	vm8 =	vgt.s32 v34, v8  }
0x144: {  	v7 =	vsel vm8, v7, v10;
	v9 =	vsel vm8, v10, v9  }
0x145: {  	v9 =	vadd.s32 v9, v7  }
0x146: {  	v9 =	vshra.s32 v9, $0x1;
	_ =	sdelay $0x4  }
0x147: {  	v35 =	vld.idx.msk [tilespmem:v9+s3+$0x0], $0xffff;
	_ =	sdelay $0x4  }
0x148: {  	vm9 =	vgt.s32 v35, v8  }
0x149: {  	vm10 =	vge.s32 v8, s19;
	vm11 =	vlt.s32 v8, v6;
	v7 =	vsel vm9, v7, v9  }
0x14a: {  	vm0 =	vmand vm10, vm11;
	v7 =	vadd.s32 v3, v7  }
0x14b: {  	s28 =	sadd.s32 $0xFFFFFFFF, s22;
	v7 =	vnsel vm0, $0x1390, v7  }
0x14c: {  	s25 =	simm.s32 @!p2 $0x1FA60;
	s26 =	simm.s32 @!p2 $0x13A60;
	s24 =	simm.s32 @!p2 $0x40;
	[tilespmem:$0x1FA90] =	vst v7  }
0x14d: {  	[spmem:s2] =	stream.indirect.scatter.add.f32 @!p2 [tilespmem:s26], [sflag:$0x5], $0x100, s25, s24, $0xb8;
	[tilespmem:$0x1FB20] =	vst v63  }
0x14e: {  	p4 =	sge.s32 s28, s20;
	s25 =	simm.s32 @!p2 $0x5  }
0x14f: {  	s29 =	sadd.s32 $0xFFFFFFFD, s22;
	s26 =	sadd.s32 @!p4 $0xC0, s19;
	_ =	swait.ge @!p2 [sflag:s25], $0x4000  }
0x150: {  	p3 =	sge.s32 s29, s20;
	p5 =	slt.s32 @!p4 s26, $0x270C0;
	[sflag:s25] =	ssyncset.done @!p2 $0x0  }
0x151: {  	s24 =	simm.s32 @!p3 $0x2;
	[sflag:s25] =	ssyncadd.s32 @!p2 $0xFFFFC000;
	p2 =	por !p5, p4  }
0x152: {  	_ =	swait.ge @!p3 [sflag:s24], $0x4000;
	s26 =	simm.s32 @p2 $0x270C0  }
0x153: {  	[sflag:s24] =	ssyncset.done @!p3 $0x0;
	s25 =	sshll.u32 @!p4 s26, $0x5  }
0x154: {  	[sflag:s24] =	ssyncadd.s32 @!p3 $0xFFFFC000;
	s24 =	sand.u32 @!p4 $0x1FFFFFE0, s25  }
0x155: {  	s26 =	simm.s32 @!p4 $0x13A60;
	s25 =	simm.s32 @!p4 $0x0;
	s24 =	sadd.s32 @!p4 s4, s24  }
0x156: {  	[tilespmem:s26], [sflag:$0x1] =	stream.linear.gather @!p4 [hbm4b:s24+s25], $0x4000, $0x38;
	[tilespmem:$0x1FB20] =	vst v63  }
0x157: {  	v7 =	vld.idx.msk [tilespmem:v2+s3+$0x0], $0xffff  }
0x158: {  	s30 =	sadd.s32 $0x40, s19  }
0x159: {  	p2 =	slt.s32 s30, $0x270C0;
	s25 =	smov.u32 s30  }
0x15a: {  	s25 =	simm.s32 @!p2 $0x270C0  }
0x15b: {  	v8 =	vadd.s32 s25, v5  }
0x15c: {  	vm12 =	vgt.s32 v7, v8  }
0x15d: {  	v7 =	vsel vm12, v1, v2;
	v36 =	vsel vm12, v2, v0  }
0x15e: {  	v37 =	vadd.s32 v36, v7  }
0x15f: {  	v10 =	vshra.s32 v37, $0x1;
	_ =	sdelay $0x4  }
0x160: {  	v38 =	vld.idx.msk [tilespmem:v10+s3+$0x0], $0xffff;
	_ =	sdelay $0x4  }
0x161: {  	vm13 =	vgt.s32 v38, v8  }
0x162: {  	v7 =	vsel vm13, v7, v10;
	v9 =	vsel vm13, v10, v36  }
0x163: {  	v10 =	vadd.s32 v9, v7  }
0x164: {  	v10 =	vshra.s32 v10, $0x1;
	_ =	sdelay $0x4  }
0x165: {  	v39 =	vld.idx.msk [tilespmem:v10+s3+$0x0], $0xffff;
	_ =	sdelay $0x4  }
0x166: {  	vm14 =	vgt.s32 v39, v8  }
0x167: {  	v7 =	vsel vm14, v7, v10;
	v9 =	vsel vm14, v10, v9  }
0x168: {  	v10 =	vadd.s32 v9, v7  }
0x169: {  	v10 =	vshra.s32 v10, $0x1;
	_ =	sdelay $0x4  }
0x16a: {  	v40 =	vld.idx.msk [tilespmem:v10+s3+$0x0], $0xffff;
	_ =	sdelay $0x4  }
0x16b: {  	vm15 =	vgt.s32 v40, v8  }
0x16c: {  	v7 =	vsel vm15, v7, v10;
	v9 =	vsel vm15, v10, v9  }
0x16d: {  	v10 =	vadd.s32 v9, v7  }
0x16e: {  	v10 =	vshra.s32 v10, $0x1;
	_ =	sdelay $0x4  }
0x16f: {  	v41 =	vld.idx.msk [tilespmem:v10+s3+$0x0], $0xffff;
	_ =	sdelay $0x4  }
0x170: {  	vm4 =	vgt.s32 v41, v8  }
0x171: {  	v7 =	vsel vm4, v7, v10;
	v9 =	vsel vm4, v10, v9  }
0x172: {  	v10 =	vadd.s32 v9, v7  }
0x173: {  	v10 =	vshra.s32 v10, $0x1;
	_ =	sdelay $0x4  }
0x174: {  	v42 =	vld.idx.msk [tilespmem:v10+s3+$0x0], $0xffff;
	_ =	sdelay $0x4  }
0x175: {  	vm5 =	vgt.s32 v42, v8  }
0x176: {  	v7 =	vsel vm5, v7, v10;
	v9 =	vsel vm5, v10, v9  }
0x177: {  	v10 =	vadd.s32 v9, v7  }
0x178: {  	v10 =	vshra.s32 v10, $0x1;
	_ =	sdelay $0x4  }
0x179: {  	v43 =	vld.idx.msk [tilespmem:v10+s3+$0x0], $0xffff;
	_ =	sdelay $0x4  }
0x17a: {  	vm6 =	vgt.s32 v43, v8  }
0x17b: {  	v7 =	vsel vm6, v7, v10;
	v9 =	vsel vm6, v10, v9  }
0x17c: {  	v10 =	vadd.s32 v9, v7  }
0x17d: {  	v10 =	vshra.s32 v10, $0x1;
	_ =	sdelay $0x4  }
0x17e: {  	v44 =	vld.idx.msk [tilespmem:v10+s3+$0x0], $0xffff;
	_ =	sdelay $0x4  }
0x17f: {  	vm7 =	vgt.s32 v44, v8  }
0x180: {  	v7 =	vsel vm7, v7, v10;
	v9 =	vsel vm7, v10, v9  }
0x181: {  	v9 =	vadd.s32 v9, v7  }
0x182: {  	v9 =	vshra.s32 v9, $0x1;
	_ =	sdelay $0x4  }
0x183: {  	v45 =	vld.idx.msk [tilespmem:v9+s3+$0x0], $0xffff;
	_ =	sdelay $0x4  }
0x184: {  	vm8 =	vgt.s32 v45, v8  }
0x185: {  	vm9 =	vge.s32 v8, s30;
	vm10 =	vlt.s32 v8, v6;
	v7 =	vsel vm8, v7, v9  }
0x186: {  	vm0 =	vmand vm9, vm10;
	v7 =	vadd.s32 v3, v7  }
0x187: {  	v7 =	vnsel vm0, $0x1390, v7  }
0x188: {  	[tilespmem:$0x1FAA0] =	vst v7  }
0x189: {  	v7 =	vld.idx.msk [tilespmem:v2+s3+$0x0], $0xffff;
	_ =	sdelay $0x2  }
0x18a: {  	s31 =	sadd.s32 $0x10, s25  }
0x18b: {  	v8 =	vadd.s32 s31, v5  }
0x18c: {  	vm11 =	vgt.s32 v7, v8  }
0x18d: {  	v7 =	vsel vm11, v1, v2;
	v46 =	vsel vm11, v2, v0  }
0x18e: {  	v47 =	vadd.s32 v46, v7  }
0x18f: {  	v10 =	vshra.s32 v47, $0x1;
	_ =	sdelay $0x4  }
0x190: {  	v48 =	vld.idx.msk [tilespmem:v10+s3+$0x0], $0xffff;
	_ =	sdelay $0x4  }
0x191: {  	vm12 =	vgt.s32 v48, v8  }
0x192: {  	v7 =	vsel vm12, v7, v10;
	v9 =	vsel vm12, v10, v46  }
0x193: {  	v10 =	vadd.s32 v9, v7  }
0x194: {  	v10 =	vshra.s32 v10, $0x1;
	_ =	sdelay $0x4  }
0x195: {  	v49 =	vld.idx.msk [tilespmem:v10+s3+$0x0], $0xffff;
	_ =	sdelay $0x4  }
0x196: {  	vm13 =	vgt.s32 v49, v8  }
0x197: {  	v7 =	vsel vm13, v7, v10;
	v9 =	vsel vm13, v10, v9  }
0x198: {  	v10 =	vadd.s32 v9, v7  }
0x199: {  	v10 =	vshra.s32 v10, $0x1;
	_ =	sdelay $0x4  }
0x19a: {  	v50 =	vld.idx.msk [tilespmem:v10+s3+$0x0], $0xffff;
	_ =	sdelay $0x4  }
0x19b: {  	vm14 =	vgt.s32 v50, v8  }
0x19c: {  	v7 =	vsel vm14, v7, v10;
	v9 =	vsel vm14, v10, v9  }
0x19d: {  	v10 =	vadd.s32 v9, v7  }
0x19e: {  	v10 =	vshra.s32 v10, $0x1;
	_ =	sdelay $0x4  }
0x19f: {  	v51 =	vld.idx.msk [tilespmem:v10+s3+$0x0], $0xffff;
	_ =	sdelay $0x4  }
0x1a0: {  	vm15 =	vgt.s32 v51, v8  }
0x1a1: {  	v7 =	vsel vm15, v7, v10;
	v9 =	vsel vm15, v10, v9  }
0x1a2: {  	v10 =	vadd.s32 v9, v7  }
0x1a3: {  	v10 =	vshra.s32 v10, $0x1;
	_ =	sdelay $0x4  }
0x1a4: {  	v52 =	vld.idx.msk [tilespmem:v10+s3+$0x0], $0xffff;
	_ =	sdelay $0x4  }
0x1a5: {  	vm4 =	vgt.s32 v52, v8  }
0x1a6: {  	v7 =	vsel vm4, v7, v10;
	v9 =	vsel vm4, v10, v9  }
0x1a7: {  	v10 =	vadd.s32 v9, v7  }
0x1a8: {  	v10 =	vshra.s32 v10, $0x1;
	_ =	sdelay $0x4  }
0x1a9: {  	v53 =	vld.idx.msk [tilespmem:v10+s3+$0x0], $0xffff;
	_ =	sdelay $0x4  }
0x1aa: {  	vm5 =	vgt.s32 v53, v8  }
0x1ab: {  	v7 =	vsel vm5, v7, v10;
	v9 =	vsel vm5, v10, v9  }
0x1ac: {  	v10 =	vadd.s32 v9, v7  }
0x1ad: {  	v10 =	vshra.s32 v10, $0x1;
	_ =	sdelay $0x4  }
0x1ae: {  	v54 =	vld.idx.msk [tilespmem:v10+s3+$0x0], $0xffff;
	_ =	sdelay $0x4  }
0x1af: {  	vm6 =	vgt.s32 v54, v8  }
0x1b0: {  	v7 =	vsel vm6, v7, v10;
	v9 =	vsel vm6, v10, v9  }
0x1b1: {  	v9 =	vadd.s32 v9, v7  }
0x1b2: {  	v9 =	vshra.s32 v9, $0x1;
	_ =	sdelay $0x4  }
0x1b3: {  	v55 =	vld.idx.msk [tilespmem:v9+s3+$0x0], $0xffff;
	_ =	sdelay $0x4  }
0x1b4: {  	vm7 =	vgt.s32 v55, v8  }
0x1b5: {  	vm8 =	vge.s32 v8, s30;
	vm9 =	vlt.s32 v8, v6;
	v7 =	vsel vm7, v7, v9  }
0x1b6: {  	vm0 =	vmand vm8, vm9;
	v7 =	vadd.s32 v3, v7  }
0x1b7: {  	v7 =	vnsel vm0, $0x1390, v7  }
0x1b8: {  	[tilespmem:$0x1FAB0] =	vst v7  }
0x1b9: {  	v7 =	vld.idx.msk [tilespmem:v2+s3+$0x0], $0xffff;
	_ =	sdelay $0x2  }
0x1ba: {  	s28 =	sadd.s32 $0x20, s25  }
0x1bb: {  	v8 =	vadd.s32 s28, v5  }
0x1bc: {  	vm10 =	vgt.s32 v7, v8  }
0x1bd: {  	v7 =	vsel vm10, v1, v2;
	v56 =	vsel vm10, v2, v0  }
0x1be: {  	v57 =	vadd.s32 v56, v7  }
0x1bf: {  	v10 =	vshra.s32 v57, $0x1;
	_ =	sdelay $0x4  }
0x1c0: {  	v58 =	vld.idx.msk [tilespmem:v10+s3+$0x0], $0xffff;
	_ =	sdelay $0x4  }
0x1c1: {  	vm11 =	vgt.s32 v58, v8  }
0x1c2: {  	v7 =	vsel vm11, v7, v10;
	v9 =	vsel vm11, v10, v56  }
0x1c3: {  	v10 =	vadd.s32 v9, v7  }
0x1c4: {  	v10 =	vshra.s32 v10, $0x1;
	_ =	sdelay $0x4  }
0x1c5: {  	v59 =	vld.idx.msk [tilespmem:v10+s3+$0x0], $0xffff;
	_ =	sdelay $0x4  }
0x1c6: {  	vm12 =	vgt.s32 v59, v8  }
0x1c7: {  	v7 =	vsel vm12, v7, v10;
	v9 =	vsel vm12, v10, v9  }
0x1c8: {  	v10 =	vadd.s32 v9, v7  }
0x1c9: {  	v10 =	vshra.s32 v10, $0x1;
	_ =	sdelay $0x4  }
0x1ca: {  	v60 =	vld.idx.msk [tilespmem:v10+s3+$0x0], $0xffff;
	_ =	sdelay $0x4  }
0x1cb: {  	vm13 =	vgt.s32 v60, v8  }
0x1cc: {  	v7 =	vsel vm13, v7, v10;
	v9 =	vsel vm13, v10, v9  }
0x1cd: {  	v10 =	vadd.s32 v9, v7  }
0x1ce: {  	v10 =	vshra.s32 v10, $0x1;
	_ =	sdelay $0x4  }
0x1cf: {  	v61 =	vld.idx.msk [tilespmem:v10+s3+$0x0], $0xffff;
	_ =	sdelay $0x4  }
0x1d0: {  	vm14 =	vgt.s32 v61, v8  }
0x1d1: {  	v7 =	vsel vm14, v7, v10;
	v9 =	vsel vm14, v10, v9  }
0x1d2: {  	v10 =	vadd.s32 v9, v7  }
0x1d3: {  	v10 =	vshra.s32 v10, $0x1;
	_ =	sdelay $0x4  }
0x1d4: {  	v62 =	vld.idx.msk [tilespmem:v10+s3+$0x0], $0xffff;
	_ =	sdelay $0x4  }
0x1d5: {  	vm15 =	vgt.s32 v62, v8  }
0x1d6: {  	v7 =	vsel vm15, v7, v10;
	v9 =	vsel vm15, v10, v9  }
0x1d7: {  	v10 =	vadd.s32 v9, v7  }
0x1d8: {  	v10 =	vshra.s32 v10, $0x1;
	_ =	sdelay $0x4  }
0x1d9: {  	v63 =	vld.idx.msk [tilespmem:v10+s3+$0x0], $0xffff;
	_ =	sdelay $0x4  }
0x1da: {  	vm4 =	vgt.s32 v63, v8  }
0x1db: {  	v7 =	vsel vm4, v7, v10;
	v9 =	vsel vm4, v10, v9  }
0x1dc: {  	v10 =	vadd.s32 v9, v7  }
0x1dd: {  	v10 =	vshra.s32 v10, $0x1;
	_ =	sdelay $0x4  }
0x1de: {  	v12 =	vld.idx.msk [tilespmem:v10+s3+$0x0], $0xffff;
	_ =	sdelay $0x4  }
0x1df: {  	vm5 =	vgt.s32 v12, v8  }
0x1e0: {  	v7 =	vsel vm5, v7, v10;
	v9 =	vsel vm5, v10, v9  }
0x1e1: {  	v9 =	vadd.s32 v9, v7  }
0x1e2: {  	v9 =	vshra.s32 v9, $0x1;
	_ =	sdelay $0x4  }
0x1e3: {  	v13 =	vld.idx.msk [tilespmem:v9+s3+$0x0], $0xffff;
	_ =	sdelay $0x4  }
0x1e4: {  	vm6 =	vgt.s32 v13, v8  }
0x1e5: {  	vm7 =	vge.s32 v8, s30;
	vm8 =	vlt.s32 v8, v6;
	v7 =	vsel vm6, v7, v9  }
0x1e6: {  	vm0 =	vmand vm7, vm8;
	v7 =	vadd.s32 v3, v7  }
0x1e7: {  	v7 =	vnsel vm0, $0x1390, v7  }
0x1e8: {  	[tilespmem:$0x1FAC0] =	vst v7  }
0x1e9: {  	v7 =	vld.idx.msk [tilespmem:v2+s3+$0x0], $0xffff;
	_ =	sdelay $0x2  }
0x1ea: {  	s25 =	sadd.s32 $0x30, s25  }
0x1eb: {  	v8 =	vadd.s32 s25, v5  }
0x1ec: {  	vm9 =	vgt.s32 v7, v8  }
0x1ed: {  	v7 =	vsel vm9, v1, v2;
	v14 =	vsel vm9, v2, v0  }
0x1ee: {  	v15 =	vadd.s32 v14, v7  }
0x1ef: {  	v10 =	vshra.s32 v15, $0x1;
	_ =	sdelay $0x4  }
0x1f0: {  	v16 =	vld.idx.msk [tilespmem:v10+s3+$0x0], $0xffff;
	_ =	sdelay $0x4  }
0x1f1: {  	vm10 =	vgt.s32 v16, v8  }
0x1f2: {  	v7 =	vsel vm10, v7, v10;
	v9 =	vsel vm10, v10, v14  }
0x1f3: {  	v10 =	vadd.s32 v9, v7  }
0x1f4: {  	v10 =	vshra.s32 v10, $0x1;
	_ =	sdelay $0x4  }
0x1f5: {  	v17 =	vld.idx.msk [tilespmem:v10+s3+$0x0], $0xffff;
	_ =	sdelay $0x4  }
0x1f6: {  	vm11 =	vgt.s32 v17, v8  }
0x1f7: {  	v7 =	vsel vm11, v7, v10;
	v9 =	vsel vm11, v10, v9  }
0x1f8: {  	v10 =	vadd.s32 v9, v7  }
0x1f9: {  	v10 =	vshra.s32 v10, $0x1;
	_ =	sdelay $0x4  }
0x1fa: {  	v18 =	vld.idx.msk [tilespmem:v10+s3+$0x0], $0xffff;
	_ =	sdelay $0x4  }
0x1fb: {  	vm12 =	vgt.s32 v18, v8  }
0x1fc: {  	v7 =	vsel vm12, v7, v10;
	v9 =	vsel vm12, v10, v9  }
0x1fd: {  	v10 =	vadd.s32 v9, v7  }
0x1fe: {  	v10 =	vshra.s32 v10, $0x1;
	_ =	sdelay $0x4  }
0x1ff: {  	v19 =	vld.idx.msk [tilespmem:v10+s3+$0x0], $0xffff;
	_ =	sdelay $0x4  }
0x200: {  	vm13 =	vgt.s32 v19, v8  }
0x201: {  	v7 =	vsel vm13, v7, v10;
	v9 =	vsel vm13, v10, v9  }
0x202: {  	v10 =	vadd.s32 v9, v7  }
0x203: {  	v10 =	vshra.s32 v10, $0x1;
	_ =	sdelay $0x4  }
0x204: {  	v20 =	vld.idx.msk [tilespmem:v10+s3+$0x0], $0xffff;
	_ =	sdelay $0x4  }
0x205: {  	vm14 =	vgt.s32 v20, v8  }
0x206: {  	v7 =	vsel vm14, v7, v10;
	v9 =	vsel vm14, v10, v9  }
0x207: {  	v10 =	vadd.s32 v9, v7  }
0x208: {  	v10 =	vshra.s32 v10, $0x1;
	_ =	sdelay $0x4  }
0x209: {  	v21 =	vld.idx.msk [tilespmem:v10+s3+$0x0], $0xffff;
	_ =	sdelay $0x4  }
0x20a: {  	vm15 =	vgt.s32 v21, v8  }
0x20b: {  	v7 =	vsel vm15, v7, v10;
	v9 =	vsel vm15, v10, v9  }
0x20c: {  	v10 =	vadd.s32 v9, v7  }
0x20d: {  	v10 =	vshra.s32 v10, $0x1;
	_ =	sdelay $0x4  }
0x20e: {  	v22 =	vld.idx.msk [tilespmem:v10+s3+$0x0], $0xffff;
	_ =	sdelay $0x4  }
0x20f: {  	vm4 =	vgt.s32 v22, v8  }
0x210: {  	v7 =	vsel vm4, v7, v10;
	v9 =	vsel vm4, v10, v9  }
0x211: {  	v9 =	vadd.s32 v9, v7  }
0x212: {  	v9 =	vshra.s32 v9, $0x1;
	_ =	sdelay $0x4  }
0x213: {  	v23 =	vld.idx.msk [tilespmem:v9+s3+$0x0], $0xffff;
	_ =	sdelay $0x4  }
0x214: {  	vm5 =	vgt.s32 v23, v8  }
0x215: {  	vm6 =	vge.s32 v8, s30;
	vm7 =	vlt.s32 v8, v6;
	v7 =	vsel vm5, v7, v9  }
0x216: {  	vm0 =	vmand vm6, vm7;
	v7 =	vadd.s32 v3, v7  }
0x217: {  	v7 =	vnsel vm0, $0x1390, v7  }
0x218: {  	s24 =	simm.s32 @!p3 $0x40;
	s26 =	simm.s32 @!p3 $0x17A60;
	s25 =	simm.s32 @!p3 $0x1FAA0;
	[tilespmem:$0x1FAD0] =	vst v7  }
0x219: {  	[spmem:s2] =	stream.indirect.scatter.add.f32 @!p3 [tilespmem:s26], [sflag:$0x5], $0x100, s25, s24, $0xb8;
	[tilespmem:$0x1FB20] =	vst v63  }
0x21a: {  	p2 =	sge.s32 s22, s20;
	s24 =	simm.s32 @!p3 $0x5  }
0x21b: {  	s25 =	sadd.s32 @!p2 $0x100, s19;
	_ =	swait.ge @!p3 [sflag:s24], $0x4000  }
0x21c: {  	p4 =	slt.s32 @!p2 s25, $0x270C0;
	[sflag:s24] =	ssyncset.done @!p3 $0x0  }
0x21d: {  	[sflag:s24] =	ssyncadd.s32 @!p3 $0xFFFFC000;
	s24 =	simm.s32 @!p1 $0x3;
	p3 =	por !p4, p2  }
0x21e: {  	_ =	swait.ge @!p1 [sflag:s24], $0x4000;
	s25 =	simm.s32 @p3 $0x270C0  }
0x21f: {  	[sflag:s24] =	ssyncset.done @!p1 $0x0;
	s25 =	sshll.u32 @!p2 s25, $0x5  }
0x220: {  	[sflag:s24] =	ssyncadd.s32 @!p1 $0xFFFFC000;
	s24 =	sand.u32 @!p2 $0x1FFFFFE0, s25  }
0x221: {  	s26 =	simm.s32 @!p2 $0x17A60;
	s25 =	simm.s32 @!p2 $0x0;
	s24 =	sadd.s32 @!p2 s4, s24  }
0x222: {  	[tilespmem:s26], [sflag:$0x2] =	stream.linear.gather @!p2 [hbm4b:s24+s25], $0x4000, $0x38;
	[tilespmem:$0x1FB20] =	vst v63  }
0x223: {  	v7 =	vld.idx.msk [tilespmem:v2+s3+$0x0], $0xffff  }
0x224: {  	s29 =	sadd.s32 $0x80, s19  }
0x225: {  	p2 =	slt.s32 s29, $0x270C0;
	s25 =	smov.u32 s29  }
0x226: {  	s25 =	simm.s32 @!p2 $0x270C0  }
0x227: {  	v8 =	vadd.s32 s25, v5  }
0x228: {  	vm8 =	vgt.s32 v7, v8  }
0x229: {  	v7 =	vsel vm8, v1, v2;
	v24 =	vsel vm8, v2, v0  }
0x22a: {  	v25 =	vadd.s32 v24, v7  }
0x22b: {  	v10 =	vshra.s32 v25, $0x1;
	_ =	sdelay $0x4  }
0x22c: {  	v26 =	vld.idx.msk [tilespmem:v10+s3+$0x0], $0xffff;
	_ =	sdelay $0x4  }
0x22d: {  	vm9 =	vgt.s32 v26, v8  }
0x22e: {  	v7 =	vsel vm9, v7, v10;
	v9 =	vsel vm9, v10, v24  }
0x22f: {  	v10 =	vadd.s32 v9, v7  }
0x230: {  	v10 =	vshra.s32 v10, $0x1;
	_ =	sdelay $0x4  }
0x231: {  	v27 =	vld.idx.msk [tilespmem:v10+s3+$0x0], $0xffff;
	_ =	sdelay $0x4  }
0x232: {  	vm10 =	vgt.s32 v27, v8  }
0x233: {  	v7 =	vsel vm10, v7, v10;
	v9 =	vsel vm10, v10, v9  }
0x234: {  	v10 =	vadd.s32 v9, v7  }
0x235: {  	v10 =	vshra.s32 v10, $0x1;
	_ =	sdelay $0x4  }
0x236: {  	v28 =	vld.idx.msk [tilespmem:v10+s3+$0x0], $0xffff;
	_ =	sdelay $0x4  }
0x237: {  	vm11 =	vgt.s32 v28, v8  }
0x238: {  	v7 =	vsel vm11, v7, v10;
	v9 =	vsel vm11, v10, v9  }
0x239: {  	v10 =	vadd.s32 v9, v7  }
0x23a: {  	v10 =	vshra.s32 v10, $0x1;
	_ =	sdelay $0x4  }
0x23b: {  	v29 =	vld.idx.msk [tilespmem:v10+s3+$0x0], $0xffff;
	_ =	sdelay $0x4  }
0x23c: {  	vm12 =	vgt.s32 v29, v8  }
0x23d: {  	v7 =	vsel vm12, v7, v10;
	v9 =	vsel vm12, v10, v9  }
0x23e: {  	v10 =	vadd.s32 v9, v7  }
0x23f: {  	v10 =	vshra.s32 v10, $0x1;
	_ =	sdelay $0x4  }
0x240: {  	v30 =	vld.idx.msk [tilespmem:v10+s3+$0x0], $0xffff;
	_ =	sdelay $0x4  }
0x241: {  	vm13 =	vgt.s32 v30, v8  }
0x242: {  	v7 =	vsel vm13, v7, v10;
	v9 =	vsel vm13, v10, v9  }
0x243: {  	v10 =	vadd.s32 v9, v7  }
0x244: {  	v10 =	vshra.s32 v10, $0x1;
	_ =	sdelay $0x4  }
0x245: {  	v31 =	vld.idx.msk [tilespmem:v10+s3+$0x0], $0xffff;
	_ =	sdelay $0x4  }
0x246: {  	vm14 =	vgt.s32 v31, v8  }
0x247: {  	v7 =	vsel vm14, v7, v10;
	v9 =	vsel vm14, v10, v9  }
0x248: {  	v10 =	vadd.s32 v9, v7  }
0x249: {  	v10 =	vshra.s32 v10, $0x1;
	_ =	sdelay $0x4  }
0x24a: {  	v32 =	vld.idx.msk [tilespmem:v10+s3+$0x0], $0xffff;
	_ =	sdelay $0x4  }
0x24b: {  	vm15 =	vgt.s32 v32, v8  }
0x24c: {  	v7 =	vsel vm15, v7, v10;
	v9 =	vsel vm15, v10, v9  }
0x24d: {  	v9 =	vadd.s32 v9, v7  }
0x24e: {  	v9 =	vshra.s32 v9, $0x1;
	_ =	sdelay $0x4  }
0x24f: {  	v33 =	vld.idx.msk [tilespmem:v9+s3+$0x0], $0xffff;
	_ =	sdelay $0x4  }
0x250: {  	vm4 =	vgt.s32 v33, v8  }
0x251: {  	vm5 =	vge.s32 v8, s29;
	vm6 =	vlt.s32 v8, v6;
	v7 =	vsel vm4, v7, v9  }
0x252: {  	vm0 =	vmand vm5, vm6;
	v7 =	vadd.s32 v3, v7  }
0x253: {  	v7 =	vnsel vm0, $0x1390, v7  }
0x254: {  	[tilespmem:$0x1FAE0] =	vst v7  }
0x255: {  	v7 =	vld.idx.msk [tilespmem:v2+s3+$0x0], $0xffff;
	_ =	sdelay $0x2  }
0x256: {  	s30 =	sadd.s32 $0x10, s25  }
0x257: {  	v8 =	vadd.s32 s30, v5  }
0x258: {  	vm7 =	vgt.s32 v7, v8  }
0x259: {  	v7 =	vsel vm7, v1, v2;
	v34 =	vsel vm7, v2, v0  }
0x25a: {  	v35 =	vadd.s32 v34, v7  }
0x25b: {  	v10 =	vshra.s32 v35, $0x1;
	_ =	sdelay $0x4  }
0x25c: {  	v36 =	vld.idx.msk [tilespmem:v10+s3+$0x0], $0xffff;
	_ =	sdelay $0x4  }
0x25d: {  	vm8 =	vgt.s32 v36, v8  }
0x25e: {  	v7 =	vsel vm8, v7, v10;
	v9 =	vsel vm8, v10, v34  }
0x25f: {  	v10 =	vadd.s32 v9, v7  }
0x260: {  	v10 =	vshra.s32 v10, $0x1;
	_ =	sdelay $0x4  }
0x261: {  	v37 =	vld.idx.msk [tilespmem:v10+s3+$0x0], $0xffff;
	_ =	sdelay $0x4  }
0x262: {  	vm9 =	vgt.s32 v37, v8  }
0x263: {  	v7 =	vsel vm9, v7, v10;
	v9 =	vsel vm9, v10, v9  }
0x264: {  	v10 =	vadd.s32 v9, v7  }
0x265: {  	v10 =	vshra.s32 v10, $0x1;
	_ =	sdelay $0x4  }
0x266: {  	v38 =	vld.idx.msk [tilespmem:v10+s3+$0x0], $0xffff;
	_ =	sdelay $0x4  }
0x267: {  	vm10 =	vgt.s32 v38, v8  }
0x268: {  	v7 =	vsel vm10, v7, v10;
	v9 =	vsel vm10, v10, v9  }
0x269: {  	v10 =	vadd.s32 v9, v7  }
0x26a: {  	v10 =	vshra.s32 v10, $0x1;
	_ =	sdelay $0x4  }
0x26b: {  	v39 =	vld.idx.msk [tilespmem:v10+s3+$0x0], $0xffff;
	_ =	sdelay $0x4  }
0x26c: {  	vm11 =	vgt.s32 v39, v8  }
0x26d: {  	v7 =	vsel vm11, v7, v10;
	v9 =	vsel vm11, v10, v9  }
0x26e: {  	v10 =	vadd.s32 v9, v7  }
0x26f: {  	v10 =	vshra.s32 v10, $0x1;
	_ =	sdelay $0x4  }
0x270: {  	v40 =	vld.idx.msk [tilespmem:v10+s3+$0x0], $0xffff;
	_ =	sdelay $0x4  }
0x271: {  	vm12 =	vgt.s32 v40, v8  }
0x272: {  	v7 =	vsel vm12, v7, v10;
	v9 =	vsel vm12, v10, v9  }
0x273: {  	v10 =	vadd.s32 v9, v7  }
0x274: {  	v10 =	vshra.s32 v10, $0x1;
	_ =	sdelay $0x4  }
0x275: {  	v41 =	vld.idx.msk [tilespmem:v10+s3+$0x0], $0xffff;
	_ =	sdelay $0x4  }
0x276: {  	vm13 =	vgt.s32 v41, v8  }
0x277: {  	v7 =	vsel vm13, v7, v10;
	v9 =	vsel vm13, v10, v9  }
0x278: {  	v10 =	vadd.s32 v9, v7  }
0x279: {  	v10 =	vshra.s32 v10, $0x1;
	_ =	sdelay $0x4  }
0x27a: {  	v42 =	vld.idx.msk [tilespmem:v10+s3+$0x0], $0xffff;
	_ =	sdelay $0x4  }
0x27b: {  	vm14 =	vgt.s32 v42, v8  }
0x27c: {  	v7 =	vsel vm14, v7, v10;
	v9 =	vsel vm14, v10, v9  }
0x27d: {  	v9 =	vadd.s32 v9, v7  }
0x27e: {  	v9 =	vshra.s32 v9, $0x1;
	_ =	sdelay $0x4  }
0x27f: {  	v43 =	vld.idx.msk [tilespmem:v9+s3+$0x0], $0xffff;
	_ =	sdelay $0x4  }
0x280: {  	vm15 =	vgt.s32 v43, v8  }
0x281: {  	vm4 =	vge.s32 v8, s29;
	vm5 =	vlt.s32 v8, v6;
	v7 =	vsel vm15, v7, v9  }
0x282: {  	vm0 =	vmand vm4, vm5;
	v7 =	vadd.s32 v3, v7  }
0x283: {  	v7 =	vnsel vm0, $0x1390, v7  }
0x284: {  	[tilespmem:$0x1FAF0] =	vst v7  }
0x285: {  	v7 =	vld.idx.msk [tilespmem:v2+s3+$0x0], $0xffff;
	_ =	sdelay $0x2  }
0x286: {  	s31 =	sadd.s32 $0x20, s25  }
0x287: {  	v8 =	vadd.s32 s31, v5  }
0x288: {  	vm6 =	vgt.s32 v7, v8  }
0x289: {  	v7 =	vsel vm6, v1, v2;
	v44 =	vsel vm6, v2, v0  }
0x28a: {  	v45 =	vadd.s32 v44, v7  }
0x28b: {  	v10 =	vshra.s32 v45, $0x1;
	_ =	sdelay $0x4  }
0x28c: {  	v46 =	vld.idx.msk [tilespmem:v10+s3+$0x0], $0xffff;
	_ =	sdelay $0x4  }
0x28d: {  	vm7 =	vgt.s32 v46, v8  }
0x28e: {  	v7 =	vsel vm7, v7, v10;
	v9 =	vsel vm7, v10, v44  }
0x28f: {  	v10 =	vadd.s32 v9, v7  }
0x290: {  	v10 =	vshra.s32 v10, $0x1;
	_ =	sdelay $0x4  }
0x291: {  	v47 =	vld.idx.msk [tilespmem:v10+s3+$0x0], $0xffff;
	_ =	sdelay $0x4  }
0x292: {  	vm8 =	vgt.s32 v47, v8  }
0x293: {  	v7 =	vsel vm8, v7, v10;
	v9 =	vsel vm8, v10, v9  }
0x294: {  	v10 =	vadd.s32 v9, v7  }
0x295: {  	v10 =	vshra.s32 v10, $0x1;
	_ =	sdelay $0x4  }
0x296: {  	v48 =	vld.idx.msk [tilespmem:v10+s3+$0x0], $0xffff;
	_ =	sdelay $0x4  }
0x297: {  	vm9 =	vgt.s32 v48, v8  }
0x298: {  	v7 =	vsel vm9, v7, v10;
	v9 =	vsel vm9, v10, v9  }
0x299: {  	v10 =	vadd.s32 v9, v7  }
0x29a: {  	v10 =	vshra.s32 v10, $0x1;
	_ =	sdelay $0x4  }
0x29b: {  	v49 =	vld.idx.msk [tilespmem:v10+s3+$0x0], $0xffff;
	_ =	sdelay $0x4  }
0x29c: {  	vm10 =	vgt.s32 v49, v8  }
0x29d: {  	v7 =	vsel vm10, v7, v10;
	v9 =	vsel vm10, v10, v9  }
0x29e: {  	v10 =	vadd.s32 v9, v7  }
0x29f: {  	v10 =	vshra.s32 v10, $0x1;
	_ =	sdelay $0x4  }
0x2a0: {  	v50 =	vld.idx.msk [tilespmem:v10+s3+$0x0], $0xffff;
	_ =	sdelay $0x4  }
0x2a1: {  	vm11 =	vgt.s32 v50, v8  }
0x2a2: {  	v7 =	vsel vm11, v7, v10;
	v9 =	vsel vm11, v10, v9  }
0x2a3: {  	v10 =	vadd.s32 v9, v7  }
0x2a4: {  	v10 =	vshra.s32 v10, $0x1;
	_ =	sdelay $0x4  }
0x2a5: {  	v51 =	vld.idx.msk [tilespmem:v10+s3+$0x0], $0xffff;
	_ =	sdelay $0x4  }
0x2a6: {  	vm12 =	vgt.s32 v51, v8  }
0x2a7: {  	v7 =	vsel vm12, v7, v10;
	v9 =	vsel vm12, v10, v9  }
0x2a8: {  	v10 =	vadd.s32 v9, v7  }
0x2a9: {  	v10 =	vshra.s32 v10, $0x1;
	_ =	sdelay $0x4  }
0x2aa: {  	v52 =	vld.idx.msk [tilespmem:v10+s3+$0x0], $0xffff;
	_ =	sdelay $0x4  }
0x2ab: {  	vm13 =	vgt.s32 v52, v8  }
0x2ac: {  	v7 =	vsel vm13, v7, v10;
	v9 =	vsel vm13, v10, v9  }
0x2ad: {  	v9 =	vadd.s32 v9, v7  }
0x2ae: {  	v9 =	vshra.s32 v9, $0x1;
	_ =	sdelay $0x4  }
0x2af: {  	v53 =	vld.idx.msk [tilespmem:v9+s3+$0x0], $0xffff;
	_ =	sdelay $0x4  }
0x2b0: {  	vm14 =	vgt.s32 v53, v8  }
0x2b1: {  	vm15 =	vge.s32 v8, s29;
	vm4 =	vlt.s32 v8, v6;
	v7 =	vsel vm14, v7, v9  }
0x2b2: {  	vm0 =	vmand vm15, vm4;
	v7 =	vadd.s32 v3, v7  }
0x2b3: {  	v7 =	vnsel vm0, $0x1390, v7  }
0x2b4: {  	[tilespmem:$0x1FB00] =	vst v7  }
0x2b5: {  	v7 =	vld.idx.msk [tilespmem:v2+s3+$0x0], $0xffff;
	_ =	sdelay $0x2  }
0x2b6: {  	s25 =	sadd.s32 $0x30, s25  }
0x2b7: {  	v8 =	vadd.s32 s25, v5  }
0x2b8: {  	vm5 =	vgt.s32 v7, v8  }
0x2b9: {  	v7 =	vsel vm5, v1, v2;
	v54 =	vsel vm5, v2, v0  }
0x2ba: {  	v55 =	vadd.s32 v54, v7  }
0x2bb: {  	v10 =	vshra.s32 v55, $0x1;
	_ =	sdelay $0x4  }
0x2bc: {  	v56 =	vld.idx.msk [tilespmem:v10+s3+$0x0], $0xffff;
	_ =	sdelay $0x4  }
0x2bd: {  	vm6 =	vgt.s32 v56, v8  }
0x2be: {  	v7 =	vsel vm6, v7, v10;
	v9 =	vsel vm6, v10, v54  }
0x2bf: {  	v10 =	vadd.s32 v9, v7  }
0x2c0: {  	v10 =	vshra.s32 v10, $0x1;
	_ =	sdelay $0x4  }
0x2c1: {  	v57 =	vld.idx.msk [tilespmem:v10+s3+$0x0], $0xffff;
	_ =	sdelay $0x4  }
0x2c2: {  	vm7 =	vgt.s32 v57, v8  }
0x2c3: {  	v7 =	vsel vm7, v7, v10;
	v9 =	vsel vm7, v10, v9  }
0x2c4: {  	v10 =	vadd.s32 v9, v7  }
0x2c5: {  	v10 =	vshra.s32 v10, $0x1;
	_ =	sdelay $0x4  }
0x2c6: {  	v58 =	vld.idx.msk [tilespmem:v10+s3+$0x0], $0xffff;
	_ =	sdelay $0x4  }
0x2c7: {  	vm8 =	vgt.s32 v58, v8  }
0x2c8: {  	v7 =	vsel vm8, v7, v10;
	v9 =	vsel vm8, v10, v9  }
0x2c9: {  	v10 =	vadd.s32 v9, v7  }
0x2ca: {  	v10 =	vshra.s32 v10, $0x1;
	_ =	sdelay $0x4  }
0x2cb: {  	v59 =	vld.idx.msk [tilespmem:v10+s3+$0x0], $0xffff;
	_ =	sdelay $0x4  }
0x2cc: {  	vm9 =	vgt.s32 v59, v8  }
0x2cd: {  	v7 =	vsel vm9, v7, v10;
	v9 =	vsel vm9, v10, v9  }
0x2ce: {  	v10 =	vadd.s32 v9, v7  }
0x2cf: {  	v10 =	vshra.s32 v10, $0x1;
	_ =	sdelay $0x4  }
0x2d0: {  	v60 =	vld.idx.msk [tilespmem:v10+s3+$0x0], $0xffff;
	_ =	sdelay $0x4  }
0x2d1: {  	vm10 =	vgt.s32 v60, v8  }
0x2d2: {  	v7 =	vsel vm10, v7, v10;
	v9 =	vsel vm10, v10, v9  }
0x2d3: {  	v10 =	vadd.s32 v9, v7  }
0x2d4: {  	v10 =	vshra.s32 v10, $0x1;
	_ =	sdelay $0x4  }
0x2d5: {  	v61 =	vld.idx.msk [tilespmem:v10+s3+$0x0], $0xffff;
	_ =	sdelay $0x4  }
0x2d6: {  	vm11 =	vgt.s32 v61, v8  }
0x2d7: {  	v7 =	vsel vm11, v7, v10;
	v9 =	vsel vm11, v10, v9  }
0x2d8: {  	v10 =	vadd.s32 v9, v7  }
0x2d9: {  	v10 =	vshra.s32 v10, $0x1;
	_ =	sdelay $0x4  }
0x2da: {  	v62 =	vld.idx.msk [tilespmem:v10+s3+$0x0], $0xffff;
	_ =	sdelay $0x4  }
0x2db: {  	vm12 =	vgt.s32 v62, v8  }
0x2dc: {  	v7 =	vsel vm12, v7, v10;
	v9 =	vsel vm12, v10, v9  }
0x2dd: {  	v9 =	vadd.s32 v9, v7  }
0x2de: {  	v9 =	vshra.s32 v9, $0x1;
	_ =	sdelay $0x4  }
0x2df: {  	v63 =	vld.idx.msk [tilespmem:v9+s3+$0x0], $0xffff;
	_ =	sdelay $0x4  }
0x2e0: {  	vm13 =	vgt.s32 v63, v8  }
0x2e1: {  	vm14 =	vge.s32 v8, s29;
	vm15 =	vlt.s32 v8, v6;
	v7 =	vsel vm13, v7, v9  }
0x2e2: {  	vm0 =	vmand vm14, vm15;
	v7 =	vadd.s32 v3, v7  }
0x2e3: {  	s21 =	sadd.s32 $0xFFFFFFFF, s21;
	v7 =	vnsel vm0, $0x1390, v7  }
0x2e4: {  	s24 =	simm.s32 @!p1 $0x40;
	p2 =	sne.s32 s21, $0x0;
	s25 =	simm.s32 @!p1 $0x1FAE0;
	[tilespmem:$0x1FB10] =	vst v7  }
0x2e5: {  	[spmem:s2] =	stream.indirect.scatter.add.f32 @!p1 [tilespmem:s23], [sflag:$0x4], $0x100, s25, s24, $0xb8;
	[tilespmem:$0x1FB20] =	vst v63  }
.Ltmp4:
0x2e6: {  	_ = 	snop;
	(pc) =	sbr.rel @p2 .LBB2_5-.Ltmp4, $4  }
0x2e7: {  	s23 =	simm.s32 @!p1 $0x4  }
0x2e8: {  	_ =	swait.ge @!p1 [sflag:s23], $0x4000  }
0x2e9: {  	[sflag:s23] =	ssyncset.done @!p1 $0x0  }
0x2ea: {  	s22 =	sadd.s32 $0x3, s22;
	s19 =	sadd.s32 $0xC0, s19;
	[sflag:s23] =	ssyncadd.s32 @!p1 $0xFFFFC000  }
.Ltmp5:
0x2eb: {  	_ = 	snop;
	(pc) =	sbr.rel .LBB2_6-.Ltmp5, $1  }
0x2ec: {  	_ =	sdelay $0x3  }
.LBB2_7:
0x2ed: {  	_ =	sfence.sel $0x180000  }
0x2ee: {  	[bflag:$0x0] =	sbarrier.arrive $0xFFFF  }
0x2ef: {  	p0 =	sne.s32 s1, $0x0;
	_ =	strace $0x9000004A  }
0x2f0: {  	s0 =	sadd.s32 @!p0 $0x100000, s0;
	[bflag:$0x2] =	sbarrier.arrive $0xFFFF  }
0x2f1: {  	[sflag:s0] =	ssyncadd.tile.s32 @!p0 $0x1;
	_ =	shalt  }
.Lfunc_end2:
_tile_overlayer_lowered:
.L_overlay_start_2:
0x2f2: {  	(tag) =	ssettag $0x2  }
0x2f3: {  	s0 =	rddreg [dreg:$0x0];
	s2 =	stileid.u32  }
0x2f4: {  	s1 =	rddreg [dreg:$0x1];
	p0 =	sne.s32 s2, $0x0  }
0x2f5: {  	s3 =	rddreg [dreg:$0x2];
	[bflag:$0x3] =	sbarrier.arrive $0xFFFF;
	s2 =	simm.s32 @!p0 $0x1C04  }
0x2f6: {  	[timem:s3], [sflag:s2] =	dma.local @!p0 [hbm:s0], s1  }
0x2f7: {  	s0 =	simm.s32 @!p0 $0x4  }
0x2f8: {  	_ =	swait.ge @!p0 [sflag:s0], s1  }
0x2f9: {  	s1 =	ssub.s32 @!p0 $0x0, s1;
	[sflag:s0] =	ssyncset.done @!p0 $0x0  }
0x2fa: {  	[sflag:s0] =	ssyncadd.s32 @!p0 s1  }
0x2fb: {  	[bflag:$0x3] =	sbarrier.arrive $0xFFFF  }
0x2fc: {  	_ =	shalt  }

// kernel: sparse-core-data-format-call.cloned.1.call-start
scs
called_computation_lowered:
.L_overlay_start_0:
0x0: {  	s2 =	sld [smem:$0x3FD9]  }
0x1: {  	s3 =	sld [smem:$0x3FFE];
	_ =	sdelay $0x1  }
0x2: {  	s1 =	srdreg.scid  }
0x3: {  	s0 =	sand.u32 $0x1, s1  }
0x4: {  	s18 =	sshll.u32 s0, $0xA;
	s2 =	sadd.s32 s3, s2  }
0x5: {  	s2 =	sadd.s32 s2, s18  }
0x6: {  	[smem:$0x3FC5] =	sst s2  }
0x7: {  	_ = 	snop  }
0x8: {  	s2 =	sld [smem:$0x3FC9];
	(tm) =	ssettm $0x1  }
0x9: {  	s19 =	sld [smem:$0x3FFB];
	_ =	sdelay $0x3  }
0xa: {  	_ =	strace s19  }
0xb: {  	s3 =	sld [smem:$0x3FFC];
	_ =	sdelay $0x3  }
0xc: {  	_ =	strace s3  }
0xd: {  	s3 =	sld [smem:$0x3FFD];
	_ =	sdelay $0x3  }
0xe: {  	_ =	strace s3  }
0xf: {  	_ =	strace $0x8FFFFFFF  }
0x10: {  	s20 =	sld [smem:$0x3FDB];
	_ =	sdelay $0x1  }
0x11: {  	s4 =	simm.s32 $_scs_section_size  }
0x12: {  	s5 =	simm.s32 $_size__tile_overlayer_lowered;
	s6 =	simm.s32 $_tile_overlayer_lowered  }
0x13: {  	s23 =	simm.s32 $0x1BFF;
	s22 =	sshll.u32 s6, $0x1;
	s3 =	sadd.s32 s4, s20  }
0x14: {  	s7 =	simm.s32 $0x0;
	s21 =	sshll.u32 s5, $0x1;
	s5 =	sadd.s32 s22, s3  }
0x15: {  	[timem:s7], [sflag:s23] =	dma.local [hbm:s5], s21  }
0x16: {  	_ =	swait.ge [sflag:s23], s21  }
0x17: {  	s4 =	ssub.s32 $0x0, s21;
	[sflag:s23] =	ssyncset.done $0x0  }
0x18: {  	[sflag:s23] =	ssyncadd.s32 s4;
	_ =	sdelay $0x1  }
0x19: {  	s24 =	simm.s32 $0x1B8B  }
0x1a: {  	_ =	swait.ge [sflag:s24], $0x1  }
0x1b: {  	[sflag:s24] =	ssyncset.done $0x0  }
0x1c: {  	s26 =	simm.s32 $0x1B8E;
	s25 =	sld [smem:$0x3FFE];
	[sflag:s24] =	ssyncadd.s32 $0xFFFFFFFF  }
0x1d: {  	s27 =	simm.s32 $execute0_lowered;
	[smem:$0x3FD2] =	sst s26  }
0x1e: {  	s5 =	sshll.u32 s27, $0x1;
	_ =	strace $0x80000046;
	[dreg:$0x1] =	wrdreg $0xFFFFFFFF  }
0x1f: {  	s28 =	simm.s32 $_size_execute0_lowered;
	s3 =	sadd.s32 s3, s5;
	[dreg:$0x0] =	wrdreg $0x0  }
0x20: {  	s5 =	sshll.u32 s28, $0x1;
	[dreg:$0x2] =	wrdreg s3  }
0x21: {  	[dreg:$0x3] =	wrdreg s5  }
0x22: {  	[dreg:$0x4] =	wrdreg $0xC0  }
0x23: {  	_ =	task [dreg:s7], $0x5FFFF  }
0x24: {  	[dreg:$0x1] =	wrdreg $0xFFFFFFFF  }
0x25: {  	[dreg:$0x0] =	wrdreg $0x60  }
0x26: {  	[dreg:$0x2] =	wrdreg s2  }
0x27: {  	[dreg:$0x3] =	wrdreg s25  }
0x28: {  	[dreg:$0x4] =	wrdreg $0x9  }
0x29: {  	_ =	task.clear_ibuf [dreg:s7], $0x5FFFF;
	_ =	strace $0x90000046  }
0x2a: {  	s29 =	simm.s32 $0x9;
	_ =	strace $0x80000048  }
0x2b: {  	_ =	swait.ge [sflag:s29], $0x1  }
0x2c: {  	[sflag:s29] =	ssyncadd.s32 $0xFFFFFFFF  }
0x2d: {  	_ =	strace $0x90000048  }
0x2e: {  	_ =	sfence  }
0x2f: {  	s30 =	sld [smem:$0x0];
	_ =	sdelay $0x2  }
0x30: {  	s31 =	sshll.u32 s1, $0xD;
	s1 =	sshrl.u32 s1, $0x2  }
0x31: {  	s3 =	sand.u32 $0x4000, s31;
	s1 =	sadd.s32 s1, s30  }
0x32: {  	s0 =	sor.u32 s3, s0;
	s1 =	sshll.u32 s1, $0x11  }
0x33: {  	s0 =	sor.u32 s1, s0  }
0x34: {  	s0 =	sadd.s32 $0x8F2B, s0  }
0x35: {  	[sflag:s0] =	ssyncadd.remote.s32 $0x1  }
0x36: {  	_ =	sfence.sel $0xFFFF  }
0x37: {  	[dreg:$0x0] =	wrdreg $0xFFFFFFFF;
	(pc) =	sbr.abs _section_cstart, $3  }
0x38: {  	[dreg:$0x1] =	wrdreg $0xFFFFFFFF  }
0x39: {  	_ =	task.clear_ibuf [dreg:s7], $0x2FFFF;
	_ =	strace $0x9FFFFFFF  }
0x3a: {  	(tm) =	ssettm $0x7FFFFFFF  }
0x3b: {  	_ =	shalt  }
tec
execute0_lowered:
.L_overlay_start_1:
0x0: {  	(tag) =	ssettag $0x1  }
0x1: {  	s0 =	srdreg.scid  }
0x2: {  	s1 =	sshll.u32 s0, $0x4  }
0x3: {  	s2 =	rddreg [dreg:$0x0];
	s0 =	stileid.u32;
	s1 =	sand.u32 $0x10, s1  }
0x4: {  	s4 =	rddreg [dreg:$0x1];
	s7 =	simm.s32 $0x1;
	s1 =	sor.u32 s0, s1  }
0x5: {  	s8 =	simm.s32 $0x2;
	s9 =	simm.s32 $0x0;
	s3 =	sshll.u32 s1, $0x3  }
0x6: {  	s12 =	simm.s32 $0x0;
	s11 =	simm.s32 $0x0;
	s6 =	ssub.s32 $0x4E20, s3  }
.Ltmp0:
0x7: {  	s4 =	sadd.s32 $0xA00, s4;
	s5 =	sand.u32 $0xF8, s6;
	(pc) =	sbr.rel .LBB1_1-.Ltmp0, $4  }
0x8: {  	s1 =	rddreg [dreg:$0x2];
	_ =	strace $0x80000047;
	p0 =	sne.s32 s5, $0x0  }
0x9: {  	s6 =	sshrl.u32 s6, $0x8;
	s5 =	simm.s32 $0x1;
	s7 =	simm.s32 @!p0 $0x0  }
0xa: {  	s10 =	smov.u32 s3;
	[sflag:s5] =	ssyncpa.u1 $0x0;
	s6 =	sadd.s32 s7, s6  }
0xb: {  	[sflag:s8] =	ssyncpa.u1 $0x0;
	s8 =	simm.s32 $0x0;
	s7 =	sadd.s32 $0x1, s6  }
.LBB1_9:
0xc: {  	s14 =	sadd.s32 $0x100, s10  }
0xd: {  	p1 =	sgt.s32 s14, $0x4E1F  }
0xe: {  	s14 =	smov.u32 @p1 s3;
	p1 =	sne.s32 s11, s7  }
.Ltmp1:
0xf: {  	p0 =	slt.u32 s11, $0x2;
	(pc) =	sbr.rel @!p1 .LBB1_10-.Ltmp1, $4  }
0x10: {  	s13 =	simm.s32 @!p0 $0x2  }
0x11: {  	s15 =	sadd.s32 $0x1, s11;
	_ =	swait.ge @!p0 [sflag:s13], $0x4000  }
0x12: {  	s12 =	smov.u32 s10;
	s9 =	sadd.s32 $0x4000, s9;
	[sflag:s13] =	ssyncset.done @!p0 $0x0  }
0x13: {  	s11 =	smov.u32 s15;
	s10 =	smov.u32 s14;
	[sflag:s13] =	ssyncadd.s32 @!p0 $0xFFFFC000  }
.LBB1_1:
0x14: {  	p0 =	sge.u32 s11, s6  }
0x15: {  	s13 =	sxor.u32 @!p0 $0xFFFFFFFF, s11  }
0x16: {  	s31 =	sadd.s32 $0xFFFFFFFF, s11;
	s14 =	sshll.u32 @!p0 s10, $0x8;
	s13 =	sshll.u32 @!p0 s13, $0xE  }
0x17: {  	s15 =	simm.s32 @!p0 $0x0;
	s14 =	sadd.s32 @!p0 s2, s14;
	s13 =	sand.u32 @!p0 $0x4000, s13  }
0x18: {  	[tilespmem:s13], [sflag:$0x1] =	stream.linear.gather @!p0 [hbm4b:s14+s15], $0x4000, $0x38;
	[tilespmem:$0x10000] =	vst v63  }
0x19: {  	p0 =	sge.u32 s31, s6  }
.Ltmp2:
0x1a: {  	_ = 	snop;
	(pc) =	sbr.rel @p0 .LBB1_9-.Ltmp2, $1  }
0x1b: {  	_ =	sdelay $0x3  }
0x1c: {  	s13 =	sshll.u32 s9, $0x2;
	_ =	swait.ge [sflag:s5], $0x4000;
	s14 =	sshll.u32 s11, $0xE  }
0x1d: {  	s16 =	simm.s32 $0x0;
	s17 =	simm.s32 $0x0;
	s15 =	sand.u32 $0x10000, s13  }
0x1e: {  	[sflag:s5] =	ssyncset.done $0x0;
	s31 =	sand.u32 $0x4000, s14;
	s14 =	sshrl.u32 s15, $0x2  }
0x1f: {  	[sflag:s5] =	ssyncadd.s32 $0xFFFFC000;
	s13 =	sor.u32 $0x8000, s31;
	s15 =	sor.u32 $0x8000, s14  }
.LBB1_3:
0x20: {  	s18 =	sshra.s32 s16, $0x2  }
0x21: {  	v0 =	vmov s18;
	_ =	sdelay $0x3  }
0x22: {  	p1 =	por $0x1, $0x1;
	s18 =	simm.s32 $0x0  }
.LBB1_4:
0x23: {  	_ = 	snop  }
0x24: {  	s19 =	sshll.u32 s18, $0xA  }
0x25: {  	s19 =	sand.u32 $0x3FFFFC00, s19  }
0x26: {  	s19 =	sadd.s32 s19, s14  }
0x27: {  	v5 =	vld.idx.msk [tilespmem:v0+s19+$0x70 ss:$0x1], $0xffff  }
0x28: {  	v6 =	vld.idx.msk [tilespmem:v0+s19+$0x10 ss:$0x1], $0xffff  }
0x29: {  	v7 =	vld.idx.msk [tilespmem:v0+s19+$0x20 ss:$0x1], $0xffff  }
0x2a: {  	s31 =	sshll.u32 s18, $0x7;
	v1 =	vld.idx.msk [tilespmem:v0+s19+$0x30 ss:$0x1], $0xffff  }
0x2b: {  	s18 =	sand.u32 $0x3FFFFF80, s31;
	v2 =	vld.idx.msk [tilespmem:v0+s19+$0x40 ss:$0x1], $0xffff  }
0x2c: {  	s18 =	sadd.s32 s18, s15;
	v3 =	vld.idx.msk [tilespmem:v0+s19+$0x50 ss:$0x1], $0xffff  }
0x2d: {  	v4 =	vld.idx.msk [tilespmem:v0+s19+$0x60 ss:$0x1], $0xffff;
	[tilespmem:v0+s18+$0x70 ss:$0x1] =	vst.idx.msk $0xffff, v5  }
0x2e: {  	v5 =	vld.idx.msk [tilespmem:v0+s19+$0x0 ss:$0x1], $0xffff;
	[tilespmem:v0+s18+$0x10 ss:$0x1] =	vst.idx.msk $0xffff, v6;
	s19 =	sadd.s32 $0x80, s19  }
0x2f: {  	p0 =	por p1, p1;
	s20 =	simm.s32 $0x6;
	[tilespmem:v0+s18+$0x20 ss:$0x1] =	vst.idx.msk $0xffff, v7;
	v6 =	vld.idx.msk [tilespmem:v0+s19+$0x70 ss:$0x1], $0xffff  }
.LBB1_5:
0x30: {  	p1 =	sne.s32 s20, $0x1;
	v7 =	vld.idx.msk [tilespmem:v0+s19+$0x10 ss:$0x1], $0xffff;
	[tilespmem:v0+s18+$0x30 ss:$0x1] =	vst.idx.msk $0xffff, v1  }
0x31: {  	v8 =	vld.idx.msk [tilespmem:v0+s19+$0x20 ss:$0x1], $0xffff;
	[tilespmem:v0+s18+$0x40 ss:$0x1] =	vst.idx.msk $0xffff, v2  }
0x32: {  	v1 =	vld.idx.msk [tilespmem:v0+s19+$0x30 ss:$0x1], $0xffff;
	[tilespmem:v0+s18+$0x50 ss:$0x1] =	vst.idx.msk $0xffff, v3  }
.Ltmp3:
0x33: {  	v2 =	vld.idx.msk [tilespmem:v0+s19+$0x40 ss:$0x1], $0xffff;
	[tilespmem:v0+s18+$0x60 ss:$0x1] =	vst.idx.msk $0xffff, v4;
	(pc) =	sbr.rel @p1 .LBB1_5-.Ltmp3, $4  }
0x34: {  	v3 =	vld.idx.msk [tilespmem:v0+s19+$0x50 ss:$0x1], $0xffff;
	[tilespmem:v0+s18+$0x0 ss:$0x1] =	vst.idx.msk $0xffff, v5;
	s18 =	sadd.s32 $0x100, s18  }
0x35: {  	v4 =	vld.idx.msk [tilespmem:v0+s19+$0x60 ss:$0x1], $0xffff;
	[tilespmem:v0+s18+$0x70 ss:$0x1] =	vst.idx.msk $0xffff, v6  }
0x36: {  	v5 =	vld.idx.msk [tilespmem:v0+s19+$0x0 ss:$0x1], $0xffff;
	[tilespmem:v0+s18+$0x10 ss:$0x1] =	vst.idx.msk $0xffff, v7;
	s19 =	sadd.s32 $0x80, s19  }
0x37: {  	s20 =	sadd.s32 $0xFFFFFFFF, s20;
	v6 =	vld.idx.msk [tilespmem:v0+s19+$0x70 ss:$0x1], $0xffff;
	[tilespmem:v0+s18+$0x20 ss:$0x1] =	vst.idx.msk $0xffff, v8  }
0x38: {  	_ =	sdelay $0x3  }
0x39: {  	[tilespmem:v0+s18+$0x30 ss:$0x1] =	vst.idx.msk $0xffff, v1  }
0x3a: {  	v1 =	vld.idx.msk [tilespmem:v0+s19+$0x10 ss:$0x1], $0xffff;
	[tilespmem:v0+s18+$0x40 ss:$0x1] =	vst.idx.msk $0xffff, v2  }
0x3b: {  	v2 =	vld.idx.msk [tilespmem:v0+s19+$0x20 ss:$0x1], $0xffff;
	[tilespmem:v0+s18+$0x50 ss:$0x1] =	vst.idx.msk $0xffff, v3  }
0x3c: {  	v61 =	vld.idx.msk [tilespmem:v0+s19+$0x40 ss:$0x1], $0xffff;
	[tilespmem:v0+s18+$0x60 ss:$0x1] =	vst.idx.msk $0xffff, v4  }
0x3d: {  	s31 =	sadd.s32 $0x100, s18;
	v62 =	vld.idx.msk [tilespmem:v0+s19+$0x50 ss:$0x1], $0xffff;
	[tilespmem:v0+s18+$0x0 ss:$0x1] =	vst.idx.msk $0xffff, v5  }
0x3e: {  	v63 =	vld.idx.msk [tilespmem:v0+s19+$0x60 ss:$0x1], $0xffff;
	[tilespmem:v0+s31+$0x70 ss:$0x1] =	vst.idx.msk $0xffff, v6  }
0x3f: {  	v3 =	vld.idx.msk [tilespmem:v0+s19+$0x30 ss:$0x1], $0xffff;
	[tilespmem:v0+s31+$0x10 ss:$0x1] =	vst.idx.msk $0xffff, v1  }
0x40: {  	v1 =	vld.idx.msk [tilespmem:v0+s19+$0x0 ss:$0x1], $0xffff;
	[tilespmem:v0+s31+$0x20 ss:$0x1] =	vst.idx.msk $0xffff, v2  }
.Ltmp4:
0x41: {  	[tilespmem:v0+s31+$0x40 ss:$0x1] =	vst.idx.msk $0xffff, v61;
	(pc) =	sbr.rel @p0 .LBB1_4-.Ltmp4, $4  }
0x42: {  	[tilespmem:v0+s31+$0x50 ss:$0x1] =	vst.idx.msk $0xffff, v62  }
0x43: {  	[tilespmem:v0+s31+$0x60 ss:$0x1] =	vst.idx.msk $0xffff, v63  }
0x44: {  	[tilespmem:v0+s31+$0x30 ss:$0x1] =	vst.idx.msk $0xffff, v3  }
0x45: {  	p1 =	por $0x0, $0x0;
	s18 =	simm.s32 $0x1;
	[tilespmem:v0+s31+$0x0 ss:$0x1] =	vst.idx.msk $0xffff, v1  }
0x46: {  	s17 =	sadd.s32 $0x1, s17  }
0x47: {  	p0 =	sne.s32 s17, $0x8  }
.Ltmp5:
0x48: {  	_ = 	snop;
	(pc) =	sbr.rel @p0 .LBB1_3-.Ltmp5, $2  }
0x49: {  	_ =	sdelay $0x2  }
0x4a: {  	s16 =	sadd.s32 $0x2000, s16  }
.Ltmp6:
0x4b: {  	(pc) =	sbr.rel .LBB1_9-.Ltmp6, $4  }
0x4c: {  	_ = 	snop  }
0x4d: {  	s12 =	sshll.u32 s12, $0x8  }
0x4e: {  	s12 =	sadd.s32 s4, s12  }
0x4f: {  	[hbm4b:s12+s8] =	stream.linear.scatter [tilespmem:s13], [sflag:$0x2], $0x4000, $0x38;
	[tilespmem:$0x10000] =	vst v63  }
.LBB1_10:
0x50: {  	_ =	sfence.sel $0x180000  }
0x51: {  	s2 =	simm.s32 $0x1;
	[bflag:$0x0] =	sbarrier.arrive $0xFFFF  }
0x52: {  	s31 =	simm.s32 $0x2;
	[sflag:s2] =	ssyncpa.u1 $0x1  }
0x53: {  	[sflag:s31] =	ssyncpa.u1 $0x1  }
0x54: {  	p0 =	sne.s32 s0, $0x0;
	_ =	strace $0x90000047  }
0x55: {  	s0 =	sadd.s32 @!p0 $0x100000, s1;
	[bflag:$0x2] =	sbarrier.arrive $0xFFFF  }
0x56: {  	[sflag:s0] =	ssyncadd.tile.s32 @!p0 $0x1;
	_ =	shalt  }
.Lfunc_end1:
_tile_overlayer_lowered:
.L_overlay_start_2:
0x57: {  	(tag) =	ssettag $0x2  }
0x58: {  	s0 =	rddreg [dreg:$0x0];
	s2 =	stileid.u32  }
0x59: {  	s1 =	rddreg [dreg:$0x1];
	p0 =	sne.s32 s2, $0x0  }
0x5a: {  	s3 =	rddreg [dreg:$0x2];
	[bflag:$0x3] =	sbarrier.arrive $0xFFFF;
	s2 =	simm.s32 @!p0 $0x1C01  }
0x5b: {  	[timem:s3], [sflag:s2] =	dma.local @!p0 [hbm:s0], s1  }
0x5c: {  	s0 =	simm.s32 @!p0 $0x1  }
0x5d: {  	_ =	swait.ge @!p0 [sflag:s0], s1  }
0x5e: {  	s1 =	ssub.s32 @!p0 $0x0, s1;
	[sflag:s0] =	ssyncset.done @!p0 $0x0  }
0x5f: {  	[sflag:s0] =	ssyncadd.s32 @!p0 s1  }
0x60: {  	[bflag:$0x3] =	sbarrier.arrive $0xFFFF  }
0x61: {  	_ =	shalt  }

</sc_bundles>
